<compile_context>
chip_gen: v7x
topology: tpu7x:2x2x1
jax: 0.10.2.dev20260603
libtpu: 0.0.44.dev20260713+nightly
codegen_flags: <defaults>
</compile_context>

<pallas_src>
import jax
import jax.numpy as jnp
from jax import lax
from jax.experimental import pallas as pl
from jax.experimental.pallas import tpu as pltpu
from jax.experimental.pallas import tpu_sc as plsc

ROWS = 128
N = 32768
L = 16
NC = 2
NS = 16
NW = NC * NS
SC_ROWS = 64
CPS = 16
SC_ELEMS = CPS * L
NSUP = N // SC_ELEMS
MAX_NEWTON = 20
NEG = -3.0e38

TC_BLOCK = 8
TC_MAX_NEWTON = 48



def _bmax(v, idx):
    for sh in (8, 4, 2, 1):
        v = jnp.maximum(v, v[jnp.bitwise_xor(idx, sh)])
    return v


def _bsum(v, idx):
    for sh in (8, 4, 2, 1):
        v = v + v[jnp.bitwise_xor(idx, sh)]
    return v


def _newton_step(buf, sclist, nsc, tau, changed, idx16, zv, onev):
    trip = jnp.where(changed == 1, nsc, 0)
    tv = jnp.full((L,), tau, jnp.float32)

    def sc_body(u, acc):
        sa, ka = acc
        base = sclist[u] * SC_ELEMS
        for c in range(CPS):
            v = buf[pl.ds(base + c * L, L)]
            msk = v > tv
            sa = sa + jnp.where(msk, v, zv)
            ka = ka + jnp.where(msk, onev, zv)
        return sa, ka

    sa, ka = lax.fori_loop(0, trip, sc_body, (zv, zv))
    sv = _bsum(sa, idx16)
    kv = jnp.maximum(_bsum(ka, idx16), onev)
    tau_new = ((sv - 1.0) / kv)[0]
    keep = changed == 1
    tau_out = jnp.where(keep, tau_new, tau)
    changed_out = jnp.where(
        jnp.logical_and(keep, tau_new != tau), 1, 0).astype(jnp.int32)
    return tau_out, changed_out


def _compute_row(buf, segmax, sclist, idx16):
    zv = jnp.zeros((L,), jnp.float32)
    onev = jnp.full((L,), 1.0, jnp.float32)

    def sup_body(j, gmax):
        def ch_body(c, m):
            return jnp.maximum(m, buf[pl.ds(j * SC_ELEMS + c * L, L)])

        m = lax.fori_loop(0, CPS, ch_body,
                          jnp.full((L,), NEG, jnp.float32), unroll=CPS)
        segmax[pl.ds(j * L, L)] = m
        return jnp.maximum(gmax, m)

    gmax = lax.fori_loop(0, NSUP, sup_body,
                         jnp.full((L,), NEG, jnp.float32))
    tau0 = _bmax(gmax, idx16)[0] - 1.0

    def filt_body(j, nsc):
        m = segmax[pl.ds(j * L, L)]
        smax = _bmax(m, idx16)[0]
        cond = smax > tau0

        @pl.when(cond)
        def _():
            sclist[nsc] = j

        return nsc + jnp.where(cond, 1, 0)

    nsc = lax.fori_loop(0, NSUP, filt_body, jnp.int32(0))

    tau1, ch1 = _newton_step(buf, sclist, nsc, tau0, jnp.int32(1),
                             idx16, zv, onev)

    def rf_body(u, cnt):
        j = sclist[u]
        m = segmax[pl.ds(j * L, L)]
        smax = _bmax(m, idx16)[0]
        cond = smax > tau1

        @pl.when(cond)
        def _():
            sclist[cnt] = j

        return cnt + jnp.where(cond, 1, 0)

    nsc2 = lax.fori_loop(0, nsc, rf_body, jnp.int32(0))

    def newton_it(t, carry):
        tau, changed = carry
        return _newton_step(buf, sclist, nsc2, tau, changed, idx16, zv, onev)

    tau, _ = lax.fori_loop(0, MAX_NEWTON - 1, newton_it, (tau1, ch1))
    return tau, nsc2


def _write_out(buf, outbuf, sclist, nsc2, tau, zv):
    tvo = jnp.full((L,), tau, jnp.float32)

    def wb(u, _):
        base = sclist[u] * SC_ELEMS
        for c in range(CPS):
            v = buf[pl.ds(base + c * L, L)]
            outbuf[pl.ds(base + c * L, L)] = jnp.maximum(v - tvo, zv)
        return 0

    lax.fori_loop(0, nsc2, wb, 0)


def _zero_sup(outbuf, sclist, nsc2, zv):
    def zb(u, _):
        base = sclist[u] * SC_ELEMS
        for c in range(CPS):
            outbuf[pl.ds(base + c * L, L)] = zv
        return 0

    lax.fori_loop(0, nsc2, zb, 0)


def _make_sc_body(rpw):
    def _sc_body(x_hbm, out_hbm, b0, b1, outbuf, segmax, slA, slB, *sems):
        wid = lax.axis_index("s") * NC + lax.axis_index("c")
        idx16 = lax.iota(jnp.int32, L)
        zv = jnp.zeros((L,), jnp.float32)
        r0 = wid * rpw

        bufs = (b0, b1)
        lists = (slA, slB)
        isems = sems[:rpw]
        osems = sems[rpw:]

        h_in = [None] * rpw
        h_out = [None] * rpw

        h_in[0] = pltpu.async_copy(x_hbm.at[r0 + 0], b0, isems[0])

        def zb0(i, _):
            outbuf[pl.ds(i * L, L)] = zv
            return 0

        lax.fori_loop(0, N // L, zb0, 0, unroll=16)

        if rpw > 1:
            h_in[1] = pltpu.async_copy(x_hbm.at[r0 + 1], b1, isems[1])

        prev_nsc2 = None
        for r in range(rpw):
            h_in[r].wait()
            tau, nsc2 = _compute_row(bufs[r % 2], segmax, lists[r % 2], idx16)
            if r >= 1:
                h_out[r - 1].wait()
                _zero_sup(outbuf, lists[(r - 1) % 2], prev_nsc2, zv)
            _write_out(bufs[r % 2], outbuf, lists[r % 2], nsc2, tau, zv)
            if r + 2 < rpw:
                h_in[r + 2] = pltpu.async_copy(
                    x_hbm.at[r0 + r + 2], bufs[r % 2], isems[r + 2])
            h_out[r] = pltpu.async_copy(outbuf, out_hbm.at[r0 + r], osems[r])
            prev_nsc2 = nsc2
        h_out[rpw - 1].wait()

    return _sc_body


def _sc_sparsemax(x):
    rows = x.shape[0]
    rpw = rows // NW
    mesh = plsc.VectorSubcoreMesh(
        core_axis_name="c", subcore_axis_name="s", num_cores=NC, num_subcores=NS)
    fn = pl.kernel(
        _make_sc_body(rpw),
        out_type=jax.ShapeDtypeStruct((rows, N), jnp.float32),
        mesh=mesh,
        scratch_types=[
            pltpu.VMEM((N,), jnp.float32),
            pltpu.VMEM((N,), jnp.float32),
            pltpu.VMEM((N,), jnp.float32),
            pltpu.VMEM((NSUP * L,), jnp.float32),
            pltpu.SMEM((NSUP,), jnp.int32),
            pltpu.SMEM((NSUP,), jnp.int32),
        ] + [pltpu.SemaphoreType.DMA] * (2 * rpw),
    )
    return fn(x)



def _tc_block(x_ref, o_ref):
    x = x_ref[...]
    m = jnp.max(x, axis=1, keepdims=True)
    tau0 = m - 1.0

    def newton_body(carry):
        i, tau, _ = carry
        mask = x > tau
        k = jnp.sum(mask.astype(jnp.float32), axis=1, keepdims=True)
        s = jnp.sum(jnp.where(mask, x, 0.0), axis=1, keepdims=True)
        k = jnp.maximum(k, 1.0)
        tau_new = (s - 1.0) / k
        changed = jnp.any(tau_new != tau)
        return i + 1, tau_new, changed

    def newton_cond(carry):
        i, _, changed = carry
        return jnp.logical_and(i < TC_MAX_NEWTON, changed)

    _, tau, _ = jax.lax.while_loop(
        newton_cond, newton_body, (jnp.int32(0), tau0, jnp.bool_(True)))
    o_ref[...] = jnp.maximum(x - tau, 0.0)


def _tc_sparsemax(x):
    rows = x.shape[0]
    grid = rows // TC_BLOCK
    return pl.pallas_call(
        _tc_block,
        grid=(grid,),
        in_specs=[pl.BlockSpec((TC_BLOCK, N), lambda i: (i, 0))],
        out_specs=pl.BlockSpec((TC_BLOCK, N), lambda i: (i, 0)),
        out_shape=jax.ShapeDtypeStruct((rows, N), jnp.float32),
    )(x)


def kernel(input):
    sc_out = _sc_sparsemax(input[:SC_ROWS])
    tc_out = _tc_sparsemax(input[SC_ROWS:])
    return jnp.concatenate([sc_out, tc_out], axis=0)

# --- scband reference (transcript-rebuilt; emitter-appended) ---
"""Pipeline reference for scband-sparsemax-33277406609980 (READ-ONLY COPY).

The authoritative reference and input builder live on the scoring server;
editing this copy changes nothing except your own understanding.
"""

import jax, jax.numpy as jnp
import numpy as np


def setup_inputs(seed: int = 0) -> dict:
    key = jax.random.key(seed)
    x = jax.random.normal(key, (128, 32768), dtype=jnp.float32)
    return {"input": x}


def _sparsemax(x, dim=-1):
    x_shifted = x - jnp.max(x, axis=dim, keepdims=True)
    sorted_x = -jnp.sort(-x_shifted, axis=dim)  # descending sort
    cumsum = jnp.cumsum(sorted_x, axis=dim)
    n = x.shape[dim]
    k_array = jnp.arange(1, n + 1, dtype=x.dtype)
    if dim == -1 or dim == x.ndim - 1:
        shape = (1,) * (x.ndim - 1) + (n,)
    else:
        shape = tuple(-1 if i == dim else 1 for i in range(x.ndim))
    k_array = k_array.reshape(shape)
    support = (sorted_x - (cumsum - 1.0) / k_array) > 0
    k_z = jnp.sum(support, axis=dim, keepdims=True).astype(x.dtype)
    idx = (k_z.astype(jnp.int32) - 1)
    tau_sum = jnp.take_along_axis(cumsum, idx, axis=dim)
    tau = (tau_sum - 1.0) / k_z
    output = jnp.clip(x_shifted - tau, 0.0, None)
    return output


def reference(input):
    return _sparsemax(input, dim=-1)

if __name__ == "__main__":
    import jax
    _d = setup_inputs()
    print(jax.jit(kernel)(*tuple(_d.values())))

</pallas_src>

<mosaic_0001>
#map = affine_map<(d0, d1) -> (0, 0)>
module attributes {stable_mosaic.version = 14 : i64} {
  func.func @_sc_body(%arg0: i32, %arg1: i32, %arg2: memref<64x32768xf32, #tpu.memory_space<hbm>>, %arg3: memref<64x32768xf32, #tpu.memory_space<hbm>>, %arg4: memref<32768xf32, #tpu.memory_space<vmem>>, %arg5: memref<32768xf32, #tpu.memory_space<vmem>>, %arg6: memref<32768xf32, #tpu.memory_space<vmem>>, %arg7: memref<2048xf32, #tpu.memory_space<vmem>>, %arg8: memref<128xi32, #tpu.memory_space<smem>>, %arg9: memref<128xi32, #tpu.memory_space<smem>>, %arg10: memref<!tpu.dma_semaphore, #tpu.memory_space<semaphore_mem>>, %arg11: memref<!tpu.dma_semaphore, #tpu.memory_space<semaphore_mem>>, %arg12: memref<!tpu.dma_semaphore, #tpu.memory_space<semaphore_mem>>, %arg13: memref<!tpu.dma_semaphore, #tpu.memory_space<semaphore_mem>>) attributes {dimension_semantics = [#tpu.dimension_semantics<core_parallel>, #tpu.dimension_semantics<subcore_parallel>], iteration_bounds = array<i64: 2, 16>, scalar_prefetch = 0 : i64, scratch_operands = 10 : i64, tpu.core_type = #tpu.core_type<sc_vector_subcore>, window_params = [{transform_indices = #map}, {transform_indices = #map}]} {
    %mul3A = arith.constant 2 : i32
    %mul3A_0 = arith.muli %arg1, %mul3A : i32
    %add3A = arith.addi %mul3A_0, %arg0 : i32
    %iota3A = tpu.iota {dimensions = array<i32: 0>} : vector<16xi32>
    %broadcast_in_dim3A = arith.constant 0.000000e+00 : f32
    %broadcast_in_dim3A_1 = vector.broadcast %broadcast_in_dim3A : f32 to vector<16xf32>
    %mul3A_2 = arith.constant 2 : i32
    %mul3A_3 = arith.muli %add3A, %mul3A_2 : i32
    %add3A_4 = arith.constant 0 : i32
    %add3A_5 = arith.addi %mul3A_3, %add3A_4 : i32
    %dma_start3A = arith.constant 0 : i32
    %dma_start3A_6 = tpu.memref_slice %arg2[%add3A_5, %dma_start3A] : memref<64x32768xf32, #tpu.memory_space<hbm>> -> memref<1x32768xf32, #tpu.memory_space<hbm>>
    %dma_start3A_7 = tpu.memref_squeeze %dma_start3A_6 : memref<1x32768xf32, #tpu.memory_space<hbm>> -> memref<32768xf32, #tpu.memory_space<hbm>>
    %dma_start3A_8 = arith.constant 0 : i32
    %dma_start3A_9 = tpu.memref_slice %arg2[%add3A_5, %dma_start3A_8] : memref<64x32768xf32, #tpu.memory_space<hbm>> -> memref<1x32768xf32, #tpu.memory_space<hbm>>
    %dma_start3A_10 = tpu.memref_squeeze %dma_start3A_9 : memref<1x32768xf32, #tpu.memory_space<hbm>> -> memref<32768xf32, #tpu.memory_space<hbm>>
    tpu.enqueue_dma source(%dma_start3A_10 : memref<32768xf32, #tpu.memory_space<hbm>>) target(%arg4 : memref<32768xf32, #tpu.memory_space<vmem>>) target_semaphore(%arg10 : memref<!tpu.dma_semaphore, #tpu.memory_space<semaphore_mem>>)
    %scan3A = arith.constant 0 : i32
    %scan3A_11 = arith.constant 0 : i32
    %scan3A_12 = arith.constant 2048 : i32
    %scan3A_13 = arith.addi %scan3A_11, %scan3A_12 : i32
    %scan3A_14 = arith.constant 16 : i32
    %scan3A_15 = scf.for %scan3A_572 = %scan3A_11 to %scan3A_13 step %scan3A_14 iter_args(%scan3A_573 = %scan3A) -> (i32)  : i32 {
      %mul3A_574 = arith.constant 16 : i32
      %mul3A_575 = arith.muli %scan3A_572, %mul3A_574 : i32
      %swap3A = arith.index_cast %mul3A_575 : i32 to index
      %swap3A_576 = tpu.vector_load %arg6[%swap3A] {strides = array<i32>} : memref<32768xf32, #tpu.memory_space<vmem>>, vector<16xf32>,
      %swap3A_577 = vector.shape_cast %swap3A_576 : vector<16xf32> to vector<16xf32>
      %swap3A_578 = vector.shape_cast %broadcast_in_dim3A_1 : vector<16xf32> to vector<16xf32>
      tpu.vector_store %arg6[%swap3A], %swap3A_578 {strides = array<i32>} : memref<32768xf32, #tpu.memory_space<vmem>>, vector<16xf32>,
      %scan3A_579 = arith.constant 0 : i32
      %scan3A_580 = arith.constant 1 : i32
      %scan3A_581 = arith.addi %scan3A_572, %scan3A_580 : i32
      %mul3A_582 = arith.constant 16 : i32
      %mul3A_583 = arith.muli %scan3A_581, %mul3A_582 : i32
      %swap3A_584 = arith.index_cast %mul3A_583 : i32 to index
      %swap3A_585 = tpu.vector_load %arg6[%swap3A_584] {strides = array<i32>} : memref<32768xf32, #tpu.memory_space<vmem>>, vector<16xf32>,
      %swap3A_586 = vector.shape_cast %swap3A_585 : vector<16xf32> to vector<16xf32>
      %swap3A_587 = vector.shape_cast %broadcast_in_dim3A_1 : vector<16xf32> to vector<16xf32>
      tpu.vector_store %arg6[%swap3A_584], %swap3A_587 {strides = array<i32>} : memref<32768xf32, #tpu.memory_space<vmem>>, vector<16xf32>,
      %scan3A_588 = arith.constant 0 : i32
      %scan3A_589 = arith.constant 2 : i32
      %scan3A_590 = arith.addi %scan3A_572, %scan3A_589 : i32
      %mul3A_591 = arith.constant 16 : i32
      %mul3A_592 = arith.muli %scan3A_590, %mul3A_591 : i32
      %swap3A_593 = arith.index_cast %mul3A_592 : i32 to index
      %swap3A_594 = tpu.vector_load %arg6[%swap3A_593] {strides = array<i32>} : memref<32768xf32, #tpu.memory_space<vmem>>, vector<16xf32>,
      %swap3A_595 = vector.shape_cast %swap3A_594 : vector<16xf32> to vector<16xf32>
      %swap3A_596 = vector.shape_cast %broadcast_in_dim3A_1 : vector<16xf32> to vector<16xf32>
      tpu.vector_store %arg6[%swap3A_593], %swap3A_596 {strides = array<i32>} : memref<32768xf32, #tpu.memory_space<vmem>>, vector<16xf32>,
      %scan3A_597 = arith.constant 0 : i32
      %scan3A_598 = arith.constant 3 : i32
      %scan3A_599 = arith.addi %scan3A_572, %scan3A_598 : i32
      %mul3A_600 = arith.constant 16 : i32
      %mul3A_601 = arith.muli %scan3A_599, %mul3A_600 : i32
      %swap3A_602 = arith.index_cast %mul3A_601 : i32 to index
      %swap3A_603 = tpu.vector_load %arg6[%swap3A_602] {strides = array<i32>} : memref<32768xf32, #tpu.memory_space<vmem>>, vector<16xf32>,
      %swap3A_604 = vector.shape_cast %swap3A_603 : vector<16xf32> to vector<16xf32>
      %swap3A_605 = vector.shape_cast %broadcast_in_dim3A_1 : vector<16xf32> to vector<16xf32>
      tpu.vector_store %arg6[%swap3A_602], %swap3A_605 {strides = array<i32>} : memref<32768xf32, #tpu.memory_space<vmem>>, vector<16xf32>,
      %scan3A_606 = arith.constant 0 : i32
      %scan3A_607 = arith.constant 4 : i32
      %scan3A_608 = arith.addi %scan3A_572, %scan3A_607 : i32
      %mul3A_609 = arith.constant 16 : i32
      %mul3A_610 = arith.muli %scan3A_608, %mul3A_609 : i32
      %swap3A_611 = arith.index_cast %mul3A_610 : i32 to index
      %swap3A_612 = tpu.vector_load %arg6[%swap3A_611] {strides = array<i32>} : memref<32768xf32, #tpu.memory_space<vmem>>, vector<16xf32>,
      %swap3A_613 = vector.shape_cast %swap3A_612 : vector<16xf32> to vector<16xf32>
      %swap3A_614 = vector.shape_cast %broadcast_in_dim3A_1 : vector<16xf32> to vector<16xf32>
      tpu.vector_store %arg6[%swap3A_611], %swap3A_614 {strides = array<i32>} : memref<32768xf32, #tpu.memory_space<vmem>>, vector<16xf32>,
      %scan3A_615 = arith.constant 0 : i32
      %scan3A_616 = arith.constant 5 : i32
      %scan3A_617 = arith.addi %scan3A_572, %scan3A_616 : i32
      %mul3A_618 = arith.constant 16 : i32
      %mul3A_619 = arith.muli %scan3A_617, %mul3A_618 : i32
      %swap3A_620 = arith.index_cast %mul3A_619 : i32 to index
      %swap3A_621 = tpu.vector_load %arg6[%swap3A_620] {strides = array<i32>} : memref<32768xf32, #tpu.memory_space<vmem>>, vector<16xf32>,
      %swap3A_622 = vector.shape_cast %swap3A_621 : vector<16xf32> to vector<16xf32>
      %swap3A_623 = vector.shape_cast %broadcast_in_dim3A_1 : vector<16xf32> to vector<16xf32>
      tpu.vector_store %arg6[%swap3A_620], %swap3A_623 {strides = array<i32>} : memref<32768xf32, #tpu.memory_space<vmem>>, vector<16xf32>,
      %scan3A_624 = arith.constant 0 : i32
      %scan3A_625 = arith.constant 6 : i32
      %scan3A_626 = arith.addi %scan3A_572, %scan3A_625 : i32
      %mul3A_627 = arith.constant 16 : i32
      %mul3A_628 = arith.muli %scan3A_626, %mul3A_627 : i32
      %swap3A_629 = arith.index_cast %mul3A_628 : i32 to index
      %swap3A_630 = tpu.vector_load %arg6[%swap3A_629] {strides = array<i32>} : memref<32768xf32, #tpu.memory_space<vmem>>, vector<16xf32>,
      %swap3A_631 = vector.shape_cast %swap3A_630 : vector<16xf32> to vector<16xf32>
      %swap3A_632 = vector.shape_cast %broadcast_in_dim3A_1 : vector<16xf32> to vector<16xf32>
      tpu.vector_store %arg6[%swap3A_629], %swap3A_632 {strides = array<i32>} : memref<32768xf32, #tpu.memory_space<vmem>>, vector<16xf32>,
      %scan3A_633 = arith.constant 0 : i32
      %scan3A_634 = arith.constant 7 : i32
      %scan3A_635 = arith.addi %scan3A_572, %scan3A_634 : i32
      %mul3A_636 = arith.constant 16 : i32
      %mul3A_637 = arith.muli %scan3A_635, %mul3A_636 : i32
      %swap3A_638 = arith.index_cast %mul3A_637 : i32 to index
      %swap3A_639 = tpu.vector_load %arg6[%swap3A_638] {strides = array<i32>} : memref<32768xf32, #tpu.memory_space<vmem>>, vector<16xf32>,
      %swap3A_640 = vector.shape_cast %swap3A_639 : vector<16xf32> to vector<16xf32>
      %swap3A_641 = vector.shape_cast %broadcast_in_dim3A_1 : vector<16xf32> to vector<16xf32>
      tpu.vector_store %arg6[%swap3A_638], %swap3A_641 {strides = array<i32>} : memref<32768xf32, #tpu.memory_space<vmem>>, vector<16xf32>,
      %scan3A_642 = arith.constant 0 : i32
      %scan3A_643 = arith.constant 8 : i32
      %scan3A_644 = arith.addi %scan3A_572, %scan3A_643 : i32
      %mul3A_645 = arith.constant 16 : i32
      %mul3A_646 = arith.muli %scan3A_644, %mul3A_645 : i32
      %swap3A_647 = arith.index_cast %mul3A_646 : i32 to index
      %swap3A_648 = tpu.vector_load %arg6[%swap3A_647] {strides = array<i32>} : memref<32768xf32, #tpu.memory_space<vmem>>, vector<16xf32>,
      %swap3A_649 = vector.shape_cast %swap3A_648 : vector<16xf32> to vector<16xf32>
      %swap3A_650 = vector.shape_cast %broadcast_in_dim3A_1 : vector<16xf32> to vector<16xf32>
      tpu.vector_store %arg6[%swap3A_647], %swap3A_650 {strides = array<i32>} : memref<32768xf32, #tpu.memory_space<vmem>>, vector<16xf32>,
      %scan3A_651 = arith.constant 0 : i32
      %scan3A_652 = arith.constant 9 : i32
      %scan3A_653 = arith.addi %scan3A_572, %scan3A_652 : i32
      %mul3A_654 = arith.constant 16 : i32
      %mul3A_655 = arith.muli %scan3A_653, %mul3A_654 : i32
      %swap3A_656 = arith.index_cast %mul3A_655 : i32 to index
      %swap3A_657 = tpu.vector_load %arg6[%swap3A_656] {strides = array<i32>} : memref<32768xf32, #tpu.memory_space<vmem>>, vector<16xf32>,
      %swap3A_658 = vector.shape_cast %swap3A_657 : vector<16xf32> to vector<16xf32>
      %swap3A_659 = vector.shape_cast %broadcast_in_dim3A_1 : vector<16xf32> to vector<16xf32>
      tpu.vector_store %arg6[%swap3A_656], %swap3A_659 {strides = array<i32>} : memref<32768xf32, #tpu.memory_space<vmem>>, vector<16xf32>,
      %scan3A_660 = arith.constant 0 : i32
      %scan3A_661 = arith.constant 10 : i32
      %scan3A_662 = arith.addi %scan3A_572, %scan3A_661 : i32
      %mul3A_663 = arith.constant 16 : i32
      %mul3A_664 = arith.muli %scan3A_662, %mul3A_663 : i32
      %swap3A_665 = arith.index_cast %mul3A_664 : i32 to index
      %swap3A_666 = tpu.vector_load %arg6[%swap3A_665] {strides = array<i32>} : memref<32768xf32, #tpu.memory_space<vmem>>, vector<16xf32>,
      %swap3A_667 = vector.shape_cast %swap3A_666 : vector<16xf32> to vector<16xf32>
      %swap3A_668 = vector.shape_cast %broadcast_in_dim3A_1 : vector<16xf32> to vector<16xf32>
      tpu.vector_store %arg6[%swap3A_665], %swap3A_668 {strides = array<i32>} : memref<32768xf32, #tpu.memory_space<vmem>>, vector<16xf32>,
      %scan3A_669 = arith.constant 0 : i32
      %scan3A_670 = arith.constant 11 : i32
      %scan3A_671 = arith.addi %scan3A_572, %scan3A_670 : i32
      %mul3A_672 = arith.constant 16 : i32
      %mul3A_673 = arith.muli %scan3A_671, %mul3A_672 : i32
      %swap3A_674 = arith.index_cast %mul3A_673 : i32 to index
      %swap3A_675 = tpu.vector_load %arg6[%swap3A_674] {strides = array<i32>} : memref<32768xf32, #tpu.memory_space<vmem>>, vector<16xf32>,
      %swap3A_676 = vector.shape_cast %swap3A_675 : vector<16xf32> to vector<16xf32>
      %swap3A_677 = vector.shape_cast %broadcast_in_dim3A_1 : vector<16xf32> to vector<16xf32>
      tpu.vector_store %arg6[%swap3A_674], %swap3A_677 {strides = array<i32>} : memref<32768xf32, #tpu.memory_space<vmem>>, vector<16xf32>,
      %scan3A_678 = arith.constant 0 : i32
      %scan3A_679 = arith.constant 12 : i32
      %scan3A_680 = arith.addi %scan3A_572, %scan3A_679 : i32
      %mul3A_681 = arith.constant 16 : i32
      %mul3A_682 = arith.muli %scan3A_680, %mul3A_681 : i32
      %swap3A_683 = arith.index_cast %mul3A_682 : i32 to index
      %swap3A_684 = tpu.vector_load %arg6[%swap3A_683] {strides = array<i32>} : memref<32768xf32, #tpu.memory_space<vmem>>, vector<16xf32>,
      %swap3A_685 = vector.shape_cast %swap3A_684 : vector<16xf32> to vector<16xf32>
      %swap3A_686 = vector.shape_cast %broadcast_in_dim3A_1 : vector<16xf32> to vector<16xf32>
      tpu.vector_store %arg6[%swap3A_683], %swap3A_686 {strides = array<i32>} : memref<32768xf32, #tpu.memory_space<vmem>>, vector<16xf32>,
      %scan3A_687 = arith.constant 0 : i32
      %scan3A_688 = arith.constant 13 : i32
      %scan3A_689 = arith.addi %scan3A_572, %scan3A_688 : i32
      %mul3A_690 = arith.constant 16 : i32
      %mul3A_691 = arith.muli %scan3A_689, %mul3A_690 : i32
      %swap3A_692 = arith.index_cast %mul3A_691 : i32 to index
      %swap3A_693 = tpu.vector_load %arg6[%swap3A_692] {strides = array<i32>} : memref<32768xf32, #tpu.memory_space<vmem>>, vector<16xf32>,
      %swap3A_694 = vector.shape_cast %swap3A_693 : vector<16xf32> to vector<16xf32>
      %swap3A_695 = vector.shape_cast %broadcast_in_dim3A_1 : vector<16xf32> to vector<16xf32>
      tpu.vector_store %arg6[%swap3A_692], %swap3A_695 {strides = array<i32>} : memref<32768xf32, #tpu.memory_space<vmem>>, vector<16xf32>,
      %scan3A_696 = arith.constant 0 : i32
      %scan3A_697 = arith.constant 14 : i32
      %scan3A_698 = arith.addi %scan3A_572, %scan3A_697 : i32
      %mul3A_699 = arith.constant 16 : i32
      %mul3A_700 = arith.muli %scan3A_698, %mul3A_699 : i32
      %swap3A_701 = arith.index_cast %mul3A_700 : i32 to index
      %swap3A_702 = tpu.vector_load %arg6[%swap3A_701] {strides = array<i32>} : memref<32768xf32, #tpu.memory_space<vmem>>, vector<16xf32>,
      %swap3A_703 = vector.shape_cast %swap3A_702 : vector<16xf32> to vector<16xf32>
      %swap3A_704 = vector.shape_cast %broadcast_in_dim3A_1 : vector<16xf32> to vector<16xf32>
      tpu.vector_store %arg6[%swap3A_701], %swap3A_704 {strides = array<i32>} : memref<32768xf32, #tpu.memory_space<vmem>>, vector<16xf32>,
      %scan3A_705 = arith.constant 0 : i32
      %scan3A_706 = arith.constant 15 : i32
      %scan3A_707 = arith.addi %scan3A_572, %scan3A_706 : i32
      %mul3A_708 = arith.constant 16 : i32
      %mul3A_709 = arith.muli %scan3A_707, %mul3A_708 : i32
      %swap3A_710 = arith.index_cast %mul3A_709 : i32 to index
      %swap3A_711 = tpu.vector_load %arg6[%swap3A_710] {strides = array<i32>} : memref<32768xf32, #tpu.memory_space<vmem>>, vector<16xf32>,
      %swap3A_712 = vector.shape_cast %swap3A_711 : vector<16xf32> to vector<16xf32>
      %swap3A_713 = vector.shape_cast %broadcast_in_dim3A_1 : vector<16xf32> to vector<16xf32>
      tpu.vector_store %arg6[%swap3A_710], %swap3A_713 {strides = array<i32>} : memref<32768xf32, #tpu.memory_space<vmem>>, vector<16xf32>,
      %scan3A_714 = arith.constant 0 : i32
      scf.yield %scan3A_714 : i32
    }
    %scan3A_16 = arith.constant 2048 : i32
    %add3A_17 = arith.constant 1 : i32
    %add3A_18 = arith.addi %mul3A_3, %add3A_17 : i32
    %dma_start3A_19 = arith.constant 0 : i32
    %dma_start3A_20 = tpu.memref_slice %arg2[%add3A_18, %dma_start3A_19] : memref<64x32768xf32, #tpu.memory_space<hbm>> -> memref<1x32768xf32, #tpu.memory_space<hbm>>
    %dma_start3A_21 = tpu.memref_squeeze %dma_start3A_20 : memref<1x32768xf32, #tpu.memory_space<hbm>> -> memref<32768xf32, #tpu.memory_space<hbm>>
    %dma_start3A_22 = arith.constant 0 : i32
    %dma_start3A_23 = tpu.memref_slice %arg2[%add3A_18, %dma_start3A_22] : memref<64x32768xf32, #tpu.memory_space<hbm>> -> memref<1x32768xf32, #tpu.memory_space<hbm>>
    %dma_start3A_24 = tpu.memref_squeeze %dma_start3A_23 : memref<1x32768xf32, #tpu.memory_space<hbm>> -> memref<32768xf32, #tpu.memory_space<hbm>>
    tpu.enqueue_dma source(%dma_start3A_24 : memref<32768xf32, #tpu.memory_space<hbm>>) target(%arg5 : memref<32768xf32, #tpu.memory_space<vmem>>) target_semaphore(%arg11 : memref<!tpu.dma_semaphore, #tpu.memory_space<semaphore_mem>>)
    %dma_wait3A = arith.constant 0 : i32
    %dma_wait3A_25 = tpu.memref_slice %arg2[%add3A_5, %dma_wait3A] : memref<64x32768xf32, #tpu.memory_space<hbm>> -> memref<1x32768xf32, #tpu.memory_space<hbm>>
    %dma_wait3A_26 = tpu.memref_squeeze %dma_wait3A_25 : memref<1x32768xf32, #tpu.memory_space<hbm>> -> memref<32768xf32, #tpu.memory_space<hbm>>
    %dma_wait3A_27 = arith.constant 0 : i32
    %dma_wait3A_28 = tpu.memref_slice %arg2[%add3A_5, %dma_wait3A_27] : memref<64x32768xf32, #tpu.memory_space<hbm>> -> memref<1x32768xf32, #tpu.memory_space<hbm>>
    %dma_wait3A_29 = tpu.memref_squeeze %dma_wait3A_28 : memref<1x32768xf32, #tpu.memory_space<hbm>> -> memref<32768xf32, #tpu.memory_space<hbm>>
    tpu.wait_dma2 semaphore(%arg10 : memref<!tpu.dma_semaphore, #tpu.memory_space<semaphore_mem>>) src(%dma_wait3A_29 : memref<32768xf32, #tpu.memory_space<hbm>>) dst(%arg4 : memref<32768xf32, #tpu.memory_space<vmem>>)
    %broadcast_in_dim3A_30 = arith.constant 0.000000e+00 : f32
    %broadcast_in_dim3A_31 = vector.broadcast %broadcast_in_dim3A_30 : f32 to vector<16xf32>
    %broadcast_in_dim3A_32 = arith.constant 1.000000e+00 : f32
    %broadcast_in_dim3A_33 = vector.broadcast %broadcast_in_dim3A_32 : f32 to vector<16xf32>
    %broadcast_in_dim3A_34 = arith.constant -3.000000e+38 : f32
    %broadcast_in_dim3A_35 = vector.broadcast %broadcast_in_dim3A_34 : f32 to vector<16xf32>
    %scan3A_36 = arith.constant 0 : i32
    %scan3A_37 = arith.constant 128 : i32
    %scan3A_38 = arith.addi %scan3A_36, %scan3A_37 : i32
    %scan3A_39 = arith.constant 1 : i32
    %scan3A_40 = scf.for %scan3A_572 = %scan3A_36 to %scan3A_38 step %scan3A_39 iter_args(%scan3A_573 = %broadcast_in_dim3A_35) -> (vector<16xf32>)  : i32 {
      %broadcast_in_dim3A_574 = arith.constant -3.000000e+38 : f32
      %broadcast_in_dim3A_575 = vector.broadcast %broadcast_in_dim3A_574 : f32 to vector<16xf32>
      %scan3A_576 = arith.constant 0 : i32
      %mul3A_577 = arith.constant 256 : i32
      %mul3A_578 = arith.muli %scan3A_572, %mul3A_577 : i32
      %mul3A_579 = arith.constant 16 : i32
      %mul3A_580 = arith.muli %scan3A_576, %mul3A_579 : i32
      %add3A_581 = arith.addi %mul3A_578, %mul3A_580 : i32
      %get3A = arith.index_cast %add3A_581 : i32 to index
      %get3A_582 = tpu.vector_load %arg4[%get3A] {strides = array<i32>} : memref<32768xf32, #tpu.memory_space<vmem>>, vector<16xf32>,
      %get3A_583 = vector.shape_cast %get3A_582 : vector<16xf32> to vector<16xf32>
      %max3A_584 = arith.maximumf %broadcast_in_dim3A_575, %get3A_583 : vector<16xf32>
      %scan3A_585 = arith.constant 1 : i32
      %mul3A_586 = arith.constant 256 : i32
      %mul3A_587 = arith.muli %scan3A_572, %mul3A_586 : i32
      %mul3A_588 = arith.constant 16 : i32
      %mul3A_589 = arith.muli %scan3A_585, %mul3A_588 : i32
      %add3A_590 = arith.addi %mul3A_587, %mul3A_589 : i32
      %get3A_591 = arith.index_cast %add3A_590 : i32 to index
      %get3A_592 = tpu.vector_load %arg4[%get3A_591] {strides = array<i32>} : memref<32768xf32, #tpu.memory_space<vmem>>, vector<16xf32>,
      %get3A_593 = vector.shape_cast %get3A_592 : vector<16xf32> to vector<16xf32>
      %max3A_594 = arith.maximumf %max3A_584, %get3A_593 : vector<16xf32>
      %scan3A_595 = arith.constant 2 : i32
      %mul3A_596 = arith.constant 256 : i32
      %mul3A_597 = arith.muli %scan3A_572, %mul3A_596 : i32
      %mul3A_598 = arith.constant 16 : i32
      %mul3A_599 = arith.muli %scan3A_595, %mul3A_598 : i32
      %add3A_600 = arith.addi %mul3A_597, %mul3A_599 : i32
      %get3A_601 = arith.index_cast %add3A_600 : i32 to index
      %get3A_602 = tpu.vector_load %arg4[%get3A_601] {strides = array<i32>} : memref<32768xf32, #tpu.memory_space<vmem>>, vector<16xf32>,
      %get3A_603 = vector.shape_cast %get3A_602 : vector<16xf32> to vector<16xf32>
      %max3A_604 = arith.maximumf %max3A_594, %get3A_603 : vector<16xf32>
      %scan3A_605 = arith.constant 3 : i32
      %mul3A_606 = arith.constant 256 : i32
      %mul3A_607 = arith.muli %scan3A_572, %mul3A_606 : i32
      %mul3A_608 = arith.constant 16 : i32
      %mul3A_609 = arith.muli %scan3A_605, %mul3A_608 : i32
      %add3A_610 = arith.addi %mul3A_607, %mul3A_609 : i32
      %get3A_611 = arith.index_cast %add3A_610 : i32 to index
      %get3A_612 = tpu.vector_load %arg4[%get3A_611] {strides = array<i32>} : memref<32768xf32, #tpu.memory_space<vmem>>, vector<16xf32>,
      %get3A_613 = vector.shape_cast %get3A_612 : vector<16xf32> to vector<16xf32>
      %max3A_614 = arith.maximumf %max3A_604, %get3A_613 : vector<16xf32>
      %scan3A_615 = arith.constant 4 : i32
      %mul3A_616 = arith.constant 256 : i32
      %mul3A_617 = arith.muli %scan3A_572, %mul3A_616 : i32
      %mul3A_618 = arith.constant 16 : i32
      %mul3A_619 = arith.muli %scan3A_615, %mul3A_618 : i32
      %add3A_620 = arith.addi %mul3A_617, %mul3A_619 : i32
      %get3A_621 = arith.index_cast %add3A_620 : i32 to index
      %get3A_622 = tpu.vector_load %arg4[%get3A_621] {strides = array<i32>} : memref<32768xf32, #tpu.memory_space<vmem>>, vector<16xf32>,
      %get3A_623 = vector.shape_cast %get3A_622 : vector<16xf32> to vector<16xf32>
      %max3A_624 = arith.maximumf %max3A_614, %get3A_623 : vector<16xf32>
      %scan3A_625 = arith.constant 5 : i32
      %mul3A_626 = arith.constant 256 : i32
      %mul3A_627 = arith.muli %scan3A_572, %mul3A_626 : i32
      %mul3A_628 = arith.constant 16 : i32
      %mul3A_629 = arith.muli %scan3A_625, %mul3A_628 : i32
      %add3A_630 = arith.addi %mul3A_627, %mul3A_629 : i32
      %get3A_631 = arith.index_cast %add3A_630 : i32 to index
      %get3A_632 = tpu.vector_load %arg4[%get3A_631] {strides = array<i32>} : memref<32768xf32, #tpu.memory_space<vmem>>, vector<16xf32>,
      %get3A_633 = vector.shape_cast %get3A_632 : vector<16xf32> to vector<16xf32>
      %max3A_634 = arith.maximumf %max3A_624, %get3A_633 : vector<16xf32>
      %scan3A_635 = arith.constant 6 : i32
      %mul3A_636 = arith.constant 256 : i32
      %mul3A_637 = arith.muli %scan3A_572, %mul3A_636 : i32
      %mul3A_638 = arith.constant 16 : i32
      %mul3A_639 = arith.muli %scan3A_635, %mul3A_638 : i32
      %add3A_640 = arith.addi %mul3A_637, %mul3A_639 : i32
      %get3A_641 = arith.index_cast %add3A_640 : i32 to index
      %get3A_642 = tpu.vector_load %arg4[%get3A_641] {strides = array<i32>} : memref<32768xf32, #tpu.memory_space<vmem>>, vector<16xf32>,
      %get3A_643 = vector.shape_cast %get3A_642 : vector<16xf32> to vector<16xf32>
      %max3A_644 = arith.maximumf %max3A_634, %get3A_643 : vector<16xf32>
      %scan3A_645 = arith.constant 7 : i32
      %mul3A_646 = arith.constant 256 : i32
      %mul3A_647 = arith.muli %scan3A_572, %mul3A_646 : i32
      %mul3A_648 = arith.constant 16 : i32
      %mul3A_649 = arith.muli %scan3A_645, %mul3A_648 : i32
      %add3A_650 = arith.addi %mul3A_647, %mul3A_649 : i32
      %get3A_651 = arith.index_cast %add3A_650 : i32 to index
      %get3A_652 = tpu.vector_load %arg4[%get3A_651] {strides = array<i32>} : memref<32768xf32, #tpu.memory_space<vmem>>, vector<16xf32>,
      %get3A_653 = vector.shape_cast %get3A_652 : vector<16xf32> to vector<16xf32>
      %max3A_654 = arith.maximumf %max3A_644, %get3A_653 : vector<16xf32>
      %scan3A_655 = arith.constant 8 : i32
      %mul3A_656 = arith.constant 256 : i32
      %mul3A_657 = arith.muli %scan3A_572, %mul3A_656 : i32
      %mul3A_658 = arith.constant 16 : i32
      %mul3A_659 = arith.muli %scan3A_655, %mul3A_658 : i32
      %add3A_660 = arith.addi %mul3A_657, %mul3A_659 : i32
      %get3A_661 = arith.index_cast %add3A_660 : i32 to index
      %get3A_662 = tpu.vector_load %arg4[%get3A_661] {strides = array<i32>} : memref<32768xf32, #tpu.memory_space<vmem>>, vector<16xf32>,
      %get3A_663 = vector.shape_cast %get3A_662 : vector<16xf32> to vector<16xf32>
      %max3A_664 = arith.maximumf %max3A_654, %get3A_663 : vector<16xf32>
      %scan3A_665 = arith.constant 9 : i32
      %mul3A_666 = arith.constant 256 : i32
      %mul3A_667 = arith.muli %scan3A_572, %mul3A_666 : i32
      %mul3A_668 = arith.constant 16 : i32
      %mul3A_669 = arith.muli %scan3A_665, %mul3A_668 : i32
      %add3A_670 = arith.addi %mul3A_667, %mul3A_669 : i32
      %get3A_671 = arith.index_cast %add3A_670 : i32 to index
      %get3A_672 = tpu.vector_load %arg4[%get3A_671] {strides = array<i32>} : memref<32768xf32, #tpu.memory_space<vmem>>, vector<16xf32>,
      %get3A_673 = vector.shape_cast %get3A_672 : vector<16xf32> to vector<16xf32>
      %max3A_674 = arith.maximumf %max3A_664, %get3A_673 : vector<16xf32>
      %scan3A_675 = arith.constant 10 : i32
      %mul3A_676 = arith.constant 256 : i32
      %mul3A_677 = arith.muli %scan3A_572, %mul3A_676 : i32
      %mul3A_678 = arith.constant 16 : i32
      %mul3A_679 = arith.muli %scan3A_675, %mul3A_678 : i32
      %add3A_680 = arith.addi %mul3A_677, %mul3A_679 : i32
      %get3A_681 = arith.index_cast %add3A_680 : i32 to index
      %get3A_682 = tpu.vector_load %arg4[%get3A_681] {strides = array<i32>} : memref<32768xf32, #tpu.memory_space<vmem>>, vector<16xf32>,
      %get3A_683 = vector.shape_cast %get3A_682 : vector<16xf32> to vector<16xf32>
      %max3A_684 = arith.maximumf %max3A_674, %get3A_683 : vector<16xf32>
      %scan3A_685 = arith.constant 11 : i32
      %mul3A_686 = arith.constant 256 : i32
      %mul3A_687 = arith.muli %scan3A_572, %mul3A_686 : i32
      %mul3A_688 = arith.constant 16 : i32
      %mul3A_689 = arith.muli %scan3A_685, %mul3A_688 : i32
      %add3A_690 = arith.addi %mul3A_687, %mul3A_689 : i32
      %get3A_691 = arith.index_cast %add3A_690 : i32 to index
      %get3A_692 = tpu.vector_load %arg4[%get3A_691] {strides = array<i32>} : memref<32768xf32, #tpu.memory_space<vmem>>, vector<16xf32>,
      %get3A_693 = vector.shape_cast %get3A_692 : vector<16xf32> to vector<16xf32>
      %max3A_694 = arith.maximumf %max3A_684, %get3A_693 : vector<16xf32>
      %scan3A_695 = arith.constant 12 : i32
      %mul3A_696 = arith.constant 256 : i32
      %mul3A_697 = arith.muli %scan3A_572, %mul3A_696 : i32
      %mul3A_698 = arith.constant 16 : i32
      %mul3A_699 = arith.muli %scan3A_695, %mul3A_698 : i32
      %add3A_700 = arith.addi %mul3A_697, %mul3A_699 : i32
      %get3A_701 = arith.index_cast %add3A_700 : i32 to index
      %get3A_702 = tpu.vector_load %arg4[%get3A_701] {strides = array<i32>} : memref<32768xf32, #tpu.memory_space<vmem>>, vector<16xf32>,
      %get3A_703 = vector.shape_cast %get3A_702 : vector<16xf32> to vector<16xf32>
      %max3A_704 = arith.maximumf %max3A_694, %get3A_703 : vector<16xf32>
      %scan3A_705 = arith.constant 13 : i32
      %mul3A_706 = arith.constant 256 : i32
      %mul3A_707 = arith.muli %scan3A_572, %mul3A_706 : i32
      %mul3A_708 = arith.constant 16 : i32
      %mul3A_709 = arith.muli %scan3A_705, %mul3A_708 : i32
      %add3A_710 = arith.addi %mul3A_707, %mul3A_709 : i32
      %get3A_711 = arith.index_cast %add3A_710 : i32 to index
      %get3A_712 = tpu.vector_load %arg4[%get3A_711] {strides = array<i32>} : memref<32768xf32, #tpu.memory_space<vmem>>, vector<16xf32>,
      %get3A_713 = vector.shape_cast %get3A_712 : vector<16xf32> to vector<16xf32>
      %max3A_714 = arith.maximumf %max3A_704, %get3A_713 : vector<16xf32>
      %scan3A_715 = arith.constant 14 : i32
      %mul3A_716 = arith.constant 256 : i32
      %mul3A_717 = arith.muli %scan3A_572, %mul3A_716 : i32
      %mul3A_718 = arith.constant 16 : i32
      %mul3A_719 = arith.muli %scan3A_715, %mul3A_718 : i32
      %add3A_720 = arith.addi %mul3A_717, %mul3A_719 : i32
      %get3A_721 = arith.index_cast %add3A_720 : i32 to index
      %get3A_722 = tpu.vector_load %arg4[%get3A_721] {strides = array<i32>} : memref<32768xf32, #tpu.memory_space<vmem>>, vector<16xf32>,
      %get3A_723 = vector.shape_cast %get3A_722 : vector<16xf32> to vector<16xf32>
      %max3A_724 = arith.maximumf %max3A_714, %get3A_723 : vector<16xf32>
      %scan3A_725 = arith.constant 15 : i32
      %mul3A_726 = arith.constant 256 : i32
      %mul3A_727 = arith.muli %scan3A_572, %mul3A_726 : i32
      %mul3A_728 = arith.constant 16 : i32
      %mul3A_729 = arith.muli %scan3A_725, %mul3A_728 : i32
      %add3A_730 = arith.addi %mul3A_727, %mul3A_729 : i32
      %get3A_731 = arith.index_cast %add3A_730 : i32 to index
      %get3A_732 = tpu.vector_load %arg4[%get3A_731] {strides = array<i32>} : memref<32768xf32, #tpu.memory_space<vmem>>, vector<16xf32>,
      %get3A_733 = vector.shape_cast %get3A_732 : vector<16xf32> to vector<16xf32>
      %max3A_734 = arith.maximumf %max3A_724, %get3A_733 : vector<16xf32>
      %scan3A_735 = arith.constant 16 : i32
      %mul3A_736 = arith.constant 16 : i32
      %mul3A_737 = arith.muli %scan3A_572, %mul3A_736 : i32
      %swap3A = arith.index_cast %mul3A_737 : i32 to index
      %swap3A_738 = tpu.vector_load %arg7[%swap3A] {strides = array<i32>} : memref<2048xf32, #tpu.memory_space<vmem>>, vector<16xf32>,
      %swap3A_739 = vector.shape_cast %swap3A_738 : vector<16xf32> to vector<16xf32>
      %swap3A_740 = vector.shape_cast %max3A_734 : vector<16xf32> to vector<16xf32>
      tpu.vector_store %arg7[%swap3A], %swap3A_740 {strides = array<i32>} : memref<2048xf32, #tpu.memory_space<vmem>>, vector<16xf32>,
      %max3A_741 = arith.maximumf %scan3A_573, %max3A_734 : vector<16xf32>
      scf.yield %max3A_741 : vector<16xf32>
    }
    %scan3A_41 = arith.constant 128 : i32
    %xor3A = arith.constant 8 : i32
    %xor3A_42 = vector.broadcast %xor3A : i32 to vector<16xi32>
    %xor3A_43 = arith.xori %iota3A, %xor3A_42 : vector<16xi32>
    %lt3A = arith.constant 0 : i32
    %lt3A_44 = vector.broadcast %lt3A : i32 to vector<16xi32>
    %lt3A_45 = arith.cmpi slt, %xor3A_43, %lt3A_44 : vector<16xi32>
    %add3A_46 = arith.constant 16 : i32
    %add3A_47 = vector.broadcast %add3A_46 : i32 to vector<16xi32>
    %add3A_48 = arith.addi %xor3A_43, %add3A_47 : vector<16xi32>
    %select_n3A = arith.select %lt3A_45, %add3A_48, %xor3A_43 : vector<16xi1>, vector<16xi32>
    %broadcast_in_dim3A_49 = vector.shape_cast %select_n3A : vector<16xi32> to vector<16x1xi32>
    %gather3A = vector.shape_cast %broadcast_in_dim3A_49 : vector<16x1xi32> to vector<16xi32>
    %gather3A_50 = tpu.dynamic_gather %scan3A_40[%gather3A] in [0] : vector<16xf32>, vector<16xi32> -> vector<16xf32>
    %max3A = arith.maximumf %scan3A_40, %gather3A_50 : vector<16xf32>
    %xor3A_51 = arith.constant 4 : i32
    %xor3A_52 = vector.broadcast %xor3A_51 : i32 to vector<16xi32>
    %xor3A_53 = arith.xori %iota3A, %xor3A_52 : vector<16xi32>
    %lt3A_54 = arith.constant 0 : i32
    %lt3A_55 = vector.broadcast %lt3A_54 : i32 to vector<16xi32>
    %lt3A_56 = arith.cmpi slt, %xor3A_53, %lt3A_55 : vector<16xi32>
    %add3A_57 = arith.constant 16 : i32
    %add3A_58 = vector.broadcast %add3A_57 : i32 to vector<16xi32>
    %add3A_59 = arith.addi %xor3A_53, %add3A_58 : vector<16xi32>
    %select_n3A_60 = arith.select %lt3A_56, %add3A_59, %xor3A_53 : vector<16xi1>, vector<16xi32>
    %broadcast_in_dim3A_61 = vector.shape_cast %select_n3A_60 : vector<16xi32> to vector<16x1xi32>
    %gather3A_62 = vector.shape_cast %broadcast_in_dim3A_61 : vector<16x1xi32> to vector<16xi32>
    %gather3A_63 = tpu.dynamic_gather %max3A[%gather3A_62] in [0] : vector<16xf32>, vector<16xi32> -> vector<16xf32>
    %max3A_64 = arith.maximumf %max3A, %gather3A_63 : vector<16xf32>
    %xor3A_65 = arith.constant 2 : i32
    %xor3A_66 = vector.broadcast %xor3A_65 : i32 to vector<16xi32>
    %xor3A_67 = arith.xori %iota3A, %xor3A_66 : vector<16xi32>
    %lt3A_68 = arith.constant 0 : i32
    %lt3A_69 = vector.broadcast %lt3A_68 : i32 to vector<16xi32>
    %lt3A_70 = arith.cmpi slt, %xor3A_67, %lt3A_69 : vector<16xi32>
    %add3A_71 = arith.constant 16 : i32
    %add3A_72 = vector.broadcast %add3A_71 : i32 to vector<16xi32>
    %add3A_73 = arith.addi %xor3A_67, %add3A_72 : vector<16xi32>
    %select_n3A_74 = arith.select %lt3A_70, %add3A_73, %xor3A_67 : vector<16xi1>, vector<16xi32>
    %broadcast_in_dim3A_75 = vector.shape_cast %select_n3A_74 : vector<16xi32> to vector<16x1xi32>
    %gather3A_76 = vector.shape_cast %broadcast_in_dim3A_75 : vector<16x1xi32> to vector<16xi32>
    %gather3A_77 = tpu.dynamic_gather %max3A_64[%gather3A_76] in [0] : vector<16xf32>, vector<16xi32> -> vector<16xf32>
    %max3A_78 = arith.maximumf %max3A_64, %gather3A_77 : vector<16xf32>
    %xor3A_79 = arith.constant 1 : i32
    %xor3A_80 = vector.broadcast %xor3A_79 : i32 to vector<16xi32>
    %xor3A_81 = arith.xori %iota3A, %xor3A_80 : vector<16xi32>
    %lt3A_82 = arith.constant 0 : i32
    %lt3A_83 = vector.broadcast %lt3A_82 : i32 to vector<16xi32>
    %lt3A_84 = arith.cmpi slt, %xor3A_81, %lt3A_83 : vector<16xi32>
    %add3A_85 = arith.constant 16 : i32
    %add3A_86 = vector.broadcast %add3A_85 : i32 to vector<16xi32>
    %add3A_87 = arith.addi %xor3A_81, %add3A_86 : vector<16xi32>
    %select_n3A_88 = arith.select %lt3A_84, %add3A_87, %xor3A_81 : vector<16xi1>, vector<16xi32>
    %broadcast_in_dim3A_89 = vector.shape_cast %select_n3A_88 : vector<16xi32> to vector<16x1xi32>
    %gather3A_90 = vector.shape_cast %broadcast_in_dim3A_89 : vector<16x1xi32> to vector<16xi32>
    %gather3A_91 = tpu.dynamic_gather %max3A_78[%gather3A_90] in [0] : vector<16xf32>, vector<16xi32> -> vector<16xf32>
    %max3A_92 = arith.maximumf %max3A_78, %gather3A_91 : vector<16xf32>
    %slice3A = vector.extract_strided_slice %max3A_92 {offsets = [0], sizes = [1], strides = [1]} : vector<16xf32> to vector<1xf32>
    %squeeze3A = vector.extract %slice3A[0] : f32 from vector<1xf32>
    %sub3A = arith.constant 1.000000e+00 : f32
    %sub3A_93 = arith.subf %squeeze3A, %sub3A : f32
    %scan3A_94 = arith.constant 0 : i32
    %scan3A_95 = arith.constant 0 : i32
    %scan3A_96 = arith.constant 128 : i32
    %scan3A_97 = arith.addi %scan3A_95, %scan3A_96 : i32
    %scan3A_98 = arith.constant 1 : i32
    %scan3A_99 = scf.for %scan3A_572 = %scan3A_95 to %scan3A_97 step %scan3A_98 iter_args(%scan3A_573 = %scan3A_94) -> (i32)  : i32 {
      %mul3A_574 = arith.constant 16 : i32
      %mul3A_575 = arith.muli %scan3A_572, %mul3A_574 : i32
      %get3A = arith.index_cast %mul3A_575 : i32 to index
      %get3A_576 = tpu.vector_load %arg7[%get3A] {strides = array<i32>} : memref<2048xf32, #tpu.memory_space<vmem>>, vector<16xf32>,
      %get3A_577 = vector.shape_cast %get3A_576 : vector<16xf32> to vector<16xf32>
      %xor3A_578 = arith.constant 8 : i32
      %xor3A_579 = vector.broadcast %xor3A_578 : i32 to vector<16xi32>
      %xor3A_580 = arith.xori %iota3A, %xor3A_579 : vector<16xi32>
      %lt3A_581 = arith.constant 0 : i32
      %lt3A_582 = vector.broadcast %lt3A_581 : i32 to vector<16xi32>
      %lt3A_583 = arith.cmpi slt, %xor3A_580, %lt3A_582 : vector<16xi32>
      %add3A_584 = arith.constant 16 : i32
      %add3A_585 = vector.broadcast %add3A_584 : i32 to vector<16xi32>
      %add3A_586 = arith.addi %xor3A_580, %add3A_585 : vector<16xi32>
      %select_n3A_587 = arith.select %lt3A_583, %add3A_586, %xor3A_580 : vector<16xi1>, vector<16xi32>
      %broadcast_in_dim3A_588 = vector.shape_cast %select_n3A_587 : vector<16xi32> to vector<16x1xi32>
      %gather3A_589 = vector.shape_cast %broadcast_in_dim3A_588 : vector<16x1xi32> to vector<16xi32>
      %gather3A_590 = tpu.dynamic_gather %get3A_577[%gather3A_589] in [0] : vector<16xf32>, vector<16xi32> -> vector<16xf32>
      %max3A_591 = arith.maximumf %get3A_577, %gather3A_590 : vector<16xf32>
      %xor3A_592 = arith.constant 4 : i32
      %xor3A_593 = vector.broadcast %xor3A_592 : i32 to vector<16xi32>
      %xor3A_594 = arith.xori %iota3A, %xor3A_593 : vector<16xi32>
      %lt3A_595 = arith.constant 0 : i32
      %lt3A_596 = vector.broadcast %lt3A_595 : i32 to vector<16xi32>
      %lt3A_597 = arith.cmpi slt, %xor3A_594, %lt3A_596 : vector<16xi32>
      %add3A_598 = arith.constant 16 : i32
      %add3A_599 = vector.broadcast %add3A_598 : i32 to vector<16xi32>
      %add3A_600 = arith.addi %xor3A_594, %add3A_599 : vector<16xi32>
      %select_n3A_601 = arith.select %lt3A_597, %add3A_600, %xor3A_594 : vector<16xi1>, vector<16xi32>
      %broadcast_in_dim3A_602 = vector.shape_cast %select_n3A_601 : vector<16xi32> to vector<16x1xi32>
      %gather3A_603 = vector.shape_cast %broadcast_in_dim3A_602 : vector<16x1xi32> to vector<16xi32>
      %gather3A_604 = tpu.dynamic_gather %max3A_591[%gather3A_603] in [0] : vector<16xf32>, vector<16xi32> -> vector<16xf32>
      %max3A_605 = arith.maximumf %max3A_591, %gather3A_604 : vector<16xf32>
      %xor3A_606 = arith.constant 2 : i32
      %xor3A_607 = vector.broadcast %xor3A_606 : i32 to vector<16xi32>
      %xor3A_608 = arith.xori %iota3A, %xor3A_607 : vector<16xi32>
      %lt3A_609 = arith.constant 0 : i32
      %lt3A_610 = vector.broadcast %lt3A_609 : i32 to vector<16xi32>
      %lt3A_611 = arith.cmpi slt, %xor3A_608, %lt3A_610 : vector<16xi32>
      %add3A_612 = arith.constant 16 : i32
      %add3A_613 = vector.broadcast %add3A_612 : i32 to vector<16xi32>
      %add3A_614 = arith.addi %xor3A_608, %add3A_613 : vector<16xi32>
      %select_n3A_615 = arith.select %lt3A_611, %add3A_614, %xor3A_608 : vector<16xi1>, vector<16xi32>
      %broadcast_in_dim3A_616 = vector.shape_cast %select_n3A_615 : vector<16xi32> to vector<16x1xi32>
      %gather3A_617 = vector.shape_cast %broadcast_in_dim3A_616 : vector<16x1xi32> to vector<16xi32>
      %gather3A_618 = tpu.dynamic_gather %max3A_605[%gather3A_617] in [0] : vector<16xf32>, vector<16xi32> -> vector<16xf32>
      %max3A_619 = arith.maximumf %max3A_605, %gather3A_618 : vector<16xf32>
      %xor3A_620 = arith.constant 1 : i32
      %xor3A_621 = vector.broadcast %xor3A_620 : i32 to vector<16xi32>
      %xor3A_622 = arith.xori %iota3A, %xor3A_621 : vector<16xi32>
      %lt3A_623 = arith.constant 0 : i32
      %lt3A_624 = vector.broadcast %lt3A_623 : i32 to vector<16xi32>
      %lt3A_625 = arith.cmpi slt, %xor3A_622, %lt3A_624 : vector<16xi32>
      %add3A_626 = arith.constant 16 : i32
      %add3A_627 = vector.broadcast %add3A_626 : i32 to vector<16xi32>
      %add3A_628 = arith.addi %xor3A_622, %add3A_627 : vector<16xi32>
      %select_n3A_629 = arith.select %lt3A_625, %add3A_628, %xor3A_622 : vector<16xi1>, vector<16xi32>
      %broadcast_in_dim3A_630 = vector.shape_cast %select_n3A_629 : vector<16xi32> to vector<16x1xi32>
      %gather3A_631 = vector.shape_cast %broadcast_in_dim3A_630 : vector<16x1xi32> to vector<16xi32>
      %gather3A_632 = tpu.dynamic_gather %max3A_619[%gather3A_631] in [0] : vector<16xf32>, vector<16xi32> -> vector<16xf32>
      %max3A_633 = arith.maximumf %max3A_619, %gather3A_632 : vector<16xf32>
      %slice3A_634 = vector.extract_strided_slice %max3A_633 {offsets = [0], sizes = [1], strides = [1]} : vector<16xf32> to vector<1xf32>
      %squeeze3A_635 = vector.extract %slice3A_634[0] : f32 from vector<1xf32>
      %gt3A = arith.cmpf ogt, %squeeze3A_635, %sub3A_93 : f32
      %convert_element_type3A = arith.extui %gt3A : i1 to i32
      %cond3A = arith.constant 0 : i32
      %cond3A_636 = arith.cmpi ne, %convert_element_type3A, %cond3A : i32
      scf.if %cond3A_636 {
        %swap3A = arith.index_cast %scan3A_573 : i32 to index
        %swap3A_641 = memref.load %arg8[%swap3A] : memref<128xi32, #tpu.memory_space<smem>>
        memref.store %scan3A_572, %arg8[%swap3A] : memref<128xi32, #tpu.memory_space<smem>>
      } else {
      }
      %jit3A_637 = arith.constant 1 : i32
      %jit3A_638 = arith.constant 0 : i32
      %select_n3A_639 = arith.select %gt3A, %jit3A_637, %jit3A_638 : i32
      %add3A_640 = arith.addi %scan3A_573, %select_n3A_639 : i32
      scf.yield %add3A_640 : i32
    }
    %scan3A_100 = arith.constant 128 : i32
    %eq3A = arith.constant 1 : i32
    %eq3A_101 = arith.constant 1 : i32
    %eq3A_102 = arith.cmpi eq, %eq3A, %eq3A_101 : i32
    %jit3A = arith.constant 0 : i32
    %select_n3A_103 = arith.select %eq3A_102, %scan3A_99, %jit3A : i32
    %broadcast_in_dim3A_104 = vector.broadcast %sub3A_93 : f32 to vector<16xf32>
    %while3A = arith.constant 0 : i32
    %while3A_105 = arith.subi %select_n3A_103, %while3A : i32
    %while3A_106 = arith.addi %while3A, %while3A_105 : i32
    %while3A_107 = arith.constant 1 : i32
    %while3A_108 = arith.divsi %while3A_105, %while3A_107 : i32
    %while3A_109 = arith.muli %while3A_108, %while3A_107 : i32
    %while3A_110 = arith.addi %while3A, %while3A_109 : i32
    %while3A_111 = arith.constant 1 : i32
    %while3A_112:2 = scf.for %while3A_572 = %while3A to %while3A_110 step %while3A_111 iter_args(%while3A_573 = %broadcast_in_dim3A_31, %while3A_574 = %broadcast_in_dim3A_31) -> (vector<16xf32>, vector<16xf32>)  : i32 {
      %get3A = arith.index_cast %while3A_572 : i32 to index
      %get3A_575 = memref.load %arg8[%get3A] : memref<128xi32, #tpu.memory_space<smem>>
      %mul3A_576 = arith.constant 256 : i32
      %mul3A_577 = arith.muli %get3A_575, %mul3A_576 : i32
      %add3A_578 = arith.constant 0 : i32
      %add3A_579 = arith.addi %mul3A_577, %add3A_578 : i32
      %get3A_580 = arith.index_cast %add3A_579 : i32 to index
      %get3A_581 = tpu.vector_load %arg4[%get3A_580] {strides = array<i32>} : memref<32768xf32, #tpu.memory_space<vmem>>, vector<16xf32>,
      %get3A_582 = vector.shape_cast %get3A_581 : vector<16xf32> to vector<16xf32>
      %gt3A = arith.cmpf ogt, %get3A_582, %broadcast_in_dim3A_104 : vector<16xf32>
      %select_n3A_583 = arith.select %gt3A, %get3A_582, %broadcast_in_dim3A_31 : vector<16xi1>, vector<16xf32>
      %add3A_584 = arith.addf %while3A_573, %select_n3A_583 : vector<16xf32>
      %select_n3A_585 = arith.select %gt3A, %broadcast_in_dim3A_33, %broadcast_in_dim3A_31 : vector<16xi1>, vector<16xf32>
      %add3A_586 = arith.addf %while3A_574, %select_n3A_585 : vector<16xf32>
      %add3A_587 = arith.constant 16 : i32
      %add3A_588 = arith.addi %mul3A_577, %add3A_587 : i32
      %get3A_589 = arith.index_cast %add3A_588 : i32 to index
      %get3A_590 = tpu.vector_load %arg4[%get3A_589] {strides = array<i32>} : memref<32768xf32, #tpu.memory_space<vmem>>, vector<16xf32>,
      %get3A_591 = vector.shape_cast %get3A_590 : vector<16xf32> to vector<16xf32>
      %gt3A_592 = arith.cmpf ogt, %get3A_591, %broadcast_in_dim3A_104 : vector<16xf32>
      %select_n3A_593 = arith.select %gt3A_592, %get3A_591, %broadcast_in_dim3A_31 : vector<16xi1>, vector<16xf32>
      %add3A_594 = arith.addf %add3A_584, %select_n3A_593 : vector<16xf32>
      %select_n3A_595 = arith.select %gt3A_592, %broadcast_in_dim3A_33, %broadcast_in_dim3A_31 : vector<16xi1>, vector<16xf32>
      %add3A_596 = arith.addf %add3A_586, %select_n3A_595 : vector<16xf32>
      %add3A_597 = arith.constant 32 : i32
      %add3A_598 = arith.addi %mul3A_577, %add3A_597 : i32
      %get3A_599 = arith.index_cast %add3A_598 : i32 to index
      %get3A_600 = tpu.vector_load %arg4[%get3A_599] {strides = array<i32>} : memref<32768xf32, #tpu.memory_space<vmem>>, vector<16xf32>,
      %get3A_601 = vector.shape_cast %get3A_600 : vector<16xf32> to vector<16xf32>
      %gt3A_602 = arith.cmpf ogt, %get3A_601, %broadcast_in_dim3A_104 : vector<16xf32>
      %select_n3A_603 = arith.select %gt3A_602, %get3A_601, %broadcast_in_dim3A_31 : vector<16xi1>, vector<16xf32>
      %add3A_604 = arith.addf %add3A_594, %select_n3A_603 : vector<16xf32>
      %select_n3A_605 = arith.select %gt3A_602, %broadcast_in_dim3A_33, %broadcast_in_dim3A_31 : vector<16xi1>, vector<16xf32>
      %add3A_606 = arith.addf %add3A_596, %select_n3A_605 : vector<16xf32>
      %add3A_607 = arith.constant 48 : i32
      %add3A_608 = arith.addi %mul3A_577, %add3A_607 : i32
      %get3A_609 = arith.index_cast %add3A_608 : i32 to index
      %get3A_610 = tpu.vector_load %arg4[%get3A_609] {strides = array<i32>} : memref<32768xf32, #tpu.memory_space<vmem>>, vector<16xf32>,
      %get3A_611 = vector.shape_cast %get3A_610 : vector<16xf32> to vector<16xf32>
      %gt3A_612 = arith.cmpf ogt, %get3A_611, %broadcast_in_dim3A_104 : vector<16xf32>
      %select_n3A_613 = arith.select %gt3A_612, %get3A_611, %broadcast_in_dim3A_31 : vector<16xi1>, vector<16xf32>
      %add3A_614 = arith.addf %add3A_604, %select_n3A_613 : vector<16xf32>
      %select_n3A_615 = arith.select %gt3A_612, %broadcast_in_dim3A_33, %broadcast_in_dim3A_31 : vector<16xi1>, vector<16xf32>
      %add3A_616 = arith.addf %add3A_606, %select_n3A_615 : vector<16xf32>
      %add3A_617 = arith.constant 64 : i32
      %add3A_618 = arith.addi %mul3A_577, %add3A_617 : i32
      %get3A_619 = arith.index_cast %add3A_618 : i32 to index
      %get3A_620 = tpu.vector_load %arg4[%get3A_619] {strides = array<i32>} : memref<32768xf32, #tpu.memory_space<vmem>>, vector<16xf32>,
      %get3A_621 = vector.shape_cast %get3A_620 : vector<16xf32> to vector<16xf32>
      %gt3A_622 = arith.cmpf ogt, %get3A_621, %broadcast_in_dim3A_104 : vector<16xf32>
      %select_n3A_623 = arith.select %gt3A_622, %get3A_621, %broadcast_in_dim3A_31 : vector<16xi1>, vector<16xf32>
      %add3A_624 = arith.addf %add3A_614, %select_n3A_623 : vector<16xf32>
      %select_n3A_625 = arith.select %gt3A_622, %broadcast_in_dim3A_33, %broadcast_in_dim3A_31 : vector<16xi1>, vector<16xf32>
      %add3A_626 = arith.addf %add3A_616, %select_n3A_625 : vector<16xf32>
      %add3A_627 = arith.constant 80 : i32
      %add3A_628 = arith.addi %mul3A_577, %add3A_627 : i32
      %get3A_629 = arith.index_cast %add3A_628 : i32 to index
      %get3A_630 = tpu.vector_load %arg4[%get3A_629] {strides = array<i32>} : memref<32768xf32, #tpu.memory_space<vmem>>, vector<16xf32>,
      %get3A_631 = vector.shape_cast %get3A_630 : vector<16xf32> to vector<16xf32>
      %gt3A_632 = arith.cmpf ogt, %get3A_631, %broadcast_in_dim3A_104 : vector<16xf32>
      %select_n3A_633 = arith.select %gt3A_632, %get3A_631, %broadcast_in_dim3A_31 : vector<16xi1>, vector<16xf32>
      %add3A_634 = arith.addf %add3A_624, %select_n3A_633 : vector<16xf32>
      %select_n3A_635 = arith.select %gt3A_632, %broadcast_in_dim3A_33, %broadcast_in_dim3A_31 : vector<16xi1>, vector<16xf32>
      %add3A_636 = arith.addf %add3A_626, %select_n3A_635 : vector<16xf32>
      %add3A_637 = arith.constant 96 : i32
      %add3A_638 = arith.addi %mul3A_577, %add3A_637 : i32
      %get3A_639 = arith.index_cast %add3A_638 : i32 to index
      %get3A_640 = tpu.vector_load %arg4[%get3A_639] {strides = array<i32>} : memref<32768xf32, #tpu.memory_space<vmem>>, vector<16xf32>,
      %get3A_641 = vector.shape_cast %get3A_640 : vector<16xf32> to vector<16xf32>
      %gt3A_642 = arith.cmpf ogt, %get3A_641, %broadcast_in_dim3A_104 : vector<16xf32>
      %select_n3A_643 = arith.select %gt3A_642, %get3A_641, %broadcast_in_dim3A_31 : vector<16xi1>, vector<16xf32>
      %add3A_644 = arith.addf %add3A_634, %select_n3A_643 : vector<16xf32>
      %select_n3A_645 = arith.select %gt3A_642, %broadcast_in_dim3A_33, %broadcast_in_dim3A_31 : vector<16xi1>, vector<16xf32>
      %add3A_646 = arith.addf %add3A_636, %select_n3A_645 : vector<16xf32>
      %add3A_647 = arith.constant 112 : i32
      %add3A_648 = arith.addi %mul3A_577, %add3A_647 : i32
      %get3A_649 = arith.index_cast %add3A_648 : i32 to index
      %get3A_650 = tpu.vector_load %arg4[%get3A_649] {strides = array<i32>} : memref<32768xf32, #tpu.memory_space<vmem>>, vector<16xf32>,
      %get3A_651 = vector.shape_cast %get3A_650 : vector<16xf32> to vector<16xf32>
      %gt3A_652 = arith.cmpf ogt, %get3A_651, %broadcast_in_dim3A_104 : vector<16xf32>
      %select_n3A_653 = arith.select %gt3A_652, %get3A_651, %broadcast_in_dim3A_31 : vector<16xi1>, vector<16xf32>
      %add3A_654 = arith.addf %add3A_644, %select_n3A_653 : vector<16xf32>
      %select_n3A_655 = arith.select %gt3A_652, %broadcast_in_dim3A_33, %broadcast_in_dim3A_31 : vector<16xi1>, vector<16xf32>
      %add3A_656 = arith.addf %add3A_646, %select_n3A_655 : vector<16xf32>
      %add3A_657 = arith.constant 128 : i32
      %add3A_658 = arith.addi %mul3A_577, %add3A_657 : i32
      %get3A_659 = arith.index_cast %add3A_658 : i32 to index
      %get3A_660 = tpu.vector_load %arg4[%get3A_659] {strides = array<i32>} : memref<32768xf32, #tpu.memory_space<vmem>>, vector<16xf32>,
      %get3A_661 = vector.shape_cast %get3A_660 : vector<16xf32> to vector<16xf32>
      %gt3A_662 = arith.cmpf ogt, %get3A_661, %broadcast_in_dim3A_104 : vector<16xf32>
      %select_n3A_663 = arith.select %gt3A_662, %get3A_661, %broadcast_in_dim3A_31 : vector<16xi1>, vector<16xf32>
      %add3A_664 = arith.addf %add3A_654, %select_n3A_663 : vector<16xf32>
      %select_n3A_665 = arith.select %gt3A_662, %broadcast_in_dim3A_33, %broadcast_in_dim3A_31 : vector<16xi1>, vector<16xf32>
      %add3A_666 = arith.addf %add3A_656, %select_n3A_665 : vector<16xf32>
      %add3A_667 = arith.constant 144 : i32
      %add3A_668 = arith.addi %mul3A_577, %add3A_667 : i32
      %get3A_669 = arith.index_cast %add3A_668 : i32 to index
      %get3A_670 = tpu.vector_load %arg4[%get3A_669] {strides = array<i32>} : memref<32768xf32, #tpu.memory_space<vmem>>, vector<16xf32>,
      %get3A_671 = vector.shape_cast %get3A_670 : vector<16xf32> to vector<16xf32>
      %gt3A_672 = arith.cmpf ogt, %get3A_671, %broadcast_in_dim3A_104 : vector<16xf32>
      %select_n3A_673 = arith.select %gt3A_672, %get3A_671, %broadcast_in_dim3A_31 : vector<16xi1>, vector<16xf32>
      %add3A_674 = arith.addf %add3A_664, %select_n3A_673 : vector<16xf32>
      %select_n3A_675 = arith.select %gt3A_672, %broadcast_in_dim3A_33, %broadcast_in_dim3A_31 : vector<16xi1>, vector<16xf32>
      %add3A_676 = arith.addf %add3A_666, %select_n3A_675 : vector<16xf32>
      %add3A_677 = arith.constant 160 : i32
      %add3A_678 = arith.addi %mul3A_577, %add3A_677 : i32
      %get3A_679 = arith.index_cast %add3A_678 : i32 to index
      %get3A_680 = tpu.vector_load %arg4[%get3A_679] {strides = array<i32>} : memref<32768xf32, #tpu.memory_space<vmem>>, vector<16xf32>,
      %get3A_681 = vector.shape_cast %get3A_680 : vector<16xf32> to vector<16xf32>
      %gt3A_682 = arith.cmpf ogt, %get3A_681, %broadcast_in_dim3A_104 : vector<16xf32>
      %select_n3A_683 = arith.select %gt3A_682, %get3A_681, %broadcast_in_dim3A_31 : vector<16xi1>, vector<16xf32>
      %add3A_684 = arith.addf %add3A_674, %select_n3A_683 : vector<16xf32>
      %select_n3A_685 = arith.select %gt3A_682, %broadcast_in_dim3A_33, %broadcast_in_dim3A_31 : vector<16xi1>, vector<16xf32>
      %add3A_686 = arith.addf %add3A_676, %select_n3A_685 : vector<16xf32>
      %add3A_687 = arith.constant 176 : i32
      %add3A_688 = arith.addi %mul3A_577, %add3A_687 : i32
      %get3A_689 = arith.index_cast %add3A_688 : i32 to index
      %get3A_690 = tpu.vector_load %arg4[%get3A_689] {strides = array<i32>} : memref<32768xf32, #tpu.memory_space<vmem>>, vector<16xf32>,
      %get3A_691 = vector.shape_cast %get3A_690 : vector<16xf32> to vector<16xf32>
      %gt3A_692 = arith.cmpf ogt, %get3A_691, %broadcast_in_dim3A_104 : vector<16xf32>
      %select_n3A_693 = arith.select %gt3A_692, %get3A_691, %broadcast_in_dim3A_31 : vector<16xi1>, vector<16xf32>
      %add3A_694 = arith.addf %add3A_684, %select_n3A_693 : vector<16xf32>
      %select_n3A_695 = arith.select %gt3A_692, %broadcast_in_dim3A_33, %broadcast_in_dim3A_31 : vector<16xi1>, vector<16xf32>
      %add3A_696 = arith.addf %add3A_686, %select_n3A_695 : vector<16xf32>
      %add3A_697 = arith.constant 192 : i32
      %add3A_698 = arith.addi %mul3A_577, %add3A_697 : i32
      %get3A_699 = arith.index_cast %add3A_698 : i32 to index
      %get3A_700 = tpu.vector_load %arg4[%get3A_699] {strides = array<i32>} : memref<32768xf32, #tpu.memory_space<vmem>>, vector<16xf32>,
      %get3A_701 = vector.shape_cast %get3A_700 : vector<16xf32> to vector<16xf32>
      %gt3A_702 = arith.cmpf ogt, %get3A_701, %broadcast_in_dim3A_104 : vector<16xf32>
      %select_n3A_703 = arith.select %gt3A_702, %get3A_701, %broadcast_in_dim3A_31 : vector<16xi1>, vector<16xf32>
      %add3A_704 = arith.addf %add3A_694, %select_n3A_703 : vector<16xf32>
      %select_n3A_705 = arith.select %gt3A_702, %broadcast_in_dim3A_33, %broadcast_in_dim3A_31 : vector<16xi1>, vector<16xf32>
      %add3A_706 = arith.addf %add3A_696, %select_n3A_705 : vector<16xf32>
      %add3A_707 = arith.constant 208 : i32
      %add3A_708 = arith.addi %mul3A_577, %add3A_707 : i32
      %get3A_709 = arith.index_cast %add3A_708 : i32 to index
      %get3A_710 = tpu.vector_load %arg4[%get3A_709] {strides = array<i32>} : memref<32768xf32, #tpu.memory_space<vmem>>, vector<16xf32>,
      %get3A_711 = vector.shape_cast %get3A_710 : vector<16xf32> to vector<16xf32>
      %gt3A_712 = arith.cmpf ogt, %get3A_711, %broadcast_in_dim3A_104 : vector<16xf32>
      %select_n3A_713 = arith.select %gt3A_712, %get3A_711, %broadcast_in_dim3A_31 : vector<16xi1>, vector<16xf32>
      %add3A_714 = arith.addf %add3A_704, %select_n3A_713 : vector<16xf32>
      %select_n3A_715 = arith.select %gt3A_712, %broadcast_in_dim3A_33, %broadcast_in_dim3A_31 : vector<16xi1>, vector<16xf32>
      %add3A_716 = arith.addf %add3A_706, %select_n3A_715 : vector<16xf32>
      %add3A_717 = arith.constant 224 : i32
      %add3A_718 = arith.addi %mul3A_577, %add3A_717 : i32
      %get3A_719 = arith.index_cast %add3A_718 : i32 to index
      %get3A_720 = tpu.vector_load %arg4[%get3A_719] {strides = array<i32>} : memref<32768xf32, #tpu.memory_space<vmem>>, vector<16xf32>,
      %get3A_721 = vector.shape_cast %get3A_720 : vector<16xf32> to vector<16xf32>
      %gt3A_722 = arith.cmpf ogt, %get3A_721, %broadcast_in_dim3A_104 : vector<16xf32>
      %select_n3A_723 = arith.select %gt3A_722, %get3A_721, %broadcast_in_dim3A_31 : vector<16xi1>, vector<16xf32>
      %add3A_724 = arith.addf %add3A_714, %select_n3A_723 : vector<16xf32>
      %select_n3A_725 = arith.select %gt3A_722, %broadcast_in_dim3A_33, %broadcast_in_dim3A_31 : vector<16xi1>, vector<16xf32>
      %add3A_726 = arith.addf %add3A_716, %select_n3A_725 : vector<16xf32>
      %add3A_727 = arith.constant 240 : i32
      %add3A_728 = arith.addi %mul3A_577, %add3A_727 : i32
      %get3A_729 = arith.index_cast %add3A_728 : i32 to index
      %get3A_730 = tpu.vector_load %arg4[%get3A_729] {strides = array<i32>} : memref<32768xf32, #tpu.memory_space<vmem>>, vector<16xf32>,
      %get3A_731 = vector.shape_cast %get3A_730 : vector<16xf32> to vector<16xf32>
      %gt3A_732 = arith.cmpf ogt, %get3A_731, %broadcast_in_dim3A_104 : vector<16xf32>
      %select_n3A_733 = arith.select %gt3A_732, %get3A_731, %broadcast_in_dim3A_31 : vector<16xi1>, vector<16xf32>
      %add3A_734 = arith.addf %add3A_724, %select_n3A_733 : vector<16xf32>
      %select_n3A_735 = arith.select %gt3A_732, %broadcast_in_dim3A_33, %broadcast_in_dim3A_31 : vector<16xi1>, vector<16xf32>
      %add3A_736 = arith.addf %add3A_726, %select_n3A_735 : vector<16xf32>
      scf.yield %add3A_734, %add3A_736 : vector<16xf32>, vector<16xf32>
    }
    %while3A_113 = arith.constant 1 : i32
    %while3A_114:2 = scf.for %while3A_572 = %while3A_110 to %while3A_106 step %while3A_113 iter_args(%while3A_573 = %while3A_112#0, %while3A_574 = %while3A_112#1) -> (vector<16xf32>, vector<16xf32>)  : i32 {
      %get3A = arith.index_cast %while3A_572 : i32 to index
      %get3A_575 = memref.load %arg8[%get3A] : memref<128xi32, #tpu.memory_space<smem>>
      %mul3A_576 = arith.constant 256 : i32
      %mul3A_577 = arith.muli %get3A_575, %mul3A_576 : i32
      %add3A_578 = arith.constant 0 : i32
      %add3A_579 = arith.addi %mul3A_577, %add3A_578 : i32
      %get3A_580 = arith.index_cast %add3A_579 : i32 to index
      %get3A_581 = tpu.vector_load %arg4[%get3A_580] {strides = array<i32>} : memref<32768xf32, #tpu.memory_space<vmem>>, vector<16xf32>,
      %get3A_582 = vector.shape_cast %get3A_581 : vector<16xf32> to vector<16xf32>
      %gt3A = arith.cmpf ogt, %get3A_582, %broadcast_in_dim3A_104 : vector<16xf32>
      %select_n3A_583 = arith.select %gt3A, %get3A_582, %broadcast_in_dim3A_31 : vector<16xi1>, vector<16xf32>
      %add3A_584 = arith.addf %while3A_573, %select_n3A_583 : vector<16xf32>
      %select_n3A_585 = arith.select %gt3A, %broadcast_in_dim3A_33, %broadcast_in_dim3A_31 : vector<16xi1>, vector<16xf32>
      %add3A_586 = arith.addf %while3A_574, %select_n3A_585 : vector<16xf32>
      %add3A_587 = arith.constant 16 : i32
      %add3A_588 = arith.addi %mul3A_577, %add3A_587 : i32
      %get3A_589 = arith.index_cast %add3A_588 : i32 to index
      %get3A_590 = tpu.vector_load %arg4[%get3A_589] {strides = array<i32>} : memref<32768xf32, #tpu.memory_space<vmem>>, vector<16xf32>,
      %get3A_591 = vector.shape_cast %get3A_590 : vector<16xf32> to vector<16xf32>
      %gt3A_592 = arith.cmpf ogt, %get3A_591, %broadcast_in_dim3A_104 : vector<16xf32>
      %select_n3A_593 = arith.select %gt3A_592, %get3A_591, %broadcast_in_dim3A_31 : vector<16xi1>, vector<16xf32>
      %add3A_594 = arith.addf %add3A_584, %select_n3A_593 : vector<16xf32>
      %select_n3A_595 = arith.select %gt3A_592, %broadcast_in_dim3A_33, %broadcast_in_dim3A_31 : vector<16xi1>, vector<16xf32>
      %add3A_596 = arith.addf %add3A_586, %select_n3A_595 : vector<16xf32>
      %add3A_597 = arith.constant 32 : i32
      %add3A_598 = arith.addi %mul3A_577, %add3A_597 : i32
      %get3A_599 = arith.index_cast %add3A_598 : i32 to index
      %get3A_600 = tpu.vector_load %arg4[%get3A_599] {strides = array<i32>} : memref<32768xf32, #tpu.memory_space<vmem>>, vector<16xf32>,
      %get3A_601 = vector.shape_cast %get3A_600 : vector<16xf32> to vector<16xf32>
      %gt3A_602 = arith.cmpf ogt, %get3A_601, %broadcast_in_dim3A_104 : vector<16xf32>
      %select_n3A_603 = arith.select %gt3A_602, %get3A_601, %broadcast_in_dim3A_31 : vector<16xi1>, vector<16xf32>
      %add3A_604 = arith.addf %add3A_594, %select_n3A_603 : vector<16xf32>
      %select_n3A_605 = arith.select %gt3A_602, %broadcast_in_dim3A_33, %broadcast_in_dim3A_31 : vector<16xi1>, vector<16xf32>
      %add3A_606 = arith.addf %add3A_596, %select_n3A_605 : vector<16xf32>
      %add3A_607 = arith.constant 48 : i32
      %add3A_608 = arith.addi %mul3A_577, %add3A_607 : i32
      %get3A_609 = arith.index_cast %add3A_608 : i32 to index
      %get3A_610 = tpu.vector_load %arg4[%get3A_609] {strides = array<i32>} : memref<32768xf32, #tpu.memory_space<vmem>>, vector<16xf32>,
      %get3A_611 = vector.shape_cast %get3A_610 : vector<16xf32> to vector<16xf32>
      %gt3A_612 = arith.cmpf ogt, %get3A_611, %broadcast_in_dim3A_104 : vector<16xf32>
      %select_n3A_613 = arith.select %gt3A_612, %get3A_611, %broadcast_in_dim3A_31 : vector<16xi1>, vector<16xf32>
      %add3A_614 = arith.addf %add3A_604, %select_n3A_613 : vector<16xf32>
      %select_n3A_615 = arith.select %gt3A_612, %broadcast_in_dim3A_33, %broadcast_in_dim3A_31 : vector<16xi1>, vector<16xf32>
      %add3A_616 = arith.addf %add3A_606, %select_n3A_615 : vector<16xf32>
      %add3A_617 = arith.constant 64 : i32
      %add3A_618 = arith.addi %mul3A_577, %add3A_617 : i32
      %get3A_619 = arith.index_cast %add3A_618 : i32 to index
      %get3A_620 = tpu.vector_load %arg4[%get3A_619] {strides = array<i32>} : memref<32768xf32, #tpu.memory_space<vmem>>, vector<16xf32>,
      %get3A_621 = vector.shape_cast %get3A_620 : vector<16xf32> to vector<16xf32>
      %gt3A_622 = arith.cmpf ogt, %get3A_621, %broadcast_in_dim3A_104 : vector<16xf32>
      %select_n3A_623 = arith.select %gt3A_622, %get3A_621, %broadcast_in_dim3A_31 : vector<16xi1>, vector<16xf32>
      %add3A_624 = arith.addf %add3A_614, %select_n3A_623 : vector<16xf32>
      %select_n3A_625 = arith.select %gt3A_622, %broadcast_in_dim3A_33, %broadcast_in_dim3A_31 : vector<16xi1>, vector<16xf32>
      %add3A_626 = arith.addf %add3A_616, %select_n3A_625 : vector<16xf32>
      %add3A_627 = arith.constant 80 : i32
      %add3A_628 = arith.addi %mul3A_577, %add3A_627 : i32
      %get3A_629 = arith.index_cast %add3A_628 : i32 to index
      %get3A_630 = tpu.vector_load %arg4[%get3A_629] {strides = array<i32>} : memref<32768xf32, #tpu.memory_space<vmem>>, vector<16xf32>,
      %get3A_631 = vector.shape_cast %get3A_630 : vector<16xf32> to vector<16xf32>
      %gt3A_632 = arith.cmpf ogt, %get3A_631, %broadcast_in_dim3A_104 : vector<16xf32>
      %select_n3A_633 = arith.select %gt3A_632, %get3A_631, %broadcast_in_dim3A_31 : vector<16xi1>, vector<16xf32>
      %add3A_634 = arith.addf %add3A_624, %select_n3A_633 : vector<16xf32>
      %select_n3A_635 = arith.select %gt3A_632, %broadcast_in_dim3A_33, %broadcast_in_dim3A_31 : vector<16xi1>, vector<16xf32>
      %add3A_636 = arith.addf %add3A_626, %select_n3A_635 : vector<16xf32>
      %add3A_637 = arith.constant 96 : i32
      %add3A_638 = arith.addi %mul3A_577, %add3A_637 : i32
      %get3A_639 = arith.index_cast %add3A_638 : i32 to index
      %get3A_640 = tpu.vector_load %arg4[%get3A_639] {strides = array<i32>} : memref<32768xf32, #tpu.memory_space<vmem>>, vector<16xf32>,
      %get3A_641 = vector.shape_cast %get3A_640 : vector<16xf32> to vector<16xf32>
      %gt3A_642 = arith.cmpf ogt, %get3A_641, %broadcast_in_dim3A_104 : vector<16xf32>
      %select_n3A_643 = arith.select %gt3A_642, %get3A_641, %broadcast_in_dim3A_31 : vector<16xi1>, vector<16xf32>
      %add3A_644 = arith.addf %add3A_634, %select_n3A_643 : vector<16xf32>
      %select_n3A_645 = arith.select %gt3A_642, %broadcast_in_dim3A_33, %broadcast_in_dim3A_31 : vector<16xi1>, vector<16xf32>
      %add3A_646 = arith.addf %add3A_636, %select_n3A_645 : vector<16xf32>
      %add3A_647 = arith.constant 112 : i32
      %add3A_648 = arith.addi %mul3A_577, %add3A_647 : i32
      %get3A_649 = arith.index_cast %add3A_648 : i32 to index
      %get3A_650 = tpu.vector_load %arg4[%get3A_649] {strides = array<i32>} : memref<32768xf32, #tpu.memory_space<vmem>>, vector<16xf32>,
      %get3A_651 = vector.shape_cast %get3A_650 : vector<16xf32> to vector<16xf32>
      %gt3A_652 = arith.cmpf ogt, %get3A_651, %broadcast_in_dim3A_104 : vector<16xf32>
      %select_n3A_653 = arith.select %gt3A_652, %get3A_651, %broadcast_in_dim3A_31 : vector<16xi1>, vector<16xf32>
      %add3A_654 = arith.addf %add3A_644, %select_n3A_653 : vector<16xf32>
      %select_n3A_655 = arith.select %gt3A_652, %broadcast_in_dim3A_33, %broadcast_in_dim3A_31 : vector<16xi1>, vector<16xf32>
      %add3A_656 = arith.addf %add3A_646, %select_n3A_655 : vector<16xf32>
      %add3A_657 = arith.constant 128 : i32
      %add3A_658 = arith.addi %mul3A_577, %add3A_657 : i32
      %get3A_659 = arith.index_cast %add3A_658 : i32 to index
      %get3A_660 = tpu.vector_load %arg4[%get3A_659] {strides = array<i32>} : memref<32768xf32, #tpu.memory_space<vmem>>, vector<16xf32>,
      %get3A_661 = vector.shape_cast %get3A_660 : vector<16xf32> to vector<16xf32>
      %gt3A_662 = arith.cmpf ogt, %get3A_661, %broadcast_in_dim3A_104 : vector<16xf32>
      %select_n3A_663 = arith.select %gt3A_662, %get3A_661, %broadcast_in_dim3A_31 : vector<16xi1>, vector<16xf32>
      %add3A_664 = arith.addf %add3A_654, %select_n3A_663 : vector<16xf32>
      %select_n3A_665 = arith.select %gt3A_662, %broadcast_in_dim3A_33, %broadcast_in_dim3A_31 : vector<16xi1>, vector<16xf32>
      %add3A_666 = arith.addf %add3A_656, %select_n3A_665 : vector<16xf32>
      %add3A_667 = arith.constant 144 : i32
      %add3A_668 = arith.addi %mul3A_577, %add3A_667 : i32
      %get3A_669 = arith.index_cast %add3A_668 : i32 to index
      %get3A_670 = tpu.vector_load %arg4[%get3A_669] {strides = array<i32>} : memref<32768xf32, #tpu.memory_space<vmem>>, vector<16xf32>,
      %get3A_671 = vector.shape_cast %get3A_670 : vector<16xf32> to vector<16xf32>
      %gt3A_672 = arith.cmpf ogt, %get3A_671, %broadcast_in_dim3A_104 : vector<16xf32>
      %select_n3A_673 = arith.select %gt3A_672, %get3A_671, %broadcast_in_dim3A_31 : vector<16xi1>, vector<16xf32>
      %add3A_674 = arith.addf %add3A_664, %select_n3A_673 : vector<16xf32>
      %select_n3A_675 = arith.select %gt3A_672, %broadcast_in_dim3A_33, %broadcast_in_dim3A_31 : vector<16xi1>, vector<16xf32>
      %add3A_676 = arith.addf %add3A_666, %select_n3A_675 : vector<16xf32>
      %add3A_677 = arith.constant 160 : i32
      %add3A_678 = arith.addi %mul3A_577, %add3A_677 : i32
      %get3A_679 = arith.index_cast %add3A_678 : i32 to index
      %get3A_680 = tpu.vector_load %arg4[%get3A_679] {strides = array<i32>} : memref<32768xf32, #tpu.memory_space<vmem>>, vector<16xf32>,
      %get3A_681 = vector.shape_cast %get3A_680 : vector<16xf32> to vector<16xf32>
      %gt3A_682 = arith.cmpf ogt, %get3A_681, %broadcast_in_dim3A_104 : vector<16xf32>
      %select_n3A_683 = arith.select %gt3A_682, %get3A_681, %broadcast_in_dim3A_31 : vector<16xi1>, vector<16xf32>
      %add3A_684 = arith.addf %add3A_674, %select_n3A_683 : vector<16xf32>
      %select_n3A_685 = arith.select %gt3A_682, %broadcast_in_dim3A_33, %broadcast_in_dim3A_31 : vector<16xi1>, vector<16xf32>
      %add3A_686 = arith.addf %add3A_676, %select_n3A_685 : vector<16xf32>
      %add3A_687 = arith.constant 176 : i32
      %add3A_688 = arith.addi %mul3A_577, %add3A_687 : i32
      %get3A_689 = arith.index_cast %add3A_688 : i32 to index
      %get3A_690 = tpu.vector_load %arg4[%get3A_689] {strides = array<i32>} : memref<32768xf32, #tpu.memory_space<vmem>>, vector<16xf32>,
      %get3A_691 = vector.shape_cast %get3A_690 : vector<16xf32> to vector<16xf32>
      %gt3A_692 = arith.cmpf ogt, %get3A_691, %broadcast_in_dim3A_104 : vector<16xf32>
      %select_n3A_693 = arith.select %gt3A_692, %get3A_691, %broadcast_in_dim3A_31 : vector<16xi1>, vector<16xf32>
      %add3A_694 = arith.addf %add3A_684, %select_n3A_693 : vector<16xf32>
      %select_n3A_695 = arith.select %gt3A_692, %broadcast_in_dim3A_33, %broadcast_in_dim3A_31 : vector<16xi1>, vector<16xf32>
      %add3A_696 = arith.addf %add3A_686, %select_n3A_695 : vector<16xf32>
      %add3A_697 = arith.constant 192 : i32
      %add3A_698 = arith.addi %mul3A_577, %add3A_697 : i32
      %get3A_699 = arith.index_cast %add3A_698 : i32 to index
      %get3A_700 = tpu.vector_load %arg4[%get3A_699] {strides = array<i32>} : memref<32768xf32, #tpu.memory_space<vmem>>, vector<16xf32>,
      %get3A_701 = vector.shape_cast %get3A_700 : vector<16xf32> to vector<16xf32>
      %gt3A_702 = arith.cmpf ogt, %get3A_701, %broadcast_in_dim3A_104 : vector<16xf32>
      %select_n3A_703 = arith.select %gt3A_702, %get3A_701, %broadcast_in_dim3A_31 : vector<16xi1>, vector<16xf32>
      %add3A_704 = arith.addf %add3A_694, %select_n3A_703 : vector<16xf32>
      %select_n3A_705 = arith.select %gt3A_702, %broadcast_in_dim3A_33, %broadcast_in_dim3A_31 : vector<16xi1>, vector<16xf32>
      %add3A_706 = arith.addf %add3A_696, %select_n3A_705 : vector<16xf32>
      %add3A_707 = arith.constant 208 : i32
      %add3A_708 = arith.addi %mul3A_577, %add3A_707 : i32
      %get3A_709 = arith.index_cast %add3A_708 : i32 to index
      %get3A_710 = tpu.vector_load %arg4[%get3A_709] {strides = array<i32>} : memref<32768xf32, #tpu.memory_space<vmem>>, vector<16xf32>,
      %get3A_711 = vector.shape_cast %get3A_710 : vector<16xf32> to vector<16xf32>
      %gt3A_712 = arith.cmpf ogt, %get3A_711, %broadcast_in_dim3A_104 : vector<16xf32>
      %select_n3A_713 = arith.select %gt3A_712, %get3A_711, %broadcast_in_dim3A_31 : vector<16xi1>, vector<16xf32>
      %add3A_714 = arith.addf %add3A_704, %select_n3A_713 : vector<16xf32>
      %select_n3A_715 = arith.select %gt3A_712, %broadcast_in_dim3A_33, %broadcast_in_dim3A_31 : vector<16xi1>, vector<16xf32>
      %add3A_716 = arith.addf %add3A_706, %select_n3A_715 : vector<16xf32>
      %add3A_717 = arith.constant 224 : i32
      %add3A_718 = arith.addi %mul3A_577, %add3A_717 : i32
      %get3A_719 = arith.index_cast %add3A_718 : i32 to index
      %get3A_720 = tpu.vector_load %arg4[%get3A_719] {strides = array<i32>} : memref<32768xf32, #tpu.memory_space<vmem>>, vector<16xf32>,
      %get3A_721 = vector.shape_cast %get3A_720 : vector<16xf32> to vector<16xf32>
      %gt3A_722 = arith.cmpf ogt, %get3A_721, %broadcast_in_dim3A_104 : vector<16xf32>
      %select_n3A_723 = arith.select %gt3A_722, %get3A_721, %broadcast_in_dim3A_31 : vector<16xi1>, vector<16xf32>
      %add3A_724 = arith.addf %add3A_714, %select_n3A_723 : vector<16xf32>
      %select_n3A_725 = arith.select %gt3A_722, %broadcast_in_dim3A_33, %broadcast_in_dim3A_31 : vector<16xi1>, vector<16xf32>
      %add3A_726 = arith.addf %add3A_716, %select_n3A_725 : vector<16xf32>
      %add3A_727 = arith.constant 240 : i32
      %add3A_728 = arith.addi %mul3A_577, %add3A_727 : i32
      %get3A_729 = arith.index_cast %add3A_728 : i32 to index
      %get3A_730 = tpu.vector_load %arg4[%get3A_729] {strides = array<i32>} : memref<32768xf32, #tpu.memory_space<vmem>>, vector<16xf32>,
      %get3A_731 = vector.shape_cast %get3A_730 : vector<16xf32> to vector<16xf32>
      %gt3A_732 = arith.cmpf ogt, %get3A_731, %broadcast_in_dim3A_104 : vector<16xf32>
      %select_n3A_733 = arith.select %gt3A_732, %get3A_731, %broadcast_in_dim3A_31 : vector<16xi1>, vector<16xf32>
      %add3A_734 = arith.addf %add3A_724, %select_n3A_733 : vector<16xf32>
      %select_n3A_735 = arith.select %gt3A_732, %broadcast_in_dim3A_33, %broadcast_in_dim3A_31 : vector<16xi1>, vector<16xf32>
      %add3A_736 = arith.addf %add3A_726, %select_n3A_735 : vector<16xf32>
      scf.yield %add3A_734, %add3A_736 : vector<16xf32>, vector<16xf32>
    }
    %xor3A_115 = arith.constant 8 : i32
    %xor3A_116 = vector.broadcast %xor3A_115 : i32 to vector<16xi32>
    %xor3A_117 = arith.xori %iota3A, %xor3A_116 : vector<16xi32>
    %lt3A_118 = arith.constant 0 : i32
    %lt3A_119 = vector.broadcast %lt3A_118 : i32 to vector<16xi32>
    %lt3A_120 = arith.cmpi slt, %xor3A_117, %lt3A_119 : vector<16xi32>
    %add3A_121 = arith.constant 16 : i32
    %add3A_122 = vector.broadcast %add3A_121 : i32 to vector<16xi32>
    %add3A_123 = arith.addi %xor3A_117, %add3A_122 : vector<16xi32>
    %select_n3A_124 = arith.select %lt3A_120, %add3A_123, %xor3A_117 : vector<16xi1>, vector<16xi32>
    %broadcast_in_dim3A_125 = vector.shape_cast %select_n3A_124 : vector<16xi32> to vector<16x1xi32>
    %gather3A_126 = vector.shape_cast %broadcast_in_dim3A_125 : vector<16x1xi32> to vector<16xi32>
    %gather3A_127 = tpu.dynamic_gather %while3A_114#0[%gather3A_126] in [0] : vector<16xf32>, vector<16xi32> -> vector<16xf32>
    %add3A_128 = arith.addf %while3A_114#0, %gather3A_127 : vector<16xf32>
    %xor3A_129 = arith.constant 4 : i32
    %xor3A_130 = vector.broadcast %xor3A_129 : i32 to vector<16xi32>
    %xor3A_131 = arith.xori %iota3A, %xor3A_130 : vector<16xi32>
    %lt3A_132 = arith.constant 0 : i32
    %lt3A_133 = vector.broadcast %lt3A_132 : i32 to vector<16xi32>
    %lt3A_134 = arith.cmpi slt, %xor3A_131, %lt3A_133 : vector<16xi32>
    %add3A_135 = arith.constant 16 : i32
    %add3A_136 = vector.broadcast %add3A_135 : i32 to vector<16xi32>
    %add3A_137 = arith.addi %xor3A_131, %add3A_136 : vector<16xi32>
    %select_n3A_138 = arith.select %lt3A_134, %add3A_137, %xor3A_131 : vector<16xi1>, vector<16xi32>
    %broadcast_in_dim3A_139 = vector.shape_cast %select_n3A_138 : vector<16xi32> to vector<16x1xi32>
    %gather3A_140 = vector.shape_cast %broadcast_in_dim3A_139 : vector<16x1xi32> to vector<16xi32>
    %gather3A_141 = tpu.dynamic_gather %add3A_128[%gather3A_140] in [0] : vector<16xf32>, vector<16xi32> -> vector<16xf32>
    %add3A_142 = arith.addf %add3A_128, %gather3A_141 : vector<16xf32>
    %xor3A_143 = arith.constant 2 : i32
    %xor3A_144 = vector.broadcast %xor3A_143 : i32 to vector<16xi32>
    %xor3A_145 = arith.xori %iota3A, %xor3A_144 : vector<16xi32>
    %lt3A_146 = arith.constant 0 : i32
    %lt3A_147 = vector.broadcast %lt3A_146 : i32 to vector<16xi32>
    %lt3A_148 = arith.cmpi slt, %xor3A_145, %lt3A_147 : vector<16xi32>
    %add3A_149 = arith.constant 16 : i32
    %add3A_150 = vector.broadcast %add3A_149 : i32 to vector<16xi32>
    %add3A_151 = arith.addi %xor3A_145, %add3A_150 : vector<16xi32>
    %select_n3A_152 = arith.select %lt3A_148, %add3A_151, %xor3A_145 : vector<16xi1>, vector<16xi32>
    %broadcast_in_dim3A_153 = vector.shape_cast %select_n3A_152 : vector<16xi32> to vector<16x1xi32>
    %gather3A_154 = vector.shape_cast %broadcast_in_dim3A_153 : vector<16x1xi32> to vector<16xi32>
    %gather3A_155 = tpu.dynamic_gather %add3A_142[%gather3A_154] in [0] : vector<16xf32>, vector<16xi32> -> vector<16xf32>
    %add3A_156 = arith.addf %add3A_142, %gather3A_155 : vector<16xf32>
    %xor3A_157 = arith.constant 1 : i32
    %xor3A_158 = vector.broadcast %xor3A_157 : i32 to vector<16xi32>
    %xor3A_159 = arith.xori %iota3A, %xor3A_158 : vector<16xi32>
    %lt3A_160 = arith.constant 0 : i32
    %lt3A_161 = vector.broadcast %lt3A_160 : i32 to vector<16xi32>
    %lt3A_162 = arith.cmpi slt, %xor3A_159, %lt3A_161 : vector<16xi32>
    %add3A_163 = arith.constant 16 : i32
    %add3A_164 = vector.broadcast %add3A_163 : i32 to vector<16xi32>
    %add3A_165 = arith.addi %xor3A_159, %add3A_164 : vector<16xi32>
    %select_n3A_166 = arith.select %lt3A_162, %add3A_165, %xor3A_159 : vector<16xi1>, vector<16xi32>
    %broadcast_in_dim3A_167 = vector.shape_cast %select_n3A_166 : vector<16xi32> to vector<16x1xi32>
    %gather3A_168 = vector.shape_cast %broadcast_in_dim3A_167 : vector<16x1xi32> to vector<16xi32>
    %gather3A_169 = tpu.dynamic_gather %add3A_156[%gather3A_168] in [0] : vector<16xf32>, vector<16xi32> -> vector<16xf32>
    %add3A_170 = arith.addf %add3A_156, %gather3A_169 : vector<16xf32>
    %xor3A_171 = arith.constant 8 : i32
    %xor3A_172 = vector.broadcast %xor3A_171 : i32 to vector<16xi32>
    %xor3A_173 = arith.xori %iota3A, %xor3A_172 : vector<16xi32>
    %lt3A_174 = arith.constant 0 : i32
    %lt3A_175 = vector.broadcast %lt3A_174 : i32 to vector<16xi32>
    %lt3A_176 = arith.cmpi slt, %xor3A_173, %lt3A_175 : vector<16xi32>
    %add3A_177 = arith.constant 16 : i32
    %add3A_178 = vector.broadcast %add3A_177 : i32 to vector<16xi32>
    %add3A_179 = arith.addi %xor3A_173, %add3A_178 : vector<16xi32>
    %select_n3A_180 = arith.select %lt3A_176, %add3A_179, %xor3A_173 : vector<16xi1>, vector<16xi32>
    %broadcast_in_dim3A_181 = vector.shape_cast %select_n3A_180 : vector<16xi32> to vector<16x1xi32>
    %gather3A_182 = vector.shape_cast %broadcast_in_dim3A_181 : vector<16x1xi32> to vector<16xi32>
    %gather3A_183 = tpu.dynamic_gather %while3A_114#1[%gather3A_182] in [0] : vector<16xf32>, vector<16xi32> -> vector<16xf32>
    %add3A_184 = arith.addf %while3A_114#1, %gather3A_183 : vector<16xf32>
    %xor3A_185 = arith.constant 4 : i32
    %xor3A_186 = vector.broadcast %xor3A_185 : i32 to vector<16xi32>
    %xor3A_187 = arith.xori %iota3A, %xor3A_186 : vector<16xi32>
    %lt3A_188 = arith.constant 0 : i32
    %lt3A_189 = vector.broadcast %lt3A_188 : i32 to vector<16xi32>
    %lt3A_190 = arith.cmpi slt, %xor3A_187, %lt3A_189 : vector<16xi32>
    %add3A_191 = arith.constant 16 : i32
    %add3A_192 = vector.broadcast %add3A_191 : i32 to vector<16xi32>
    %add3A_193 = arith.addi %xor3A_187, %add3A_192 : vector<16xi32>
    %select_n3A_194 = arith.select %lt3A_190, %add3A_193, %xor3A_187 : vector<16xi1>, vector<16xi32>
    %broadcast_in_dim3A_195 = vector.shape_cast %select_n3A_194 : vector<16xi32> to vector<16x1xi32>
    %gather3A_196 = vector.shape_cast %broadcast_in_dim3A_195 : vector<16x1xi32> to vector<16xi32>
    %gather3A_197 = tpu.dynamic_gather %add3A_184[%gather3A_196] in [0] : vector<16xf32>, vector<16xi32> -> vector<16xf32>
    %add3A_198 = arith.addf %add3A_184, %gather3A_197 : vector<16xf32>
    %xor3A_199 = arith.constant 2 : i32
    %xor3A_200 = vector.broadcast %xor3A_199 : i32 to vector<16xi32>
    %xor3A_201 = arith.xori %iota3A, %xor3A_200 : vector<16xi32>
    %lt3A_202 = arith.constant 0 : i32
    %lt3A_203 = vector.broadcast %lt3A_202 : i32 to vector<16xi32>
    %lt3A_204 = arith.cmpi slt, %xor3A_201, %lt3A_203 : vector<16xi32>
    %add3A_205 = arith.constant 16 : i32
    %add3A_206 = vector.broadcast %add3A_205 : i32 to vector<16xi32>
    %add3A_207 = arith.addi %xor3A_201, %add3A_206 : vector<16xi32>
    %select_n3A_208 = arith.select %lt3A_204, %add3A_207, %xor3A_201 : vector<16xi1>, vector<16xi32>
    %broadcast_in_dim3A_209 = vector.shape_cast %select_n3A_208 : vector<16xi32> to vector<16x1xi32>
    %gather3A_210 = vector.shape_cast %broadcast_in_dim3A_209 : vector<16x1xi32> to vector<16xi32>
    %gather3A_211 = tpu.dynamic_gather %add3A_198[%gather3A_210] in [0] : vector<16xf32>, vector<16xi32> -> vector<16xf32>
    %add3A_212 = arith.addf %add3A_198, %gather3A_211 : vector<16xf32>
    %xor3A_213 = arith.constant 1 : i32
    %xor3A_214 = vector.broadcast %xor3A_213 : i32 to vector<16xi32>
    %xor3A_215 = arith.xori %iota3A, %xor3A_214 : vector<16xi32>
    %lt3A_216 = arith.constant 0 : i32
    %lt3A_217 = vector.broadcast %lt3A_216 : i32 to vector<16xi32>
    %lt3A_218 = arith.cmpi slt, %xor3A_215, %lt3A_217 : vector<16xi32>
    %add3A_219 = arith.constant 16 : i32
    %add3A_220 = vector.broadcast %add3A_219 : i32 to vector<16xi32>
    %add3A_221 = arith.addi %xor3A_215, %add3A_220 : vector<16xi32>
    %select_n3A_222 = arith.select %lt3A_218, %add3A_221, %xor3A_215 : vector<16xi1>, vector<16xi32>
    %broadcast_in_dim3A_223 = vector.shape_cast %select_n3A_222 : vector<16xi32> to vector<16x1xi32>
    %gather3A_224 = vector.shape_cast %broadcast_in_dim3A_223 : vector<16x1xi32> to vector<16xi32>
    %gather3A_225 = tpu.dynamic_gather %add3A_212[%gather3A_224] in [0] : vector<16xf32>, vector<16xi32> -> vector<16xf32>
    %add3A_226 = arith.addf %add3A_212, %gather3A_225 : vector<16xf32>
    %max3A_227 = arith.maximumf %add3A_226, %broadcast_in_dim3A_33 : vector<16xf32>
    %sub3A_228 = arith.constant 1.000000e+00 : f32
    %sub3A_229 = vector.broadcast %sub3A_228 : f32 to vector<16xf32>
    %sub3A_230 = arith.subf %add3A_170, %sub3A_229 : vector<16xf32>
    %div3A = arith.divf %sub3A_230, %max3A_227 : vector<16xf32>
    %slice3A_231 = vector.extract_strided_slice %div3A {offsets = [0], sizes = [1], strides = [1]} : vector<16xf32> to vector<1xf32>
    %squeeze3A_232 = vector.extract %slice3A_231[0] : f32 from vector<1xf32>
    %eq3A_233 = arith.constant 1 : i32
    %eq3A_234 = arith.constant 1 : i32
    %eq3A_235 = arith.cmpi eq, %eq3A_233, %eq3A_234 : i32
    %select_n3A_236 = arith.select %eq3A_235, %squeeze3A_232, %sub3A_93 : f32
    %ne3A = arith.cmpf one, %squeeze3A_232, %sub3A_93 : f32
    %and3A = arith.andi %eq3A_235, %ne3A : i1
    %jit3A_237 = arith.constant 1 : i32
    %jit3A_238 = arith.constant 0 : i32
    %select_n3A_239 = arith.select %and3A, %jit3A_237, %jit3A_238 : i32
    %while3A_240 = arith.constant 0 : i32
    %while3A_241 = arith.constant 0 : i32
    %while3A_242 = arith.subi %scan3A_99, %while3A_240 : i32
    %while3A_243 = arith.addi %while3A_240, %while3A_242 : i32
    %while3A_244 = arith.constant 1 : i32
    %while3A_245 = arith.divsi %while3A_242, %while3A_244 : i32
    %while3A_246 = arith.muli %while3A_245, %while3A_244 : i32
    %while3A_247 = arith.addi %while3A_240, %while3A_246 : i32
    %while3A_248 = arith.constant 1 : i32
    %while3A_249 = scf.for %while3A_572 = %while3A_240 to %while3A_247 step %while3A_248 iter_args(%while3A_573 = %while3A_241) -> (i32)  : i32 {
      %get3A = arith.index_cast %while3A_572 : i32 to index
      %get3A_574 = memref.load %arg8[%get3A] : memref<128xi32, #tpu.memory_space<smem>>
      %mul3A_575 = arith.constant 16 : i32
      %mul3A_576 = arith.muli %get3A_574, %mul3A_575 : i32
      %get3A_577 = arith.index_cast %mul3A_576 : i32 to index
      %get3A_578 = tpu.vector_load %arg7[%get3A_577] {strides = array<i32>} : memref<2048xf32, #tpu.memory_space<vmem>>, vector<16xf32>,
      %get3A_579 = vector.shape_cast %get3A_578 : vector<16xf32> to vector<16xf32>
      %xor3A_580 = arith.constant 8 : i32
      %xor3A_581 = vector.broadcast %xor3A_580 : i32 to vector<16xi32>
      %xor3A_582 = arith.xori %iota3A, %xor3A_581 : vector<16xi32>
      %lt3A_583 = arith.constant 0 : i32
      %lt3A_584 = vector.broadcast %lt3A_583 : i32 to vector<16xi32>
      %lt3A_585 = arith.cmpi slt, %xor3A_582, %lt3A_584 : vector<16xi32>
      %add3A_586 = arith.constant 16 : i32
      %add3A_587 = vector.broadcast %add3A_586 : i32 to vector<16xi32>
      %add3A_588 = arith.addi %xor3A_582, %add3A_587 : vector<16xi32>
      %select_n3A_589 = arith.select %lt3A_585, %add3A_588, %xor3A_582 : vector<16xi1>, vector<16xi32>
      %broadcast_in_dim3A_590 = vector.shape_cast %select_n3A_589 : vector<16xi32> to vector<16x1xi32>
      %gather3A_591 = vector.shape_cast %broadcast_in_dim3A_590 : vector<16x1xi32> to vector<16xi32>
      %gather3A_592 = tpu.dynamic_gather %get3A_579[%gather3A_591] in [0] : vector<16xf32>, vector<16xi32> -> vector<16xf32>
      %max3A_593 = arith.maximumf %get3A_579, %gather3A_592 : vector<16xf32>
      %xor3A_594 = arith.constant 4 : i32
      %xor3A_595 = vector.broadcast %xor3A_594 : i32 to vector<16xi32>
      %xor3A_596 = arith.xori %iota3A, %xor3A_595 : vector<16xi32>
      %lt3A_597 = arith.constant 0 : i32
      %lt3A_598 = vector.broadcast %lt3A_597 : i32 to vector<16xi32>
      %lt3A_599 = arith.cmpi slt, %xor3A_596, %lt3A_598 : vector<16xi32>
      %add3A_600 = arith.constant 16 : i32
      %add3A_601 = vector.broadcast %add3A_600 : i32 to vector<16xi32>
      %add3A_602 = arith.addi %xor3A_596, %add3A_601 : vector<16xi32>
      %select_n3A_603 = arith.select %lt3A_599, %add3A_602, %xor3A_596 : vector<16xi1>, vector<16xi32>
      %broadcast_in_dim3A_604 = vector.shape_cast %select_n3A_603 : vector<16xi32> to vector<16x1xi32>
      %gather3A_605 = vector.shape_cast %broadcast_in_dim3A_604 : vector<16x1xi32> to vector<16xi32>
      %gather3A_606 = tpu.dynamic_gather %max3A_593[%gather3A_605] in [0] : vector<16xf32>, vector<16xi32> -> vector<16xf32>
      %max3A_607 = arith.maximumf %max3A_593, %gather3A_606 : vector<16xf32>
      %xor3A_608 = arith.constant 2 : i32
      %xor3A_609 = vector.broadcast %xor3A_608 : i32 to vector<16xi32>
      %xor3A_610 = arith.xori %iota3A, %xor3A_609 : vector<16xi32>
      %lt3A_611 = arith.constant 0 : i32
      %lt3A_612 = vector.broadcast %lt3A_611 : i32 to vector<16xi32>
      %lt3A_613 = arith.cmpi slt, %xor3A_610, %lt3A_612 : vector<16xi32>
      %add3A_614 = arith.constant 16 : i32
      %add3A_615 = vector.broadcast %add3A_614 : i32 to vector<16xi32>
      %add3A_616 = arith.addi %xor3A_610, %add3A_615 : vector<16xi32>
      %select_n3A_617 = arith.select %lt3A_613, %add3A_616, %xor3A_610 : vector<16xi1>, vector<16xi32>
      %broadcast_in_dim3A_618 = vector.shape_cast %select_n3A_617 : vector<16xi32> to vector<16x1xi32>
      %gather3A_619 = vector.shape_cast %broadcast_in_dim3A_618 : vector<16x1xi32> to vector<16xi32>
      %gather3A_620 = tpu.dynamic_gather %max3A_607[%gather3A_619] in [0] : vector<16xf32>, vector<16xi32> -> vector<16xf32>
      %max3A_621 = arith.maximumf %max3A_607, %gather3A_620 : vector<16xf32>
      %xor3A_622 = arith.constant 1 : i32
      %xor3A_623 = vector.broadcast %xor3A_622 : i32 to vector<16xi32>
      %xor3A_624 = arith.xori %iota3A, %xor3A_623 : vector<16xi32>
      %lt3A_625 = arith.constant 0 : i32
      %lt3A_626 = vector.broadcast %lt3A_625 : i32 to vector<16xi32>
      %lt3A_627 = arith.cmpi slt, %xor3A_624, %lt3A_626 : vector<16xi32>
      %add3A_628 = arith.constant 16 : i32
      %add3A_629 = vector.broadcast %add3A_628 : i32 to vector<16xi32>
      %add3A_630 = arith.addi %xor3A_624, %add3A_629 : vector<16xi32>
      %select_n3A_631 = arith.select %lt3A_627, %add3A_630, %xor3A_624 : vector<16xi1>, vector<16xi32>
      %broadcast_in_dim3A_632 = vector.shape_cast %select_n3A_631 : vector<16xi32> to vector<16x1xi32>
      %gather3A_633 = vector.shape_cast %broadcast_in_dim3A_632 : vector<16x1xi32> to vector<16xi32>
      %gather3A_634 = tpu.dynamic_gather %max3A_621[%gather3A_633] in [0] : vector<16xf32>, vector<16xi32> -> vector<16xf32>
      %max3A_635 = arith.maximumf %max3A_621, %gather3A_634 : vector<16xf32>
      %slice3A_636 = vector.extract_strided_slice %max3A_635 {offsets = [0], sizes = [1], strides = [1]} : vector<16xf32> to vector<1xf32>
      %squeeze3A_637 = vector.extract %slice3A_636[0] : f32 from vector<1xf32>
      %gt3A = arith.cmpf ogt, %squeeze3A_637, %select_n3A_236 : f32
      %convert_element_type3A = arith.extui %gt3A : i1 to i32
      %cond3A = arith.constant 0 : i32
      %cond3A_638 = arith.cmpi ne, %convert_element_type3A, %cond3A : i32
      scf.if %cond3A_638 {
        %swap3A = arith.index_cast %while3A_573 : i32 to index
        %swap3A_643 = memref.load %arg8[%swap3A] : memref<128xi32, #tpu.memory_space<smem>>
        memref.store %get3A_574, %arg8[%swap3A] : memref<128xi32, #tpu.memory_space<smem>>
      } else {
      }
      %jit3A_639 = arith.constant 1 : i32
      %jit3A_640 = arith.constant 0 : i32
      %select_n3A_641 = arith.select %gt3A, %jit3A_639, %jit3A_640 : i32
      %add3A_642 = arith.addi %while3A_573, %select_n3A_641 : i32
      scf.yield %add3A_642 : i32
    }
    %while3A_250 = arith.constant 1 : i32
    %while3A_251 = scf.for %while3A_572 = %while3A_247 to %while3A_243 step %while3A_250 iter_args(%while3A_573 = %while3A_249) -> (i32)  : i32 {
      %get3A = arith.index_cast %while3A_572 : i32 to index
      %get3A_574 = memref.load %arg8[%get3A] : memref<128xi32, #tpu.memory_space<smem>>
      %mul3A_575 = arith.constant 16 : i32
      %mul3A_576 = arith.muli %get3A_574, %mul3A_575 : i32
      %get3A_577 = arith.index_cast %mul3A_576 : i32 to index
      %get3A_578 = tpu.vector_load %arg7[%get3A_577] {strides = array<i32>} : memref<2048xf32, #tpu.memory_space<vmem>>, vector<16xf32>,
      %get3A_579 = vector.shape_cast %get3A_578 : vector<16xf32> to vector<16xf32>
      %xor3A_580 = arith.constant 8 : i32
      %xor3A_581 = vector.broadcast %xor3A_580 : i32 to vector<16xi32>
      %xor3A_582 = arith.xori %iota3A, %xor3A_581 : vector<16xi32>
      %lt3A_583 = arith.constant 0 : i32
      %lt3A_584 = vector.broadcast %lt3A_583 : i32 to vector<16xi32>
      %lt3A_585 = arith.cmpi slt, %xor3A_582, %lt3A_584 : vector<16xi32>
      %add3A_586 = arith.constant 16 : i32
      %add3A_587 = vector.broadcast %add3A_586 : i32 to vector<16xi32>
      %add3A_588 = arith.addi %xor3A_582, %add3A_587 : vector<16xi32>
      %select_n3A_589 = arith.select %lt3A_585, %add3A_588, %xor3A_582 : vector<16xi1>, vector<16xi32>
      %broadcast_in_dim3A_590 = vector.shape_cast %select_n3A_589 : vector<16xi32> to vector<16x1xi32>
      %gather3A_591 = vector.shape_cast %broadcast_in_dim3A_590 : vector<16x1xi32> to vector<16xi32>
      %gather3A_592 = tpu.dynamic_gather %get3A_579[%gather3A_591] in [0] : vector<16xf32>, vector<16xi32> -> vector<16xf32>
      %max3A_593 = arith.maximumf %get3A_579, %gather3A_592 : vector<16xf32>
      %xor3A_594 = arith.constant 4 : i32
      %xor3A_595 = vector.broadcast %xor3A_594 : i32 to vector<16xi32>
      %xor3A_596 = arith.xori %iota3A, %xor3A_595 : vector<16xi32>
      %lt3A_597 = arith.constant 0 : i32
      %lt3A_598 = vector.broadcast %lt3A_597 : i32 to vector<16xi32>
      %lt3A_599 = arith.cmpi slt, %xor3A_596, %lt3A_598 : vector<16xi32>
      %add3A_600 = arith.constant 16 : i32
      %add3A_601 = vector.broadcast %add3A_600 : i32 to vector<16xi32>
      %add3A_602 = arith.addi %xor3A_596, %add3A_601 : vector<16xi32>
      %select_n3A_603 = arith.select %lt3A_599, %add3A_602, %xor3A_596 : vector<16xi1>, vector<16xi32>
      %broadcast_in_dim3A_604 = vector.shape_cast %select_n3A_603 : vector<16xi32> to vector<16x1xi32>
      %gather3A_605 = vector.shape_cast %broadcast_in_dim3A_604 : vector<16x1xi32> to vector<16xi32>
      %gather3A_606 = tpu.dynamic_gather %max3A_593[%gather3A_605] in [0] : vector<16xf32>, vector<16xi32> -> vector<16xf32>
      %max3A_607 = arith.maximumf %max3A_593, %gather3A_606 : vector<16xf32>
      %xor3A_608 = arith.constant 2 : i32
      %xor3A_609 = vector.broadcast %xor3A_608 : i32 to vector<16xi32>
      %xor3A_610 = arith.xori %iota3A, %xor3A_609 : vector<16xi32>
      %lt3A_611 = arith.constant 0 : i32
      %lt3A_612 = vector.broadcast %lt3A_611 : i32 to vector<16xi32>
      %lt3A_613 = arith.cmpi slt, %xor3A_610, %lt3A_612 : vector<16xi32>
      %add3A_614 = arith.constant 16 : i32
      %add3A_615 = vector.broadcast %add3A_614 : i32 to vector<16xi32>
      %add3A_616 = arith.addi %xor3A_610, %add3A_615 : vector<16xi32>
      %select_n3A_617 = arith.select %lt3A_613, %add3A_616, %xor3A_610 : vector<16xi1>, vector<16xi32>
      %broadcast_in_dim3A_618 = vector.shape_cast %select_n3A_617 : vector<16xi32> to vector<16x1xi32>
      %gather3A_619 = vector.shape_cast %broadcast_in_dim3A_618 : vector<16x1xi32> to vector<16xi32>
      %gather3A_620 = tpu.dynamic_gather %max3A_607[%gather3A_619] in [0] : vector<16xf32>, vector<16xi32> -> vector<16xf32>
      %max3A_621 = arith.maximumf %max3A_607, %gather3A_620 : vector<16xf32>
      %xor3A_622 = arith.constant 1 : i32
      %xor3A_623 = vector.broadcast %xor3A_622 : i32 to vector<16xi32>
      %xor3A_624 = arith.xori %iota3A, %xor3A_623 : vector<16xi32>
      %lt3A_625 = arith.constant 0 : i32
      %lt3A_626 = vector.broadcast %lt3A_625 : i32 to vector<16xi32>
      %lt3A_627 = arith.cmpi slt, %xor3A_624, %lt3A_626 : vector<16xi32>
      %add3A_628 = arith.constant 16 : i32
      %add3A_629 = vector.broadcast %add3A_628 : i32 to vector<16xi32>
      %add3A_630 = arith.addi %xor3A_624, %add3A_629 : vector<16xi32>
      %select_n3A_631 = arith.select %lt3A_627, %add3A_630, %xor3A_624 : vector<16xi1>, vector<16xi32>
      %broadcast_in_dim3A_632 = vector.shape_cast %select_n3A_631 : vector<16xi32> to vector<16x1xi32>
      %gather3A_633 = vector.shape_cast %broadcast_in_dim3A_632 : vector<16x1xi32> to vector<16xi32>
      %gather3A_634 = tpu.dynamic_gather %max3A_621[%gather3A_633] in [0] : vector<16xf32>, vector<16xi32> -> vector<16xf32>
      %max3A_635 = arith.maximumf %max3A_621, %gather3A_634 : vector<16xf32>
      %slice3A_636 = vector.extract_strided_slice %max3A_635 {offsets = [0], sizes = [1], strides = [1]} : vector<16xf32> to vector<1xf32>
      %squeeze3A_637 = vector.extract %slice3A_636[0] : f32 from vector<1xf32>
      %gt3A = arith.cmpf ogt, %squeeze3A_637, %select_n3A_236 : f32
      %convert_element_type3A = arith.extui %gt3A : i1 to i32
      %cond3A = arith.constant 0 : i32
      %cond3A_638 = arith.cmpi ne, %convert_element_type3A, %cond3A : i32
      scf.if %cond3A_638 {
        %swap3A = arith.index_cast %while3A_573 : i32 to index
        %swap3A_643 = memref.load %arg8[%swap3A] : memref<128xi32, #tpu.memory_space<smem>>
        memref.store %get3A_574, %arg8[%swap3A] : memref<128xi32, #tpu.memory_space<smem>>
      } else {
      }
      %jit3A_639 = arith.constant 1 : i32
      %jit3A_640 = arith.constant 0 : i32
      %select_n3A_641 = arith.select %gt3A, %jit3A_639, %jit3A_640 : i32
      %add3A_642 = arith.addi %while3A_573, %select_n3A_641 : i32
      scf.yield %add3A_642 : i32
    }
    %scan3A_252 = arith.constant 0 : i32
    %scan3A_253 = arith.constant 19 : i32
    %scan3A_254 = arith.addi %scan3A_252, %scan3A_253 : i32
    %scan3A_255 = arith.constant 1 : i32
    %scan3A_256:2 = scf.for %scan3A_572 = %scan3A_252 to %scan3A_254 step %scan3A_255 iter_args(%scan3A_573 = %select_n3A_236, %scan3A_574 = %select_n3A_239) -> (f32, i32)  : i32 {
      %eq3A_575 = arith.constant 1 : i32
      %eq3A_576 = arith.cmpi eq, %scan3A_574, %eq3A_575 : i32
      %jit3A_577 = arith.constant 0 : i32
      %select_n3A_578 = arith.select %eq3A_576, %while3A_251, %jit3A_577 : i32
      %broadcast_in_dim3A_579 = vector.broadcast %scan3A_573 : f32 to vector<16xf32>
      %while3A_580 = arith.constant 0 : i32
      %while3A_581 = arith.subi %select_n3A_578, %while3A_580 : i32
      %while3A_582 = arith.addi %while3A_580, %while3A_581 : i32
      %while3A_583 = arith.constant 1 : i32
      %while3A_584 = arith.divsi %while3A_581, %while3A_583 : i32
      %while3A_585 = arith.muli %while3A_584, %while3A_583 : i32
      %while3A_586 = arith.addi %while3A_580, %while3A_585 : i32
      %while3A_587 = arith.constant 1 : i32
      %while3A_588:2 = scf.for %while3A_718 = %while3A_580 to %while3A_586 step %while3A_587 iter_args(%while3A_719 = %broadcast_in_dim3A_31, %while3A_720 = %broadcast_in_dim3A_31) -> (vector<16xf32>, vector<16xf32>)  : i32 {
        %get3A = arith.index_cast %while3A_718 : i32 to index
        %get3A_721 = memref.load %arg8[%get3A] : memref<128xi32, #tpu.memory_space<smem>>
        %mul3A_722 = arith.constant 256 : i32
        %mul3A_723 = arith.muli %get3A_721, %mul3A_722 : i32
        %add3A_724 = arith.constant 0 : i32
        %add3A_725 = arith.addi %mul3A_723, %add3A_724 : i32
        %get3A_726 = arith.index_cast %add3A_725 : i32 to index
        %get3A_727 = tpu.vector_load %arg4[%get3A_726] {strides = array<i32>} : memref<32768xf32, #tpu.memory_space<vmem>>, vector<16xf32>,
        %get3A_728 = vector.shape_cast %get3A_727 : vector<16xf32> to vector<16xf32>
        %gt3A = arith.cmpf ogt, %get3A_728, %broadcast_in_dim3A_579 : vector<16xf32>
        %select_n3A_729 = arith.select %gt3A, %get3A_728, %broadcast_in_dim3A_31 : vector<16xi1>, vector<16xf32>
        %add3A_730 = arith.addf %while3A_719, %select_n3A_729 : vector<16xf32>
        %select_n3A_731 = arith.select %gt3A, %broadcast_in_dim3A_33, %broadcast_in_dim3A_31 : vector<16xi1>, vector<16xf32>
        %add3A_732 = arith.addf %while3A_720, %select_n3A_731 : vector<16xf32>
        %add3A_733 = arith.constant 16 : i32
        %add3A_734 = arith.addi %mul3A_723, %add3A_733 : i32
        %get3A_735 = arith.index_cast %add3A_734 : i32 to index
        %get3A_736 = tpu.vector_load %arg4[%get3A_735] {strides = array<i32>} : memref<32768xf32, #tpu.memory_space<vmem>>, vector<16xf32>,
        %get3A_737 = vector.shape_cast %get3A_736 : vector<16xf32> to vector<16xf32>
        %gt3A_738 = arith.cmpf ogt, %get3A_737, %broadcast_in_dim3A_579 : vector<16xf32>
        %select_n3A_739 = arith.select %gt3A_738, %get3A_737, %broadcast_in_dim3A_31 : vector<16xi1>, vector<16xf32>
        %add3A_740 = arith.addf %add3A_730, %select_n3A_739 : vector<16xf32>
        %select_n3A_741 = arith.select %gt3A_738, %broadcast_in_dim3A_33, %broadcast_in_dim3A_31 : vector<16xi1>, vector<16xf32>
        %add3A_742 = arith.addf %add3A_732, %select_n3A_741 : vector<16xf32>
        %add3A_743 = arith.constant 32 : i32
        %add3A_744 = arith.addi %mul3A_723, %add3A_743 : i32
        %get3A_745 = arith.index_cast %add3A_744 : i32 to index
        %get3A_746 = tpu.vector_load %arg4[%get3A_745] {strides = array<i32>} : memref<32768xf32, #tpu.memory_space<vmem>>, vector<16xf32>,
        %get3A_747 = vector.shape_cast %get3A_746 : vector<16xf32> to vector<16xf32>
        %gt3A_748 = arith.cmpf ogt, %get3A_747, %broadcast_in_dim3A_579 : vector<16xf32>
        %select_n3A_749 = arith.select %gt3A_748, %get3A_747, %broadcast_in_dim3A_31 : vector<16xi1>, vector<16xf32>
        %add3A_750 = arith.addf %add3A_740, %select_n3A_749 : vector<16xf32>
        %select_n3A_751 = arith.select %gt3A_748, %broadcast_in_dim3A_33, %broadcast_in_dim3A_31 : vector<16xi1>, vector<16xf32>
        %add3A_752 = arith.addf %add3A_742, %select_n3A_751 : vector<16xf32>
        %add3A_753 = arith.constant 48 : i32
        %add3A_754 = arith.addi %mul3A_723, %add3A_753 : i32
        %get3A_755 = arith.index_cast %add3A_754 : i32 to index
        %get3A_756 = tpu.vector_load %arg4[%get3A_755] {strides = array<i32>} : memref<32768xf32, #tpu.memory_space<vmem>>, vector<16xf32>,
        %get3A_757 = vector.shape_cast %get3A_756 : vector<16xf32> to vector<16xf32>
        %gt3A_758 = arith.cmpf ogt, %get3A_757, %broadcast_in_dim3A_579 : vector<16xf32>
        %select_n3A_759 = arith.select %gt3A_758, %get3A_757, %broadcast_in_dim3A_31 : vector<16xi1>, vector<16xf32>
        %add3A_760 = arith.addf %add3A_750, %select_n3A_759 : vector<16xf32>
        %select_n3A_761 = arith.select %gt3A_758, %broadcast_in_dim3A_33, %broadcast_in_dim3A_31 : vector<16xi1>, vector<16xf32>
        %add3A_762 = arith.addf %add3A_752, %select_n3A_761 : vector<16xf32>
        %add3A_763 = arith.constant 64 : i32
        %add3A_764 = arith.addi %mul3A_723, %add3A_763 : i32
        %get3A_765 = arith.index_cast %add3A_764 : i32 to index
        %get3A_766 = tpu.vector_load %arg4[%get3A_765] {strides = array<i32>} : memref<32768xf32, #tpu.memory_space<vmem>>, vector<16xf32>,
        %get3A_767 = vector.shape_cast %get3A_766 : vector<16xf32> to vector<16xf32>
        %gt3A_768 = arith.cmpf ogt, %get3A_767, %broadcast_in_dim3A_579 : vector<16xf32>
        %select_n3A_769 = arith.select %gt3A_768, %get3A_767, %broadcast_in_dim3A_31 : vector<16xi1>, vector<16xf32>
        %add3A_770 = arith.addf %add3A_760, %select_n3A_769 : vector<16xf32>
        %select_n3A_771 = arith.select %gt3A_768, %broadcast_in_dim3A_33, %broadcast_in_dim3A_31 : vector<16xi1>, vector<16xf32>
        %add3A_772 = arith.addf %add3A_762, %select_n3A_771 : vector<16xf32>
        %add3A_773 = arith.constant 80 : i32
        %add3A_774 = arith.addi %mul3A_723, %add3A_773 : i32
        %get3A_775 = arith.index_cast %add3A_774 : i32 to index
        %get3A_776 = tpu.vector_load %arg4[%get3A_775] {strides = array<i32>} : memref<32768xf32, #tpu.memory_space<vmem>>, vector<16xf32>,
        %get3A_777 = vector.shape_cast %get3A_776 : vector<16xf32> to vector<16xf32>
        %gt3A_778 = arith.cmpf ogt, %get3A_777, %broadcast_in_dim3A_579 : vector<16xf32>
        %select_n3A_779 = arith.select %gt3A_778, %get3A_777, %broadcast_in_dim3A_31 : vector<16xi1>, vector<16xf32>
        %add3A_780 = arith.addf %add3A_770, %select_n3A_779 : vector<16xf32>
        %select_n3A_781 = arith.select %gt3A_778, %broadcast_in_dim3A_33, %broadcast_in_dim3A_31 : vector<16xi1>, vector<16xf32>
        %add3A_782 = arith.addf %add3A_772, %select_n3A_781 : vector<16xf32>
        %add3A_783 = arith.constant 96 : i32
        %add3A_784 = arith.addi %mul3A_723, %add3A_783 : i32
        %get3A_785 = arith.index_cast %add3A_784 : i32 to index
        %get3A_786 = tpu.vector_load %arg4[%get3A_785] {strides = array<i32>} : memref<32768xf32, #tpu.memory_space<vmem>>, vector<16xf32>,
        %get3A_787 = vector.shape_cast %get3A_786 : vector<16xf32> to vector<16xf32>
        %gt3A_788 = arith.cmpf ogt, %get3A_787, %broadcast_in_dim3A_579 : vector<16xf32>
        %select_n3A_789 = arith.select %gt3A_788, %get3A_787, %broadcast_in_dim3A_31 : vector<16xi1>, vector<16xf32>
        %add3A_790 = arith.addf %add3A_780, %select_n3A_789 : vector<16xf32>
        %select_n3A_791 = arith.select %gt3A_788, %broadcast_in_dim3A_33, %broadcast_in_dim3A_31 : vector<16xi1>, vector<16xf32>
        %add3A_792 = arith.addf %add3A_782, %select_n3A_791 : vector<16xf32>
        %add3A_793 = arith.constant 112 : i32
        %add3A_794 = arith.addi %mul3A_723, %add3A_793 : i32
        %get3A_795 = arith.index_cast %add3A_794 : i32 to index
        %get3A_796 = tpu.vector_load %arg4[%get3A_795] {strides = array<i32>} : memref<32768xf32, #tpu.memory_space<vmem>>, vector<16xf32>,
        %get3A_797 = vector.shape_cast %get3A_796 : vector<16xf32> to vector<16xf32>
        %gt3A_798 = arith.cmpf ogt, %get3A_797, %broadcast_in_dim3A_579 : vector<16xf32>
        %select_n3A_799 = arith.select %gt3A_798, %get3A_797, %broadcast_in_dim3A_31 : vector<16xi1>, vector<16xf32>
        %add3A_800 = arith.addf %add3A_790, %select_n3A_799 : vector<16xf32>
        %select_n3A_801 = arith.select %gt3A_798, %broadcast_in_dim3A_33, %broadcast_in_dim3A_31 : vector<16xi1>, vector<16xf32>
        %add3A_802 = arith.addf %add3A_792, %select_n3A_801 : vector<16xf32>
        %add3A_803 = arith.constant 128 : i32
        %add3A_804 = arith.addi %mul3A_723, %add3A_803 : i32
        %get3A_805 = arith.index_cast %add3A_804 : i32 to index
        %get3A_806 = tpu.vector_load %arg4[%get3A_805] {strides = array<i32>} : memref<32768xf32, #tpu.memory_space<vmem>>, vector<16xf32>,
        %get3A_807 = vector.shape_cast %get3A_806 : vector<16xf32> to vector<16xf32>
        %gt3A_808 = arith.cmpf ogt, %get3A_807, %broadcast_in_dim3A_579 : vector<16xf32>
        %select_n3A_809 = arith.select %gt3A_808, %get3A_807, %broadcast_in_dim3A_31 : vector<16xi1>, vector<16xf32>
        %add3A_810 = arith.addf %add3A_800, %select_n3A_809 : vector<16xf32>
        %select_n3A_811 = arith.select %gt3A_808, %broadcast_in_dim3A_33, %broadcast_in_dim3A_31 : vector<16xi1>, vector<16xf32>
        %add3A_812 = arith.addf %add3A_802, %select_n3A_811 : vector<16xf32>
        %add3A_813 = arith.constant 144 : i32
        %add3A_814 = arith.addi %mul3A_723, %add3A_813 : i32
        %get3A_815 = arith.index_cast %add3A_814 : i32 to index
        %get3A_816 = tpu.vector_load %arg4[%get3A_815] {strides = array<i32>} : memref<32768xf32, #tpu.memory_space<vmem>>, vector<16xf32>,
        %get3A_817 = vector.shape_cast %get3A_816 : vector<16xf32> to vector<16xf32>
        %gt3A_818 = arith.cmpf ogt, %get3A_817, %broadcast_in_dim3A_579 : vector<16xf32>
        %select_n3A_819 = arith.select %gt3A_818, %get3A_817, %broadcast_in_dim3A_31 : vector<16xi1>, vector<16xf32>
        %add3A_820 = arith.addf %add3A_810, %select_n3A_819 : vector<16xf32>
        %select_n3A_821 = arith.select %gt3A_818, %broadcast_in_dim3A_33, %broadcast_in_dim3A_31 : vector<16xi1>, vector<16xf32>
        %add3A_822 = arith.addf %add3A_812, %select_n3A_821 : vector<16xf32>
        %add3A_823 = arith.constant 160 : i32
        %add3A_824 = arith.addi %mul3A_723, %add3A_823 : i32
        %get3A_825 = arith.index_cast %add3A_824 : i32 to index
        %get3A_826 = tpu.vector_load %arg4[%get3A_825] {strides = array<i32>} : memref<32768xf32, #tpu.memory_space<vmem>>, vector<16xf32>,
        %get3A_827 = vector.shape_cast %get3A_826 : vector<16xf32> to vector<16xf32>
        %gt3A_828 = arith.cmpf ogt, %get3A_827, %broadcast_in_dim3A_579 : vector<16xf32>
        %select_n3A_829 = arith.select %gt3A_828, %get3A_827, %broadcast_in_dim3A_31 : vector<16xi1>, vector<16xf32>
        %add3A_830 = arith.addf %add3A_820, %select_n3A_829 : vector<16xf32>
        %select_n3A_831 = arith.select %gt3A_828, %broadcast_in_dim3A_33, %broadcast_in_dim3A_31 : vector<16xi1>, vector<16xf32>
        %add3A_832 = arith.addf %add3A_822, %select_n3A_831 : vector<16xf32>
        %add3A_833 = arith.constant 176 : i32
        %add3A_834 = arith.addi %mul3A_723, %add3A_833 : i32
        %get3A_835 = arith.index_cast %add3A_834 : i32 to index
        %get3A_836 = tpu.vector_load %arg4[%get3A_835] {strides = array<i32>} : memref<32768xf32, #tpu.memory_space<vmem>>, vector<16xf32>,
        %get3A_837 = vector.shape_cast %get3A_836 : vector<16xf32> to vector<16xf32>
        %gt3A_838 = arith.cmpf ogt, %get3A_837, %broadcast_in_dim3A_579 : vector<16xf32>
        %select_n3A_839 = arith.select %gt3A_838, %get3A_837, %broadcast_in_dim3A_31 : vector<16xi1>, vector<16xf32>
        %add3A_840 = arith.addf %add3A_830, %select_n3A_839 : vector<16xf32>
        %select_n3A_841 = arith.select %gt3A_838, %broadcast_in_dim3A_33, %broadcast_in_dim3A_31 : vector<16xi1>, vector<16xf32>
        %add3A_842 = arith.addf %add3A_832, %select_n3A_841 : vector<16xf32>
        %add3A_843 = arith.constant 192 : i32
        %add3A_844 = arith.addi %mul3A_723, %add3A_843 : i32
        %get3A_845 = arith.index_cast %add3A_844 : i32 to index
        %get3A_846 = tpu.vector_load %arg4[%get3A_845] {strides = array<i32>} : memref<32768xf32, #tpu.memory_space<vmem>>, vector<16xf32>,
        %get3A_847 = vector.shape_cast %get3A_846 : vector<16xf32> to vector<16xf32>
        %gt3A_848 = arith.cmpf ogt, %get3A_847, %broadcast_in_dim3A_579 : vector<16xf32>
        %select_n3A_849 = arith.select %gt3A_848, %get3A_847, %broadcast_in_dim3A_31 : vector<16xi1>, vector<16xf32>
        %add3A_850 = arith.addf %add3A_840, %select_n3A_849 : vector<16xf32>
        %select_n3A_851 = arith.select %gt3A_848, %broadcast_in_dim3A_33, %broadcast_in_dim3A_31 : vector<16xi1>, vector<16xf32>
        %add3A_852 = arith.addf %add3A_842, %select_n3A_851 : vector<16xf32>
        %add3A_853 = arith.constant 208 : i32
        %add3A_854 = arith.addi %mul3A_723, %add3A_853 : i32
        %get3A_855 = arith.index_cast %add3A_854 : i32 to index
        %get3A_856 = tpu.vector_load %arg4[%get3A_855] {strides = array<i32>} : memref<32768xf32, #tpu.memory_space<vmem>>, vector<16xf32>,
        %get3A_857 = vector.shape_cast %get3A_856 : vector<16xf32> to vector<16xf32>
        %gt3A_858 = arith.cmpf ogt, %get3A_857, %broadcast_in_dim3A_579 : vector<16xf32>
        %select_n3A_859 = arith.select %gt3A_858, %get3A_857, %broadcast_in_dim3A_31 : vector<16xi1>, vector<16xf32>
        %add3A_860 = arith.addf %add3A_850, %select_n3A_859 : vector<16xf32>
        %select_n3A_861 = arith.select %gt3A_858, %broadcast_in_dim3A_33, %broadcast_in_dim3A_31 : vector<16xi1>, vector<16xf32>
        %add3A_862 = arith.addf %add3A_852, %select_n3A_861 : vector<16xf32>
        %add3A_863 = arith.constant 224 : i32
        %add3A_864 = arith.addi %mul3A_723, %add3A_863 : i32
        %get3A_865 = arith.index_cast %add3A_864 : i32 to index
        %get3A_866 = tpu.vector_load %arg4[%get3A_865] {strides = array<i32>} : memref<32768xf32, #tpu.memory_space<vmem>>, vector<16xf32>,
        %get3A_867 = vector.shape_cast %get3A_866 : vector<16xf32> to vector<16xf32>
        %gt3A_868 = arith.cmpf ogt, %get3A_867, %broadcast_in_dim3A_579 : vector<16xf32>
        %select_n3A_869 = arith.select %gt3A_868, %get3A_867, %broadcast_in_dim3A_31 : vector<16xi1>, vector<16xf32>
        %add3A_870 = arith.addf %add3A_860, %select_n3A_869 : vector<16xf32>
        %select_n3A_871 = arith.select %gt3A_868, %broadcast_in_dim3A_33, %broadcast_in_dim3A_31 : vector<16xi1>, vector<16xf32>
        %add3A_872 = arith.addf %add3A_862, %select_n3A_871 : vector<16xf32>
        %add3A_873 = arith.constant 240 : i32
        %add3A_874 = arith.addi %mul3A_723, %add3A_873 : i32
        %get3A_875 = arith.index_cast %add3A_874 : i32 to index
        %get3A_876 = tpu.vector_load %arg4[%get3A_875] {strides = array<i32>} : memref<32768xf32, #tpu.memory_space<vmem>>, vector<16xf32>,
        %get3A_877 = vector.shape_cast %get3A_876 : vector<16xf32> to vector<16xf32>
        %gt3A_878 = arith.cmpf ogt, %get3A_877, %broadcast_in_dim3A_579 : vector<16xf32>
        %select_n3A_879 = arith.select %gt3A_878, %get3A_877, %broadcast_in_dim3A_31 : vector<16xi1>, vector<16xf32>
        %add3A_880 = arith.addf %add3A_870, %select_n3A_879 : vector<16xf32>
        %select_n3A_881 = arith.select %gt3A_878, %broadcast_in_dim3A_33, %broadcast_in_dim3A_31 : vector<16xi1>, vector<16xf32>
        %add3A_882 = arith.addf %add3A_872, %select_n3A_881 : vector<16xf32>
        scf.yield %add3A_880, %add3A_882 : vector<16xf32>, vector<16xf32>
      }
      %while3A_589 = arith.constant 1 : i32
      %while3A_590:2 = scf.for %while3A_718 = %while3A_586 to %while3A_582 step %while3A_589 iter_args(%while3A_719 = %while3A_588#0, %while3A_720 = %while3A_588#1) -> (vector<16xf32>, vector<16xf32>)  : i32 {
        %get3A = arith.index_cast %while3A_718 : i32 to index
        %get3A_721 = memref.load %arg8[%get3A] : memref<128xi32, #tpu.memory_space<smem>>
        %mul3A_722 = arith.constant 256 : i32
        %mul3A_723 = arith.muli %get3A_721, %mul3A_722 : i32
        %add3A_724 = arith.constant 0 : i32
        %add3A_725 = arith.addi %mul3A_723, %add3A_724 : i32
        %get3A_726 = arith.index_cast %add3A_725 : i32 to index
        %get3A_727 = tpu.vector_load %arg4[%get3A_726] {strides = array<i32>} : memref<32768xf32, #tpu.memory_space<vmem>>, vector<16xf32>,
        %get3A_728 = vector.shape_cast %get3A_727 : vector<16xf32> to vector<16xf32>
        %gt3A = arith.cmpf ogt, %get3A_728, %broadcast_in_dim3A_579 : vector<16xf32>
        %select_n3A_729 = arith.select %gt3A, %get3A_728, %broadcast_in_dim3A_31 : vector<16xi1>, vector<16xf32>
        %add3A_730 = arith.addf %while3A_719, %select_n3A_729 : vector<16xf32>
        %select_n3A_731 = arith.select %gt3A, %broadcast_in_dim3A_33, %broadcast_in_dim3A_31 : vector<16xi1>, vector<16xf32>
        %add3A_732 = arith.addf %while3A_720, %select_n3A_731 : vector<16xf32>
        %add3A_733 = arith.constant 16 : i32
        %add3A_734 = arith.addi %mul3A_723, %add3A_733 : i32
        %get3A_735 = arith.index_cast %add3A_734 : i32 to index
        %get3A_736 = tpu.vector_load %arg4[%get3A_735] {strides = array<i32>} : memref<32768xf32, #tpu.memory_space<vmem>>, vector<16xf32>,
        %get3A_737 = vector.shape_cast %get3A_736 : vector<16xf32> to vector<16xf32>
        %gt3A_738 = arith.cmpf ogt, %get3A_737, %broadcast_in_dim3A_579 : vector<16xf32>
        %select_n3A_739 = arith.select %gt3A_738, %get3A_737, %broadcast_in_dim3A_31 : vector<16xi1>, vector<16xf32>
        %add3A_740 = arith.addf %add3A_730, %select_n3A_739 : vector<16xf32>
        %select_n3A_741 = arith.select %gt3A_738, %broadcast_in_dim3A_33, %broadcast_in_dim3A_31 : vector<16xi1>, vector<16xf32>
        %add3A_742 = arith.addf %add3A_732, %select_n3A_741 : vector<16xf32>
        %add3A_743 = arith.constant 32 : i32
        %add3A_744 = arith.addi %mul3A_723, %add3A_743 : i32
        %get3A_745 = arith.index_cast %add3A_744 : i32 to index
        %get3A_746 = tpu.vector_load %arg4[%get3A_745] {strides = array<i32>} : memref<32768xf32, #tpu.memory_space<vmem>>, vector<16xf32>,
        %get3A_747 = vector.shape_cast %get3A_746 : vector<16xf32> to vector<16xf32>
        %gt3A_748 = arith.cmpf ogt, %get3A_747, %broadcast_in_dim3A_579 : vector<16xf32>
        %select_n3A_749 = arith.select %gt3A_748, %get3A_747, %broadcast_in_dim3A_31 : vector<16xi1>, vector<16xf32>
        %add3A_750 = arith.addf %add3A_740, %select_n3A_749 : vector<16xf32>
        %select_n3A_751 = arith.select %gt3A_748, %broadcast_in_dim3A_33, %broadcast_in_dim3A_31 : vector<16xi1>, vector<16xf32>
        %add3A_752 = arith.addf %add3A_742, %select_n3A_751 : vector<16xf32>
        %add3A_753 = arith.constant 48 : i32
        %add3A_754 = arith.addi %mul3A_723, %add3A_753 : i32
        %get3A_755 = arith.index_cast %add3A_754 : i32 to index
        %get3A_756 = tpu.vector_load %arg4[%get3A_755] {strides = array<i32>} : memref<32768xf32, #tpu.memory_space<vmem>>, vector<16xf32>,
        %get3A_757 = vector.shape_cast %get3A_756 : vector<16xf32> to vector<16xf32>
        %gt3A_758 = arith.cmpf ogt, %get3A_757, %broadcast_in_dim3A_579 : vector<16xf32>
        %select_n3A_759 = arith.select %gt3A_758, %get3A_757, %broadcast_in_dim3A_31 : vector<16xi1>, vector<16xf32>
        %add3A_760 = arith.addf %add3A_750, %select_n3A_759 : vector<16xf32>
        %select_n3A_761 = arith.select %gt3A_758, %broadcast_in_dim3A_33, %broadcast_in_dim3A_31 : vector<16xi1>, vector<16xf32>
        %add3A_762 = arith.addf %add3A_752, %select_n3A_761 : vector<16xf32>
        %add3A_763 = arith.constant 64 : i32
        %add3A_764 = arith.addi %mul3A_723, %add3A_763 : i32
        %get3A_765 = arith.index_cast %add3A_764 : i32 to index
        %get3A_766 = tpu.vector_load %arg4[%get3A_765] {strides = array<i32>} : memref<32768xf32, #tpu.memory_space<vmem>>, vector<16xf32>,
        %get3A_767 = vector.shape_cast %get3A_766 : vector<16xf32> to vector<16xf32>
        %gt3A_768 = arith.cmpf ogt, %get3A_767, %broadcast_in_dim3A_579 : vector<16xf32>
        %select_n3A_769 = arith.select %gt3A_768, %get3A_767, %broadcast_in_dim3A_31 : vector<16xi1>, vector<16xf32>
        %add3A_770 = arith.addf %add3A_760, %select_n3A_769 : vector<16xf32>
        %select_n3A_771 = arith.select %gt3A_768, %broadcast_in_dim3A_33, %broadcast_in_dim3A_31 : vector<16xi1>, vector<16xf32>
        %add3A_772 = arith.addf %add3A_762, %select_n3A_771 : vector<16xf32>
        %add3A_773 = arith.constant 80 : i32
        %add3A_774 = arith.addi %mul3A_723, %add3A_773 : i32
        %get3A_775 = arith.index_cast %add3A_774 : i32 to index
        %get3A_776 = tpu.vector_load %arg4[%get3A_775] {strides = array<i32>} : memref<32768xf32, #tpu.memory_space<vmem>>, vector<16xf32>,
        %get3A_777 = vector.shape_cast %get3A_776 : vector<16xf32> to vector<16xf32>
        %gt3A_778 = arith.cmpf ogt, %get3A_777, %broadcast_in_dim3A_579 : vector<16xf32>
        %select_n3A_779 = arith.select %gt3A_778, %get3A_777, %broadcast_in_dim3A_31 : vector<16xi1>, vector<16xf32>
        %add3A_780 = arith.addf %add3A_770, %select_n3A_779 : vector<16xf32>
        %select_n3A_781 = arith.select %gt3A_778, %broadcast_in_dim3A_33, %broadcast_in_dim3A_31 : vector<16xi1>, vector<16xf32>
        %add3A_782 = arith.addf %add3A_772, %select_n3A_781 : vector<16xf32>
        %add3A_783 = arith.constant 96 : i32
        %add3A_784 = arith.addi %mul3A_723, %add3A_783 : i32
        %get3A_785 = arith.index_cast %add3A_784 : i32 to index
        %get3A_786 = tpu.vector_load %arg4[%get3A_785] {strides = array<i32>} : memref<32768xf32, #tpu.memory_space<vmem>>, vector<16xf32>,
        %get3A_787 = vector.shape_cast %get3A_786 : vector<16xf32> to vector<16xf32>
        %gt3A_788 = arith.cmpf ogt, %get3A_787, %broadcast_in_dim3A_579 : vector<16xf32>
        %select_n3A_789 = arith.select %gt3A_788, %get3A_787, %broadcast_in_dim3A_31 : vector<16xi1>, vector<16xf32>
        %add3A_790 = arith.addf %add3A_780, %select_n3A_789 : vector<16xf32>
        %select_n3A_791 = arith.select %gt3A_788, %broadcast_in_dim3A_33, %broadcast_in_dim3A_31 : vector<16xi1>, vector<16xf32>
        %add3A_792 = arith.addf %add3A_782, %select_n3A_791 : vector<16xf32>
        %add3A_793 = arith.constant 112 : i32
        %add3A_794 = arith.addi %mul3A_723, %add3A_793 : i32
        %get3A_795 = arith.index_cast %add3A_794 : i32 to index
        %get3A_796 = tpu.vector_load %arg4[%get3A_795] {strides = array<i32>} : memref<32768xf32, #tpu.memory_space<vmem>>, vector<16xf32>,
        %get3A_797 = vector.shape_cast %get3A_796 : vector<16xf32> to vector<16xf32>
        %gt3A_798 = arith.cmpf ogt, %get3A_797, %broadcast_in_dim3A_579 : vector<16xf32>
        %select_n3A_799 = arith.select %gt3A_798, %get3A_797, %broadcast_in_dim3A_31 : vector<16xi1>, vector<16xf32>
        %add3A_800 = arith.addf %add3A_790, %select_n3A_799 : vector<16xf32>
        %select_n3A_801 = arith.select %gt3A_798, %broadcast_in_dim3A_33, %broadcast_in_dim3A_31 : vector<16xi1>, vector<16xf32>
        %add3A_802 = arith.addf %add3A_792, %select_n3A_801 : vector<16xf32>
        %add3A_803 = arith.constant 128 : i32
        %add3A_804 = arith.addi %mul3A_723, %add3A_803 : i32
        %get3A_805 = arith.index_cast %add3A_804 : i32 to index
        %get3A_806 = tpu.vector_load %arg4[%get3A_805] {strides = array<i32>} : memref<32768xf32, #tpu.memory_space<vmem>>, vector<16xf32>,
        %get3A_807 = vector.shape_cast %get3A_806 : vector<16xf32> to vector<16xf32>
        %gt3A_808 = arith.cmpf ogt, %get3A_807, %broadcast_in_dim3A_579 : vector<16xf32>
        %select_n3A_809 = arith.select %gt3A_808, %get3A_807, %broadcast_in_dim3A_31 : vector<16xi1>, vector<16xf32>
        %add3A_810 = arith.addf %add3A_800, %select_n3A_809 : vector<16xf32>
        %select_n3A_811 = arith.select %gt3A_808, %broadcast_in_dim3A_33, %broadcast_in_dim3A_31 : vector<16xi1>, vector<16xf32>
        %add3A_812 = arith.addf %add3A_802, %select_n3A_811 : vector<16xf32>
        %add3A_813 = arith.constant 144 : i32
        %add3A_814 = arith.addi %mul3A_723, %add3A_813 : i32
        %get3A_815 = arith.index_cast %add3A_814 : i32 to index
        %get3A_816 = tpu.vector_load %arg4[%get3A_815] {strides = array<i32>} : memref<32768xf32, #tpu.memory_space<vmem>>, vector<16xf32>,
        %get3A_817 = vector.shape_cast %get3A_816 : vector<16xf32> to vector<16xf32>
        %gt3A_818 = arith.cmpf ogt, %get3A_817, %broadcast_in_dim3A_579 : vector<16xf32>
        %select_n3A_819 = arith.select %gt3A_818, %get3A_817, %broadcast_in_dim3A_31 : vector<16xi1>, vector<16xf32>
        %add3A_820 = arith.addf %add3A_810, %select_n3A_819 : vector<16xf32>
        %select_n3A_821 = arith.select %gt3A_818, %broadcast_in_dim3A_33, %broadcast_in_dim3A_31 : vector<16xi1>, vector<16xf32>
        %add3A_822 = arith.addf %add3A_812, %select_n3A_821 : vector<16xf32>
        %add3A_823 = arith.constant 160 : i32
        %add3A_824 = arith.addi %mul3A_723, %add3A_823 : i32
        %get3A_825 = arith.index_cast %add3A_824 : i32 to index
        %get3A_826 = tpu.vector_load %arg4[%get3A_825] {strides = array<i32>} : memref<32768xf32, #tpu.memory_space<vmem>>, vector<16xf32>,
        %get3A_827 = vector.shape_cast %get3A_826 : vector<16xf32> to vector<16xf32>
        %gt3A_828 = arith.cmpf ogt, %get3A_827, %broadcast_in_dim3A_579 : vector<16xf32>
        %select_n3A_829 = arith.select %gt3A_828, %get3A_827, %broadcast_in_dim3A_31 : vector<16xi1>, vector<16xf32>
        %add3A_830 = arith.addf %add3A_820, %select_n3A_829 : vector<16xf32>
        %select_n3A_831 = arith.select %gt3A_828, %broadcast_in_dim3A_33, %broadcast_in_dim3A_31 : vector<16xi1>, vector<16xf32>
        %add3A_832 = arith.addf %add3A_822, %select_n3A_831 : vector<16xf32>
        %add3A_833 = arith.constant 176 : i32
        %add3A_834 = arith.addi %mul3A_723, %add3A_833 : i32
        %get3A_835 = arith.index_cast %add3A_834 : i32 to index
        %get3A_836 = tpu.vector_load %arg4[%get3A_835] {strides = array<i32>} : memref<32768xf32, #tpu.memory_space<vmem>>, vector<16xf32>,
        %get3A_837 = vector.shape_cast %get3A_836 : vector<16xf32> to vector<16xf32>
        %gt3A_838 = arith.cmpf ogt, %get3A_837, %broadcast_in_dim3A_579 : vector<16xf32>
        %select_n3A_839 = arith.select %gt3A_838, %get3A_837, %broadcast_in_dim3A_31 : vector<16xi1>, vector<16xf32>
        %add3A_840 = arith.addf %add3A_830, %select_n3A_839 : vector<16xf32>
        %select_n3A_841 = arith.select %gt3A_838, %broadcast_in_dim3A_33, %broadcast_in_dim3A_31 : vector<16xi1>, vector<16xf32>
        %add3A_842 = arith.addf %add3A_832, %select_n3A_841 : vector<16xf32>
        %add3A_843 = arith.constant 192 : i32
        %add3A_844 = arith.addi %mul3A_723, %add3A_843 : i32
        %get3A_845 = arith.index_cast %add3A_844 : i32 to index
        %get3A_846 = tpu.vector_load %arg4[%get3A_845] {strides = array<i32>} : memref<32768xf32, #tpu.memory_space<vmem>>, vector<16xf32>,
        %get3A_847 = vector.shape_cast %get3A_846 : vector<16xf32> to vector<16xf32>
        %gt3A_848 = arith.cmpf ogt, %get3A_847, %broadcast_in_dim3A_579 : vector<16xf32>
        %select_n3A_849 = arith.select %gt3A_848, %get3A_847, %broadcast_in_dim3A_31 : vector<16xi1>, vector<16xf32>
        %add3A_850 = arith.addf %add3A_840, %select_n3A_849 : vector<16xf32>
        %select_n3A_851 = arith.select %gt3A_848, %broadcast_in_dim3A_33, %broadcast_in_dim3A_31 : vector<16xi1>, vector<16xf32>
        %add3A_852 = arith.addf %add3A_842, %select_n3A_851 : vector<16xf32>
        %add3A_853 = arith.constant 208 : i32
        %add3A_854 = arith.addi %mul3A_723, %add3A_853 : i32
        %get3A_855 = arith.index_cast %add3A_854 : i32 to index
        %get3A_856 = tpu.vector_load %arg4[%get3A_855] {strides = array<i32>} : memref<32768xf32, #tpu.memory_space<vmem>>, vector<16xf32>,
        %get3A_857 = vector.shape_cast %get3A_856 : vector<16xf32> to vector<16xf32>
        %gt3A_858 = arith.cmpf ogt, %get3A_857, %broadcast_in_dim3A_579 : vector<16xf32>
        %select_n3A_859 = arith.select %gt3A_858, %get3A_857, %broadcast_in_dim3A_31 : vector<16xi1>, vector<16xf32>
        %add3A_860 = arith.addf %add3A_850, %select_n3A_859 : vector<16xf32>
        %select_n3A_861 = arith.select %gt3A_858, %broadcast_in_dim3A_33, %broadcast_in_dim3A_31 : vector<16xi1>, vector<16xf32>
        %add3A_862 = arith.addf %add3A_852, %select_n3A_861 : vector<16xf32>
        %add3A_863 = arith.constant 224 : i32
        %add3A_864 = arith.addi %mul3A_723, %add3A_863 : i32
        %get3A_865 = arith.index_cast %add3A_864 : i32 to index
        %get3A_866 = tpu.vector_load %arg4[%get3A_865] {strides = array<i32>} : memref<32768xf32, #tpu.memory_space<vmem>>, vector<16xf32>,
        %get3A_867 = vector.shape_cast %get3A_866 : vector<16xf32> to vector<16xf32>
        %gt3A_868 = arith.cmpf ogt, %get3A_867, %broadcast_in_dim3A_579 : vector<16xf32>
        %select_n3A_869 = arith.select %gt3A_868, %get3A_867, %broadcast_in_dim3A_31 : vector<16xi1>, vector<16xf32>
        %add3A_870 = arith.addf %add3A_860, %select_n3A_869 : vector<16xf32>
        %select_n3A_871 = arith.select %gt3A_868, %broadcast_in_dim3A_33, %broadcast_in_dim3A_31 : vector<16xi1>, vector<16xf32>
        %add3A_872 = arith.addf %add3A_862, %select_n3A_871 : vector<16xf32>
        %add3A_873 = arith.constant 240 : i32
        %add3A_874 = arith.addi %mul3A_723, %add3A_873 : i32
        %get3A_875 = arith.index_cast %add3A_874 : i32 to index
        %get3A_876 = tpu.vector_load %arg4[%get3A_875] {strides = array<i32>} : memref<32768xf32, #tpu.memory_space<vmem>>, vector<16xf32>,
        %get3A_877 = vector.shape_cast %get3A_876 : vector<16xf32> to vector<16xf32>
        %gt3A_878 = arith.cmpf ogt, %get3A_877, %broadcast_in_dim3A_579 : vector<16xf32>
        %select_n3A_879 = arith.select %gt3A_878, %get3A_877, %broadcast_in_dim3A_31 : vector<16xi1>, vector<16xf32>
        %add3A_880 = arith.addf %add3A_870, %select_n3A_879 : vector<16xf32>
        %select_n3A_881 = arith.select %gt3A_878, %broadcast_in_dim3A_33, %broadcast_in_dim3A_31 : vector<16xi1>, vector<16xf32>
        %add3A_882 = arith.addf %add3A_872, %select_n3A_881 : vector<16xf32>
        scf.yield %add3A_880, %add3A_882 : vector<16xf32>, vector<16xf32>
      }
      %xor3A_591 = arith.constant 8 : i32
      %xor3A_592 = vector.broadcast %xor3A_591 : i32 to vector<16xi32>
      %xor3A_593 = arith.xori %iota3A, %xor3A_592 : vector<16xi32>
      %lt3A_594 = arith.constant 0 : i32
      %lt3A_595 = vector.broadcast %lt3A_594 : i32 to vector<16xi32>
      %lt3A_596 = arith.cmpi slt, %xor3A_593, %lt3A_595 : vector<16xi32>
      %add3A_597 = arith.constant 16 : i32
      %add3A_598 = vector.broadcast %add3A_597 : i32 to vector<16xi32>
      %add3A_599 = arith.addi %xor3A_593, %add3A_598 : vector<16xi32>
      %select_n3A_600 = arith.select %lt3A_596, %add3A_599, %xor3A_593 : vector<16xi1>, vector<16xi32>
      %broadcast_in_dim3A_601 = vector.shape_cast %select_n3A_600 : vector<16xi32> to vector<16x1xi32>
      %gather3A_602 = vector.shape_cast %broadcast_in_dim3A_601 : vector<16x1xi32> to vector<16xi32>
      %gather3A_603 = tpu.dynamic_gather %while3A_590#0[%gather3A_602] in [0] : vector<16xf32>, vector<16xi32> -> vector<16xf32>
      %add3A_604 = arith.addf %while3A_590#0, %gather3A_603 : vector<16xf32>
      %xor3A_605 = arith.constant 4 : i32
      %xor3A_606 = vector.broadcast %xor3A_605 : i32 to vector<16xi32>
      %xor3A_607 = arith.xori %iota3A, %xor3A_606 : vector<16xi32>
      %lt3A_608 = arith.constant 0 : i32
      %lt3A_609 = vector.broadcast %lt3A_608 : i32 to vector<16xi32>
      %lt3A_610 = arith.cmpi slt, %xor3A_607, %lt3A_609 : vector<16xi32>
      %add3A_611 = arith.constant 16 : i32
      %add3A_612 = vector.broadcast %add3A_611 : i32 to vector<16xi32>
      %add3A_613 = arith.addi %xor3A_607, %add3A_612 : vector<16xi32>
      %select_n3A_614 = arith.select %lt3A_610, %add3A_613, %xor3A_607 : vector<16xi1>, vector<16xi32>
      %broadcast_in_dim3A_615 = vector.shape_cast %select_n3A_614 : vector<16xi32> to vector<16x1xi32>
      %gather3A_616 = vector.shape_cast %broadcast_in_dim3A_615 : vector<16x1xi32> to vector<16xi32>
      %gather3A_617 = tpu.dynamic_gather %add3A_604[%gather3A_616] in [0] : vector<16xf32>, vector<16xi32> -> vector<16xf32>
      %add3A_618 = arith.addf %add3A_604, %gather3A_617 : vector<16xf32>
      %xor3A_619 = arith.constant 2 : i32
      %xor3A_620 = vector.broadcast %xor3A_619 : i32 to vector<16xi32>
      %xor3A_621 = arith.xori %iota3A, %xor3A_620 : vector<16xi32>
      %lt3A_622 = arith.constant 0 : i32
      %lt3A_623 = vector.broadcast %lt3A_622 : i32 to vector<16xi32>
      %lt3A_624 = arith.cmpi slt, %xor3A_621, %lt3A_623 : vector<16xi32>
      %add3A_625 = arith.constant 16 : i32
      %add3A_626 = vector.broadcast %add3A_625 : i32 to vector<16xi32>
      %add3A_627 = arith.addi %xor3A_621, %add3A_626 : vector<16xi32>
      %select_n3A_628 = arith.select %lt3A_624, %add3A_627, %xor3A_621 : vector<16xi1>, vector<16xi32>
      %broadcast_in_dim3A_629 = vector.shape_cast %select_n3A_628 : vector<16xi32> to vector<16x1xi32>
      %gather3A_630 = vector.shape_cast %broadcast_in_dim3A_629 : vector<16x1xi32> to vector<16xi32>
      %gather3A_631 = tpu.dynamic_gather %add3A_618[%gather3A_630] in [0] : vector<16xf32>, vector<16xi32> -> vector<16xf32>
      %add3A_632 = arith.addf %add3A_618, %gather3A_631 : vector<16xf32>
      %xor3A_633 = arith.constant 1 : i32
      %xor3A_634 = vector.broadcast %xor3A_633 : i32 to vector<16xi32>
      %xor3A_635 = arith.xori %iota3A, %xor3A_634 : vector<16xi32>
      %lt3A_636 = arith.constant 0 : i32
      %lt3A_637 = vector.broadcast %lt3A_636 : i32 to vector<16xi32>
      %lt3A_638 = arith.cmpi slt, %xor3A_635, %lt3A_637 : vector<16xi32>
      %add3A_639 = arith.constant 16 : i32
      %add3A_640 = vector.broadcast %add3A_639 : i32 to vector<16xi32>
      %add3A_641 = arith.addi %xor3A_635, %add3A_640 : vector<16xi32>
      %select_n3A_642 = arith.select %lt3A_638, %add3A_641, %xor3A_635 : vector<16xi1>, vector<16xi32>
      %broadcast_in_dim3A_643 = vector.shape_cast %select_n3A_642 : vector<16xi32> to vector<16x1xi32>
      %gather3A_644 = vector.shape_cast %broadcast_in_dim3A_643 : vector<16x1xi32> to vector<16xi32>
      %gather3A_645 = tpu.dynamic_gather %add3A_632[%gather3A_644] in [0] : vector<16xf32>, vector<16xi32> -> vector<16xf32>
      %add3A_646 = arith.addf %add3A_632, %gather3A_645 : vector<16xf32>
      %xor3A_647 = arith.constant 8 : i32
      %xor3A_648 = vector.broadcast %xor3A_647 : i32 to vector<16xi32>
      %xor3A_649 = arith.xori %iota3A, %xor3A_648 : vector<16xi32>
      %lt3A_650 = arith.constant 0 : i32
      %lt3A_651 = vector.broadcast %lt3A_650 : i32 to vector<16xi32>
      %lt3A_652 = arith.cmpi slt, %xor3A_649, %lt3A_651 : vector<16xi32>
      %add3A_653 = arith.constant 16 : i32
      %add3A_654 = vector.broadcast %add3A_653 : i32 to vector<16xi32>
      %add3A_655 = arith.addi %xor3A_649, %add3A_654 : vector<16xi32>
      %select_n3A_656 = arith.select %lt3A_652, %add3A_655, %xor3A_649 : vector<16xi1>, vector<16xi32>
      %broadcast_in_dim3A_657 = vector.shape_cast %select_n3A_656 : vector<16xi32> to vector<16x1xi32>
      %gather3A_658 = vector.shape_cast %broadcast_in_dim3A_657 : vector<16x1xi32> to vector<16xi32>
      %gather3A_659 = tpu.dynamic_gather %while3A_590#1[%gather3A_658] in [0] : vector<16xf32>, vector<16xi32> -> vector<16xf32>
      %add3A_660 = arith.addf %while3A_590#1, %gather3A_659 : vector<16xf32>
      %xor3A_661 = arith.constant 4 : i32
      %xor3A_662 = vector.broadcast %xor3A_661 : i32 to vector<16xi32>
      %xor3A_663 = arith.xori %iota3A, %xor3A_662 : vector<16xi32>
      %lt3A_664 = arith.constant 0 : i32
      %lt3A_665 = vector.broadcast %lt3A_664 : i32 to vector<16xi32>
      %lt3A_666 = arith.cmpi slt, %xor3A_663, %lt3A_665 : vector<16xi32>
      %add3A_667 = arith.constant 16 : i32
      %add3A_668 = vector.broadcast %add3A_667 : i32 to vector<16xi32>
      %add3A_669 = arith.addi %xor3A_663, %add3A_668 : vector<16xi32>
      %select_n3A_670 = arith.select %lt3A_666, %add3A_669, %xor3A_663 : vector<16xi1>, vector<16xi32>
      %broadcast_in_dim3A_671 = vector.shape_cast %select_n3A_670 : vector<16xi32> to vector<16x1xi32>
      %gather3A_672 = vector.shape_cast %broadcast_in_dim3A_671 : vector<16x1xi32> to vector<16xi32>
      %gather3A_673 = tpu.dynamic_gather %add3A_660[%gather3A_672] in [0] : vector<16xf32>, vector<16xi32> -> vector<16xf32>
      %add3A_674 = arith.addf %add3A_660, %gather3A_673 : vector<16xf32>
      %xor3A_675 = arith.constant 2 : i32
      %xor3A_676 = vector.broadcast %xor3A_675 : i32 to vector<16xi32>
      %xor3A_677 = arith.xori %iota3A, %xor3A_676 : vector<16xi32>
      %lt3A_678 = arith.constant 0 : i32
      %lt3A_679 = vector.broadcast %lt3A_678 : i32 to vector<16xi32>
      %lt3A_680 = arith.cmpi slt, %xor3A_677, %lt3A_679 : vector<16xi32>
      %add3A_681 = arith.constant 16 : i32
      %add3A_682 = vector.broadcast %add3A_681 : i32 to vector<16xi32>
      %add3A_683 = arith.addi %xor3A_677, %add3A_682 : vector<16xi32>
      %select_n3A_684 = arith.select %lt3A_680, %add3A_683, %xor3A_677 : vector<16xi1>, vector<16xi32>
      %broadcast_in_dim3A_685 = vector.shape_cast %select_n3A_684 : vector<16xi32> to vector<16x1xi32>
      %gather3A_686 = vector.shape_cast %broadcast_in_dim3A_685 : vector<16x1xi32> to vector<16xi32>
      %gather3A_687 = tpu.dynamic_gather %add3A_674[%gather3A_686] in [0] : vector<16xf32>, vector<16xi32> -> vector<16xf32>
      %add3A_688 = arith.addf %add3A_674, %gather3A_687 : vector<16xf32>
      %xor3A_689 = arith.constant 1 : i32
      %xor3A_690 = vector.broadcast %xor3A_689 : i32 to vector<16xi32>
      %xor3A_691 = arith.xori %iota3A, %xor3A_690 : vector<16xi32>
      %lt3A_692 = arith.constant 0 : i32
      %lt3A_693 = vector.broadcast %lt3A_692 : i32 to vector<16xi32>
      %lt3A_694 = arith.cmpi slt, %xor3A_691, %lt3A_693 : vector<16xi32>
      %add3A_695 = arith.constant 16 : i32
      %add3A_696 = vector.broadcast %add3A_695 : i32 to vector<16xi32>
      %add3A_697 = arith.addi %xor3A_691, %add3A_696 : vector<16xi32>
      %select_n3A_698 = arith.select %lt3A_694, %add3A_697, %xor3A_691 : vector<16xi1>, vector<16xi32>
      %broadcast_in_dim3A_699 = vector.shape_cast %select_n3A_698 : vector<16xi32> to vector<16x1xi32>
      %gather3A_700 = vector.shape_cast %broadcast_in_dim3A_699 : vector<16x1xi32> to vector<16xi32>
      %gather3A_701 = tpu.dynamic_gather %add3A_688[%gather3A_700] in [0] : vector<16xf32>, vector<16xi32> -> vector<16xf32>
      %add3A_702 = arith.addf %add3A_688, %gather3A_701 : vector<16xf32>
      %max3A_703 = arith.maximumf %add3A_702, %broadcast_in_dim3A_33 : vector<16xf32>
      %sub3A_704 = arith.constant 1.000000e+00 : f32
      %sub3A_705 = vector.broadcast %sub3A_704 : f32 to vector<16xf32>
      %sub3A_706 = arith.subf %add3A_646, %sub3A_705 : vector<16xf32>
      %div3A_707 = arith.divf %sub3A_706, %max3A_703 : vector<16xf32>
      %slice3A_708 = vector.extract_strided_slice %div3A_707 {offsets = [0], sizes = [1], strides = [1]} : vector<16xf32> to vector<1xf32>
      %squeeze3A_709 = vector.extract %slice3A_708[0] : f32 from vector<1xf32>
      %eq3A_710 = arith.constant 1 : i32
      %eq3A_711 = arith.cmpi eq, %scan3A_574, %eq3A_710 : i32
      %select_n3A_712 = arith.select %eq3A_711, %squeeze3A_709, %scan3A_573 : f32
      %ne3A_713 = arith.cmpf one, %squeeze3A_709, %scan3A_573 : f32
      %and3A_714 = arith.andi %eq3A_711, %ne3A_713 : i1
      %jit3A_715 = arith.constant 1 : i32
      %jit3A_716 = arith.constant 0 : i32
      %select_n3A_717 = arith.select %and3A_714, %jit3A_715, %jit3A_716 : i32
      scf.yield %select_n3A_712, %select_n3A_717 : f32, i32
    }
    %scan3A_257 = arith.constant 19 : i32
    %broadcast_in_dim3A_258 = vector.broadcast %scan3A_256#0 : f32 to vector<16xf32>
    %while3A_259 = arith.constant 0 : i32
    %while3A_260 = arith.constant 0 : i32
    %while3A_261 = arith.subi %while3A_251, %while3A_259 : i32
    %while3A_262 = arith.addi %while3A_259, %while3A_261 : i32
    %while3A_263 = arith.constant 1 : i32
    %while3A_264 = arith.divsi %while3A_261, %while3A_263 : i32
    %while3A_265 = arith.muli %while3A_264, %while3A_263 : i32
    %while3A_266 = arith.addi %while3A_259, %while3A_265 : i32
    %while3A_267 = arith.constant 1 : i32
    %while3A_268 = scf.for %while3A_572 = %while3A_259 to %while3A_266 step %while3A_267 iter_args(%while3A_573 = %while3A_260) -> (i32)  : i32 {
      %get3A = arith.index_cast %while3A_572 : i32 to index
      %get3A_574 = memref.load %arg8[%get3A] : memref<128xi32, #tpu.memory_space<smem>>
      %mul3A_575 = arith.constant 256 : i32
      %mul3A_576 = arith.muli %get3A_574, %mul3A_575 : i32
      %add3A_577 = arith.constant 0 : i32
      %add3A_578 = arith.addi %mul3A_576, %add3A_577 : i32
      %get3A_579 = arith.index_cast %add3A_578 : i32 to index
      %get3A_580 = tpu.vector_load %arg4[%get3A_579] {strides = array<i32>} : memref<32768xf32, #tpu.memory_space<vmem>>, vector<16xf32>,
      %get3A_581 = vector.shape_cast %get3A_580 : vector<16xf32> to vector<16xf32>
      %sub3A_582 = arith.subf %get3A_581, %broadcast_in_dim3A_258 : vector<16xf32>
      %max3A_583 = arith.maximumf %sub3A_582, %broadcast_in_dim3A_1 : vector<16xf32>
      %add3A_584 = arith.constant 0 : i32
      %add3A_585 = arith.addi %mul3A_576, %add3A_584 : i32
      %swap3A = arith.index_cast %add3A_585 : i32 to index
      %swap3A_586 = tpu.vector_load %arg6[%swap3A] {strides = array<i32>} : memref<32768xf32, #tpu.memory_space<vmem>>, vector<16xf32>,
      %swap3A_587 = vector.shape_cast %swap3A_586 : vector<16xf32> to vector<16xf32>
      %swap3A_588 = vector.shape_cast %max3A_583 : vector<16xf32> to vector<16xf32>
      tpu.vector_store %arg6[%swap3A], %swap3A_588 {strides = array<i32>} : memref<32768xf32, #tpu.memory_space<vmem>>, vector<16xf32>,
      %add3A_589 = arith.constant 16 : i32
      %add3A_590 = arith.addi %mul3A_576, %add3A_589 : i32
      %get3A_591 = arith.index_cast %add3A_590 : i32 to index
      %get3A_592 = tpu.vector_load %arg4[%get3A_591] {strides = array<i32>} : memref<32768xf32, #tpu.memory_space<vmem>>, vector<16xf32>,
      %get3A_593 = vector.shape_cast %get3A_592 : vector<16xf32> to vector<16xf32>
      %sub3A_594 = arith.subf %get3A_593, %broadcast_in_dim3A_258 : vector<16xf32>
      %max3A_595 = arith.maximumf %sub3A_594, %broadcast_in_dim3A_1 : vector<16xf32>
      %add3A_596 = arith.constant 16 : i32
      %add3A_597 = arith.addi %mul3A_576, %add3A_596 : i32
      %swap3A_598 = arith.index_cast %add3A_597 : i32 to index
      %swap3A_599 = tpu.vector_load %arg6[%swap3A_598] {strides = array<i32>} : memref<32768xf32, #tpu.memory_space<vmem>>, vector<16xf32>,
      %swap3A_600 = vector.shape_cast %swap3A_599 : vector<16xf32> to vector<16xf32>
      %swap3A_601 = vector.shape_cast %max3A_595 : vector<16xf32> to vector<16xf32>
      tpu.vector_store %arg6[%swap3A_598], %swap3A_601 {strides = array<i32>} : memref<32768xf32, #tpu.memory_space<vmem>>, vector<16xf32>,
      %add3A_602 = arith.constant 32 : i32
      %add3A_603 = arith.addi %mul3A_576, %add3A_602 : i32
      %get3A_604 = arith.index_cast %add3A_603 : i32 to index
      %get3A_605 = tpu.vector_load %arg4[%get3A_604] {strides = array<i32>} : memref<32768xf32, #tpu.memory_space<vmem>>, vector<16xf32>,
      %get3A_606 = vector.shape_cast %get3A_605 : vector<16xf32> to vector<16xf32>
      %sub3A_607 = arith.subf %get3A_606, %broadcast_in_dim3A_258 : vector<16xf32>
      %max3A_608 = arith.maximumf %sub3A_607, %broadcast_in_dim3A_1 : vector<16xf32>
      %add3A_609 = arith.constant 32 : i32
      %add3A_610 = arith.addi %mul3A_576, %add3A_609 : i32
      %swap3A_611 = arith.index_cast %add3A_610 : i32 to index
      %swap3A_612 = tpu.vector_load %arg6[%swap3A_611] {strides = array<i32>} : memref<32768xf32, #tpu.memory_space<vmem>>, vector<16xf32>,
      %swap3A_613 = vector.shape_cast %swap3A_612 : vector<16xf32> to vector<16xf32>
      %swap3A_614 = vector.shape_cast %max3A_608 : vector<16xf32> to vector<16xf32>
      tpu.vector_store %arg6[%swap3A_611], %swap3A_614 {strides = array<i32>} : memref<32768xf32, #tpu.memory_space<vmem>>, vector<16xf32>,
      %add3A_615 = arith.constant 48 : i32
      %add3A_616 = arith.addi %mul3A_576, %add3A_615 : i32
      %get3A_617 = arith.index_cast %add3A_616 : i32 to index
      %get3A_618 = tpu.vector_load %arg4[%get3A_617] {strides = array<i32>} : memref<32768xf32, #tpu.memory_space<vmem>>, vector<16xf32>,
      %get3A_619 = vector.shape_cast %get3A_618 : vector<16xf32> to vector<16xf32>
      %sub3A_620 = arith.subf %get3A_619, %broadcast_in_dim3A_258 : vector<16xf32>
      %max3A_621 = arith.maximumf %sub3A_620, %broadcast_in_dim3A_1 : vector<16xf32>
      %add3A_622 = arith.constant 48 : i32
      %add3A_623 = arith.addi %mul3A_576, %add3A_622 : i32
      %swap3A_624 = arith.index_cast %add3A_623 : i32 to index
      %swap3A_625 = tpu.vector_load %arg6[%swap3A_624] {strides = array<i32>} : memref<32768xf32, #tpu.memory_space<vmem>>, vector<16xf32>,
      %swap3A_626 = vector.shape_cast %swap3A_625 : vector<16xf32> to vector<16xf32>
      %swap3A_627 = vector.shape_cast %max3A_621 : vector<16xf32> to vector<16xf32>
      tpu.vector_store %arg6[%swap3A_624], %swap3A_627 {strides = array<i32>} : memref<32768xf32, #tpu.memory_space<vmem>>, vector<16xf32>,
      %add3A_628 = arith.constant 64 : i32
      %add3A_629 = arith.addi %mul3A_576, %add3A_628 : i32
      %get3A_630 = arith.index_cast %add3A_629 : i32 to index
      %get3A_631 = tpu.vector_load %arg4[%get3A_630] {strides = array<i32>} : memref<32768xf32, #tpu.memory_space<vmem>>, vector<16xf32>,
      %get3A_632 = vector.shape_cast %get3A_631 : vector<16xf32> to vector<16xf32>
      %sub3A_633 = arith.subf %get3A_632, %broadcast_in_dim3A_258 : vector<16xf32>
      %max3A_634 = arith.maximumf %sub3A_633, %broadcast_in_dim3A_1 : vector<16xf32>
      %add3A_635 = arith.constant 64 : i32
      %add3A_636 = arith.addi %mul3A_576, %add3A_635 : i32
      %swap3A_637 = arith.index_cast %add3A_636 : i32 to index
      %swap3A_638 = tpu.vector_load %arg6[%swap3A_637] {strides = array<i32>} : memref<32768xf32, #tpu.memory_space<vmem>>, vector<16xf32>,
      %swap3A_639 = vector.shape_cast %swap3A_638 : vector<16xf32> to vector<16xf32>
      %swap3A_640 = vector.shape_cast %max3A_634 : vector<16xf32> to vector<16xf32>
      tpu.vector_store %arg6[%swap3A_637], %swap3A_640 {strides = array<i32>} : memref<32768xf32, #tpu.memory_space<vmem>>, vector<16xf32>,
      %add3A_641 = arith.constant 80 : i32
      %add3A_642 = arith.addi %mul3A_576, %add3A_641 : i32
      %get3A_643 = arith.index_cast %add3A_642 : i32 to index
      %get3A_644 = tpu.vector_load %arg4[%get3A_643] {strides = array<i32>} : memref<32768xf32, #tpu.memory_space<vmem>>, vector<16xf32>,
      %get3A_645 = vector.shape_cast %get3A_644 : vector<16xf32> to vector<16xf32>
      %sub3A_646 = arith.subf %get3A_645, %broadcast_in_dim3A_258 : vector<16xf32>
      %max3A_647 = arith.maximumf %sub3A_646, %broadcast_in_dim3A_1 : vector<16xf32>
      %add3A_648 = arith.constant 80 : i32
      %add3A_649 = arith.addi %mul3A_576, %add3A_648 : i32
      %swap3A_650 = arith.index_cast %add3A_649 : i32 to index
      %swap3A_651 = tpu.vector_load %arg6[%swap3A_650] {strides = array<i32>} : memref<32768xf32, #tpu.memory_space<vmem>>, vector<16xf32>,
      %swap3A_652 = vector.shape_cast %swap3A_651 : vector<16xf32> to vector<16xf32>
      %swap3A_653 = vector.shape_cast %max3A_647 : vector<16xf32> to vector<16xf32>
      tpu.vector_store %arg6[%swap3A_650], %swap3A_653 {strides = array<i32>} : memref<32768xf32, #tpu.memory_space<vmem>>, vector<16xf32>,
      %add3A_654 = arith.constant 96 : i32
      %add3A_655 = arith.addi %mul3A_576, %add3A_654 : i32
      %get3A_656 = arith.index_cast %add3A_655 : i32 to index
      %get3A_657 = tpu.vector_load %arg4[%get3A_656] {strides = array<i32>} : memref<32768xf32, #tpu.memory_space<vmem>>, vector<16xf32>,
      %get3A_658 = vector.shape_cast %get3A_657 : vector<16xf32> to vector<16xf32>
      %sub3A_659 = arith.subf %get3A_658, %broadcast_in_dim3A_258 : vector<16xf32>
      %max3A_660 = arith.maximumf %sub3A_659, %broadcast_in_dim3A_1 : vector<16xf32>
      %add3A_661 = arith.constant 96 : i32
      %add3A_662 = arith.addi %mul3A_576, %add3A_661 : i32
      %swap3A_663 = arith.index_cast %add3A_662 : i32 to index
      %swap3A_664 = tpu.vector_load %arg6[%swap3A_663] {strides = array<i32>} : memref<32768xf32, #tpu.memory_space<vmem>>, vector<16xf32>,
      %swap3A_665 = vector.shape_cast %swap3A_664 : vector<16xf32> to vector<16xf32>
      %swap3A_666 = vector.shape_cast %max3A_660 : vector<16xf32> to vector<16xf32>
      tpu.vector_store %arg6[%swap3A_663], %swap3A_666 {strides = array<i32>} : memref<32768xf32, #tpu.memory_space<vmem>>, vector<16xf32>,
      %add3A_667 = arith.constant 112 : i32
      %add3A_668 = arith.addi %mul3A_576, %add3A_667 : i32
      %get3A_669 = arith.index_cast %add3A_668 : i32 to index
      %get3A_670 = tpu.vector_load %arg4[%get3A_669] {strides = array<i32>} : memref<32768xf32, #tpu.memory_space<vmem>>, vector<16xf32>,
      %get3A_671 = vector.shape_cast %get3A_670 : vector<16xf32> to vector<16xf32>
      %sub3A_672 = arith.subf %get3A_671, %broadcast_in_dim3A_258 : vector<16xf32>
      %max3A_673 = arith.maximumf %sub3A_672, %broadcast_in_dim3A_1 : vector<16xf32>
      %add3A_674 = arith.constant 112 : i32
      %add3A_675 = arith.addi %mul3A_576, %add3A_674 : i32
      %swap3A_676 = arith.index_cast %add3A_675 : i32 to index
      %swap3A_677 = tpu.vector_load %arg6[%swap3A_676] {strides = array<i32>} : memref<32768xf32, #tpu.memory_space<vmem>>, vector<16xf32>,
      %swap3A_678 = vector.shape_cast %swap3A_677 : vector<16xf32> to vector<16xf32>
      %swap3A_679 = vector.shape_cast %max3A_673 : vector<16xf32> to vector<16xf32>
      tpu.vector_store %arg6[%swap3A_676], %swap3A_679 {strides = array<i32>} : memref<32768xf32, #tpu.memory_space<vmem>>, vector<16xf32>,
      %add3A_680 = arith.constant 128 : i32
      %add3A_681 = arith.addi %mul3A_576, %add3A_680 : i32
      %get3A_682 = arith.index_cast %add3A_681 : i32 to index
      %get3A_683 = tpu.vector_load %arg4[%get3A_682] {strides = array<i32>} : memref<32768xf32, #tpu.memory_space<vmem>>, vector<16xf32>,
      %get3A_684 = vector.shape_cast %get3A_683 : vector<16xf32> to vector<16xf32>
      %sub3A_685 = arith.subf %get3A_684, %broadcast_in_dim3A_258 : vector<16xf32>
      %max3A_686 = arith.maximumf %sub3A_685, %broadcast_in_dim3A_1 : vector<16xf32>
      %add3A_687 = arith.constant 128 : i32
      %add3A_688 = arith.addi %mul3A_576, %add3A_687 : i32
      %swap3A_689 = arith.index_cast %add3A_688 : i32 to index
      %swap3A_690 = tpu.vector_load %arg6[%swap3A_689] {strides = array<i32>} : memref<32768xf32, #tpu.memory_space<vmem>>, vector<16xf32>,
      %swap3A_691 = vector.shape_cast %swap3A_690 : vector<16xf32> to vector<16xf32>
      %swap3A_692 = vector.shape_cast %max3A_686 : vector<16xf32> to vector<16xf32>
      tpu.vector_store %arg6[%swap3A_689], %swap3A_692 {strides = array<i32>} : memref<32768xf32, #tpu.memory_space<vmem>>, vector<16xf32>,
      %add3A_693 = arith.constant 144 : i32
      %add3A_694 = arith.addi %mul3A_576, %add3A_693 : i32
      %get3A_695 = arith.index_cast %add3A_694 : i32 to index
      %get3A_696 = tpu.vector_load %arg4[%get3A_695] {strides = array<i32>} : memref<32768xf32, #tpu.memory_space<vmem>>, vector<16xf32>,
      %get3A_697 = vector.shape_cast %get3A_696 : vector<16xf32> to vector<16xf32>
      %sub3A_698 = arith.subf %get3A_697, %broadcast_in_dim3A_258 : vector<16xf32>
      %max3A_699 = arith.maximumf %sub3A_698, %broadcast_in_dim3A_1 : vector<16xf32>
      %add3A_700 = arith.constant 144 : i32
      %add3A_701 = arith.addi %mul3A_576, %add3A_700 : i32
      %swap3A_702 = arith.index_cast %add3A_701 : i32 to index
      %swap3A_703 = tpu.vector_load %arg6[%swap3A_702] {strides = array<i32>} : memref<32768xf32, #tpu.memory_space<vmem>>, vector<16xf32>,
      %swap3A_704 = vector.shape_cast %swap3A_703 : vector<16xf32> to vector<16xf32>
      %swap3A_705 = vector.shape_cast %max3A_699 : vector<16xf32> to vector<16xf32>
      tpu.vector_store %arg6[%swap3A_702], %swap3A_705 {strides = array<i32>} : memref<32768xf32, #tpu.memory_space<vmem>>, vector<16xf32>,
      %add3A_706 = arith.constant 160 : i32
      %add3A_707 = arith.addi %mul3A_576, %add3A_706 : i32
      %get3A_708 = arith.index_cast %add3A_707 : i32 to index
      %get3A_709 = tpu.vector_load %arg4[%get3A_708] {strides = array<i32>} : memref<32768xf32, #tpu.memory_space<vmem>>, vector<16xf32>,
      %get3A_710 = vector.shape_cast %get3A_709 : vector<16xf32> to vector<16xf32>
      %sub3A_711 = arith.subf %get3A_710, %broadcast_in_dim3A_258 : vector<16xf32>
      %max3A_712 = arith.maximumf %sub3A_711, %broadcast_in_dim3A_1 : vector<16xf32>
      %add3A_713 = arith.constant 160 : i32
      %add3A_714 = arith.addi %mul3A_576, %add3A_713 : i32
      %swap3A_715 = arith.index_cast %add3A_714 : i32 to index
      %swap3A_716 = tpu.vector_load %arg6[%swap3A_715] {strides = array<i32>} : memref<32768xf32, #tpu.memory_space<vmem>>, vector<16xf32>,
      %swap3A_717 = vector.shape_cast %swap3A_716 : vector<16xf32> to vector<16xf32>
      %swap3A_718 = vector.shape_cast %max3A_712 : vector<16xf32> to vector<16xf32>
      tpu.vector_store %arg6[%swap3A_715], %swap3A_718 {strides = array<i32>} : memref<32768xf32, #tpu.memory_space<vmem>>, vector<16xf32>,
      %add3A_719 = arith.constant 176 : i32
      %add3A_720 = arith.addi %mul3A_576, %add3A_719 : i32
      %get3A_721 = arith.index_cast %add3A_720 : i32 to index
      %get3A_722 = tpu.vector_load %arg4[%get3A_721] {strides = array<i32>} : memref<32768xf32, #tpu.memory_space<vmem>>, vector<16xf32>,
      %get3A_723 = vector.shape_cast %get3A_722 : vector<16xf32> to vector<16xf32>
      %sub3A_724 = arith.subf %get3A_723, %broadcast_in_dim3A_258 : vector<16xf32>
      %max3A_725 = arith.maximumf %sub3A_724, %broadcast_in_dim3A_1 : vector<16xf32>
      %add3A_726 = arith.constant 176 : i32
      %add3A_727 = arith.addi %mul3A_576, %add3A_726 : i32
      %swap3A_728 = arith.index_cast %add3A_727 : i32 to index
      %swap3A_729 = tpu.vector_load %arg6[%swap3A_728] {strides = array<i32>} : memref<32768xf32, #tpu.memory_space<vmem>>, vector<16xf32>,
      %swap3A_730 = vector.shape_cast %swap3A_729 : vector<16xf32> to vector<16xf32>
      %swap3A_731 = vector.shape_cast %max3A_725 : vector<16xf32> to vector<16xf32>
      tpu.vector_store %arg6[%swap3A_728], %swap3A_731 {strides = array<i32>} : memref<32768xf32, #tpu.memory_space<vmem>>, vector<16xf32>,
      %add3A_732 = arith.constant 192 : i32
      %add3A_733 = arith.addi %mul3A_576, %add3A_732 : i32
      %get3A_734 = arith.index_cast %add3A_733 : i32 to index
      %get3A_735 = tpu.vector_load %arg4[%get3A_734] {strides = array<i32>} : memref<32768xf32, #tpu.memory_space<vmem>>, vector<16xf32>,
      %get3A_736 = vector.shape_cast %get3A_735 : vector<16xf32> to vector<16xf32>
      %sub3A_737 = arith.subf %get3A_736, %broadcast_in_dim3A_258 : vector<16xf32>
      %max3A_738 = arith.maximumf %sub3A_737, %broadcast_in_dim3A_1 : vector<16xf32>
      %add3A_739 = arith.constant 192 : i32
      %add3A_740 = arith.addi %mul3A_576, %add3A_739 : i32
      %swap3A_741 = arith.index_cast %add3A_740 : i32 to index
      %swap3A_742 = tpu.vector_load %arg6[%swap3A_741] {strides = array<i32>} : memref<32768xf32, #tpu.memory_space<vmem>>, vector<16xf32>,
      %swap3A_743 = vector.shape_cast %swap3A_742 : vector<16xf32> to vector<16xf32>
      %swap3A_744 = vector.shape_cast %max3A_738 : vector<16xf32> to vector<16xf32>
      tpu.vector_store %arg6[%swap3A_741], %swap3A_744 {strides = array<i32>} : memref<32768xf32, #tpu.memory_space<vmem>>, vector<16xf32>,
      %add3A_745 = arith.constant 208 : i32
      %add3A_746 = arith.addi %mul3A_576, %add3A_745 : i32
      %get3A_747 = arith.index_cast %add3A_746 : i32 to index
      %get3A_748 = tpu.vector_load %arg4[%get3A_747] {strides = array<i32>} : memref<32768xf32, #tpu.memory_space<vmem>>, vector<16xf32>,
      %get3A_749 = vector.shape_cast %get3A_748 : vector<16xf32> to vector<16xf32>
      %sub3A_750 = arith.subf %get3A_749, %broadcast_in_dim3A_258 : vector<16xf32>
      %max3A_751 = arith.maximumf %sub3A_750, %broadcast_in_dim3A_1 : vector<16xf32>
      %add3A_752 = arith.constant 208 : i32
      %add3A_753 = arith.addi %mul3A_576, %add3A_752 : i32
      %swap3A_754 = arith.index_cast %add3A_753 : i32 to index
      %swap3A_755 = tpu.vector_load %arg6[%swap3A_754] {strides = array<i32>} : memref<32768xf32, #tpu.memory_space<vmem>>, vector<16xf32>,
      %swap3A_756 = vector.shape_cast %swap3A_755 : vector<16xf32> to vector<16xf32>
      %swap3A_757 = vector.shape_cast %max3A_751 : vector<16xf32> to vector<16xf32>
      tpu.vector_store %arg6[%swap3A_754], %swap3A_757 {strides = array<i32>} : memref<32768xf32, #tpu.memory_space<vmem>>, vector<16xf32>,
      %add3A_758 = arith.constant 224 : i32
      %add3A_759 = arith.addi %mul3A_576, %add3A_758 : i32
      %get3A_760 = arith.index_cast %add3A_759 : i32 to index
      %get3A_761 = tpu.vector_load %arg4[%get3A_760] {strides = array<i32>} : memref<32768xf32, #tpu.memory_space<vmem>>, vector<16xf32>,
      %get3A_762 = vector.shape_cast %get3A_761 : vector<16xf32> to vector<16xf32>
      %sub3A_763 = arith.subf %get3A_762, %broadcast_in_dim3A_258 : vector<16xf32>
      %max3A_764 = arith.maximumf %sub3A_763, %broadcast_in_dim3A_1 : vector<16xf32>
      %add3A_765 = arith.constant 224 : i32
      %add3A_766 = arith.addi %mul3A_576, %add3A_765 : i32
      %swap3A_767 = arith.index_cast %add3A_766 : i32 to index
      %swap3A_768 = tpu.vector_load %arg6[%swap3A_767] {strides = array<i32>} : memref<32768xf32, #tpu.memory_space<vmem>>, vector<16xf32>,
      %swap3A_769 = vector.shape_cast %swap3A_768 : vector<16xf32> to vector<16xf32>
      %swap3A_770 = vector.shape_cast %max3A_764 : vector<16xf32> to vector<16xf32>
      tpu.vector_store %arg6[%swap3A_767], %swap3A_770 {strides = array<i32>} : memref<32768xf32, #tpu.memory_space<vmem>>, vector<16xf32>,
      %add3A_771 = arith.constant 240 : i32
      %add3A_772 = arith.addi %mul3A_576, %add3A_771 : i32
      %get3A_773 = arith.index_cast %add3A_772 : i32 to index
      %get3A_774 = tpu.vector_load %arg4[%get3A_773] {strides = array<i32>} : memref<32768xf32, #tpu.memory_space<vmem>>, vector<16xf32>,
      %get3A_775 = vector.shape_cast %get3A_774 : vector<16xf32> to vector<16xf32>
      %sub3A_776 = arith.subf %get3A_775, %broadcast_in_dim3A_258 : vector<16xf32>
      %max3A_777 = arith.maximumf %sub3A_776, %broadcast_in_dim3A_1 : vector<16xf32>
      %add3A_778 = arith.constant 240 : i32
      %add3A_779 = arith.addi %mul3A_576, %add3A_778 : i32
      %swap3A_780 = arith.index_cast %add3A_779 : i32 to index
      %swap3A_781 = tpu.vector_load %arg6[%swap3A_780] {strides = array<i32>} : memref<32768xf32, #tpu.memory_space<vmem>>, vector<16xf32>,
      %swap3A_782 = vector.shape_cast %swap3A_781 : vector<16xf32> to vector<16xf32>
      %swap3A_783 = vector.shape_cast %max3A_777 : vector<16xf32> to vector<16xf32>
      tpu.vector_store %arg6[%swap3A_780], %swap3A_783 {strides = array<i32>} : memref<32768xf32, #tpu.memory_space<vmem>>, vector<16xf32>,
      %while3A_784 = arith.constant 0 : i32
      scf.yield %while3A_784 : i32
    }
    %while3A_269 = arith.constant 1 : i32
    %while3A_270 = scf.for %while3A_572 = %while3A_266 to %while3A_262 step %while3A_269 iter_args(%while3A_573 = %while3A_268) -> (i32)  : i32 {
      %get3A = arith.index_cast %while3A_572 : i32 to index
      %get3A_574 = memref.load %arg8[%get3A] : memref<128xi32, #tpu.memory_space<smem>>
      %mul3A_575 = arith.constant 256 : i32
      %mul3A_576 = arith.muli %get3A_574, %mul3A_575 : i32
      %add3A_577 = arith.constant 0 : i32
      %add3A_578 = arith.addi %mul3A_576, %add3A_577 : i32
      %get3A_579 = arith.index_cast %add3A_578 : i32 to index
      %get3A_580 = tpu.vector_load %arg4[%get3A_579] {strides = array<i32>} : memref<32768xf32, #tpu.memory_space<vmem>>, vector<16xf32>,
      %get3A_581 = vector.shape_cast %get3A_580 : vector<16xf32> to vector<16xf32>
      %sub3A_582 = arith.subf %get3A_581, %broadcast_in_dim3A_258 : vector<16xf32>
      %max3A_583 = arith.maximumf %sub3A_582, %broadcast_in_dim3A_1 : vector<16xf32>
      %add3A_584 = arith.constant 0 : i32
      %add3A_585 = arith.addi %mul3A_576, %add3A_584 : i32
      %swap3A = arith.index_cast %add3A_585 : i32 to index
      %swap3A_586 = tpu.vector_load %arg6[%swap3A] {strides = array<i32>} : memref<32768xf32, #tpu.memory_space<vmem>>, vector<16xf32>,
      %swap3A_587 = vector.shape_cast %swap3A_586 : vector<16xf32> to vector<16xf32>
      %swap3A_588 = vector.shape_cast %max3A_583 : vector<16xf32> to vector<16xf32>
      tpu.vector_store %arg6[%swap3A], %swap3A_588 {strides = array<i32>} : memref<32768xf32, #tpu.memory_space<vmem>>, vector<16xf32>,
      %add3A_589 = arith.constant 16 : i32
      %add3A_590 = arith.addi %mul3A_576, %add3A_589 : i32
      %get3A_591 = arith.index_cast %add3A_590 : i32 to index
      %get3A_592 = tpu.vector_load %arg4[%get3A_591] {strides = array<i32>} : memref<32768xf32, #tpu.memory_space<vmem>>, vector<16xf32>,
      %get3A_593 = vector.shape_cast %get3A_592 : vector<16xf32> to vector<16xf32>
      %sub3A_594 = arith.subf %get3A_593, %broadcast_in_dim3A_258 : vector<16xf32>
      %max3A_595 = arith.maximumf %sub3A_594, %broadcast_in_dim3A_1 : vector<16xf32>
      %add3A_596 = arith.constant 16 : i32
      %add3A_597 = arith.addi %mul3A_576, %add3A_596 : i32
      %swap3A_598 = arith.index_cast %add3A_597 : i32 to index
      %swap3A_599 = tpu.vector_load %arg6[%swap3A_598] {strides = array<i32>} : memref<32768xf32, #tpu.memory_space<vmem>>, vector<16xf32>,
      %swap3A_600 = vector.shape_cast %swap3A_599 : vector<16xf32> to vector<16xf32>
      %swap3A_601 = vector.shape_cast %max3A_595 : vector<16xf32> to vector<16xf32>
      tpu.vector_store %arg6[%swap3A_598], %swap3A_601 {strides = array<i32>} : memref<32768xf32, #tpu.memory_space<vmem>>, vector<16xf32>,
      %add3A_602 = arith.constant 32 : i32
      %add3A_603 = arith.addi %mul3A_576, %add3A_602 : i32
      %get3A_604 = arith.index_cast %add3A_603 : i32 to index
      %get3A_605 = tpu.vector_load %arg4[%get3A_604] {strides = array<i32>} : memref<32768xf32, #tpu.memory_space<vmem>>, vector<16xf32>,
      %get3A_606 = vector.shape_cast %get3A_605 : vector<16xf32> to vector<16xf32>
      %sub3A_607 = arith.subf %get3A_606, %broadcast_in_dim3A_258 : vector<16xf32>
      %max3A_608 = arith.maximumf %sub3A_607, %broadcast_in_dim3A_1 : vector<16xf32>
      %add3A_609 = arith.constant 32 : i32
      %add3A_610 = arith.addi %mul3A_576, %add3A_609 : i32
      %swap3A_611 = arith.index_cast %add3A_610 : i32 to index
      %swap3A_612 = tpu.vector_load %arg6[%swap3A_611] {strides = array<i32>} : memref<32768xf32, #tpu.memory_space<vmem>>, vector<16xf32>,
      %swap3A_613 = vector.shape_cast %swap3A_612 : vector<16xf32> to vector<16xf32>
      %swap3A_614 = vector.shape_cast %max3A_608 : vector<16xf32> to vector<16xf32>
      tpu.vector_store %arg6[%swap3A_611], %swap3A_614 {strides = array<i32>} : memref<32768xf32, #tpu.memory_space<vmem>>, vector<16xf32>,
      %add3A_615 = arith.constant 48 : i32
      %add3A_616 = arith.addi %mul3A_576, %add3A_615 : i32
      %get3A_617 = arith.index_cast %add3A_616 : i32 to index
      %get3A_618 = tpu.vector_load %arg4[%get3A_617] {strides = array<i32>} : memref<32768xf32, #tpu.memory_space<vmem>>, vector<16xf32>,
      %get3A_619 = vector.shape_cast %get3A_618 : vector<16xf32> to vector<16xf32>
      %sub3A_620 = arith.subf %get3A_619, %broadcast_in_dim3A_258 : vector<16xf32>
      %max3A_621 = arith.maximumf %sub3A_620, %broadcast_in_dim3A_1 : vector<16xf32>
      %add3A_622 = arith.constant 48 : i32
      %add3A_623 = arith.addi %mul3A_576, %add3A_622 : i32
      %swap3A_624 = arith.index_cast %add3A_623 : i32 to index
      %swap3A_625 = tpu.vector_load %arg6[%swap3A_624] {strides = array<i32>} : memref<32768xf32, #tpu.memory_space<vmem>>, vector<16xf32>,
      %swap3A_626 = vector.shape_cast %swap3A_625 : vector<16xf32> to vector<16xf32>
      %swap3A_627 = vector.shape_cast %max3A_621 : vector<16xf32> to vector<16xf32>
      tpu.vector_store %arg6[%swap3A_624], %swap3A_627 {strides = array<i32>} : memref<32768xf32, #tpu.memory_space<vmem>>, vector<16xf32>,
      %add3A_628 = arith.constant 64 : i32
      %add3A_629 = arith.addi %mul3A_576, %add3A_628 : i32
      %get3A_630 = arith.index_cast %add3A_629 : i32 to index
      %get3A_631 = tpu.vector_load %arg4[%get3A_630] {strides = array<i32>} : memref<32768xf32, #tpu.memory_space<vmem>>, vector<16xf32>,
      %get3A_632 = vector.shape_cast %get3A_631 : vector<16xf32> to vector<16xf32>
      %sub3A_633 = arith.subf %get3A_632, %broadcast_in_dim3A_258 : vector<16xf32>
      %max3A_634 = arith.maximumf %sub3A_633, %broadcast_in_dim3A_1 : vector<16xf32>
      %add3A_635 = arith.constant 64 : i32
      %add3A_636 = arith.addi %mul3A_576, %add3A_635 : i32
      %swap3A_637 = arith.index_cast %add3A_636 : i32 to index
      %swap3A_638 = tpu.vector_load %arg6[%swap3A_637] {strides = array<i32>} : memref<32768xf32, #tpu.memory_space<vmem>>, vector<16xf32>,
      %swap3A_639 = vector.shape_cast %swap3A_638 : vector<16xf32> to vector<16xf32>
      %swap3A_640 = vector.shape_cast %max3A_634 : vector<16xf32> to vector<16xf32>
      tpu.vector_store %arg6[%swap3A_637], %swap3A_640 {strides = array<i32>} : memref<32768xf32, #tpu.memory_space<vmem>>, vector<16xf32>,
      %add3A_641 = arith.constant 80 : i32
      %add3A_642 = arith.addi %mul3A_576, %add3A_641 : i32
      %get3A_643 = arith.index_cast %add3A_642 : i32 to index
      %get3A_644 = tpu.vector_load %arg4[%get3A_643] {strides = array<i32>} : memref<32768xf32, #tpu.memory_space<vmem>>, vector<16xf32>,
      %get3A_645 = vector.shape_cast %get3A_644 : vector<16xf32> to vector<16xf32>
      %sub3A_646 = arith.subf %get3A_645, %broadcast_in_dim3A_258 : vector<16xf32>
      %max3A_647 = arith.maximumf %sub3A_646, %broadcast_in_dim3A_1 : vector<16xf32>
      %add3A_648 = arith.constant 80 : i32
      %add3A_649 = arith.addi %mul3A_576, %add3A_648 : i32
      %swap3A_650 = arith.index_cast %add3A_649 : i32 to index
      %swap3A_651 = tpu.vector_load %arg6[%swap3A_650] {strides = array<i32>} : memref<32768xf32, #tpu.memory_space<vmem>>, vector<16xf32>,
      %swap3A_652 = vector.shape_cast %swap3A_651 : vector<16xf32> to vector<16xf32>
      %swap3A_653 = vector.shape_cast %max3A_647 : vector<16xf32> to vector<16xf32>
      tpu.vector_store %arg6[%swap3A_650], %swap3A_653 {strides = array<i32>} : memref<32768xf32, #tpu.memory_space<vmem>>, vector<16xf32>,
      %add3A_654 = arith.constant 96 : i32
      %add3A_655 = arith.addi %mul3A_576, %add3A_654 : i32
      %get3A_656 = arith.index_cast %add3A_655 : i32 to index
      %get3A_657 = tpu.vector_load %arg4[%get3A_656] {strides = array<i32>} : memref<32768xf32, #tpu.memory_space<vmem>>, vector<16xf32>,
      %get3A_658 = vector.shape_cast %get3A_657 : vector<16xf32> to vector<16xf32>
      %sub3A_659 = arith.subf %get3A_658, %broadcast_in_dim3A_258 : vector<16xf32>
      %max3A_660 = arith.maximumf %sub3A_659, %broadcast_in_dim3A_1 : vector<16xf32>
      %add3A_661 = arith.constant 96 : i32
      %add3A_662 = arith.addi %mul3A_576, %add3A_661 : i32
      %swap3A_663 = arith.index_cast %add3A_662 : i32 to index
      %swap3A_664 = tpu.vector_load %arg6[%swap3A_663] {strides = array<i32>} : memref<32768xf32, #tpu.memory_space<vmem>>, vector<16xf32>,
      %swap3A_665 = vector.shape_cast %swap3A_664 : vector<16xf32> to vector<16xf32>
      %swap3A_666 = vector.shape_cast %max3A_660 : vector<16xf32> to vector<16xf32>
      tpu.vector_store %arg6[%swap3A_663], %swap3A_666 {strides = array<i32>} : memref<32768xf32, #tpu.memory_space<vmem>>, vector<16xf32>,
      %add3A_667 = arith.constant 112 : i32
      %add3A_668 = arith.addi %mul3A_576, %add3A_667 : i32
      %get3A_669 = arith.index_cast %add3A_668 : i32 to index
      %get3A_670 = tpu.vector_load %arg4[%get3A_669] {strides = array<i32>} : memref<32768xf32, #tpu.memory_space<vmem>>, vector<16xf32>,
      %get3A_671 = vector.shape_cast %get3A_670 : vector<16xf32> to vector<16xf32>
      %sub3A_672 = arith.subf %get3A_671, %broadcast_in_dim3A_258 : vector<16xf32>
      %max3A_673 = arith.maximumf %sub3A_672, %broadcast_in_dim3A_1 : vector<16xf32>
      %add3A_674 = arith.constant 112 : i32
      %add3A_675 = arith.addi %mul3A_576, %add3A_674 : i32
      %swap3A_676 = arith.index_cast %add3A_675 : i32 to index
      %swap3A_677 = tpu.vector_load %arg6[%swap3A_676] {strides = array<i32>} : memref<32768xf32, #tpu.memory_space<vmem>>, vector<16xf32>,
      %swap3A_678 = vector.shape_cast %swap3A_677 : vector<16xf32> to vector<16xf32>
      %swap3A_679 = vector.shape_cast %max3A_673 : vector<16xf32> to vector<16xf32>
      tpu.vector_store %arg6[%swap3A_676], %swap3A_679 {strides = array<i32>} : memref<32768xf32, #tpu.memory_space<vmem>>, vector<16xf32>,
      %add3A_680 = arith.constant 128 : i32
      %add3A_681 = arith.addi %mul3A_576, %add3A_680 : i32
      %get3A_682 = arith.index_cast %add3A_681 : i32 to index
      %get3A_683 = tpu.vector_load %arg4[%get3A_682] {strides = array<i32>} : memref<32768xf32, #tpu.memory_space<vmem>>, vector<16xf32>,
      %get3A_684 = vector.shape_cast %get3A_683 : vector<16xf32> to vector<16xf32>
      %sub3A_685 = arith.subf %get3A_684, %broadcast_in_dim3A_258 : vector<16xf32>
      %max3A_686 = arith.maximumf %sub3A_685, %broadcast_in_dim3A_1 : vector<16xf32>
      %add3A_687 = arith.constant 128 : i32
      %add3A_688 = arith.addi %mul3A_576, %add3A_687 : i32
      %swap3A_689 = arith.index_cast %add3A_688 : i32 to index
      %swap3A_690 = tpu.vector_load %arg6[%swap3A_689] {strides = array<i32>} : memref<32768xf32, #tpu.memory_space<vmem>>, vector<16xf32>,
      %swap3A_691 = vector.shape_cast %swap3A_690 : vector<16xf32> to vector<16xf32>
      %swap3A_692 = vector.shape_cast %max3A_686 : vector<16xf32> to vector<16xf32>
      tpu.vector_store %arg6[%swap3A_689], %swap3A_692 {strides = array<i32>} : memref<32768xf32, #tpu.memory_space<vmem>>, vector<16xf32>,
      %add3A_693 = arith.constant 144 : i32
      %add3A_694 = arith.addi %mul3A_576, %add3A_693 : i32
      %get3A_695 = arith.index_cast %add3A_694 : i32 to index
      %get3A_696 = tpu.vector_load %arg4[%get3A_695] {strides = array<i32>} : memref<32768xf32, #tpu.memory_space<vmem>>, vector<16xf32>,
      %get3A_697 = vector.shape_cast %get3A_696 : vector<16xf32> to vector<16xf32>
      %sub3A_698 = arith.subf %get3A_697, %broadcast_in_dim3A_258 : vector<16xf32>
      %max3A_699 = arith.maximumf %sub3A_698, %broadcast_in_dim3A_1 : vector<16xf32>
      %add3A_700 = arith.constant 144 : i32
      %add3A_701 = arith.addi %mul3A_576, %add3A_700 : i32
      %swap3A_702 = arith.index_cast %add3A_701 : i32 to index
      %swap3A_703 = tpu.vector_load %arg6[%swap3A_702] {strides = array<i32>} : memref<32768xf32, #tpu.memory_space<vmem>>, vector<16xf32>,
      %swap3A_704 = vector.shape_cast %swap3A_703 : vector<16xf32> to vector<16xf32>
      %swap3A_705 = vector.shape_cast %max3A_699 : vector<16xf32> to vector<16xf32>
      tpu.vector_store %arg6[%swap3A_702], %swap3A_705 {strides = array<i32>} : memref<32768xf32, #tpu.memory_space<vmem>>, vector<16xf32>,
      %add3A_706 = arith.constant 160 : i32
      %add3A_707 = arith.addi %mul3A_576, %add3A_706 : i32
      %get3A_708 = arith.index_cast %add3A_707 : i32 to index
      %get3A_709 = tpu.vector_load %arg4[%get3A_708] {strides = array<i32>} : memref<32768xf32, #tpu.memory_space<vmem>>, vector<16xf32>,
      %get3A_710 = vector.shape_cast %get3A_709 : vector<16xf32> to vector<16xf32>
      %sub3A_711 = arith.subf %get3A_710, %broadcast_in_dim3A_258 : vector<16xf32>
      %max3A_712 = arith.maximumf %sub3A_711, %broadcast_in_dim3A_1 : vector<16xf32>
      %add3A_713 = arith.constant 160 : i32
      %add3A_714 = arith.addi %mul3A_576, %add3A_713 : i32
      %swap3A_715 = arith.index_cast %add3A_714 : i32 to index
      %swap3A_716 = tpu.vector_load %arg6[%swap3A_715] {strides = array<i32>} : memref<32768xf32, #tpu.memory_space<vmem>>, vector<16xf32>,
      %swap3A_717 = vector.shape_cast %swap3A_716 : vector<16xf32> to vector<16xf32>
      %swap3A_718 = vector.shape_cast %max3A_712 : vector<16xf32> to vector<16xf32>
      tpu.vector_store %arg6[%swap3A_715], %swap3A_718 {strides = array<i32>} : memref<32768xf32, #tpu.memory_space<vmem>>, vector<16xf32>,
      %add3A_719 = arith.constant 176 : i32
      %add3A_720 = arith.addi %mul3A_576, %add3A_719 : i32
      %get3A_721 = arith.index_cast %add3A_720 : i32 to index
      %get3A_722 = tpu.vector_load %arg4[%get3A_721] {strides = array<i32>} : memref<32768xf32, #tpu.memory_space<vmem>>, vector<16xf32>,
      %get3A_723 = vector.shape_cast %get3A_722 : vector<16xf32> to vector<16xf32>
      %sub3A_724 = arith.subf %get3A_723, %broadcast_in_dim3A_258 : vector<16xf32>
      %max3A_725 = arith.maximumf %sub3A_724, %broadcast_in_dim3A_1 : vector<16xf32>
      %add3A_726 = arith.constant 176 : i32
      %add3A_727 = arith.addi %mul3A_576, %add3A_726 : i32
      %swap3A_728 = arith.index_cast %add3A_727 : i32 to index
      %swap3A_729 = tpu.vector_load %arg6[%swap3A_728] {strides = array<i32>} : memref<32768xf32, #tpu.memory_space<vmem>>, vector<16xf32>,
      %swap3A_730 = vector.shape_cast %swap3A_729 : vector<16xf32> to vector<16xf32>
      %swap3A_731 = vector.shape_cast %max3A_725 : vector<16xf32> to vector<16xf32>
      tpu.vector_store %arg6[%swap3A_728], %swap3A_731 {strides = array<i32>} : memref<32768xf32, #tpu.memory_space<vmem>>, vector<16xf32>,
      %add3A_732 = arith.constant 192 : i32
      %add3A_733 = arith.addi %mul3A_576, %add3A_732 : i32
      %get3A_734 = arith.index_cast %add3A_733 : i32 to index
      %get3A_735 = tpu.vector_load %arg4[%get3A_734] {strides = array<i32>} : memref<32768xf32, #tpu.memory_space<vmem>>, vector<16xf32>,
      %get3A_736 = vector.shape_cast %get3A_735 : vector<16xf32> to vector<16xf32>
      %sub3A_737 = arith.subf %get3A_736, %broadcast_in_dim3A_258 : vector<16xf32>
      %max3A_738 = arith.maximumf %sub3A_737, %broadcast_in_dim3A_1 : vector<16xf32>
      %add3A_739 = arith.constant 192 : i32
      %add3A_740 = arith.addi %mul3A_576, %add3A_739 : i32
      %swap3A_741 = arith.index_cast %add3A_740 : i32 to index
      %swap3A_742 = tpu.vector_load %arg6[%swap3A_741] {strides = array<i32>} : memref<32768xf32, #tpu.memory_space<vmem>>, vector<16xf32>,
      %swap3A_743 = vector.shape_cast %swap3A_742 : vector<16xf32> to vector<16xf32>
      %swap3A_744 = vector.shape_cast %max3A_738 : vector<16xf32> to vector<16xf32>
      tpu.vector_store %arg6[%swap3A_741], %swap3A_744 {strides = array<i32>} : memref<32768xf32, #tpu.memory_space<vmem>>, vector<16xf32>,
      %add3A_745 = arith.constant 208 : i32
      %add3A_746 = arith.addi %mul3A_576, %add3A_745 : i32
      %get3A_747 = arith.index_cast %add3A_746 : i32 to index
      %get3A_748 = tpu.vector_load %arg4[%get3A_747] {strides = array<i32>} : memref<32768xf32, #tpu.memory_space<vmem>>, vector<16xf32>,
      %get3A_749 = vector.shape_cast %get3A_748 : vector<16xf32> to vector<16xf32>
      %sub3A_750 = arith.subf %get3A_749, %broadcast_in_dim3A_258 : vector<16xf32>
      %max3A_751 = arith.maximumf %sub3A_750, %broadcast_in_dim3A_1 : vector<16xf32>
      %add3A_752 = arith.constant 208 : i32
      %add3A_753 = arith.addi %mul3A_576, %add3A_752 : i32
      %swap3A_754 = arith.index_cast %add3A_753 : i32 to index
      %swap3A_755 = tpu.vector_load %arg6[%swap3A_754] {strides = array<i32>} : memref<32768xf32, #tpu.memory_space<vmem>>, vector<16xf32>,
      %swap3A_756 = vector.shape_cast %swap3A_755 : vector<16xf32> to vector<16xf32>
      %swap3A_757 = vector.shape_cast %max3A_751 : vector<16xf32> to vector<16xf32>
      tpu.vector_store %arg6[%swap3A_754], %swap3A_757 {strides = array<i32>} : memref<32768xf32, #tpu.memory_space<vmem>>, vector<16xf32>,
      %add3A_758 = arith.constant 224 : i32
      %add3A_759 = arith.addi %mul3A_576, %add3A_758 : i32
      %get3A_760 = arith.index_cast %add3A_759 : i32 to index
      %get3A_761 = tpu.vector_load %arg4[%get3A_760] {strides = array<i32>} : memref<32768xf32, #tpu.memory_space<vmem>>, vector<16xf32>,
      %get3A_762 = vector.shape_cast %get3A_761 : vector<16xf32> to vector<16xf32>
      %sub3A_763 = arith.subf %get3A_762, %broadcast_in_dim3A_258 : vector<16xf32>
      %max3A_764 = arith.maximumf %sub3A_763, %broadcast_in_dim3A_1 : vector<16xf32>
      %add3A_765 = arith.constant 224 : i32
      %add3A_766 = arith.addi %mul3A_576, %add3A_765 : i32
      %swap3A_767 = arith.index_cast %add3A_766 : i32 to index
      %swap3A_768 = tpu.vector_load %arg6[%swap3A_767] {strides = array<i32>} : memref<32768xf32, #tpu.memory_space<vmem>>, vector<16xf32>,
      %swap3A_769 = vector.shape_cast %swap3A_768 : vector<16xf32> to vector<16xf32>
      %swap3A_770 = vector.shape_cast %max3A_764 : vector<16xf32> to vector<16xf32>
      tpu.vector_store %arg6[%swap3A_767], %swap3A_770 {strides = array<i32>} : memref<32768xf32, #tpu.memory_space<vmem>>, vector<16xf32>,
      %add3A_771 = arith.constant 240 : i32
      %add3A_772 = arith.addi %mul3A_576, %add3A_771 : i32
      %get3A_773 = arith.index_cast %add3A_772 : i32 to index
      %get3A_774 = tpu.vector_load %arg4[%get3A_773] {strides = array<i32>} : memref<32768xf32, #tpu.memory_space<vmem>>, vector<16xf32>,
      %get3A_775 = vector.shape_cast %get3A_774 : vector<16xf32> to vector<16xf32>
      %sub3A_776 = arith.subf %get3A_775, %broadcast_in_dim3A_258 : vector<16xf32>
      %max3A_777 = arith.maximumf %sub3A_776, %broadcast_in_dim3A_1 : vector<16xf32>
      %add3A_778 = arith.constant 240 : i32
      %add3A_779 = arith.addi %mul3A_576, %add3A_778 : i32
      %swap3A_780 = arith.index_cast %add3A_779 : i32 to index
      %swap3A_781 = tpu.vector_load %arg6[%swap3A_780] {strides = array<i32>} : memref<32768xf32, #tpu.memory_space<vmem>>, vector<16xf32>,
      %swap3A_782 = vector.shape_cast %swap3A_781 : vector<16xf32> to vector<16xf32>
      %swap3A_783 = vector.shape_cast %max3A_777 : vector<16xf32> to vector<16xf32>
      tpu.vector_store %arg6[%swap3A_780], %swap3A_783 {strides = array<i32>} : memref<32768xf32, #tpu.memory_space<vmem>>, vector<16xf32>,
      %while3A_784 = arith.constant 0 : i32
      scf.yield %while3A_784 : i32
    }
    %add3A_271 = arith.constant 0 : i32
    %add3A_272 = arith.addi %mul3A_3, %add3A_271 : i32
    %dma_start3A_273 = arith.constant 0 : i32
    %dma_start3A_274 = tpu.memref_slice %arg3[%add3A_272, %dma_start3A_273] : memref<64x32768xf32, #tpu.memory_space<hbm>> -> memref<1x32768xf32, #tpu.memory_space<hbm>>
    %dma_start3A_275 = tpu.memref_squeeze %dma_start3A_274 : memref<1x32768xf32, #tpu.memory_space<hbm>> -> memref<32768xf32, #tpu.memory_space<hbm>>
    %dma_start3A_276 = arith.constant 0 : i32
    %dma_start3A_277 = tpu.memref_slice %arg3[%add3A_272, %dma_start3A_276] : memref<64x32768xf32, #tpu.memory_space<hbm>> -> memref<1x32768xf32, #tpu.memory_space<hbm>>
    %dma_start3A_278 = tpu.memref_squeeze %dma_start3A_277 : memref<1x32768xf32, #tpu.memory_space<hbm>> -> memref<32768xf32, #tpu.memory_space<hbm>>
    tpu.enqueue_dma source(%arg6 : memref<32768xf32, #tpu.memory_space<vmem>>) target(%dma_start3A_278 : memref<32768xf32, #tpu.memory_space<hbm>>) target_semaphore(%arg12 : memref<!tpu.dma_semaphore, #tpu.memory_space<semaphore_mem>>)
    %dma_wait3A_279 = arith.constant 0 : i32
    %dma_wait3A_280 = tpu.memref_slice %arg2[%add3A_18, %dma_wait3A_279] : memref<64x32768xf32, #tpu.memory_space<hbm>> -> memref<1x32768xf32, #tpu.memory_space<hbm>>
    %dma_wait3A_281 = tpu.memref_squeeze %dma_wait3A_280 : memref<1x32768xf32, #tpu.memory_space<hbm>> -> memref<32768xf32, #tpu.memory_space<hbm>>
    %dma_wait3A_282 = arith.constant 0 : i32
    %dma_wait3A_283 = tpu.memref_slice %arg2[%add3A_18, %dma_wait3A_282] : memref<64x32768xf32, #tpu.memory_space<hbm>> -> memref<1x32768xf32, #tpu.memory_space<hbm>>
    %dma_wait3A_284 = tpu.memref_squeeze %dma_wait3A_283 : memref<1x32768xf32, #tpu.memory_space<hbm>> -> memref<32768xf32, #tpu.memory_space<hbm>>
    tpu.wait_dma2 semaphore(%arg11 : memref<!tpu.dma_semaphore, #tpu.memory_space<semaphore_mem>>) src(%dma_wait3A_284 : memref<32768xf32, #tpu.memory_space<hbm>>) dst(%arg5 : memref<32768xf32, #tpu.memory_space<vmem>>)
    %broadcast_in_dim3A_285 = arith.constant 0.000000e+00 : f32
    %broadcast_in_dim3A_286 = vector.broadcast %broadcast_in_dim3A_285 : f32 to vector<16xf32>
    %broadcast_in_dim3A_287 = arith.constant 1.000000e+00 : f32
    %broadcast_in_dim3A_288 = vector.broadcast %broadcast_in_dim3A_287 : f32 to vector<16xf32>
    %broadcast_in_dim3A_289 = arith.constant -3.000000e+38 : f32
    %broadcast_in_dim3A_290 = vector.broadcast %broadcast_in_dim3A_289 : f32 to vector<16xf32>
    %scan3A_291 = arith.constant 0 : i32
    %scan3A_292 = arith.constant 128 : i32
    %scan3A_293 = arith.addi %scan3A_291, %scan3A_292 : i32
    %scan3A_294 = arith.constant 1 : i32
    %scan3A_295 = scf.for %scan3A_572 = %scan3A_291 to %scan3A_293 step %scan3A_294 iter_args(%scan3A_573 = %broadcast_in_dim3A_290) -> (vector<16xf32>)  : i32 {
      %broadcast_in_dim3A_574 = arith.constant -3.000000e+38 : f32
      %broadcast_in_dim3A_575 = vector.broadcast %broadcast_in_dim3A_574 : f32 to vector<16xf32>
      %scan3A_576 = arith.constant 0 : i32
      %mul3A_577 = arith.constant 256 : i32
      %mul3A_578 = arith.muli %scan3A_572, %mul3A_577 : i32
      %mul3A_579 = arith.constant 16 : i32
      %mul3A_580 = arith.muli %scan3A_576, %mul3A_579 : i32
      %add3A_581 = arith.addi %mul3A_578, %mul3A_580 : i32
      %get3A = arith.index_cast %add3A_581 : i32 to index
      %get3A_582 = tpu.vector_load %arg5[%get3A] {strides = array<i32>} : memref<32768xf32, #tpu.memory_space<vmem>>, vector<16xf32>,
      %get3A_583 = vector.shape_cast %get3A_582 : vector<16xf32> to vector<16xf32>
      %max3A_584 = arith.maximumf %broadcast_in_dim3A_575, %get3A_583 : vector<16xf32>
      %scan3A_585 = arith.constant 1 : i32
      %mul3A_586 = arith.constant 256 : i32
      %mul3A_587 = arith.muli %scan3A_572, %mul3A_586 : i32
      %mul3A_588 = arith.constant 16 : i32
      %mul3A_589 = arith.muli %scan3A_585, %mul3A_588 : i32
      %add3A_590 = arith.addi %mul3A_587, %mul3A_589 : i32
      %get3A_591 = arith.index_cast %add3A_590 : i32 to index
      %get3A_592 = tpu.vector_load %arg5[%get3A_591] {strides = array<i32>} : memref<32768xf32, #tpu.memory_space<vmem>>, vector<16xf32>,
      %get3A_593 = vector.shape_cast %get3A_592 : vector<16xf32> to vector<16xf32>
      %max3A_594 = arith.maximumf %max3A_584, %get3A_593 : vector<16xf32>
      %scan3A_595 = arith.constant 2 : i32
      %mul3A_596 = arith.constant 256 : i32
      %mul3A_597 = arith.muli %scan3A_572, %mul3A_596 : i32
      %mul3A_598 = arith.constant 16 : i32
      %mul3A_599 = arith.muli %scan3A_595, %mul3A_598 : i32
      %add3A_600 = arith.addi %mul3A_597, %mul3A_599 : i32
      %get3A_601 = arith.index_cast %add3A_600 : i32 to index
      %get3A_602 = tpu.vector_load %arg5[%get3A_601] {strides = array<i32>} : memref<32768xf32, #tpu.memory_space<vmem>>, vector<16xf32>,
      %get3A_603 = vector.shape_cast %get3A_602 : vector<16xf32> to vector<16xf32>
      %max3A_604 = arith.maximumf %max3A_594, %get3A_603 : vector<16xf32>
      %scan3A_605 = arith.constant 3 : i32
      %mul3A_606 = arith.constant 256 : i32
      %mul3A_607 = arith.muli %scan3A_572, %mul3A_606 : i32
      %mul3A_608 = arith.constant 16 : i32
      %mul3A_609 = arith.muli %scan3A_605, %mul3A_608 : i32
      %add3A_610 = arith.addi %mul3A_607, %mul3A_609 : i32
      %get3A_611 = arith.index_cast %add3A_610 : i32 to index
      %get3A_612 = tpu.vector_load %arg5[%get3A_611] {strides = array<i32>} : memref<32768xf32, #tpu.memory_space<vmem>>, vector<16xf32>,
      %get3A_613 = vector.shape_cast %get3A_612 : vector<16xf32> to vector<16xf32>
      %max3A_614 = arith.maximumf %max3A_604, %get3A_613 : vector<16xf32>
      %scan3A_615 = arith.constant 4 : i32
      %mul3A_616 = arith.constant 256 : i32
      %mul3A_617 = arith.muli %scan3A_572, %mul3A_616 : i32
      %mul3A_618 = arith.constant 16 : i32
      %mul3A_619 = arith.muli %scan3A_615, %mul3A_618 : i32
      %add3A_620 = arith.addi %mul3A_617, %mul3A_619 : i32
      %get3A_621 = arith.index_cast %add3A_620 : i32 to index
      %get3A_622 = tpu.vector_load %arg5[%get3A_621] {strides = array<i32>} : memref<32768xf32, #tpu.memory_space<vmem>>, vector<16xf32>,
      %get3A_623 = vector.shape_cast %get3A_622 : vector<16xf32> to vector<16xf32>
      %max3A_624 = arith.maximumf %max3A_614, %get3A_623 : vector<16xf32>
      %scan3A_625 = arith.constant 5 : i32
      %mul3A_626 = arith.constant 256 : i32
      %mul3A_627 = arith.muli %scan3A_572, %mul3A_626 : i32
      %mul3A_628 = arith.constant 16 : i32
      %mul3A_629 = arith.muli %scan3A_625, %mul3A_628 : i32
      %add3A_630 = arith.addi %mul3A_627, %mul3A_629 : i32
      %get3A_631 = arith.index_cast %add3A_630 : i32 to index
      %get3A_632 = tpu.vector_load %arg5[%get3A_631] {strides = array<i32>} : memref<32768xf32, #tpu.memory_space<vmem>>, vector<16xf32>,
      %get3A_633 = vector.shape_cast %get3A_632 : vector<16xf32> to vector<16xf32>
      %max3A_634 = arith.maximumf %max3A_624, %get3A_633 : vector<16xf32>
      %scan3A_635 = arith.constant 6 : i32
      %mul3A_636 = arith.constant 256 : i32
      %mul3A_637 = arith.muli %scan3A_572, %mul3A_636 : i32
      %mul3A_638 = arith.constant 16 : i32
      %mul3A_639 = arith.muli %scan3A_635, %mul3A_638 : i32
      %add3A_640 = arith.addi %mul3A_637, %mul3A_639 : i32
      %get3A_641 = arith.index_cast %add3A_640 : i32 to index
      %get3A_642 = tpu.vector_load %arg5[%get3A_641] {strides = array<i32>} : memref<32768xf32, #tpu.memory_space<vmem>>, vector<16xf32>,
      %get3A_643 = vector.shape_cast %get3A_642 : vector<16xf32> to vector<16xf32>
      %max3A_644 = arith.maximumf %max3A_634, %get3A_643 : vector<16xf32>
      %scan3A_645 = arith.constant 7 : i32
      %mul3A_646 = arith.constant 256 : i32
      %mul3A_647 = arith.muli %scan3A_572, %mul3A_646 : i32
      %mul3A_648 = arith.constant 16 : i32
      %mul3A_649 = arith.muli %scan3A_645, %mul3A_648 : i32
      %add3A_650 = arith.addi %mul3A_647, %mul3A_649 : i32
      %get3A_651 = arith.index_cast %add3A_650 : i32 to index
      %get3A_652 = tpu.vector_load %arg5[%get3A_651] {strides = array<i32>} : memref<32768xf32, #tpu.memory_space<vmem>>, vector<16xf32>,
      %get3A_653 = vector.shape_cast %get3A_652 : vector<16xf32> to vector<16xf32>
      %max3A_654 = arith.maximumf %max3A_644, %get3A_653 : vector<16xf32>
      %scan3A_655 = arith.constant 8 : i32
      %mul3A_656 = arith.constant 256 : i32
      %mul3A_657 = arith.muli %scan3A_572, %mul3A_656 : i32
      %mul3A_658 = arith.constant 16 : i32
      %mul3A_659 = arith.muli %scan3A_655, %mul3A_658 : i32
      %add3A_660 = arith.addi %mul3A_657, %mul3A_659 : i32
      %get3A_661 = arith.index_cast %add3A_660 : i32 to index
      %get3A_662 = tpu.vector_load %arg5[%get3A_661] {strides = array<i32>} : memref<32768xf32, #tpu.memory_space<vmem>>, vector<16xf32>,
      %get3A_663 = vector.shape_cast %get3A_662 : vector<16xf32> to vector<16xf32>
      %max3A_664 = arith.maximumf %max3A_654, %get3A_663 : vector<16xf32>
      %scan3A_665 = arith.constant 9 : i32
      %mul3A_666 = arith.constant 256 : i32
      %mul3A_667 = arith.muli %scan3A_572, %mul3A_666 : i32
      %mul3A_668 = arith.constant 16 : i32
      %mul3A_669 = arith.muli %scan3A_665, %mul3A_668 : i32
      %add3A_670 = arith.addi %mul3A_667, %mul3A_669 : i32
      %get3A_671 = arith.index_cast %add3A_670 : i32 to index
      %get3A_672 = tpu.vector_load %arg5[%get3A_671] {strides = array<i32>} : memref<32768xf32, #tpu.memory_space<vmem>>, vector<16xf32>,
      %get3A_673 = vector.shape_cast %get3A_672 : vector<16xf32> to vector<16xf32>
      %max3A_674 = arith.maximumf %max3A_664, %get3A_673 : vector<16xf32>
      %scan3A_675 = arith.constant 10 : i32
      %mul3A_676 = arith.constant 256 : i32
      %mul3A_677 = arith.muli %scan3A_572, %mul3A_676 : i32
      %mul3A_678 = arith.constant 16 : i32
      %mul3A_679 = arith.muli %scan3A_675, %mul3A_678 : i32
      %add3A_680 = arith.addi %mul3A_677, %mul3A_679 : i32
      %get3A_681 = arith.index_cast %add3A_680 : i32 to index
      %get3A_682 = tpu.vector_load %arg5[%get3A_681] {strides = array<i32>} : memref<32768xf32, #tpu.memory_space<vmem>>, vector<16xf32>,
      %get3A_683 = vector.shape_cast %get3A_682 : vector<16xf32> to vector<16xf32>
      %max3A_684 = arith.maximumf %max3A_674, %get3A_683 : vector<16xf32>
      %scan3A_685 = arith.constant 11 : i32
      %mul3A_686 = arith.constant 256 : i32
      %mul3A_687 = arith.muli %scan3A_572, %mul3A_686 : i32
      %mul3A_688 = arith.constant 16 : i32
      %mul3A_689 = arith.muli %scan3A_685, %mul3A_688 : i32
      %add3A_690 = arith.addi %mul3A_687, %mul3A_689 : i32
      %get3A_691 = arith.index_cast %add3A_690 : i32 to index
      %get3A_692 = tpu.vector_load %arg5[%get3A_691] {strides = array<i32>} : memref<32768xf32, #tpu.memory_space<vmem>>, vector<16xf32>,
      %get3A_693 = vector.shape_cast %get3A_692 : vector<16xf32> to vector<16xf32>
      %max3A_694 = arith.maximumf %max3A_684, %get3A_693 : vector<16xf32>
      %scan3A_695 = arith.constant 12 : i32
      %mul3A_696 = arith.constant 256 : i32
      %mul3A_697 = arith.muli %scan3A_572, %mul3A_696 : i32
      %mul3A_698 = arith.constant 16 : i32
      %mul3A_699 = arith.muli %scan3A_695, %mul3A_698 : i32
      %add3A_700 = arith.addi %mul3A_697, %mul3A_699 : i32
      %get3A_701 = arith.index_cast %add3A_700 : i32 to index
      %get3A_702 = tpu.vector_load %arg5[%get3A_701] {strides = array<i32>} : memref<32768xf32, #tpu.memory_space<vmem>>, vector<16xf32>,
      %get3A_703 = vector.shape_cast %get3A_702 : vector<16xf32> to vector<16xf32>
      %max3A_704 = arith.maximumf %max3A_694, %get3A_703 : vector<16xf32>
      %scan3A_705 = arith.constant 13 : i32
      %mul3A_706 = arith.constant 256 : i32
      %mul3A_707 = arith.muli %scan3A_572, %mul3A_706 : i32
      %mul3A_708 = arith.constant 16 : i32
      %mul3A_709 = arith.muli %scan3A_705, %mul3A_708 : i32
      %add3A_710 = arith.addi %mul3A_707, %mul3A_709 : i32
      %get3A_711 = arith.index_cast %add3A_710 : i32 to index
      %get3A_712 = tpu.vector_load %arg5[%get3A_711] {strides = array<i32>} : memref<32768xf32, #tpu.memory_space<vmem>>, vector<16xf32>,
      %get3A_713 = vector.shape_cast %get3A_712 : vector<16xf32> to vector<16xf32>
      %max3A_714 = arith.maximumf %max3A_704, %get3A_713 : vector<16xf32>
      %scan3A_715 = arith.constant 14 : i32
      %mul3A_716 = arith.constant 256 : i32
      %mul3A_717 = arith.muli %scan3A_572, %mul3A_716 : i32
      %mul3A_718 = arith.constant 16 : i32
      %mul3A_719 = arith.muli %scan3A_715, %mul3A_718 : i32
      %add3A_720 = arith.addi %mul3A_717, %mul3A_719 : i32
      %get3A_721 = arith.index_cast %add3A_720 : i32 to index
      %get3A_722 = tpu.vector_load %arg5[%get3A_721] {strides = array<i32>} : memref<32768xf32, #tpu.memory_space<vmem>>, vector<16xf32>,
      %get3A_723 = vector.shape_cast %get3A_722 : vector<16xf32> to vector<16xf32>
      %max3A_724 = arith.maximumf %max3A_714, %get3A_723 : vector<16xf32>
      %scan3A_725 = arith.constant 15 : i32
      %mul3A_726 = arith.constant 256 : i32
      %mul3A_727 = arith.muli %scan3A_572, %mul3A_726 : i32
      %mul3A_728 = arith.constant 16 : i32
      %mul3A_729 = arith.muli %scan3A_725, %mul3A_728 : i32
      %add3A_730 = arith.addi %mul3A_727, %mul3A_729 : i32
      %get3A_731 = arith.index_cast %add3A_730 : i32 to index
      %get3A_732 = tpu.vector_load %arg5[%get3A_731] {strides = array<i32>} : memref<32768xf32, #tpu.memory_space<vmem>>, vector<16xf32>,
      %get3A_733 = vector.shape_cast %get3A_732 : vector<16xf32> to vector<16xf32>
      %max3A_734 = arith.maximumf %max3A_724, %get3A_733 : vector<16xf32>
      %scan3A_735 = arith.constant 16 : i32
      %mul3A_736 = arith.constant 16 : i32
      %mul3A_737 = arith.muli %scan3A_572, %mul3A_736 : i32
      %swap3A = arith.index_cast %mul3A_737 : i32 to index
      %swap3A_738 = tpu.vector_load %arg7[%swap3A] {strides = array<i32>} : memref<2048xf32, #tpu.memory_space<vmem>>, vector<16xf32>,
      %swap3A_739 = vector.shape_cast %swap3A_738 : vector<16xf32> to vector<16xf32>
      %swap3A_740 = vector.shape_cast %max3A_734 : vector<16xf32> to vector<16xf32>
      tpu.vector_store %arg7[%swap3A], %swap3A_740 {strides = array<i32>} : memref<2048xf32, #tpu.memory_space<vmem>>, vector<16xf32>,
      %max3A_741 = arith.maximumf %scan3A_573, %max3A_734 : vector<16xf32>
      scf.yield %max3A_741 : vector<16xf32>
    }
    %scan3A_296 = arith.constant 128 : i32
    %xor3A_297 = arith.constant 8 : i32
    %xor3A_298 = vector.broadcast %xor3A_297 : i32 to vector<16xi32>
    %xor3A_299 = arith.xori %iota3A, %xor3A_298 : vector<16xi32>
    %lt3A_300 = arith.constant 0 : i32
    %lt3A_301 = vector.broadcast %lt3A_300 : i32 to vector<16xi32>
    %lt3A_302 = arith.cmpi slt, %xor3A_299, %lt3A_301 : vector<16xi32>
    %add3A_303 = arith.constant 16 : i32
    %add3A_304 = vector.broadcast %add3A_303 : i32 to vector<16xi32>
    %add3A_305 = arith.addi %xor3A_299, %add3A_304 : vector<16xi32>
    %select_n3A_306 = arith.select %lt3A_302, %add3A_305, %xor3A_299 : vector<16xi1>, vector<16xi32>
    %broadcast_in_dim3A_307 = vector.shape_cast %select_n3A_306 : vector<16xi32> to vector<16x1xi32>
    %gather3A_308 = vector.shape_cast %broadcast_in_dim3A_307 : vector<16x1xi32> to vector<16xi32>
    %gather3A_309 = tpu.dynamic_gather %scan3A_295[%gather3A_308] in [0] : vector<16xf32>, vector<16xi32> -> vector<16xf32>
    %max3A_310 = arith.maximumf %scan3A_295, %gather3A_309 : vector<16xf32>
    %xor3A_311 = arith.constant 4 : i32
    %xor3A_312 = vector.broadcast %xor3A_311 : i32 to vector<16xi32>
    %xor3A_313 = arith.xori %iota3A, %xor3A_312 : vector<16xi32>
    %lt3A_314 = arith.constant 0 : i32
    %lt3A_315 = vector.broadcast %lt3A_314 : i32 to vector<16xi32>
    %lt3A_316 = arith.cmpi slt, %xor3A_313, %lt3A_315 : vector<16xi32>
    %add3A_317 = arith.constant 16 : i32
    %add3A_318 = vector.broadcast %add3A_317 : i32 to vector<16xi32>
    %add3A_319 = arith.addi %xor3A_313, %add3A_318 : vector<16xi32>
    %select_n3A_320 = arith.select %lt3A_316, %add3A_319, %xor3A_313 : vector<16xi1>, vector<16xi32>
    %broadcast_in_dim3A_321 = vector.shape_cast %select_n3A_320 : vector<16xi32> to vector<16x1xi32>
    %gather3A_322 = vector.shape_cast %broadcast_in_dim3A_321 : vector<16x1xi32> to vector<16xi32>
    %gather3A_323 = tpu.dynamic_gather %max3A_310[%gather3A_322] in [0] : vector<16xf32>, vector<16xi32> -> vector<16xf32>
    %max3A_324 = arith.maximumf %max3A_310, %gather3A_323 : vector<16xf32>
    %xor3A_325 = arith.constant 2 : i32
    %xor3A_326 = vector.broadcast %xor3A_325 : i32 to vector<16xi32>
    %xor3A_327 = arith.xori %iota3A, %xor3A_326 : vector<16xi32>
    %lt3A_328 = arith.constant 0 : i32
    %lt3A_329 = vector.broadcast %lt3A_328 : i32 to vector<16xi32>
    %lt3A_330 = arith.cmpi slt, %xor3A_327, %lt3A_329 : vector<16xi32>
    %add3A_331 = arith.constant 16 : i32
    %add3A_332 = vector.broadcast %add3A_331 : i32 to vector<16xi32>
    %add3A_333 = arith.addi %xor3A_327, %add3A_332 : vector<16xi32>
    %select_n3A_334 = arith.select %lt3A_330, %add3A_333, %xor3A_327 : vector<16xi1>, vector<16xi32>
    %broadcast_in_dim3A_335 = vector.shape_cast %select_n3A_334 : vector<16xi32> to vector<16x1xi32>
    %gather3A_336 = vector.shape_cast %broadcast_in_dim3A_335 : vector<16x1xi32> to vector<16xi32>
    %gather3A_337 = tpu.dynamic_gather %max3A_324[%gather3A_336] in [0] : vector<16xf32>, vector<16xi32> -> vector<16xf32>
    %max3A_338 = arith.maximumf %max3A_324, %gather3A_337 : vector<16xf32>
    %xor3A_339 = arith.constant 1 : i32
    %xor3A_340 = vector.broadcast %xor3A_339 : i32 to vector<16xi32>
    %xor3A_341 = arith.xori %iota3A, %xor3A_340 : vector<16xi32>
    %lt3A_342 = arith.constant 0 : i32
    %lt3A_343 = vector.broadcast %lt3A_342 : i32 to vector<16xi32>
    %lt3A_344 = arith.cmpi slt, %xor3A_341, %lt3A_343 : vector<16xi32>
    %add3A_345 = arith.constant 16 : i32
    %add3A_346 = vector.broadcast %add3A_345 : i32 to vector<16xi32>
    %add3A_347 = arith.addi %xor3A_341, %add3A_346 : vector<16xi32>
    %select_n3A_348 = arith.select %lt3A_344, %add3A_347, %xor3A_341 : vector<16xi1>, vector<16xi32>
    %broadcast_in_dim3A_349 = vector.shape_cast %select_n3A_348 : vector<16xi32> to vector<16x1xi32>
    %gather3A_350 = vector.shape_cast %broadcast_in_dim3A_349 : vector<16x1xi32> to vector<16xi32>
    %gather3A_351 = tpu.dynamic_gather %max3A_338[%gather3A_350] in [0] : vector<16xf32>, vector<16xi32> -> vector<16xf32>
    %max3A_352 = arith.maximumf %max3A_338, %gather3A_351 : vector<16xf32>
    %slice3A_353 = vector.extract_strided_slice %max3A_352 {offsets = [0], sizes = [1], strides = [1]} : vector<16xf32> to vector<1xf32>
    %squeeze3A_354 = vector.extract %slice3A_353[0] : f32 from vector<1xf32>
    %sub3A_355 = arith.constant 1.000000e+00 : f32
    %sub3A_356 = arith.subf %squeeze3A_354, %sub3A_355 : f32
    %scan3A_357 = arith.constant 0 : i32
    %scan3A_358 = arith.constant 0 : i32
    %scan3A_359 = arith.constant 128 : i32
    %scan3A_360 = arith.addi %scan3A_358, %scan3A_359 : i32
    %scan3A_361 = arith.constant 1 : i32
    %scan3A_362 = scf.for %scan3A_572 = %scan3A_358 to %scan3A_360 step %scan3A_361 iter_args(%scan3A_573 = %scan3A_357) -> (i32)  : i32 {
      %mul3A_574 = arith.constant 16 : i32
      %mul3A_575 = arith.muli %scan3A_572, %mul3A_574 : i32
      %get3A = arith.index_cast %mul3A_575 : i32 to index
      %get3A_576 = tpu.vector_load %arg7[%get3A] {strides = array<i32>} : memref<2048xf32, #tpu.memory_space<vmem>>, vector<16xf32>,
      %get3A_577 = vector.shape_cast %get3A_576 : vector<16xf32> to vector<16xf32>
      %xor3A_578 = arith.constant 8 : i32
      %xor3A_579 = vector.broadcast %xor3A_578 : i32 to vector<16xi32>
      %xor3A_580 = arith.xori %iota3A, %xor3A_579 : vector<16xi32>
      %lt3A_581 = arith.constant 0 : i32
      %lt3A_582 = vector.broadcast %lt3A_581 : i32 to vector<16xi32>
      %lt3A_583 = arith.cmpi slt, %xor3A_580, %lt3A_582 : vector<16xi32>
      %add3A_584 = arith.constant 16 : i32
      %add3A_585 = vector.broadcast %add3A_584 : i32 to vector<16xi32>
      %add3A_586 = arith.addi %xor3A_580, %add3A_585 : vector<16xi32>
      %select_n3A_587 = arith.select %lt3A_583, %add3A_586, %xor3A_580 : vector<16xi1>, vector<16xi32>
      %broadcast_in_dim3A_588 = vector.shape_cast %select_n3A_587 : vector<16xi32> to vector<16x1xi32>
      %gather3A_589 = vector.shape_cast %broadcast_in_dim3A_588 : vector<16x1xi32> to vector<16xi32>
      %gather3A_590 = tpu.dynamic_gather %get3A_577[%gather3A_589] in [0] : vector<16xf32>, vector<16xi32> -> vector<16xf32>
      %max3A_591 = arith.maximumf %get3A_577, %gather3A_590 : vector<16xf32>
      %xor3A_592 = arith.constant 4 : i32
      %xor3A_593 = vector.broadcast %xor3A_592 : i32 to vector<16xi32>
      %xor3A_594 = arith.xori %iota3A, %xor3A_593 : vector<16xi32>
      %lt3A_595 = arith.constant 0 : i32
      %lt3A_596 = vector.broadcast %lt3A_595 : i32 to vector<16xi32>
      %lt3A_597 = arith.cmpi slt, %xor3A_594, %lt3A_596 : vector<16xi32>
      %add3A_598 = arith.constant 16 : i32
      %add3A_599 = vector.broadcast %add3A_598 : i32 to vector<16xi32>
      %add3A_600 = arith.addi %xor3A_594, %add3A_599 : vector<16xi32>
      %select_n3A_601 = arith.select %lt3A_597, %add3A_600, %xor3A_594 : vector<16xi1>, vector<16xi32>
      %broadcast_in_dim3A_602 = vector.shape_cast %select_n3A_601 : vector<16xi32> to vector<16x1xi32>
      %gather3A_603 = vector.shape_cast %broadcast_in_dim3A_602 : vector<16x1xi32> to vector<16xi32>
      %gather3A_604 = tpu.dynamic_gather %max3A_591[%gather3A_603] in [0] : vector<16xf32>, vector<16xi32> -> vector<16xf32>
      %max3A_605 = arith.maximumf %max3A_591, %gather3A_604 : vector<16xf32>
      %xor3A_606 = arith.constant 2 : i32
      %xor3A_607 = vector.broadcast %xor3A_606 : i32 to vector<16xi32>
      %xor3A_608 = arith.xori %iota3A, %xor3A_607 : vector<16xi32>
      %lt3A_609 = arith.constant 0 : i32
      %lt3A_610 = vector.broadcast %lt3A_609 : i32 to vector<16xi32>
      %lt3A_611 = arith.cmpi slt, %xor3A_608, %lt3A_610 : vector<16xi32>
      %add3A_612 = arith.constant 16 : i32
      %add3A_613 = vector.broadcast %add3A_612 : i32 to vector<16xi32>
      %add3A_614 = arith.addi %xor3A_608, %add3A_613 : vector<16xi32>
      %select_n3A_615 = arith.select %lt3A_611, %add3A_614, %xor3A_608 : vector<16xi1>, vector<16xi32>
      %broadcast_in_dim3A_616 = vector.shape_cast %select_n3A_615 : vector<16xi32> to vector<16x1xi32>
      %gather3A_617 = vector.shape_cast %broadcast_in_dim3A_616 : vector<16x1xi32> to vector<16xi32>
      %gather3A_618 = tpu.dynamic_gather %max3A_605[%gather3A_617] in [0] : vector<16xf32>, vector<16xi32> -> vector<16xf32>
      %max3A_619 = arith.maximumf %max3A_605, %gather3A_618 : vector<16xf32>
      %xor3A_620 = arith.constant 1 : i32
      %xor3A_621 = vector.broadcast %xor3A_620 : i32 to vector<16xi32>
      %xor3A_622 = arith.xori %iota3A, %xor3A_621 : vector<16xi32>
      %lt3A_623 = arith.constant 0 : i32
      %lt3A_624 = vector.broadcast %lt3A_623 : i32 to vector<16xi32>
      %lt3A_625 = arith.cmpi slt, %xor3A_622, %lt3A_624 : vector<16xi32>
      %add3A_626 = arith.constant 16 : i32
      %add3A_627 = vector.broadcast %add3A_626 : i32 to vector<16xi32>
      %add3A_628 = arith.addi %xor3A_622, %add3A_627 : vector<16xi32>
      %select_n3A_629 = arith.select %lt3A_625, %add3A_628, %xor3A_622 : vector<16xi1>, vector<16xi32>
      %broadcast_in_dim3A_630 = vector.shape_cast %select_n3A_629 : vector<16xi32> to vector<16x1xi32>
      %gather3A_631 = vector.shape_cast %broadcast_in_dim3A_630 : vector<16x1xi32> to vector<16xi32>
      %gather3A_632 = tpu.dynamic_gather %max3A_619[%gather3A_631] in [0] : vector<16xf32>, vector<16xi32> -> vector<16xf32>
      %max3A_633 = arith.maximumf %max3A_619, %gather3A_632 : vector<16xf32>
      %slice3A_634 = vector.extract_strided_slice %max3A_633 {offsets = [0], sizes = [1], strides = [1]} : vector<16xf32> to vector<1xf32>
      %squeeze3A_635 = vector.extract %slice3A_634[0] : f32 from vector<1xf32>
      %gt3A = arith.cmpf ogt, %squeeze3A_635, %sub3A_356 : f32
      %convert_element_type3A = arith.extui %gt3A : i1 to i32
      %cond3A = arith.constant 0 : i32
      %cond3A_636 = arith.cmpi ne, %convert_element_type3A, %cond3A : i32
      scf.if %cond3A_636 {
        %swap3A = arith.index_cast %scan3A_573 : i32 to index
        %swap3A_641 = memref.load %arg9[%swap3A] : memref<128xi32, #tpu.memory_space<smem>>
        memref.store %scan3A_572, %arg9[%swap3A] : memref<128xi32, #tpu.memory_space<smem>>
      } else {
      }
      %jit3A_637 = arith.constant 1 : i32
      %jit3A_638 = arith.constant 0 : i32
      %select_n3A_639 = arith.select %gt3A, %jit3A_637, %jit3A_638 : i32
      %add3A_640 = arith.addi %scan3A_573, %select_n3A_639 : i32
      scf.yield %add3A_640 : i32
    }
    %scan3A_363 = arith.constant 128 : i32
    %eq3A_364 = arith.constant 1 : i32
    %eq3A_365 = arith.constant 1 : i32
    %eq3A_366 = arith.cmpi eq, %eq3A_364, %eq3A_365 : i32
    %jit3A_367 = arith.constant 0 : i32
    %select_n3A_368 = arith.select %eq3A_366, %scan3A_362, %jit3A_367 : i32
    %broadcast_in_dim3A_369 = vector.broadcast %sub3A_356 : f32 to vector<16xf32>
    %while3A_370 = arith.constant 0 : i32
    %while3A_371 = arith.subi %select_n3A_368, %while3A_370 : i32
    %while3A_372 = arith.addi %while3A_370, %while3A_371 : i32
    %while3A_373 = arith.constant 1 : i32
    %while3A_374 = arith.divsi %while3A_371, %while3A_373 : i32
    %while3A_375 = arith.muli %while3A_374, %while3A_373 : i32
    %while3A_376 = arith.addi %while3A_370, %while3A_375 : i32
    %while3A_377 = arith.constant 1 : i32
    %while3A_378:2 = scf.for %while3A_572 = %while3A_370 to %while3A_376 step %while3A_377 iter_args(%while3A_573 = %broadcast_in_dim3A_286, %while3A_574 = %broadcast_in_dim3A_286) -> (vector<16xf32>, vector<16xf32>)  : i32 {
      %get3A = arith.index_cast %while3A_572 : i32 to index
      %get3A_575 = memref.load %arg9[%get3A] : memref<128xi32, #tpu.memory_space<smem>>
      %mul3A_576 = arith.constant 256 : i32
      %mul3A_577 = arith.muli %get3A_575, %mul3A_576 : i32
      %add3A_578 = arith.constant 0 : i32
      %add3A_579 = arith.addi %mul3A_577, %add3A_578 : i32
      %get3A_580 = arith.index_cast %add3A_579 : i32 to index
      %get3A_581 = tpu.vector_load %arg5[%get3A_580] {strides = array<i32>} : memref<32768xf32, #tpu.memory_space<vmem>>, vector<16xf32>,
      %get3A_582 = vector.shape_cast %get3A_581 : vector<16xf32> to vector<16xf32>
      %gt3A = arith.cmpf ogt, %get3A_582, %broadcast_in_dim3A_369 : vector<16xf32>
      %select_n3A_583 = arith.select %gt3A, %get3A_582, %broadcast_in_dim3A_286 : vector<16xi1>, vector<16xf32>
      %add3A_584 = arith.addf %while3A_573, %select_n3A_583 : vector<16xf32>
      %select_n3A_585 = arith.select %gt3A, %broadcast_in_dim3A_288, %broadcast_in_dim3A_286 : vector<16xi1>, vector<16xf32>
      %add3A_586 = arith.addf %while3A_574, %select_n3A_585 : vector<16xf32>
      %add3A_587 = arith.constant 16 : i32
      %add3A_588 = arith.addi %mul3A_577, %add3A_587 : i32
      %get3A_589 = arith.index_cast %add3A_588 : i32 to index
      %get3A_590 = tpu.vector_load %arg5[%get3A_589] {strides = array<i32>} : memref<32768xf32, #tpu.memory_space<vmem>>, vector<16xf32>,
      %get3A_591 = vector.shape_cast %get3A_590 : vector<16xf32> to vector<16xf32>
      %gt3A_592 = arith.cmpf ogt, %get3A_591, %broadcast_in_dim3A_369 : vector<16xf32>
      %select_n3A_593 = arith.select %gt3A_592, %get3A_591, %broadcast_in_dim3A_286 : vector<16xi1>, vector<16xf32>
      %add3A_594 = arith.addf %add3A_584, %select_n3A_593 : vector<16xf32>
      %select_n3A_595 = arith.select %gt3A_592, %broadcast_in_dim3A_288, %broadcast_in_dim3A_286 : vector<16xi1>, vector<16xf32>
      %add3A_596 = arith.addf %add3A_586, %select_n3A_595 : vector<16xf32>
      %add3A_597 = arith.constant 32 : i32
      %add3A_598 = arith.addi %mul3A_577, %add3A_597 : i32
      %get3A_599 = arith.index_cast %add3A_598 : i32 to index
      %get3A_600 = tpu.vector_load %arg5[%get3A_599] {strides = array<i32>} : memref<32768xf32, #tpu.memory_space<vmem>>, vector<16xf32>,
      %get3A_601 = vector.shape_cast %get3A_600 : vector<16xf32> to vector<16xf32>
      %gt3A_602 = arith.cmpf ogt, %get3A_601, %broadcast_in_dim3A_369 : vector<16xf32>
      %select_n3A_603 = arith.select %gt3A_602, %get3A_601, %broadcast_in_dim3A_286 : vector<16xi1>, vector<16xf32>
      %add3A_604 = arith.addf %add3A_594, %select_n3A_603 : vector<16xf32>
      %select_n3A_605 = arith.select %gt3A_602, %broadcast_in_dim3A_288, %broadcast_in_dim3A_286 : vector<16xi1>, vector<16xf32>
      %add3A_606 = arith.addf %add3A_596, %select_n3A_605 : vector<16xf32>
      %add3A_607 = arith.constant 48 : i32
      %add3A_608 = arith.addi %mul3A_577, %add3A_607 : i32
      %get3A_609 = arith.index_cast %add3A_608 : i32 to index
      %get3A_610 = tpu.vector_load %arg5[%get3A_609] {strides = array<i32>} : memref<32768xf32, #tpu.memory_space<vmem>>, vector<16xf32>,
      %get3A_611 = vector.shape_cast %get3A_610 : vector<16xf32> to vector<16xf32>
      %gt3A_612 = arith.cmpf ogt, %get3A_611, %broadcast_in_dim3A_369 : vector<16xf32>
      %select_n3A_613 = arith.select %gt3A_612, %get3A_611, %broadcast_in_dim3A_286 : vector<16xi1>, vector<16xf32>
      %add3A_614 = arith.addf %add3A_604, %select_n3A_613 : vector<16xf32>
      %select_n3A_615 = arith.select %gt3A_612, %broadcast_in_dim3A_288, %broadcast_in_dim3A_286 : vector<16xi1>, vector<16xf32>
      %add3A_616 = arith.addf %add3A_606, %select_n3A_615 : vector<16xf32>
      %add3A_617 = arith.constant 64 : i32
      %add3A_618 = arith.addi %mul3A_577, %add3A_617 : i32
      %get3A_619 = arith.index_cast %add3A_618 : i32 to index
      %get3A_620 = tpu.vector_load %arg5[%get3A_619] {strides = array<i32>} : memref<32768xf32, #tpu.memory_space<vmem>>, vector<16xf32>,
      %get3A_621 = vector.shape_cast %get3A_620 : vector<16xf32> to vector<16xf32>
      %gt3A_622 = arith.cmpf ogt, %get3A_621, %broadcast_in_dim3A_369 : vector<16xf32>
      %select_n3A_623 = arith.select %gt3A_622, %get3A_621, %broadcast_in_dim3A_286 : vector<16xi1>, vector<16xf32>
      %add3A_624 = arith.addf %add3A_614, %select_n3A_623 : vector<16xf32>
      %select_n3A_625 = arith.select %gt3A_622, %broadcast_in_dim3A_288, %broadcast_in_dim3A_286 : vector<16xi1>, vector<16xf32>
      %add3A_626 = arith.addf %add3A_616, %select_n3A_625 : vector<16xf32>
      %add3A_627 = arith.constant 80 : i32
      %add3A_628 = arith.addi %mul3A_577, %add3A_627 : i32
      %get3A_629 = arith.index_cast %add3A_628 : i32 to index
      %get3A_630 = tpu.vector_load %arg5[%get3A_629] {strides = array<i32>} : memref<32768xf32, #tpu.memory_space<vmem>>, vector<16xf32>,
      %get3A_631 = vector.shape_cast %get3A_630 : vector<16xf32> to vector<16xf32>
      %gt3A_632 = arith.cmpf ogt, %get3A_631, %broadcast_in_dim3A_369 : vector<16xf32>
      %select_n3A_633 = arith.select %gt3A_632, %get3A_631, %broadcast_in_dim3A_286 : vector<16xi1>, vector<16xf32>
      %add3A_634 = arith.addf %add3A_624, %select_n3A_633 : vector<16xf32>
      %select_n3A_635 = arith.select %gt3A_632, %broadcast_in_dim3A_288, %broadcast_in_dim3A_286 : vector<16xi1>, vector<16xf32>
      %add3A_636 = arith.addf %add3A_626, %select_n3A_635 : vector<16xf32>
      %add3A_637 = arith.constant 96 : i32
      %add3A_638 = arith.addi %mul3A_577, %add3A_637 : i32
      %get3A_639 = arith.index_cast %add3A_638 : i32 to index
      %get3A_640 = tpu.vector_load %arg5[%get3A_639] {strides = array<i32>} : memref<32768xf32, #tpu.memory_space<vmem>>, vector<16xf32>,
      %get3A_641 = vector.shape_cast %get3A_640 : vector<16xf32> to vector<16xf32>
      %gt3A_642 = arith.cmpf ogt, %get3A_641, %broadcast_in_dim3A_369 : vector<16xf32>
      %select_n3A_643 = arith.select %gt3A_642, %get3A_641, %broadcast_in_dim3A_286 : vector<16xi1>, vector<16xf32>
      %add3A_644 = arith.addf %add3A_634, %select_n3A_643 : vector<16xf32>
      %select_n3A_645 = arith.select %gt3A_642, %broadcast_in_dim3A_288, %broadcast_in_dim3A_286 : vector<16xi1>, vector<16xf32>
      %add3A_646 = arith.addf %add3A_636, %select_n3A_645 : vector<16xf32>
      %add3A_647 = arith.constant 112 : i32
      %add3A_648 = arith.addi %mul3A_577, %add3A_647 : i32
      %get3A_649 = arith.index_cast %add3A_648 : i32 to index
      %get3A_650 = tpu.vector_load %arg5[%get3A_649] {strides = array<i32>} : memref<32768xf32, #tpu.memory_space<vmem>>, vector<16xf32>,
      %get3A_651 = vector.shape_cast %get3A_650 : vector<16xf32> to vector<16xf32>
      %gt3A_652 = arith.cmpf ogt, %get3A_651, %broadcast_in_dim3A_369 : vector<16xf32>
      %select_n3A_653 = arith.select %gt3A_652, %get3A_651, %broadcast_in_dim3A_286 : vector<16xi1>, vector<16xf32>
      %add3A_654 = arith.addf %add3A_644, %select_n3A_653 : vector<16xf32>
      %select_n3A_655 = arith.select %gt3A_652, %broadcast_in_dim3A_288, %broadcast_in_dim3A_286 : vector<16xi1>, vector<16xf32>
      %add3A_656 = arith.addf %add3A_646, %select_n3A_655 : vector<16xf32>
      %add3A_657 = arith.constant 128 : i32
      %add3A_658 = arith.addi %mul3A_577, %add3A_657 : i32
      %get3A_659 = arith.index_cast %add3A_658 : i32 to index
      %get3A_660 = tpu.vector_load %arg5[%get3A_659] {strides = array<i32>} : memref<32768xf32, #tpu.memory_space<vmem>>, vector<16xf32>,
      %get3A_661 = vector.shape_cast %get3A_660 : vector<16xf32> to vector<16xf32>
      %gt3A_662 = arith.cmpf ogt, %get3A_661, %broadcast_in_dim3A_369 : vector<16xf32>
      %select_n3A_663 = arith.select %gt3A_662, %get3A_661, %broadcast_in_dim3A_286 : vector<16xi1>, vector<16xf32>
      %add3A_664 = arith.addf %add3A_654, %select_n3A_663 : vector<16xf32>
      %select_n3A_665 = arith.select %gt3A_662, %broadcast_in_dim3A_288, %broadcast_in_dim3A_286 : vector<16xi1>, vector<16xf32>
      %add3A_666 = arith.addf %add3A_656, %select_n3A_665 : vector<16xf32>
      %add3A_667 = arith.constant 144 : i32
      %add3A_668 = arith.addi %mul3A_577, %add3A_667 : i32
      %get3A_669 = arith.index_cast %add3A_668 : i32 to index
      %get3A_670 = tpu.vector_load %arg5[%get3A_669] {strides = array<i32>} : memref<32768xf32, #tpu.memory_space<vmem>>, vector<16xf32>,
      %get3A_671 = vector.shape_cast %get3A_670 : vector<16xf32> to vector<16xf32>
      %gt3A_672 = arith.cmpf ogt, %get3A_671, %broadcast_in_dim3A_369 : vector<16xf32>
      %select_n3A_673 = arith.select %gt3A_672, %get3A_671, %broadcast_in_dim3A_286 : vector<16xi1>, vector<16xf32>
      %add3A_674 = arith.addf %add3A_664, %select_n3A_673 : vector<16xf32>
      %select_n3A_675 = arith.select %gt3A_672, %broadcast_in_dim3A_288, %broadcast_in_dim3A_286 : vector<16xi1>, vector<16xf32>
      %add3A_676 = arith.addf %add3A_666, %select_n3A_675 : vector<16xf32>
      %add3A_677 = arith.constant 160 : i32
      %add3A_678 = arith.addi %mul3A_577, %add3A_677 : i32
      %get3A_679 = arith.index_cast %add3A_678 : i32 to index
      %get3A_680 = tpu.vector_load %arg5[%get3A_679] {strides = array<i32>} : memref<32768xf32, #tpu.memory_space<vmem>>, vector<16xf32>,
      %get3A_681 = vector.shape_cast %get3A_680 : vector<16xf32> to vector<16xf32>
      %gt3A_682 = arith.cmpf ogt, %get3A_681, %broadcast_in_dim3A_369 : vector<16xf32>
      %select_n3A_683 = arith.select %gt3A_682, %get3A_681, %broadcast_in_dim3A_286 : vector<16xi1>, vector<16xf32>
      %add3A_684 = arith.addf %add3A_674, %select_n3A_683 : vector<16xf32>
      %select_n3A_685 = arith.select %gt3A_682, %broadcast_in_dim3A_288, %broadcast_in_dim3A_286 : vector<16xi1>, vector<16xf32>
      %add3A_686 = arith.addf %add3A_676, %select_n3A_685 : vector<16xf32>
      %add3A_687 = arith.constant 176 : i32
      %add3A_688 = arith.addi %mul3A_577, %add3A_687 : i32
      %get3A_689 = arith.index_cast %add3A_688 : i32 to index
      %get3A_690 = tpu.vector_load %arg5[%get3A_689] {strides = array<i32>} : memref<32768xf32, #tpu.memory_space<vmem>>, vector<16xf32>,
      %get3A_691 = vector.shape_cast %get3A_690 : vector<16xf32> to vector<16xf32>
      %gt3A_692 = arith.cmpf ogt, %get3A_691, %broadcast_in_dim3A_369 : vector<16xf32>
      %select_n3A_693 = arith.select %gt3A_692, %get3A_691, %broadcast_in_dim3A_286 : vector<16xi1>, vector<16xf32>
      %add3A_694 = arith.addf %add3A_684, %select_n3A_693 : vector<16xf32>
      %select_n3A_695 = arith.select %gt3A_692, %broadcast_in_dim3A_288, %broadcast_in_dim3A_286 : vector<16xi1>, vector<16xf32>
      %add3A_696 = arith.addf %add3A_686, %select_n3A_695 : vector<16xf32>
      %add3A_697 = arith.constant 192 : i32
      %add3A_698 = arith.addi %mul3A_577, %add3A_697 : i32
      %get3A_699 = arith.index_cast %add3A_698 : i32 to index
      %get3A_700 = tpu.vector_load %arg5[%get3A_699] {strides = array<i32>} : memref<32768xf32, #tpu.memory_space<vmem>>, vector<16xf32>,
      %get3A_701 = vector.shape_cast %get3A_700 : vector<16xf32> to vector<16xf32>
      %gt3A_702 = arith.cmpf ogt, %get3A_701, %broadcast_in_dim3A_369 : vector<16xf32>
      %select_n3A_703 = arith.select %gt3A_702, %get3A_701, %broadcast_in_dim3A_286 : vector<16xi1>, vector<16xf32>
      %add3A_704 = arith.addf %add3A_694, %select_n3A_703 : vector<16xf32>
      %select_n3A_705 = arith.select %gt3A_702, %broadcast_in_dim3A_288, %broadcast_in_dim3A_286 : vector<16xi1>, vector<16xf32>
      %add3A_706 = arith.addf %add3A_696, %select_n3A_705 : vector<16xf32>
      %add3A_707 = arith.constant 208 : i32
      %add3A_708 = arith.addi %mul3A_577, %add3A_707 : i32
      %get3A_709 = arith.index_cast %add3A_708 : i32 to index
      %get3A_710 = tpu.vector_load %arg5[%get3A_709] {strides = array<i32>} : memref<32768xf32, #tpu.memory_space<vmem>>, vector<16xf32>,
      %get3A_711 = vector.shape_cast %get3A_710 : vector<16xf32> to vector<16xf32>
      %gt3A_712 = arith.cmpf ogt, %get3A_711, %broadcast_in_dim3A_369 : vector<16xf32>
      %select_n3A_713 = arith.select %gt3A_712, %get3A_711, %broadcast_in_dim3A_286 : vector<16xi1>, vector<16xf32>
      %add3A_714 = arith.addf %add3A_704, %select_n3A_713 : vector<16xf32>
      %select_n3A_715 = arith.select %gt3A_712, %broadcast_in_dim3A_288, %broadcast_in_dim3A_286 : vector<16xi1>, vector<16xf32>
      %add3A_716 = arith.addf %add3A_706, %select_n3A_715 : vector<16xf32>
      %add3A_717 = arith.constant 224 : i32
      %add3A_718 = arith.addi %mul3A_577, %add3A_717 : i32
      %get3A_719 = arith.index_cast %add3A_718 : i32 to index
      %get3A_720 = tpu.vector_load %arg5[%get3A_719] {strides = array<i32>} : memref<32768xf32, #tpu.memory_space<vmem>>, vector<16xf32>,
      %get3A_721 = vector.shape_cast %get3A_720 : vector<16xf32> to vector<16xf32>
      %gt3A_722 = arith.cmpf ogt, %get3A_721, %broadcast_in_dim3A_369 : vector<16xf32>
      %select_n3A_723 = arith.select %gt3A_722, %get3A_721, %broadcast_in_dim3A_286 : vector<16xi1>, vector<16xf32>
      %add3A_724 = arith.addf %add3A_714, %select_n3A_723 : vector<16xf32>
      %select_n3A_725 = arith.select %gt3A_722, %broadcast_in_dim3A_288, %broadcast_in_dim3A_286 : vector<16xi1>, vector<16xf32>
      %add3A_726 = arith.addf %add3A_716, %select_n3A_725 : vector<16xf32>
      %add3A_727 = arith.constant 240 : i32
      %add3A_728 = arith.addi %mul3A_577, %add3A_727 : i32
      %get3A_729 = arith.index_cast %add3A_728 : i32 to index
      %get3A_730 = tpu.vector_load %arg5[%get3A_729] {strides = array<i32>} : memref<32768xf32, #tpu.memory_space<vmem>>, vector<16xf32>,
      %get3A_731 = vector.shape_cast %get3A_730 : vector<16xf32> to vector<16xf32>
      %gt3A_732 = arith.cmpf ogt, %get3A_731, %broadcast_in_dim3A_369 : vector<16xf32>
      %select_n3A_733 = arith.select %gt3A_732, %get3A_731, %broadcast_in_dim3A_286 : vector<16xi1>, vector<16xf32>
      %add3A_734 = arith.addf %add3A_724, %select_n3A_733 : vector<16xf32>
      %select_n3A_735 = arith.select %gt3A_732, %broadcast_in_dim3A_288, %broadcast_in_dim3A_286 : vector<16xi1>, vector<16xf32>
      %add3A_736 = arith.addf %add3A_726, %select_n3A_735 : vector<16xf32>
      scf.yield %add3A_734, %add3A_736 : vector<16xf32>, vector<16xf32>
    }
    %while3A_379 = arith.constant 1 : i32
    %while3A_380:2 = scf.for %while3A_572 = %while3A_376 to %while3A_372 step %while3A_379 iter_args(%while3A_573 = %while3A_378#0, %while3A_574 = %while3A_378#1) -> (vector<16xf32>, vector<16xf32>)  : i32 {
      %get3A = arith.index_cast %while3A_572 : i32 to index
      %get3A_575 = memref.load %arg9[%get3A] : memref<128xi32, #tpu.memory_space<smem>>
      %mul3A_576 = arith.constant 256 : i32
      %mul3A_577 = arith.muli %get3A_575, %mul3A_576 : i32
      %add3A_578 = arith.constant 0 : i32
      %add3A_579 = arith.addi %mul3A_577, %add3A_578 : i32
      %get3A_580 = arith.index_cast %add3A_579 : i32 to index
      %get3A_581 = tpu.vector_load %arg5[%get3A_580] {strides = array<i32>} : memref<32768xf32, #tpu.memory_space<vmem>>, vector<16xf32>,
      %get3A_582 = vector.shape_cast %get3A_581 : vector<16xf32> to vector<16xf32>
      %gt3A = arith.cmpf ogt, %get3A_582, %broadcast_in_dim3A_369 : vector<16xf32>
      %select_n3A_583 = arith.select %gt3A, %get3A_582, %broadcast_in_dim3A_286 : vector<16xi1>, vector<16xf32>
      %add3A_584 = arith.addf %while3A_573, %select_n3A_583 : vector<16xf32>
      %select_n3A_585 = arith.select %gt3A, %broadcast_in_dim3A_288, %broadcast_in_dim3A_286 : vector<16xi1>, vector<16xf32>
      %add3A_586 = arith.addf %while3A_574, %select_n3A_585 : vector<16xf32>
      %add3A_587 = arith.constant 16 : i32
      %add3A_588 = arith.addi %mul3A_577, %add3A_587 : i32
      %get3A_589 = arith.index_cast %add3A_588 : i32 to index
      %get3A_590 = tpu.vector_load %arg5[%get3A_589] {strides = array<i32>} : memref<32768xf32, #tpu.memory_space<vmem>>, vector<16xf32>,
      %get3A_591 = vector.shape_cast %get3A_590 : vector<16xf32> to vector<16xf32>
      %gt3A_592 = arith.cmpf ogt, %get3A_591, %broadcast_in_dim3A_369 : vector<16xf32>
      %select_n3A_593 = arith.select %gt3A_592, %get3A_591, %broadcast_in_dim3A_286 : vector<16xi1>, vector<16xf32>
      %add3A_594 = arith.addf %add3A_584, %select_n3A_593 : vector<16xf32>
      %select_n3A_595 = arith.select %gt3A_592, %broadcast_in_dim3A_288, %broadcast_in_dim3A_286 : vector<16xi1>, vector<16xf32>
      %add3A_596 = arith.addf %add3A_586, %select_n3A_595 : vector<16xf32>
      %add3A_597 = arith.constant 32 : i32
      %add3A_598 = arith.addi %mul3A_577, %add3A_597 : i32
      %get3A_599 = arith.index_cast %add3A_598 : i32 to index
      %get3A_600 = tpu.vector_load %arg5[%get3A_599] {strides = array<i32>} : memref<32768xf32, #tpu.memory_space<vmem>>, vector<16xf32>,
      %get3A_601 = vector.shape_cast %get3A_600 : vector<16xf32> to vector<16xf32>
      %gt3A_602 = arith.cmpf ogt, %get3A_601, %broadcast_in_dim3A_369 : vector<16xf32>
      %select_n3A_603 = arith.select %gt3A_602, %get3A_601, %broadcast_in_dim3A_286 : vector<16xi1>, vector<16xf32>
      %add3A_604 = arith.addf %add3A_594, %select_n3A_603 : vector<16xf32>
      %select_n3A_605 = arith.select %gt3A_602, %broadcast_in_dim3A_288, %broadcast_in_dim3A_286 : vector<16xi1>, vector<16xf32>
      %add3A_606 = arith.addf %add3A_596, %select_n3A_605 : vector<16xf32>
      %add3A_607 = arith.constant 48 : i32
      %add3A_608 = arith.addi %mul3A_577, %add3A_607 : i32
      %get3A_609 = arith.index_cast %add3A_608 : i32 to index
      %get3A_610 = tpu.vector_load %arg5[%get3A_609] {strides = array<i32>} : memref<32768xf32, #tpu.memory_space<vmem>>, vector<16xf32>,
      %get3A_611 = vector.shape_cast %get3A_610 : vector<16xf32> to vector<16xf32>
      %gt3A_612 = arith.cmpf ogt, %get3A_611, %broadcast_in_dim3A_369 : vector<16xf32>
      %select_n3A_613 = arith.select %gt3A_612, %get3A_611, %broadcast_in_dim3A_286 : vector<16xi1>, vector<16xf32>
      %add3A_614 = arith.addf %add3A_604, %select_n3A_613 : vector<16xf32>
      %select_n3A_615 = arith.select %gt3A_612, %broadcast_in_dim3A_288, %broadcast_in_dim3A_286 : vector<16xi1>, vector<16xf32>
      %add3A_616 = arith.addf %add3A_606, %select_n3A_615 : vector<16xf32>
      %add3A_617 = arith.constant 64 : i32
      %add3A_618 = arith.addi %mul3A_577, %add3A_617 : i32
      %get3A_619 = arith.index_cast %add3A_618 : i32 to index
      %get3A_620 = tpu.vector_load %arg5[%get3A_619] {strides = array<i32>} : memref<32768xf32, #tpu.memory_space<vmem>>, vector<16xf32>,
      %get3A_621 = vector.shape_cast %get3A_620 : vector<16xf32> to vector<16xf32>
      %gt3A_622 = arith.cmpf ogt, %get3A_621, %broadcast_in_dim3A_369 : vector<16xf32>
      %select_n3A_623 = arith.select %gt3A_622, %get3A_621, %broadcast_in_dim3A_286 : vector<16xi1>, vector<16xf32>
      %add3A_624 = arith.addf %add3A_614, %select_n3A_623 : vector<16xf32>
      %select_n3A_625 = arith.select %gt3A_622, %broadcast_in_dim3A_288, %broadcast_in_dim3A_286 : vector<16xi1>, vector<16xf32>
      %add3A_626 = arith.addf %add3A_616, %select_n3A_625 : vector<16xf32>
      %add3A_627 = arith.constant 80 : i32
      %add3A_628 = arith.addi %mul3A_577, %add3A_627 : i32
      %get3A_629 = arith.index_cast %add3A_628 : i32 to index
      %get3A_630 = tpu.vector_load %arg5[%get3A_629] {strides = array<i32>} : memref<32768xf32, #tpu.memory_space<vmem>>, vector<16xf32>,
      %get3A_631 = vector.shape_cast %get3A_630 : vector<16xf32> to vector<16xf32>
      %gt3A_632 = arith.cmpf ogt, %get3A_631, %broadcast_in_dim3A_369 : vector<16xf32>
      %select_n3A_633 = arith.select %gt3A_632, %get3A_631, %broadcast_in_dim3A_286 : vector<16xi1>, vector<16xf32>
      %add3A_634 = arith.addf %add3A_624, %select_n3A_633 : vector<16xf32>
      %select_n3A_635 = arith.select %gt3A_632, %broadcast_in_dim3A_288, %broadcast_in_dim3A_286 : vector<16xi1>, vector<16xf32>
      %add3A_636 = arith.addf %add3A_626, %select_n3A_635 : vector<16xf32>
      %add3A_637 = arith.constant 96 : i32
      %add3A_638 = arith.addi %mul3A_577, %add3A_637 : i32
      %get3A_639 = arith.index_cast %add3A_638 : i32 to index
      %get3A_640 = tpu.vector_load %arg5[%get3A_639] {strides = array<i32>} : memref<32768xf32, #tpu.memory_space<vmem>>, vector<16xf32>,
      %get3A_641 = vector.shape_cast %get3A_640 : vector<16xf32> to vector<16xf32>
      %gt3A_642 = arith.cmpf ogt, %get3A_641, %broadcast_in_dim3A_369 : vector<16xf32>
      %select_n3A_643 = arith.select %gt3A_642, %get3A_641, %broadcast_in_dim3A_286 : vector<16xi1>, vector<16xf32>
      %add3A_644 = arith.addf %add3A_634, %select_n3A_643 : vector<16xf32>
      %select_n3A_645 = arith.select %gt3A_642, %broadcast_in_dim3A_288, %broadcast_in_dim3A_286 : vector<16xi1>, vector<16xf32>
      %add3A_646 = arith.addf %add3A_636, %select_n3A_645 : vector<16xf32>
      %add3A_647 = arith.constant 112 : i32
      %add3A_648 = arith.addi %mul3A_577, %add3A_647 : i32
      %get3A_649 = arith.index_cast %add3A_648 : i32 to index
      %get3A_650 = tpu.vector_load %arg5[%get3A_649] {strides = array<i32>} : memref<32768xf32, #tpu.memory_space<vmem>>, vector<16xf32>,
      %get3A_651 = vector.shape_cast %get3A_650 : vector<16xf32> to vector<16xf32>
      %gt3A_652 = arith.cmpf ogt, %get3A_651, %broadcast_in_dim3A_369 : vector<16xf32>
      %select_n3A_653 = arith.select %gt3A_652, %get3A_651, %broadcast_in_dim3A_286 : vector<16xi1>, vector<16xf32>
      %add3A_654 = arith.addf %add3A_644, %select_n3A_653 : vector<16xf32>
      %select_n3A_655 = arith.select %gt3A_652, %broadcast_in_dim3A_288, %broadcast_in_dim3A_286 : vector<16xi1>, vector<16xf32>
      %add3A_656 = arith.addf %add3A_646, %select_n3A_655 : vector<16xf32>
      %add3A_657 = arith.constant 128 : i32
      %add3A_658 = arith.addi %mul3A_577, %add3A_657 : i32
      %get3A_659 = arith.index_cast %add3A_658 : i32 to index
      %get3A_660 = tpu.vector_load %arg5[%get3A_659] {strides = array<i32>} : memref<32768xf32, #tpu.memory_space<vmem>>, vector<16xf32>,
      %get3A_661 = vector.shape_cast %get3A_660 : vector<16xf32> to vector<16xf32>
      %gt3A_662 = arith.cmpf ogt, %get3A_661, %broadcast_in_dim3A_369 : vector<16xf32>
      %select_n3A_663 = arith.select %gt3A_662, %get3A_661, %broadcast_in_dim3A_286 : vector<16xi1>, vector<16xf32>
      %add3A_664 = arith.addf %add3A_654, %select_n3A_663 : vector<16xf32>
      %select_n3A_665 = arith.select %gt3A_662, %broadcast_in_dim3A_288, %broadcast_in_dim3A_286 : vector<16xi1>, vector<16xf32>
      %add3A_666 = arith.addf %add3A_656, %select_n3A_665 : vector<16xf32>
      %add3A_667 = arith.constant 144 : i32
      %add3A_668 = arith.addi %mul3A_577, %add3A_667 : i32
      %get3A_669 = arith.index_cast %add3A_668 : i32 to index
      %get3A_670 = tpu.vector_load %arg5[%get3A_669] {strides = array<i32>} : memref<32768xf32, #tpu.memory_space<vmem>>, vector<16xf32>,
      %get3A_671 = vector.shape_cast %get3A_670 : vector<16xf32> to vector<16xf32>
      %gt3A_672 = arith.cmpf ogt, %get3A_671, %broadcast_in_dim3A_369 : vector<16xf32>
      %select_n3A_673 = arith.select %gt3A_672, %get3A_671, %broadcast_in_dim3A_286 : vector<16xi1>, vector<16xf32>
      %add3A_674 = arith.addf %add3A_664, %select_n3A_673 : vector<16xf32>
      %select_n3A_675 = arith.select %gt3A_672, %broadcast_in_dim3A_288, %broadcast_in_dim3A_286 : vector<16xi1>, vector<16xf32>
      %add3A_676 = arith.addf %add3A_666, %select_n3A_675 : vector<16xf32>
      %add3A_677 = arith.constant 160 : i32
      %add3A_678 = arith.addi %mul3A_577, %add3A_677 : i32
      %get3A_679 = arith.index_cast %add3A_678 : i32 to index
      %get3A_680 = tpu.vector_load %arg5[%get3A_679] {strides = array<i32>} : memref<32768xf32, #tpu.memory_space<vmem>>, vector<16xf32>,
      %get3A_681 = vector.shape_cast %get3A_680 : vector<16xf32> to vector<16xf32>
      %gt3A_682 = arith.cmpf ogt, %get3A_681, %broadcast_in_dim3A_369 : vector<16xf32>
      %select_n3A_683 = arith.select %gt3A_682, %get3A_681, %broadcast_in_dim3A_286 : vector<16xi1>, vector<16xf32>
      %add3A_684 = arith.addf %add3A_674, %select_n3A_683 : vector<16xf32>
      %select_n3A_685 = arith.select %gt3A_682, %broadcast_in_dim3A_288, %broadcast_in_dim3A_286 : vector<16xi1>, vector<16xf32>
      %add3A_686 = arith.addf %add3A_676, %select_n3A_685 : vector<16xf32>
      %add3A_687 = arith.constant 176 : i32
      %add3A_688 = arith.addi %mul3A_577, %add3A_687 : i32
      %get3A_689 = arith.index_cast %add3A_688 : i32 to index
      %get3A_690 = tpu.vector_load %arg5[%get3A_689] {strides = array<i32>} : memref<32768xf32, #tpu.memory_space<vmem>>, vector<16xf32>,
      %get3A_691 = vector.shape_cast %get3A_690 : vector<16xf32> to vector<16xf32>
      %gt3A_692 = arith.cmpf ogt, %get3A_691, %broadcast_in_dim3A_369 : vector<16xf32>
      %select_n3A_693 = arith.select %gt3A_692, %get3A_691, %broadcast_in_dim3A_286 : vector<16xi1>, vector<16xf32>
      %add3A_694 = arith.addf %add3A_684, %select_n3A_693 : vector<16xf32>
      %select_n3A_695 = arith.select %gt3A_692, %broadcast_in_dim3A_288, %broadcast_in_dim3A_286 : vector<16xi1>, vector<16xf32>
      %add3A_696 = arith.addf %add3A_686, %select_n3A_695 : vector<16xf32>
      %add3A_697 = arith.constant 192 : i32
      %add3A_698 = arith.addi %mul3A_577, %add3A_697 : i32
      %get3A_699 = arith.index_cast %add3A_698 : i32 to index
      %get3A_700 = tpu.vector_load %arg5[%get3A_699] {strides = array<i32>} : memref<32768xf32, #tpu.memory_space<vmem>>, vector<16xf32>,
      %get3A_701 = vector.shape_cast %get3A_700 : vector<16xf32> to vector<16xf32>
      %gt3A_702 = arith.cmpf ogt, %get3A_701, %broadcast_in_dim3A_369 : vector<16xf32>
      %select_n3A_703 = arith.select %gt3A_702, %get3A_701, %broadcast_in_dim3A_286 : vector<16xi1>, vector<16xf32>
      %add3A_704 = arith.addf %add3A_694, %select_n3A_703 : vector<16xf32>
      %select_n3A_705 = arith.select %gt3A_702, %broadcast_in_dim3A_288, %broadcast_in_dim3A_286 : vector<16xi1>, vector<16xf32>
      %add3A_706 = arith.addf %add3A_696, %select_n3A_705 : vector<16xf32>
      %add3A_707 = arith.constant 208 : i32
      %add3A_708 = arith.addi %mul3A_577, %add3A_707 : i32
      %get3A_709 = arith.index_cast %add3A_708 : i32 to index
      %get3A_710 = tpu.vector_load %arg5[%get3A_709] {strides = array<i32>} : memref<32768xf32, #tpu.memory_space<vmem>>, vector<16xf32>,
      %get3A_711 = vector.shape_cast %get3A_710 : vector<16xf32> to vector<16xf32>
      %gt3A_712 = arith.cmpf ogt, %get3A_711, %broadcast_in_dim3A_369 : vector<16xf32>
      %select_n3A_713 = arith.select %gt3A_712, %get3A_711, %broadcast_in_dim3A_286 : vector<16xi1>, vector<16xf32>
      %add3A_714 = arith.addf %add3A_704, %select_n3A_713 : vector<16xf32>
      %select_n3A_715 = arith.select %gt3A_712, %broadcast_in_dim3A_288, %broadcast_in_dim3A_286 : vector<16xi1>, vector<16xf32>
      %add3A_716 = arith.addf %add3A_706, %select_n3A_715 : vector<16xf32>
      %add3A_717 = arith.constant 224 : i32
      %add3A_718 = arith.addi %mul3A_577, %add3A_717 : i32
      %get3A_719 = arith.index_cast %add3A_718 : i32 to index
      %get3A_720 = tpu.vector_load %arg5[%get3A_719] {strides = array<i32>} : memref<32768xf32, #tpu.memory_space<vmem>>, vector<16xf32>,
      %get3A_721 = vector.shape_cast %get3A_720 : vector<16xf32> to vector<16xf32>
      %gt3A_722 = arith.cmpf ogt, %get3A_721, %broadcast_in_dim3A_369 : vector<16xf32>
      %select_n3A_723 = arith.select %gt3A_722, %get3A_721, %broadcast_in_dim3A_286 : vector<16xi1>, vector<16xf32>
      %add3A_724 = arith.addf %add3A_714, %select_n3A_723 : vector<16xf32>
      %select_n3A_725 = arith.select %gt3A_722, %broadcast_in_dim3A_288, %broadcast_in_dim3A_286 : vector<16xi1>, vector<16xf32>
      %add3A_726 = arith.addf %add3A_716, %select_n3A_725 : vector<16xf32>
      %add3A_727 = arith.constant 240 : i32
      %add3A_728 = arith.addi %mul3A_577, %add3A_727 : i32
      %get3A_729 = arith.index_cast %add3A_728 : i32 to index
      %get3A_730 = tpu.vector_load %arg5[%get3A_729] {strides = array<i32>} : memref<32768xf32, #tpu.memory_space<vmem>>, vector<16xf32>,
      %get3A_731 = vector.shape_cast %get3A_730 : vector<16xf32> to vector<16xf32>
      %gt3A_732 = arith.cmpf ogt, %get3A_731, %broadcast_in_dim3A_369 : vector<16xf32>
      %select_n3A_733 = arith.select %gt3A_732, %get3A_731, %broadcast_in_dim3A_286 : vector<16xi1>, vector<16xf32>
      %add3A_734 = arith.addf %add3A_724, %select_n3A_733 : vector<16xf32>
      %select_n3A_735 = arith.select %gt3A_732, %broadcast_in_dim3A_288, %broadcast_in_dim3A_286 : vector<16xi1>, vector<16xf32>
      %add3A_736 = arith.addf %add3A_726, %select_n3A_735 : vector<16xf32>
      scf.yield %add3A_734, %add3A_736 : vector<16xf32>, vector<16xf32>
    }
    %xor3A_381 = arith.constant 8 : i32
    %xor3A_382 = vector.broadcast %xor3A_381 : i32 to vector<16xi32>
    %xor3A_383 = arith.xori %iota3A, %xor3A_382 : vector<16xi32>
    %lt3A_384 = arith.constant 0 : i32
    %lt3A_385 = vector.broadcast %lt3A_384 : i32 to vector<16xi32>
    %lt3A_386 = arith.cmpi slt, %xor3A_383, %lt3A_385 : vector<16xi32>
    %add3A_387 = arith.constant 16 : i32
    %add3A_388 = vector.broadcast %add3A_387 : i32 to vector<16xi32>
    %add3A_389 = arith.addi %xor3A_383, %add3A_388 : vector<16xi32>
    %select_n3A_390 = arith.select %lt3A_386, %add3A_389, %xor3A_383 : vector<16xi1>, vector<16xi32>
    %broadcast_in_dim3A_391 = vector.shape_cast %select_n3A_390 : vector<16xi32> to vector<16x1xi32>
    %gather3A_392 = vector.shape_cast %broadcast_in_dim3A_391 : vector<16x1xi32> to vector<16xi32>
    %gather3A_393 = tpu.dynamic_gather %while3A_380#0[%gather3A_392] in [0] : vector<16xf32>, vector<16xi32> -> vector<16xf32>
    %add3A_394 = arith.addf %while3A_380#0, %gather3A_393 : vector<16xf32>
    %xor3A_395 = arith.constant 4 : i32
    %xor3A_396 = vector.broadcast %xor3A_395 : i32 to vector<16xi32>
    %xor3A_397 = arith.xori %iota3A, %xor3A_396 : vector<16xi32>
    %lt3A_398 = arith.constant 0 : i32
    %lt3A_399 = vector.broadcast %lt3A_398 : i32 to vector<16xi32>
    %lt3A_400 = arith.cmpi slt, %xor3A_397, %lt3A_399 : vector<16xi32>
    %add3A_401 = arith.constant 16 : i32
    %add3A_402 = vector.broadcast %add3A_401 : i32 to vector<16xi32>
    %add3A_403 = arith.addi %xor3A_397, %add3A_402 : vector<16xi32>
    %select_n3A_404 = arith.select %lt3A_400, %add3A_403, %xor3A_397 : vector<16xi1>, vector<16xi32>
    %broadcast_in_dim3A_405 = vector.shape_cast %select_n3A_404 : vector<16xi32> to vector<16x1xi32>
    %gather3A_406 = vector.shape_cast %broadcast_in_dim3A_405 : vector<16x1xi32> to vector<16xi32>
    %gather3A_407 = tpu.dynamic_gather %add3A_394[%gather3A_406] in [0] : vector<16xf32>, vector<16xi32> -> vector<16xf32>
    %add3A_408 = arith.addf %add3A_394, %gather3A_407 : vector<16xf32>
    %xor3A_409 = arith.constant 2 : i32
    %xor3A_410 = vector.broadcast %xor3A_409 : i32 to vector<16xi32>
    %xor3A_411 = arith.xori %iota3A, %xor3A_410 : vector<16xi32>
    %lt3A_412 = arith.constant 0 : i32
    %lt3A_413 = vector.broadcast %lt3A_412 : i32 to vector<16xi32>
    %lt3A_414 = arith.cmpi slt, %xor3A_411, %lt3A_413 : vector<16xi32>
    %add3A_415 = arith.constant 16 : i32
    %add3A_416 = vector.broadcast %add3A_415 : i32 to vector<16xi32>
    %add3A_417 = arith.addi %xor3A_411, %add3A_416 : vector<16xi32>
    %select_n3A_418 = arith.select %lt3A_414, %add3A_417, %xor3A_411 : vector<16xi1>, vector<16xi32>
    %broadcast_in_dim3A_419 = vector.shape_cast %select_n3A_418 : vector<16xi32> to vector<16x1xi32>
    %gather3A_420 = vector.shape_cast %broadcast_in_dim3A_419 : vector<16x1xi32> to vector<16xi32>
    %gather3A_421 = tpu.dynamic_gather %add3A_408[%gather3A_420] in [0] : vector<16xf32>, vector<16xi32> -> vector<16xf32>
    %add3A_422 = arith.addf %add3A_408, %gather3A_421 : vector<16xf32>
    %xor3A_423 = arith.constant 1 : i32
    %xor3A_424 = vector.broadcast %xor3A_423 : i32 to vector<16xi32>
    %xor3A_425 = arith.xori %iota3A, %xor3A_424 : vector<16xi32>
    %lt3A_426 = arith.constant 0 : i32
    %lt3A_427 = vector.broadcast %lt3A_426 : i32 to vector<16xi32>
    %lt3A_428 = arith.cmpi slt, %xor3A_425, %lt3A_427 : vector<16xi32>
    %add3A_429 = arith.constant 16 : i32
    %add3A_430 = vector.broadcast %add3A_429 : i32 to vector<16xi32>
    %add3A_431 = arith.addi %xor3A_425, %add3A_430 : vector<16xi32>
    %select_n3A_432 = arith.select %lt3A_428, %add3A_431, %xor3A_425 : vector<16xi1>, vector<16xi32>
    %broadcast_in_dim3A_433 = vector.shape_cast %select_n3A_432 : vector<16xi32> to vector<16x1xi32>
    %gather3A_434 = vector.shape_cast %broadcast_in_dim3A_433 : vector<16x1xi32> to vector<16xi32>
    %gather3A_435 = tpu.dynamic_gather %add3A_422[%gather3A_434] in [0] : vector<16xf32>, vector<16xi32> -> vector<16xf32>
    %add3A_436 = arith.addf %add3A_422, %gather3A_435 : vector<16xf32>
    %xor3A_437 = arith.constant 8 : i32
    %xor3A_438 = vector.broadcast %xor3A_437 : i32 to vector<16xi32>
    %xor3A_439 = arith.xori %iota3A, %xor3A_438 : vector<16xi32>
    %lt3A_440 = arith.constant 0 : i32
    %lt3A_441 = vector.broadcast %lt3A_440 : i32 to vector<16xi32>
    %lt3A_442 = arith.cmpi slt, %xor3A_439, %lt3A_441 : vector<16xi32>
    %add3A_443 = arith.constant 16 : i32
    %add3A_444 = vector.broadcast %add3A_443 : i32 to vector<16xi32>
    %add3A_445 = arith.addi %xor3A_439, %add3A_444 : vector<16xi32>
    %select_n3A_446 = arith.select %lt3A_442, %add3A_445, %xor3A_439 : vector<16xi1>, vector<16xi32>
    %broadcast_in_dim3A_447 = vector.shape_cast %select_n3A_446 : vector<16xi32> to vector<16x1xi32>
    %gather3A_448 = vector.shape_cast %broadcast_in_dim3A_447 : vector<16x1xi32> to vector<16xi32>
    %gather3A_449 = tpu.dynamic_gather %while3A_380#1[%gather3A_448] in [0] : vector<16xf32>, vector<16xi32> -> vector<16xf32>
    %add3A_450 = arith.addf %while3A_380#1, %gather3A_449 : vector<16xf32>
    %xor3A_451 = arith.constant 4 : i32
    %xor3A_452 = vector.broadcast %xor3A_451 : i32 to vector<16xi32>
    %xor3A_453 = arith.xori %iota3A, %xor3A_452 : vector<16xi32>
    %lt3A_454 = arith.constant 0 : i32
    %lt3A_455 = vector.broadcast %lt3A_454 : i32 to vector<16xi32>
    %lt3A_456 = arith.cmpi slt, %xor3A_453, %lt3A_455 : vector<16xi32>
    %add3A_457 = arith.constant 16 : i32
    %add3A_458 = vector.broadcast %add3A_457 : i32 to vector<16xi32>
    %add3A_459 = arith.addi %xor3A_453, %add3A_458 : vector<16xi32>
    %select_n3A_460 = arith.select %lt3A_456, %add3A_459, %xor3A_453 : vector<16xi1>, vector<16xi32>
    %broadcast_in_dim3A_461 = vector.shape_cast %select_n3A_460 : vector<16xi32> to vector<16x1xi32>
    %gather3A_462 = vector.shape_cast %broadcast_in_dim3A_461 : vector<16x1xi32> to vector<16xi32>
    %gather3A_463 = tpu.dynamic_gather %add3A_450[%gather3A_462] in [0] : vector<16xf32>, vector<16xi32> -> vector<16xf32>
    %add3A_464 = arith.addf %add3A_450, %gather3A_463 : vector<16xf32>
    %xor3A_465 = arith.constant 2 : i32
    %xor3A_466 = vector.broadcast %xor3A_465 : i32 to vector<16xi32>
    %xor3A_467 = arith.xori %iota3A, %xor3A_466 : vector<16xi32>
    %lt3A_468 = arith.constant 0 : i32
    %lt3A_469 = vector.broadcast %lt3A_468 : i32 to vector<16xi32>
    %lt3A_470 = arith.cmpi slt, %xor3A_467, %lt3A_469 : vector<16xi32>
    %add3A_471 = arith.constant 16 : i32
    %add3A_472 = vector.broadcast %add3A_471 : i32 to vector<16xi32>
    %add3A_473 = arith.addi %xor3A_467, %add3A_472 : vector<16xi32>
    %select_n3A_474 = arith.select %lt3A_470, %add3A_473, %xor3A_467 : vector<16xi1>, vector<16xi32>
    %broadcast_in_dim3A_475 = vector.shape_cast %select_n3A_474 : vector<16xi32> to vector<16x1xi32>
    %gather3A_476 = vector.shape_cast %broadcast_in_dim3A_475 : vector<16x1xi32> to vector<16xi32>
    %gather3A_477 = tpu.dynamic_gather %add3A_464[%gather3A_476] in [0] : vector<16xf32>, vector<16xi32> -> vector<16xf32>
    %add3A_478 = arith.addf %add3A_464, %gather3A_477 : vector<16xf32>
    %xor3A_479 = arith.constant 1 : i32
    %xor3A_480 = vector.broadcast %xor3A_479 : i32 to vector<16xi32>
    %xor3A_481 = arith.xori %iota3A, %xor3A_480 : vector<16xi32>
    %lt3A_482 = arith.constant 0 : i32
    %lt3A_483 = vector.broadcast %lt3A_482 : i32 to vector<16xi32>
    %lt3A_484 = arith.cmpi slt, %xor3A_481, %lt3A_483 : vector<16xi32>
    %add3A_485 = arith.constant 16 : i32
    %add3A_486 = vector.broadcast %add3A_485 : i32 to vector<16xi32>
    %add3A_487 = arith.addi %xor3A_481, %add3A_486 : vector<16xi32>
    %select_n3A_488 = arith.select %lt3A_484, %add3A_487, %xor3A_481 : vector<16xi1>, vector<16xi32>
    %broadcast_in_dim3A_489 = vector.shape_cast %select_n3A_488 : vector<16xi32> to vector<16x1xi32>
    %gather3A_490 = vector.shape_cast %broadcast_in_dim3A_489 : vector<16x1xi32> to vector<16xi32>
    %gather3A_491 = tpu.dynamic_gather %add3A_478[%gather3A_490] in [0] : vector<16xf32>, vector<16xi32> -> vector<16xf32>
    %add3A_492 = arith.addf %add3A_478, %gather3A_491 : vector<16xf32>
    %max3A_493 = arith.maximumf %add3A_492, %broadcast_in_dim3A_288 : vector<16xf32>
    %sub3A_494 = arith.constant 1.000000e+00 : f32
    %sub3A_495 = vector.broadcast %sub3A_494 : f32 to vector<16xf32>
    %sub3A_496 = arith.subf %add3A_436, %sub3A_495 : vector<16xf32>
    %div3A_497 = arith.divf %sub3A_496, %max3A_493 : vector<16xf32>
    %slice3A_498 = vector.extract_strided_slice %div3A_497 {offsets = [0], sizes = [1], strides = [1]} : vector<16xf32> to vector<1xf32>
    %squeeze3A_499 = vector.extract %slice3A_498[0] : f32 from vector<1xf32>
    %eq3A_500 = arith.constant 1 : i32
    %eq3A_501 = arith.constant 1 : i32
    %eq3A_502 = arith.cmpi eq, %eq3A_500, %eq3A_501 : i32
    %select_n3A_503 = arith.select %eq3A_502, %squeeze3A_499, %sub3A_356 : f32
    %ne3A_504 = arith.cmpf one, %squeeze3A_499, %sub3A_356 : f32
    %and3A_505 = arith.andi %eq3A_502, %ne3A_504 : i1
    %jit3A_506 = arith.constant 1 : i32
    %jit3A_507 = arith.constant 0 : i32
    %select_n3A_508 = arith.select %and3A_505, %jit3A_506, %jit3A_507 : i32
    %while3A_509 = arith.constant 0 : i32
    %while3A_510 = arith.constant 0 : i32
    %while3A_511 = arith.subi %scan3A_362, %while3A_509 : i32
    %while3A_512 = arith.addi %while3A_509, %while3A_511 : i32
    %while3A_513 = arith.constant 1 : i32
    %while3A_514 = arith.divsi %while3A_511, %while3A_513 : i32
    %while3A_515 = arith.muli %while3A_514, %while3A_513 : i32
    %while3A_516 = arith.addi %while3A_509, %while3A_515 : i32
    %while3A_517 = arith.constant 1 : i32
    %while3A_518 = scf.for %while3A_572 = %while3A_509 to %while3A_516 step %while3A_517 iter_args(%while3A_573 = %while3A_510) -> (i32)  : i32 {
      %get3A = arith.index_cast %while3A_572 : i32 to index
      %get3A_574 = memref.load %arg9[%get3A] : memref<128xi32, #tpu.memory_space<smem>>
      %mul3A_575 = arith.constant 16 : i32
      %mul3A_576 = arith.muli %get3A_574, %mul3A_575 : i32
      %get3A_577 = arith.index_cast %mul3A_576 : i32 to index
      %get3A_578 = tpu.vector_load %arg7[%get3A_577] {strides = array<i32>} : memref<2048xf32, #tpu.memory_space<vmem>>, vector<16xf32>,
      %get3A_579 = vector.shape_cast %get3A_578 : vector<16xf32> to vector<16xf32>
      %xor3A_580 = arith.constant 8 : i32
      %xor3A_581 = vector.broadcast %xor3A_580 : i32 to vector<16xi32>
      %xor3A_582 = arith.xori %iota3A, %xor3A_581 : vector<16xi32>
      %lt3A_583 = arith.constant 0 : i32
      %lt3A_584 = vector.broadcast %lt3A_583 : i32 to vector<16xi32>
      %lt3A_585 = arith.cmpi slt, %xor3A_582, %lt3A_584 : vector<16xi32>
      %add3A_586 = arith.constant 16 : i32
      %add3A_587 = vector.broadcast %add3A_586 : i32 to vector<16xi32>
      %add3A_588 = arith.addi %xor3A_582, %add3A_587 : vector<16xi32>
      %select_n3A_589 = arith.select %lt3A_585, %add3A_588, %xor3A_582 : vector<16xi1>, vector<16xi32>
      %broadcast_in_dim3A_590 = vector.shape_cast %select_n3A_589 : vector<16xi32> to vector<16x1xi32>
      %gather3A_591 = vector.shape_cast %broadcast_in_dim3A_590 : vector<16x1xi32> to vector<16xi32>
      %gather3A_592 = tpu.dynamic_gather %get3A_579[%gather3A_591] in [0] : vector<16xf32>, vector<16xi32> -> vector<16xf32>
      %max3A_593 = arith.maximumf %get3A_579, %gather3A_592 : vector<16xf32>
      %xor3A_594 = arith.constant 4 : i32
      %xor3A_595 = vector.broadcast %xor3A_594 : i32 to vector<16xi32>
      %xor3A_596 = arith.xori %iota3A, %xor3A_595 : vector<16xi32>
      %lt3A_597 = arith.constant 0 : i32
      %lt3A_598 = vector.broadcast %lt3A_597 : i32 to vector<16xi32>
      %lt3A_599 = arith.cmpi slt, %xor3A_596, %lt3A_598 : vector<16xi32>
      %add3A_600 = arith.constant 16 : i32
      %add3A_601 = vector.broadcast %add3A_600 : i32 to vector<16xi32>
      %add3A_602 = arith.addi %xor3A_596, %add3A_601 : vector<16xi32>
      %select_n3A_603 = arith.select %lt3A_599, %add3A_602, %xor3A_596 : vector<16xi1>, vector<16xi32>
      %broadcast_in_dim3A_604 = vector.shape_cast %select_n3A_603 : vector<16xi32> to vector<16x1xi32>
      %gather3A_605 = vector.shape_cast %broadcast_in_dim3A_604 : vector<16x1xi32> to vector<16xi32>
      %gather3A_606 = tpu.dynamic_gather %max3A_593[%gather3A_605] in [0] : vector<16xf32>, vector<16xi32> -> vector<16xf32>
      %max3A_607 = arith.maximumf %max3A_593, %gather3A_606 : vector<16xf32>
      %xor3A_608 = arith.constant 2 : i32
      %xor3A_609 = vector.broadcast %xor3A_608 : i32 to vector<16xi32>
      %xor3A_610 = arith.xori %iota3A, %xor3A_609 : vector<16xi32>
      %lt3A_611 = arith.constant 0 : i32
      %lt3A_612 = vector.broadcast %lt3A_611 : i32 to vector<16xi32>
      %lt3A_613 = arith.cmpi slt, %xor3A_610, %lt3A_612 : vector<16xi32>
      %add3A_614 = arith.constant 16 : i32
      %add3A_615 = vector.broadcast %add3A_614 : i32 to vector<16xi32>
      %add3A_616 = arith.addi %xor3A_610, %add3A_615 : vector<16xi32>
      %select_n3A_617 = arith.select %lt3A_613, %add3A_616, %xor3A_610 : vector<16xi1>, vector<16xi32>
      %broadcast_in_dim3A_618 = vector.shape_cast %select_n3A_617 : vector<16xi32> to vector<16x1xi32>
      %gather3A_619 = vector.shape_cast %broadcast_in_dim3A_618 : vector<16x1xi32> to vector<16xi32>
      %gather3A_620 = tpu.dynamic_gather %max3A_607[%gather3A_619] in [0] : vector<16xf32>, vector<16xi32> -> vector<16xf32>
      %max3A_621 = arith.maximumf %max3A_607, %gather3A_620 : vector<16xf32>
      %xor3A_622 = arith.constant 1 : i32
      %xor3A_623 = vector.broadcast %xor3A_622 : i32 to vector<16xi32>
      %xor3A_624 = arith.xori %iota3A, %xor3A_623 : vector<16xi32>
      %lt3A_625 = arith.constant 0 : i32
      %lt3A_626 = vector.broadcast %lt3A_625 : i32 to vector<16xi32>
      %lt3A_627 = arith.cmpi slt, %xor3A_624, %lt3A_626 : vector<16xi32>
      %add3A_628 = arith.constant 16 : i32
      %add3A_629 = vector.broadcast %add3A_628 : i32 to vector<16xi32>
      %add3A_630 = arith.addi %xor3A_624, %add3A_629 : vector<16xi32>
      %select_n3A_631 = arith.select %lt3A_627, %add3A_630, %xor3A_624 : vector<16xi1>, vector<16xi32>
      %broadcast_in_dim3A_632 = vector.shape_cast %select_n3A_631 : vector<16xi32> to vector<16x1xi32>
      %gather3A_633 = vector.shape_cast %broadcast_in_dim3A_632 : vector<16x1xi32> to vector<16xi32>
      %gather3A_634 = tpu.dynamic_gather %max3A_621[%gather3A_633] in [0] : vector<16xf32>, vector<16xi32> -> vector<16xf32>
      %max3A_635 = arith.maximumf %max3A_621, %gather3A_634 : vector<16xf32>
      %slice3A_636 = vector.extract_strided_slice %max3A_635 {offsets = [0], sizes = [1], strides = [1]} : vector<16xf32> to vector<1xf32>
      %squeeze3A_637 = vector.extract %slice3A_636[0] : f32 from vector<1xf32>
      %gt3A = arith.cmpf ogt, %squeeze3A_637, %select_n3A_503 : f32
      %convert_element_type3A = arith.extui %gt3A : i1 to i32
      %cond3A = arith.constant 0 : i32
      %cond3A_638 = arith.cmpi ne, %convert_element_type3A, %cond3A : i32
      scf.if %cond3A_638 {
        %swap3A = arith.index_cast %while3A_573 : i32 to index
        %swap3A_643 = memref.load %arg9[%swap3A] : memref<128xi32, #tpu.memory_space<smem>>
        memref.store %get3A_574, %arg9[%swap3A] : memref<128xi32, #tpu.memory_space<smem>>
      } else {
      }
      %jit3A_639 = arith.constant 1 : i32
      %jit3A_640 = arith.constant 0 : i32
      %select_n3A_641 = arith.select %gt3A, %jit3A_639, %jit3A_640 : i32
      %add3A_642 = arith.addi %while3A_573, %select_n3A_641 : i32
      scf.yield %add3A_642 : i32
    }
    %while3A_519 = arith.constant 1 : i32
    %while3A_520 = scf.for %while3A_572 = %while3A_516 to %while3A_512 step %while3A_519 iter_args(%while3A_573 = %while3A_518) -> (i32)  : i32 {
      %get3A = arith.index_cast %while3A_572 : i32 to index
      %get3A_574 = memref.load %arg9[%get3A] : memref<128xi32, #tpu.memory_space<smem>>
      %mul3A_575 = arith.constant 16 : i32
      %mul3A_576 = arith.muli %get3A_574, %mul3A_575 : i32
      %get3A_577 = arith.index_cast %mul3A_576 : i32 to index
      %get3A_578 = tpu.vector_load %arg7[%get3A_577] {strides = array<i32>} : memref<2048xf32, #tpu.memory_space<vmem>>, vector<16xf32>,
      %get3A_579 = vector.shape_cast %get3A_578 : vector<16xf32> to vector<16xf32>
      %xor3A_580 = arith.constant 8 : i32
      %xor3A_581 = vector.broadcast %xor3A_580 : i32 to vector<16xi32>
      %xor3A_582 = arith.xori %iota3A, %xor3A_581 : vector<16xi32>
      %lt3A_583 = arith.constant 0 : i32
      %lt3A_584 = vector.broadcast %lt3A_583 : i32 to vector<16xi32>
      %lt3A_585 = arith.cmpi slt, %xor3A_582, %lt3A_584 : vector<16xi32>
      %add3A_586 = arith.constant 16 : i32
      %add3A_587 = vector.broadcast %add3A_586 : i32 to vector<16xi32>
      %add3A_588 = arith.addi %xor3A_582, %add3A_587 : vector<16xi32>
      %select_n3A_589 = arith.select %lt3A_585, %add3A_588, %xor3A_582 : vector<16xi1>, vector<16xi32>
      %broadcast_in_dim3A_590 = vector.shape_cast %select_n3A_589 : vector<16xi32> to vector<16x1xi32>
      %gather3A_591 = vector.shape_cast %broadcast_in_dim3A_590 : vector<16x1xi32> to vector<16xi32>
      %gather3A_592 = tpu.dynamic_gather %get3A_579[%gather3A_591] in [0] : vector<16xf32>, vector<16xi32> -> vector<16xf32>
      %max3A_593 = arith.maximumf %get3A_579, %gather3A_592 : vector<16xf32>
      %xor3A_594 = arith.constant 4 : i32
      %xor3A_595 = vector.broadcast %xor3A_594 : i32 to vector<16xi32>
      %xor3A_596 = arith.xori %iota3A, %xor3A_595 : vector<16xi32>
      %lt3A_597 = arith.constant 0 : i32
      %lt3A_598 = vector.broadcast %lt3A_597 : i32 to vector<16xi32>
      %lt3A_599 = arith.cmpi slt, %xor3A_596, %lt3A_598 : vector<16xi32>
      %add3A_600 = arith.constant 16 : i32
      %add3A_601 = vector.broadcast %add3A_600 : i32 to vector<16xi32>
      %add3A_602 = arith.addi %xor3A_596, %add3A_601 : vector<16xi32>
      %select_n3A_603 = arith.select %lt3A_599, %add3A_602, %xor3A_596 : vector<16xi1>, vector<16xi32>
      %broadcast_in_dim3A_604 = vector.shape_cast %select_n3A_603 : vector<16xi32> to vector<16x1xi32>
      %gather3A_605 = vector.shape_cast %broadcast_in_dim3A_604 : vector<16x1xi32> to vector<16xi32>
      %gather3A_606 = tpu.dynamic_gather %max3A_593[%gather3A_605] in [0] : vector<16xf32>, vector<16xi32> -> vector<16xf32>
      %max3A_607 = arith.maximumf %max3A_593, %gather3A_606 : vector<16xf32>
      %xor3A_608 = arith.constant 2 : i32
      %xor3A_609 = vector.broadcast %xor3A_608 : i32 to vector<16xi32>
      %xor3A_610 = arith.xori %iota3A, %xor3A_609 : vector<16xi32>
      %lt3A_611 = arith.constant 0 : i32
      %lt3A_612 = vector.broadcast %lt3A_611 : i32 to vector<16xi32>
      %lt3A_613 = arith.cmpi slt, %xor3A_610, %lt3A_612 : vector<16xi32>
      %add3A_614 = arith.constant 16 : i32
      %add3A_615 = vector.broadcast %add3A_614 : i32 to vector<16xi32>
      %add3A_616 = arith.addi %xor3A_610, %add3A_615 : vector<16xi32>
      %select_n3A_617 = arith.select %lt3A_613, %add3A_616, %xor3A_610 : vector<16xi1>, vector<16xi32>
      %broadcast_in_dim3A_618 = vector.shape_cast %select_n3A_617 : vector<16xi32> to vector<16x1xi32>
      %gather3A_619 = vector.shape_cast %broadcast_in_dim3A_618 : vector<16x1xi32> to vector<16xi32>
      %gather3A_620 = tpu.dynamic_gather %max3A_607[%gather3A_619] in [0] : vector<16xf32>, vector<16xi32> -> vector<16xf32>
      %max3A_621 = arith.maximumf %max3A_607, %gather3A_620 : vector<16xf32>
      %xor3A_622 = arith.constant 1 : i32
      %xor3A_623 = vector.broadcast %xor3A_622 : i32 to vector<16xi32>
      %xor3A_624 = arith.xori %iota3A, %xor3A_623 : vector<16xi32>
      %lt3A_625 = arith.constant 0 : i32
      %lt3A_626 = vector.broadcast %lt3A_625 : i32 to vector<16xi32>
      %lt3A_627 = arith.cmpi slt, %xor3A_624, %lt3A_626 : vector<16xi32>
      %add3A_628 = arith.constant 16 : i32
      %add3A_629 = vector.broadcast %add3A_628 : i32 to vector<16xi32>
      %add3A_630 = arith.addi %xor3A_624, %add3A_629 : vector<16xi32>
      %select_n3A_631 = arith.select %lt3A_627, %add3A_630, %xor3A_624 : vector<16xi1>, vector<16xi32>
      %broadcast_in_dim3A_632 = vector.shape_cast %select_n3A_631 : vector<16xi32> to vector<16x1xi32>
      %gather3A_633 = vector.shape_cast %broadcast_in_dim3A_632 : vector<16x1xi32> to vector<16xi32>
      %gather3A_634 = tpu.dynamic_gather %max3A_621[%gather3A_633] in [0] : vector<16xf32>, vector<16xi32> -> vector<16xf32>
      %max3A_635 = arith.maximumf %max3A_621, %gather3A_634 : vector<16xf32>
      %slice3A_636 = vector.extract_strided_slice %max3A_635 {offsets = [0], sizes = [1], strides = [1]} : vector<16xf32> to vector<1xf32>
      %squeeze3A_637 = vector.extract %slice3A_636[0] : f32 from vector<1xf32>
      %gt3A = arith.cmpf ogt, %squeeze3A_637, %select_n3A_503 : f32
      %convert_element_type3A = arith.extui %gt3A : i1 to i32
      %cond3A = arith.constant 0 : i32
      %cond3A_638 = arith.cmpi ne, %convert_element_type3A, %cond3A : i32
      scf.if %cond3A_638 {
        %swap3A = arith.index_cast %while3A_573 : i32 to index
        %swap3A_643 = memref.load %arg9[%swap3A] : memref<128xi32, #tpu.memory_space<smem>>
        memref.store %get3A_574, %arg9[%swap3A] : memref<128xi32, #tpu.memory_space<smem>>
      } else {
      }
      %jit3A_639 = arith.constant 1 : i32
      %jit3A_640 = arith.constant 0 : i32
      %select_n3A_641 = arith.select %gt3A, %jit3A_639, %jit3A_640 : i32
      %add3A_642 = arith.addi %while3A_573, %select_n3A_641 : i32
      scf.yield %add3A_642 : i32
    }
    %scan3A_521 = arith.constant 0 : i32
    %scan3A_522 = arith.constant 19 : i32
    %scan3A_523 = arith.addi %scan3A_521, %scan3A_522 : i32
    %scan3A_524 = arith.constant 1 : i32
    %scan3A_525:2 = scf.for %scan3A_572 = %scan3A_521 to %scan3A_523 step %scan3A_524 iter_args(%scan3A_573 = %select_n3A_503, %scan3A_574 = %select_n3A_508) -> (f32, i32)  : i32 {
      %eq3A_575 = arith.constant 1 : i32
      %eq3A_576 = arith.cmpi eq, %scan3A_574, %eq3A_575 : i32
      %jit3A_577 = arith.constant 0 : i32
      %select_n3A_578 = arith.select %eq3A_576, %while3A_520, %jit3A_577 : i32
      %broadcast_in_dim3A_579 = vector.broadcast %scan3A_573 : f32 to vector<16xf32>
      %while3A_580 = arith.constant 0 : i32
      %while3A_581 = arith.subi %select_n3A_578, %while3A_580 : i32
      %while3A_582 = arith.addi %while3A_580, %while3A_581 : i32
      %while3A_583 = arith.constant 1 : i32
      %while3A_584 = arith.divsi %while3A_581, %while3A_583 : i32
      %while3A_585 = arith.muli %while3A_584, %while3A_583 : i32
      %while3A_586 = arith.addi %while3A_580, %while3A_585 : i32
      %while3A_587 = arith.constant 1 : i32
      %while3A_588:2 = scf.for %while3A_718 = %while3A_580 to %while3A_586 step %while3A_587 iter_args(%while3A_719 = %broadcast_in_dim3A_286, %while3A_720 = %broadcast_in_dim3A_286) -> (vector<16xf32>, vector<16xf32>)  : i32 {
        %get3A = arith.index_cast %while3A_718 : i32 to index
        %get3A_721 = memref.load %arg9[%get3A] : memref<128xi32, #tpu.memory_space<smem>>
        %mul3A_722 = arith.constant 256 : i32
        %mul3A_723 = arith.muli %get3A_721, %mul3A_722 : i32
        %add3A_724 = arith.constant 0 : i32
        %add3A_725 = arith.addi %mul3A_723, %add3A_724 : i32
        %get3A_726 = arith.index_cast %add3A_725 : i32 to index
        %get3A_727 = tpu.vector_load %arg5[%get3A_726] {strides = array<i32>} : memref<32768xf32, #tpu.memory_space<vmem>>, vector<16xf32>,
        %get3A_728 = vector.shape_cast %get3A_727 : vector<16xf32> to vector<16xf32>
        %gt3A = arith.cmpf ogt, %get3A_728, %broadcast_in_dim3A_579 : vector<16xf32>
        %select_n3A_729 = arith.select %gt3A, %get3A_728, %broadcast_in_dim3A_286 : vector<16xi1>, vector<16xf32>
        %add3A_730 = arith.addf %while3A_719, %select_n3A_729 : vector<16xf32>
        %select_n3A_731 = arith.select %gt3A, %broadcast_in_dim3A_288, %broadcast_in_dim3A_286 : vector<16xi1>, vector<16xf32>
        %add3A_732 = arith.addf %while3A_720, %select_n3A_731 : vector<16xf32>
        %add3A_733 = arith.constant 16 : i32
        %add3A_734 = arith.addi %mul3A_723, %add3A_733 : i32
        %get3A_735 = arith.index_cast %add3A_734 : i32 to index
        %get3A_736 = tpu.vector_load %arg5[%get3A_735] {strides = array<i32>} : memref<32768xf32, #tpu.memory_space<vmem>>, vector<16xf32>,
        %get3A_737 = vector.shape_cast %get3A_736 : vector<16xf32> to vector<16xf32>
        %gt3A_738 = arith.cmpf ogt, %get3A_737, %broadcast_in_dim3A_579 : vector<16xf32>
        %select_n3A_739 = arith.select %gt3A_738, %get3A_737, %broadcast_in_dim3A_286 : vector<16xi1>, vector<16xf32>
        %add3A_740 = arith.addf %add3A_730, %select_n3A_739 : vector<16xf32>
        %select_n3A_741 = arith.select %gt3A_738, %broadcast_in_dim3A_288, %broadcast_in_dim3A_286 : vector<16xi1>, vector<16xf32>
        %add3A_742 = arith.addf %add3A_732, %select_n3A_741 : vector<16xf32>
        %add3A_743 = arith.constant 32 : i32
        %add3A_744 = arith.addi %mul3A_723, %add3A_743 : i32
        %get3A_745 = arith.index_cast %add3A_744 : i32 to index
        %get3A_746 = tpu.vector_load %arg5[%get3A_745] {strides = array<i32>} : memref<32768xf32, #tpu.memory_space<vmem>>, vector<16xf32>,
        %get3A_747 = vector.shape_cast %get3A_746 : vector<16xf32> to vector<16xf32>
        %gt3A_748 = arith.cmpf ogt, %get3A_747, %broadcast_in_dim3A_579 : vector<16xf32>
        %select_n3A_749 = arith.select %gt3A_748, %get3A_747, %broadcast_in_dim3A_286 : vector<16xi1>, vector<16xf32>
        %add3A_750 = arith.addf %add3A_740, %select_n3A_749 : vector<16xf32>
        %select_n3A_751 = arith.select %gt3A_748, %broadcast_in_dim3A_288, %broadcast_in_dim3A_286 : vector<16xi1>, vector<16xf32>
        %add3A_752 = arith.addf %add3A_742, %select_n3A_751 : vector<16xf32>
        %add3A_753 = arith.constant 48 : i32
        %add3A_754 = arith.addi %mul3A_723, %add3A_753 : i32
        %get3A_755 = arith.index_cast %add3A_754 : i32 to index
        %get3A_756 = tpu.vector_load %arg5[%get3A_755] {strides = array<i32>} : memref<32768xf32, #tpu.memory_space<vmem>>, vector<16xf32>,
        %get3A_757 = vector.shape_cast %get3A_756 : vector<16xf32> to vector<16xf32>
        %gt3A_758 = arith.cmpf ogt, %get3A_757, %broadcast_in_dim3A_579 : vector<16xf32>
        %select_n3A_759 = arith.select %gt3A_758, %get3A_757, %broadcast_in_dim3A_286 : vector<16xi1>, vector<16xf32>
        %add3A_760 = arith.addf %add3A_750, %select_n3A_759 : vector<16xf32>
        %select_n3A_761 = arith.select %gt3A_758, %broadcast_in_dim3A_288, %broadcast_in_dim3A_286 : vector<16xi1>, vector<16xf32>
        %add3A_762 = arith.addf %add3A_752, %select_n3A_761 : vector<16xf32>
        %add3A_763 = arith.constant 64 : i32
        %add3A_764 = arith.addi %mul3A_723, %add3A_763 : i32
        %get3A_765 = arith.index_cast %add3A_764 : i32 to index
        %get3A_766 = tpu.vector_load %arg5[%get3A_765] {strides = array<i32>} : memref<32768xf32, #tpu.memory_space<vmem>>, vector<16xf32>,
        %get3A_767 = vector.shape_cast %get3A_766 : vector<16xf32> to vector<16xf32>
        %gt3A_768 = arith.cmpf ogt, %get3A_767, %broadcast_in_dim3A_579 : vector<16xf32>
        %select_n3A_769 = arith.select %gt3A_768, %get3A_767, %broadcast_in_dim3A_286 : vector<16xi1>, vector<16xf32>
        %add3A_770 = arith.addf %add3A_760, %select_n3A_769 : vector<16xf32>
        %select_n3A_771 = arith.select %gt3A_768, %broadcast_in_dim3A_288, %broadcast_in_dim3A_286 : vector<16xi1>, vector<16xf32>
        %add3A_772 = arith.addf %add3A_762, %select_n3A_771 : vector<16xf32>
        %add3A_773 = arith.constant 80 : i32
        %add3A_774 = arith.addi %mul3A_723, %add3A_773 : i32
        %get3A_775 = arith.index_cast %add3A_774 : i32 to index
        %get3A_776 = tpu.vector_load %arg5[%get3A_775] {strides = array<i32>} : memref<32768xf32, #tpu.memory_space<vmem>>, vector<16xf32>,
        %get3A_777 = vector.shape_cast %get3A_776 : vector<16xf32> to vector<16xf32>
        %gt3A_778 = arith.cmpf ogt, %get3A_777, %broadcast_in_dim3A_579 : vector<16xf32>
        %select_n3A_779 = arith.select %gt3A_778, %get3A_777, %broadcast_in_dim3A_286 : vector<16xi1>, vector<16xf32>
        %add3A_780 = arith.addf %add3A_770, %select_n3A_779 : vector<16xf32>
        %select_n3A_781 = arith.select %gt3A_778, %broadcast_in_dim3A_288, %broadcast_in_dim3A_286 : vector<16xi1>, vector<16xf32>
        %add3A_782 = arith.addf %add3A_772, %select_n3A_781 : vector<16xf32>
        %add3A_783 = arith.constant 96 : i32
        %add3A_784 = arith.addi %mul3A_723, %add3A_783 : i32
        %get3A_785 = arith.index_cast %add3A_784 : i32 to index
        %get3A_786 = tpu.vector_load %arg5[%get3A_785] {strides = array<i32>} : memref<32768xf32, #tpu.memory_space<vmem>>, vector<16xf32>,
        %get3A_787 = vector.shape_cast %get3A_786 : vector<16xf32> to vector<16xf32>
        %gt3A_788 = arith.cmpf ogt, %get3A_787, %broadcast_in_dim3A_579 : vector<16xf32>
        %select_n3A_789 = arith.select %gt3A_788, %get3A_787, %broadcast_in_dim3A_286 : vector<16xi1>, vector<16xf32>
        %add3A_790 = arith.addf %add3A_780, %select_n3A_789 : vector<16xf32>
        %select_n3A_791 = arith.select %gt3A_788, %broadcast_in_dim3A_288, %broadcast_in_dim3A_286 : vector<16xi1>, vector<16xf32>
        %add3A_792 = arith.addf %add3A_782, %select_n3A_791 : vector<16xf32>
        %add3A_793 = arith.constant 112 : i32
        %add3A_794 = arith.addi %mul3A_723, %add3A_793 : i32
        %get3A_795 = arith.index_cast %add3A_794 : i32 to index
        %get3A_796 = tpu.vector_load %arg5[%get3A_795] {strides = array<i32>} : memref<32768xf32, #tpu.memory_space<vmem>>, vector<16xf32>,
        %get3A_797 = vector.shape_cast %get3A_796 : vector<16xf32> to vector<16xf32>
        %gt3A_798 = arith.cmpf ogt, %get3A_797, %broadcast_in_dim3A_579 : vector<16xf32>
        %select_n3A_799 = arith.select %gt3A_798, %get3A_797, %broadcast_in_dim3A_286 : vector<16xi1>, vector<16xf32>
        %add3A_800 = arith.addf %add3A_790, %select_n3A_799 : vector<16xf32>
        %select_n3A_801 = arith.select %gt3A_798, %broadcast_in_dim3A_288, %broadcast_in_dim3A_286 : vector<16xi1>, vector<16xf32>
        %add3A_802 = arith.addf %add3A_792, %select_n3A_801 : vector<16xf32>
        %add3A_803 = arith.constant 128 : i32
        %add3A_804 = arith.addi %mul3A_723, %add3A_803 : i32
        %get3A_805 = arith.index_cast %add3A_804 : i32 to index
        %get3A_806 = tpu.vector_load %arg5[%get3A_805] {strides = array<i32>} : memref<32768xf32, #tpu.memory_space<vmem>>, vector<16xf32>,
        %get3A_807 = vector.shape_cast %get3A_806 : vector<16xf32> to vector<16xf32>
        %gt3A_808 = arith.cmpf ogt, %get3A_807, %broadcast_in_dim3A_579 : vector<16xf32>
        %select_n3A_809 = arith.select %gt3A_808, %get3A_807, %broadcast_in_dim3A_286 : vector<16xi1>, vector<16xf32>
        %add3A_810 = arith.addf %add3A_800, %select_n3A_809 : vector<16xf32>
        %select_n3A_811 = arith.select %gt3A_808, %broadcast_in_dim3A_288, %broadcast_in_dim3A_286 : vector<16xi1>, vector<16xf32>
        %add3A_812 = arith.addf %add3A_802, %select_n3A_811 : vector<16xf32>
        %add3A_813 = arith.constant 144 : i32
        %add3A_814 = arith.addi %mul3A_723, %add3A_813 : i32
        %get3A_815 = arith.index_cast %add3A_814 : i32 to index
        %get3A_816 = tpu.vector_load %arg5[%get3A_815] {strides = array<i32>} : memref<32768xf32, #tpu.memory_space<vmem>>, vector<16xf32>,
        %get3A_817 = vector.shape_cast %get3A_816 : vector<16xf32> to vector<16xf32>
        %gt3A_818 = arith.cmpf ogt, %get3A_817, %broadcast_in_dim3A_579 : vector<16xf32>
        %select_n3A_819 = arith.select %gt3A_818, %get3A_817, %broadcast_in_dim3A_286 : vector<16xi1>, vector<16xf32>
        %add3A_820 = arith.addf %add3A_810, %select_n3A_819 : vector<16xf32>
        %select_n3A_821 = arith.select %gt3A_818, %broadcast_in_dim3A_288, %broadcast_in_dim3A_286 : vector<16xi1>, vector<16xf32>
        %add3A_822 = arith.addf %add3A_812, %select_n3A_821 : vector<16xf32>
        %add3A_823 = arith.constant 160 : i32
        %add3A_824 = arith.addi %mul3A_723, %add3A_823 : i32
        %get3A_825 = arith.index_cast %add3A_824 : i32 to index
        %get3A_826 = tpu.vector_load %arg5[%get3A_825] {strides = array<i32>} : memref<32768xf32, #tpu.memory_space<vmem>>, vector<16xf32>,
        %get3A_827 = vector.shape_cast %get3A_826 : vector<16xf32> to vector<16xf32>
        %gt3A_828 = arith.cmpf ogt, %get3A_827, %broadcast_in_dim3A_579 : vector<16xf32>
        %select_n3A_829 = arith.select %gt3A_828, %get3A_827, %broadcast_in_dim3A_286 : vector<16xi1>, vector<16xf32>
        %add3A_830 = arith.addf %add3A_820, %select_n3A_829 : vector<16xf32>
        %select_n3A_831 = arith.select %gt3A_828, %broadcast_in_dim3A_288, %broadcast_in_dim3A_286 : vector<16xi1>, vector<16xf32>
        %add3A_832 = arith.addf %add3A_822, %select_n3A_831 : vector<16xf32>
        %add3A_833 = arith.constant 176 : i32
        %add3A_834 = arith.addi %mul3A_723, %add3A_833 : i32
        %get3A_835 = arith.index_cast %add3A_834 : i32 to index
        %get3A_836 = tpu.vector_load %arg5[%get3A_835] {strides = array<i32>} : memref<32768xf32, #tpu.memory_space<vmem>>, vector<16xf32>,
        %get3A_837 = vector.shape_cast %get3A_836 : vector<16xf32> to vector<16xf32>
        %gt3A_838 = arith.cmpf ogt, %get3A_837, %broadcast_in_dim3A_579 : vector<16xf32>
        %select_n3A_839 = arith.select %gt3A_838, %get3A_837, %broadcast_in_dim3A_286 : vector<16xi1>, vector<16xf32>
        %add3A_840 = arith.addf %add3A_830, %select_n3A_839 : vector<16xf32>
        %select_n3A_841 = arith.select %gt3A_838, %broadcast_in_dim3A_288, %broadcast_in_dim3A_286 : vector<16xi1>, vector<16xf32>
        %add3A_842 = arith.addf %add3A_832, %select_n3A_841 : vector<16xf32>
        %add3A_843 = arith.constant 192 : i32
        %add3A_844 = arith.addi %mul3A_723, %add3A_843 : i32
        %get3A_845 = arith.index_cast %add3A_844 : i32 to index
        %get3A_846 = tpu.vector_load %arg5[%get3A_845] {strides = array<i32>} : memref<32768xf32, #tpu.memory_space<vmem>>, vector<16xf32>,
        %get3A_847 = vector.shape_cast %get3A_846 : vector<16xf32> to vector<16xf32>
        %gt3A_848 = arith.cmpf ogt, %get3A_847, %broadcast_in_dim3A_579 : vector<16xf32>
        %select_n3A_849 = arith.select %gt3A_848, %get3A_847, %broadcast_in_dim3A_286 : vector<16xi1>, vector<16xf32>
        %add3A_850 = arith.addf %add3A_840, %select_n3A_849 : vector<16xf32>
        %select_n3A_851 = arith.select %gt3A_848, %broadcast_in_dim3A_288, %broadcast_in_dim3A_286 : vector<16xi1>, vector<16xf32>
        %add3A_852 = arith.addf %add3A_842, %select_n3A_851 : vector<16xf32>
        %add3A_853 = arith.constant 208 : i32
        %add3A_854 = arith.addi %mul3A_723, %add3A_853 : i32
        %get3A_855 = arith.index_cast %add3A_854 : i32 to index
        %get3A_856 = tpu.vector_load %arg5[%get3A_855] {strides = array<i32>} : memref<32768xf32, #tpu.memory_space<vmem>>, vector<16xf32>,
        %get3A_857 = vector.shape_cast %get3A_856 : vector<16xf32> to vector<16xf32>
        %gt3A_858 = arith.cmpf ogt, %get3A_857, %broadcast_in_dim3A_579 : vector<16xf32>
        %select_n3A_859 = arith.select %gt3A_858, %get3A_857, %broadcast_in_dim3A_286 : vector<16xi1>, vector<16xf32>
        %add3A_860 = arith.addf %add3A_850, %select_n3A_859 : vector<16xf32>
        %select_n3A_861 = arith.select %gt3A_858, %broadcast_in_dim3A_288, %broadcast_in_dim3A_286 : vector<16xi1>, vector<16xf32>
        %add3A_862 = arith.addf %add3A_852, %select_n3A_861 : vector<16xf32>
        %add3A_863 = arith.constant 224 : i32
        %add3A_864 = arith.addi %mul3A_723, %add3A_863 : i32
        %get3A_865 = arith.index_cast %add3A_864 : i32 to index
        %get3A_866 = tpu.vector_load %arg5[%get3A_865] {strides = array<i32>} : memref<32768xf32, #tpu.memory_space<vmem>>, vector<16xf32>,
        %get3A_867 = vector.shape_cast %get3A_866 : vector<16xf32> to vector<16xf32>
        %gt3A_868 = arith.cmpf ogt, %get3A_867, %broadcast_in_dim3A_579 : vector<16xf32>
        %select_n3A_869 = arith.select %gt3A_868, %get3A_867, %broadcast_in_dim3A_286 : vector<16xi1>, vector<16xf32>
        %add3A_870 = arith.addf %add3A_860, %select_n3A_869 : vector<16xf32>
        %select_n3A_871 = arith.select %gt3A_868, %broadcast_in_dim3A_288, %broadcast_in_dim3A_286 : vector<16xi1>, vector<16xf32>
        %add3A_872 = arith.addf %add3A_862, %select_n3A_871 : vector<16xf32>
        %add3A_873 = arith.constant 240 : i32
        %add3A_874 = arith.addi %mul3A_723, %add3A_873 : i32
        %get3A_875 = arith.index_cast %add3A_874 : i32 to index
        %get3A_876 = tpu.vector_load %arg5[%get3A_875] {strides = array<i32>} : memref<32768xf32, #tpu.memory_space<vmem>>, vector<16xf32>,
        %get3A_877 = vector.shape_cast %get3A_876 : vector<16xf32> to vector<16xf32>
        %gt3A_878 = arith.cmpf ogt, %get3A_877, %broadcast_in_dim3A_579 : vector<16xf32>
        %select_n3A_879 = arith.select %gt3A_878, %get3A_877, %broadcast_in_dim3A_286 : vector<16xi1>, vector<16xf32>
        %add3A_880 = arith.addf %add3A_870, %select_n3A_879 : vector<16xf32>
        %select_n3A_881 = arith.select %gt3A_878, %broadcast_in_dim3A_288, %broadcast_in_dim3A_286 : vector<16xi1>, vector<16xf32>
        %add3A_882 = arith.addf %add3A_872, %select_n3A_881 : vector<16xf32>
        scf.yield %add3A_880, %add3A_882 : vector<16xf32>, vector<16xf32>
      }
      %while3A_589 = arith.constant 1 : i32
      %while3A_590:2 = scf.for %while3A_718 = %while3A_586 to %while3A_582 step %while3A_589 iter_args(%while3A_719 = %while3A_588#0, %while3A_720 = %while3A_588#1) -> (vector<16xf32>, vector<16xf32>)  : i32 {
        %get3A = arith.index_cast %while3A_718 : i32 to index
        %get3A_721 = memref.load %arg9[%get3A] : memref<128xi32, #tpu.memory_space<smem>>
        %mul3A_722 = arith.constant 256 : i32
        %mul3A_723 = arith.muli %get3A_721, %mul3A_722 : i32
        %add3A_724 = arith.constant 0 : i32
        %add3A_725 = arith.addi %mul3A_723, %add3A_724 : i32
        %get3A_726 = arith.index_cast %add3A_725 : i32 to index
        %get3A_727 = tpu.vector_load %arg5[%get3A_726] {strides = array<i32>} : memref<32768xf32, #tpu.memory_space<vmem>>, vector<16xf32>,
        %get3A_728 = vector.shape_cast %get3A_727 : vector<16xf32> to vector<16xf32>
        %gt3A = arith.cmpf ogt, %get3A_728, %broadcast_in_dim3A_579 : vector<16xf32>
        %select_n3A_729 = arith.select %gt3A, %get3A_728, %broadcast_in_dim3A_286 : vector<16xi1>, vector<16xf32>
        %add3A_730 = arith.addf %while3A_719, %select_n3A_729 : vector<16xf32>
        %select_n3A_731 = arith.select %gt3A, %broadcast_in_dim3A_288, %broadcast_in_dim3A_286 : vector<16xi1>, vector<16xf32>
        %add3A_732 = arith.addf %while3A_720, %select_n3A_731 : vector<16xf32>
        %add3A_733 = arith.constant 16 : i32
        %add3A_734 = arith.addi %mul3A_723, %add3A_733 : i32
        %get3A_735 = arith.index_cast %add3A_734 : i32 to index
        %get3A_736 = tpu.vector_load %arg5[%get3A_735] {strides = array<i32>} : memref<32768xf32, #tpu.memory_space<vmem>>, vector<16xf32>,
        %get3A_737 = vector.shape_cast %get3A_736 : vector<16xf32> to vector<16xf32>
        %gt3A_738 = arith.cmpf ogt, %get3A_737, %broadcast_in_dim3A_579 : vector<16xf32>
        %select_n3A_739 = arith.select %gt3A_738, %get3A_737, %broadcast_in_dim3A_286 : vector<16xi1>, vector<16xf32>
        %add3A_740 = arith.addf %add3A_730, %select_n3A_739 : vector<16xf32>
        %select_n3A_741 = arith.select %gt3A_738, %broadcast_in_dim3A_288, %broadcast_in_dim3A_286 : vector<16xi1>, vector<16xf32>
        %add3A_742 = arith.addf %add3A_732, %select_n3A_741 : vector<16xf32>
        %add3A_743 = arith.constant 32 : i32
        %add3A_744 = arith.addi %mul3A_723, %add3A_743 : i32
        %get3A_745 = arith.index_cast %add3A_744 : i32 to index
        %get3A_746 = tpu.vector_load %arg5[%get3A_745] {strides = array<i32>} : memref<32768xf32, #tpu.memory_space<vmem>>, vector<16xf32>,
        %get3A_747 = vector.shape_cast %get3A_746 : vector<16xf32> to vector<16xf32>
        %gt3A_748 = arith.cmpf ogt, %get3A_747, %broadcast_in_dim3A_579 : vector<16xf32>
        %select_n3A_749 = arith.select %gt3A_748, %get3A_747, %broadcast_in_dim3A_286 : vector<16xi1>, vector<16xf32>
        %add3A_750 = arith.addf %add3A_740, %select_n3A_749 : vector<16xf32>
        %select_n3A_751 = arith.select %gt3A_748, %broadcast_in_dim3A_288, %broadcast_in_dim3A_286 : vector<16xi1>, vector<16xf32>
        %add3A_752 = arith.addf %add3A_742, %select_n3A_751 : vector<16xf32>
        %add3A_753 = arith.constant 48 : i32
        %add3A_754 = arith.addi %mul3A_723, %add3A_753 : i32
        %get3A_755 = arith.index_cast %add3A_754 : i32 to index
        %get3A_756 = tpu.vector_load %arg5[%get3A_755] {strides = array<i32>} : memref<32768xf32, #tpu.memory_space<vmem>>, vector<16xf32>,
        %get3A_757 = vector.shape_cast %get3A_756 : vector<16xf32> to vector<16xf32>
        %gt3A_758 = arith.cmpf ogt, %get3A_757, %broadcast_in_dim3A_579 : vector<16xf32>
        %select_n3A_759 = arith.select %gt3A_758, %get3A_757, %broadcast_in_dim3A_286 : vector<16xi1>, vector<16xf32>
        %add3A_760 = arith.addf %add3A_750, %select_n3A_759 : vector<16xf32>
        %select_n3A_761 = arith.select %gt3A_758, %broadcast_in_dim3A_288, %broadcast_in_dim3A_286 : vector<16xi1>, vector<16xf32>
        %add3A_762 = arith.addf %add3A_752, %select_n3A_761 : vector<16xf32>
        %add3A_763 = arith.constant 64 : i32
        %add3A_764 = arith.addi %mul3A_723, %add3A_763 : i32
        %get3A_765 = arith.index_cast %add3A_764 : i32 to index
        %get3A_766 = tpu.vector_load %arg5[%get3A_765] {strides = array<i32>} : memref<32768xf32, #tpu.memory_space<vmem>>, vector<16xf32>,
        %get3A_767 = vector.shape_cast %get3A_766 : vector<16xf32> to vector<16xf32>
        %gt3A_768 = arith.cmpf ogt, %get3A_767, %broadcast_in_dim3A_579 : vector<16xf32>
        %select_n3A_769 = arith.select %gt3A_768, %get3A_767, %broadcast_in_dim3A_286 : vector<16xi1>, vector<16xf32>
        %add3A_770 = arith.addf %add3A_760, %select_n3A_769 : vector<16xf32>
        %select_n3A_771 = arith.select %gt3A_768, %broadcast_in_dim3A_288, %broadcast_in_dim3A_286 : vector<16xi1>, vector<16xf32>
        %add3A_772 = arith.addf %add3A_762, %select_n3A_771 : vector<16xf32>
        %add3A_773 = arith.constant 80 : i32
        %add3A_774 = arith.addi %mul3A_723, %add3A_773 : i32
        %get3A_775 = arith.index_cast %add3A_774 : i32 to index
        %get3A_776 = tpu.vector_load %arg5[%get3A_775] {strides = array<i32>} : memref<32768xf32, #tpu.memory_space<vmem>>, vector<16xf32>,
        %get3A_777 = vector.shape_cast %get3A_776 : vector<16xf32> to vector<16xf32>
        %gt3A_778 = arith.cmpf ogt, %get3A_777, %broadcast_in_dim3A_579 : vector<16xf32>
        %select_n3A_779 = arith.select %gt3A_778, %get3A_777, %broadcast_in_dim3A_286 : vector<16xi1>, vector<16xf32>
        %add3A_780 = arith.addf %add3A_770, %select_n3A_779 : vector<16xf32>
        %select_n3A_781 = arith.select %gt3A_778, %broadcast_in_dim3A_288, %broadcast_in_dim3A_286 : vector<16xi1>, vector<16xf32>
        %add3A_782 = arith.addf %add3A_772, %select_n3A_781 : vector<16xf32>
        %add3A_783 = arith.constant 96 : i32
        %add3A_784 = arith.addi %mul3A_723, %add3A_783 : i32
        %get3A_785 = arith.index_cast %add3A_784 : i32 to index
        %get3A_786 = tpu.vector_load %arg5[%get3A_785] {strides = array<i32>} : memref<32768xf32, #tpu.memory_space<vmem>>, vector<16xf32>,
        %get3A_787 = vector.shape_cast %get3A_786 : vector<16xf32> to vector<16xf32>
        %gt3A_788 = arith.cmpf ogt, %get3A_787, %broadcast_in_dim3A_579 : vector<16xf32>
        %select_n3A_789 = arith.select %gt3A_788, %get3A_787, %broadcast_in_dim3A_286 : vector<16xi1>, vector<16xf32>
        %add3A_790 = arith.addf %add3A_780, %select_n3A_789 : vector<16xf32>
        %select_n3A_791 = arith.select %gt3A_788, %broadcast_in_dim3A_288, %broadcast_in_dim3A_286 : vector<16xi1>, vector<16xf32>
        %add3A_792 = arith.addf %add3A_782, %select_n3A_791 : vector<16xf32>
        %add3A_793 = arith.constant 112 : i32
        %add3A_794 = arith.addi %mul3A_723, %add3A_793 : i32
        %get3A_795 = arith.index_cast %add3A_794 : i32 to index
        %get3A_796 = tpu.vector_load %arg5[%get3A_795] {strides = array<i32>} : memref<32768xf32, #tpu.memory_space<vmem>>, vector<16xf32>,
        %get3A_797 = vector.shape_cast %get3A_796 : vector<16xf32> to vector<16xf32>
        %gt3A_798 = arith.cmpf ogt, %get3A_797, %broadcast_in_dim3A_579 : vector<16xf32>
        %select_n3A_799 = arith.select %gt3A_798, %get3A_797, %broadcast_in_dim3A_286 : vector<16xi1>, vector<16xf32>
        %add3A_800 = arith.addf %add3A_790, %select_n3A_799 : vector<16xf32>
        %select_n3A_801 = arith.select %gt3A_798, %broadcast_in_dim3A_288, %broadcast_in_dim3A_286 : vector<16xi1>, vector<16xf32>
        %add3A_802 = arith.addf %add3A_792, %select_n3A_801 : vector<16xf32>
        %add3A_803 = arith.constant 128 : i32
        %add3A_804 = arith.addi %mul3A_723, %add3A_803 : i32
        %get3A_805 = arith.index_cast %add3A_804 : i32 to index
        %get3A_806 = tpu.vector_load %arg5[%get3A_805] {strides = array<i32>} : memref<32768xf32, #tpu.memory_space<vmem>>, vector<16xf32>,
        %get3A_807 = vector.shape_cast %get3A_806 : vector<16xf32> to vector<16xf32>
        %gt3A_808 = arith.cmpf ogt, %get3A_807, %broadcast_in_dim3A_579 : vector<16xf32>
        %select_n3A_809 = arith.select %gt3A_808, %get3A_807, %broadcast_in_dim3A_286 : vector<16xi1>, vector<16xf32>
        %add3A_810 = arith.addf %add3A_800, %select_n3A_809 : vector<16xf32>
        %select_n3A_811 = arith.select %gt3A_808, %broadcast_in_dim3A_288, %broadcast_in_dim3A_286 : vector<16xi1>, vector<16xf32>
        %add3A_812 = arith.addf %add3A_802, %select_n3A_811 : vector<16xf32>
        %add3A_813 = arith.constant 144 : i32
        %add3A_814 = arith.addi %mul3A_723, %add3A_813 : i32
        %get3A_815 = arith.index_cast %add3A_814 : i32 to index
        %get3A_816 = tpu.vector_load %arg5[%get3A_815] {strides = array<i32>} : memref<32768xf32, #tpu.memory_space<vmem>>, vector<16xf32>,
        %get3A_817 = vector.shape_cast %get3A_816 : vector<16xf32> to vector<16xf32>
        %gt3A_818 = arith.cmpf ogt, %get3A_817, %broadcast_in_dim3A_579 : vector<16xf32>
        %select_n3A_819 = arith.select %gt3A_818, %get3A_817, %broadcast_in_dim3A_286 : vector<16xi1>, vector<16xf32>
        %add3A_820 = arith.addf %add3A_810, %select_n3A_819 : vector<16xf32>
        %select_n3A_821 = arith.select %gt3A_818, %broadcast_in_dim3A_288, %broadcast_in_dim3A_286 : vector<16xi1>, vector<16xf32>
        %add3A_822 = arith.addf %add3A_812, %select_n3A_821 : vector<16xf32>
        %add3A_823 = arith.constant 160 : i32
        %add3A_824 = arith.addi %mul3A_723, %add3A_823 : i32
        %get3A_825 = arith.index_cast %add3A_824 : i32 to index
        %get3A_826 = tpu.vector_load %arg5[%get3A_825] {strides = array<i32>} : memref<32768xf32, #tpu.memory_space<vmem>>, vector<16xf32>,
        %get3A_827 = vector.shape_cast %get3A_826 : vector<16xf32> to vector<16xf32>
        %gt3A_828 = arith.cmpf ogt, %get3A_827, %broadcast_in_dim3A_579 : vector<16xf32>
        %select_n3A_829 = arith.select %gt3A_828, %get3A_827, %broadcast_in_dim3A_286 : vector<16xi1>, vector<16xf32>
        %add3A_830 = arith.addf %add3A_820, %select_n3A_829 : vector<16xf32>
        %select_n3A_831 = arith.select %gt3A_828, %broadcast_in_dim3A_288, %broadcast_in_dim3A_286 : vector<16xi1>, vector<16xf32>
        %add3A_832 = arith.addf %add3A_822, %select_n3A_831 : vector<16xf32>
        %add3A_833 = arith.constant 176 : i32
        %add3A_834 = arith.addi %mul3A_723, %add3A_833 : i32
        %get3A_835 = arith.index_cast %add3A_834 : i32 to index
        %get3A_836 = tpu.vector_load %arg5[%get3A_835] {strides = array<i32>} : memref<32768xf32, #tpu.memory_space<vmem>>, vector<16xf32>,
        %get3A_837 = vector.shape_cast %get3A_836 : vector<16xf32> to vector<16xf32>
        %gt3A_838 = arith.cmpf ogt, %get3A_837, %broadcast_in_dim3A_579 : vector<16xf32>
        %select_n3A_839 = arith.select %gt3A_838, %get3A_837, %broadcast_in_dim3A_286 : vector<16xi1>, vector<16xf32>
        %add3A_840 = arith.addf %add3A_830, %select_n3A_839 : vector<16xf32>
        %select_n3A_841 = arith.select %gt3A_838, %broadcast_in_dim3A_288, %broadcast_in_dim3A_286 : vector<16xi1>, vector<16xf32>
        %add3A_842 = arith.addf %add3A_832, %select_n3A_841 : vector<16xf32>
        %add3A_843 = arith.constant 192 : i32
        %add3A_844 = arith.addi %mul3A_723, %add3A_843 : i32
        %get3A_845 = arith.index_cast %add3A_844 : i32 to index
        %get3A_846 = tpu.vector_load %arg5[%get3A_845] {strides = array<i32>} : memref<32768xf32, #tpu.memory_space<vmem>>, vector<16xf32>,
        %get3A_847 = vector.shape_cast %get3A_846 : vector<16xf32> to vector<16xf32>
        %gt3A_848 = arith.cmpf ogt, %get3A_847, %broadcast_in_dim3A_579 : vector<16xf32>
        %select_n3A_849 = arith.select %gt3A_848, %get3A_847, %broadcast_in_dim3A_286 : vector<16xi1>, vector<16xf32>
        %add3A_850 = arith.addf %add3A_840, %select_n3A_849 : vector<16xf32>
        %select_n3A_851 = arith.select %gt3A_848, %broadcast_in_dim3A_288, %broadcast_in_dim3A_286 : vector<16xi1>, vector<16xf32>
        %add3A_852 = arith.addf %add3A_842, %select_n3A_851 : vector<16xf32>
        %add3A_853 = arith.constant 208 : i32
        %add3A_854 = arith.addi %mul3A_723, %add3A_853 : i32
        %get3A_855 = arith.index_cast %add3A_854 : i32 to index
        %get3A_856 = tpu.vector_load %arg5[%get3A_855] {strides = array<i32>} : memref<32768xf32, #tpu.memory_space<vmem>>, vector<16xf32>,
        %get3A_857 = vector.shape_cast %get3A_856 : vector<16xf32> to vector<16xf32>
        %gt3A_858 = arith.cmpf ogt, %get3A_857, %broadcast_in_dim3A_579 : vector<16xf32>
        %select_n3A_859 = arith.select %gt3A_858, %get3A_857, %broadcast_in_dim3A_286 : vector<16xi1>, vector<16xf32>
        %add3A_860 = arith.addf %add3A_850, %select_n3A_859 : vector<16xf32>
        %select_n3A_861 = arith.select %gt3A_858, %broadcast_in_dim3A_288, %broadcast_in_dim3A_286 : vector<16xi1>, vector<16xf32>
        %add3A_862 = arith.addf %add3A_852, %select_n3A_861 : vector<16xf32>
        %add3A_863 = arith.constant 224 : i32
        %add3A_864 = arith.addi %mul3A_723, %add3A_863 : i32
        %get3A_865 = arith.index_cast %add3A_864 : i32 to index
        %get3A_866 = tpu.vector_load %arg5[%get3A_865] {strides = array<i32>} : memref<32768xf32, #tpu.memory_space<vmem>>, vector<16xf32>,
        %get3A_867 = vector.shape_cast %get3A_866 : vector<16xf32> to vector<16xf32>
        %gt3A_868 = arith.cmpf ogt, %get3A_867, %broadcast_in_dim3A_579 : vector<16xf32>
        %select_n3A_869 = arith.select %gt3A_868, %get3A_867, %broadcast_in_dim3A_286 : vector<16xi1>, vector<16xf32>
        %add3A_870 = arith.addf %add3A_860, %select_n3A_869 : vector<16xf32>
        %select_n3A_871 = arith.select %gt3A_868, %broadcast_in_dim3A_288, %broadcast_in_dim3A_286 : vector<16xi1>, vector<16xf32>
        %add3A_872 = arith.addf %add3A_862, %select_n3A_871 : vector<16xf32>
        %add3A_873 = arith.constant 240 : i32
        %add3A_874 = arith.addi %mul3A_723, %add3A_873 : i32
        %get3A_875 = arith.index_cast %add3A_874 : i32 to index
        %get3A_876 = tpu.vector_load %arg5[%get3A_875] {strides = array<i32>} : memref<32768xf32, #tpu.memory_space<vmem>>, vector<16xf32>,
        %get3A_877 = vector.shape_cast %get3A_876 : vector<16xf32> to vector<16xf32>
        %gt3A_878 = arith.cmpf ogt, %get3A_877, %broadcast_in_dim3A_579 : vector<16xf32>
        %select_n3A_879 = arith.select %gt3A_878, %get3A_877, %broadcast_in_dim3A_286 : vector<16xi1>, vector<16xf32>
        %add3A_880 = arith.addf %add3A_870, %select_n3A_879 : vector<16xf32>
        %select_n3A_881 = arith.select %gt3A_878, %broadcast_in_dim3A_288, %broadcast_in_dim3A_286 : vector<16xi1>, vector<16xf32>
        %add3A_882 = arith.addf %add3A_872, %select_n3A_881 : vector<16xf32>
        scf.yield %add3A_880, %add3A_882 : vector<16xf32>, vector<16xf32>
      }
      %xor3A_591 = arith.constant 8 : i32
      %xor3A_592 = vector.broadcast %xor3A_591 : i32 to vector<16xi32>
      %xor3A_593 = arith.xori %iota3A, %xor3A_592 : vector<16xi32>
      %lt3A_594 = arith.constant 0 : i32
      %lt3A_595 = vector.broadcast %lt3A_594 : i32 to vector<16xi32>
      %lt3A_596 = arith.cmpi slt, %xor3A_593, %lt3A_595 : vector<16xi32>
      %add3A_597 = arith.constant 16 : i32
      %add3A_598 = vector.broadcast %add3A_597 : i32 to vector<16xi32>
      %add3A_599 = arith.addi %xor3A_593, %add3A_598 : vector<16xi32>
      %select_n3A_600 = arith.select %lt3A_596, %add3A_599, %xor3A_593 : vector<16xi1>, vector<16xi32>
      %broadcast_in_dim3A_601 = vector.shape_cast %select_n3A_600 : vector<16xi32> to vector<16x1xi32>
      %gather3A_602 = vector.shape_cast %broadcast_in_dim3A_601 : vector<16x1xi32> to vector<16xi32>
      %gather3A_603 = tpu.dynamic_gather %while3A_590#0[%gather3A_602] in [0] : vector<16xf32>, vector<16xi32> -> vector<16xf32>
      %add3A_604 = arith.addf %while3A_590#0, %gather3A_603 : vector<16xf32>
      %xor3A_605 = arith.constant 4 : i32
      %xor3A_606 = vector.broadcast %xor3A_605 : i32 to vector<16xi32>
      %xor3A_607 = arith.xori %iota3A, %xor3A_606 : vector<16xi32>
      %lt3A_608 = arith.constant 0 : i32
      %lt3A_609 = vector.broadcast %lt3A_608 : i32 to vector<16xi32>
      %lt3A_610 = arith.cmpi slt, %xor3A_607, %lt3A_609 : vector<16xi32>
      %add3A_611 = arith.constant 16 : i32
      %add3A_612 = vector.broadcast %add3A_611 : i32 to vector<16xi32>
      %add3A_613 = arith.addi %xor3A_607, %add3A_612 : vector<16xi32>
      %select_n3A_614 = arith.select %lt3A_610, %add3A_613, %xor3A_607 : vector<16xi1>, vector<16xi32>
      %broadcast_in_dim3A_615 = vector.shape_cast %select_n3A_614 : vector<16xi32> to vector<16x1xi32>
      %gather3A_616 = vector.shape_cast %broadcast_in_dim3A_615 : vector<16x1xi32> to vector<16xi32>
      %gather3A_617 = tpu.dynamic_gather %add3A_604[%gather3A_616] in [0] : vector<16xf32>, vector<16xi32> -> vector<16xf32>
      %add3A_618 = arith.addf %add3A_604, %gather3A_617 : vector<16xf32>
      %xor3A_619 = arith.constant 2 : i32
      %xor3A_620 = vector.broadcast %xor3A_619 : i32 to vector<16xi32>
      %xor3A_621 = arith.xori %iota3A, %xor3A_620 : vector<16xi32>
      %lt3A_622 = arith.constant 0 : i32
      %lt3A_623 = vector.broadcast %lt3A_622 : i32 to vector<16xi32>
      %lt3A_624 = arith.cmpi slt, %xor3A_621, %lt3A_623 : vector<16xi32>
      %add3A_625 = arith.constant 16 : i32
      %add3A_626 = vector.broadcast %add3A_625 : i32 to vector<16xi32>
      %add3A_627 = arith.addi %xor3A_621, %add3A_626 : vector<16xi32>
      %select_n3A_628 = arith.select %lt3A_624, %add3A_627, %xor3A_621 : vector<16xi1>, vector<16xi32>
      %broadcast_in_dim3A_629 = vector.shape_cast %select_n3A_628 : vector<16xi32> to vector<16x1xi32>
      %gather3A_630 = vector.shape_cast %broadcast_in_dim3A_629 : vector<16x1xi32> to vector<16xi32>
      %gather3A_631 = tpu.dynamic_gather %add3A_618[%gather3A_630] in [0] : vector<16xf32>, vector<16xi32> -> vector<16xf32>
      %add3A_632 = arith.addf %add3A_618, %gather3A_631 : vector<16xf32>
      %xor3A_633 = arith.constant 1 : i32
      %xor3A_634 = vector.broadcast %xor3A_633 : i32 to vector<16xi32>
      %xor3A_635 = arith.xori %iota3A, %xor3A_634 : vector<16xi32>
      %lt3A_636 = arith.constant 0 : i32
      %lt3A_637 = vector.broadcast %lt3A_636 : i32 to vector<16xi32>
      %lt3A_638 = arith.cmpi slt, %xor3A_635, %lt3A_637 : vector<16xi32>
      %add3A_639 = arith.constant 16 : i32
      %add3A_640 = vector.broadcast %add3A_639 : i32 to vector<16xi32>
      %add3A_641 = arith.addi %xor3A_635, %add3A_640 : vector<16xi32>
      %select_n3A_642 = arith.select %lt3A_638, %add3A_641, %xor3A_635 : vector<16xi1>, vector<16xi32>
      %broadcast_in_dim3A_643 = vector.shape_cast %select_n3A_642 : vector<16xi32> to vector<16x1xi32>
      %gather3A_644 = vector.shape_cast %broadcast_in_dim3A_643 : vector<16x1xi32> to vector<16xi32>
      %gather3A_645 = tpu.dynamic_gather %add3A_632[%gather3A_644] in [0] : vector<16xf32>, vector<16xi32> -> vector<16xf32>
      %add3A_646 = arith.addf %add3A_632, %gather3A_645 : vector<16xf32>
      %xor3A_647 = arith.constant 8 : i32
      %xor3A_648 = vector.broadcast %xor3A_647 : i32 to vector<16xi32>
      %xor3A_649 = arith.xori %iota3A, %xor3A_648 : vector<16xi32>
      %lt3A_650 = arith.constant 0 : i32
      %lt3A_651 = vector.broadcast %lt3A_650 : i32 to vector<16xi32>
      %lt3A_652 = arith.cmpi slt, %xor3A_649, %lt3A_651 : vector<16xi32>
      %add3A_653 = arith.constant 16 : i32
      %add3A_654 = vector.broadcast %add3A_653 : i32 to vector<16xi32>
      %add3A_655 = arith.addi %xor3A_649, %add3A_654 : vector<16xi32>
      %select_n3A_656 = arith.select %lt3A_652, %add3A_655, %xor3A_649 : vector<16xi1>, vector<16xi32>
      %broadcast_in_dim3A_657 = vector.shape_cast %select_n3A_656 : vector<16xi32> to vector<16x1xi32>
      %gather3A_658 = vector.shape_cast %broadcast_in_dim3A_657 : vector<16x1xi32> to vector<16xi32>
      %gather3A_659 = tpu.dynamic_gather %while3A_590#1[%gather3A_658] in [0] : vector<16xf32>, vector<16xi32> -> vector<16xf32>
      %add3A_660 = arith.addf %while3A_590#1, %gather3A_659 : vector<16xf32>
      %xor3A_661 = arith.constant 4 : i32
      %xor3A_662 = vector.broadcast %xor3A_661 : i32 to vector<16xi32>
      %xor3A_663 = arith.xori %iota3A, %xor3A_662 : vector<16xi32>
      %lt3A_664 = arith.constant 0 : i32
      %lt3A_665 = vector.broadcast %lt3A_664 : i32 to vector<16xi32>
      %lt3A_666 = arith.cmpi slt, %xor3A_663, %lt3A_665 : vector<16xi32>
      %add3A_667 = arith.constant 16 : i32
      %add3A_668 = vector.broadcast %add3A_667 : i32 to vector<16xi32>
      %add3A_669 = arith.addi %xor3A_663, %add3A_668 : vector<16xi32>
      %select_n3A_670 = arith.select %lt3A_666, %add3A_669, %xor3A_663 : vector<16xi1>, vector<16xi32>
      %broadcast_in_dim3A_671 = vector.shape_cast %select_n3A_670 : vector<16xi32> to vector<16x1xi32>
      %gather3A_672 = vector.shape_cast %broadcast_in_dim3A_671 : vector<16x1xi32> to vector<16xi32>
      %gather3A_673 = tpu.dynamic_gather %add3A_660[%gather3A_672] in [0] : vector<16xf32>, vector<16xi32> -> vector<16xf32>
      %add3A_674 = arith.addf %add3A_660, %gather3A_673 : vector<16xf32>
      %xor3A_675 = arith.constant 2 : i32
      %xor3A_676 = vector.broadcast %xor3A_675 : i32 to vector<16xi32>
      %xor3A_677 = arith.xori %iota3A, %xor3A_676 : vector<16xi32>
      %lt3A_678 = arith.constant 0 : i32
      %lt3A_679 = vector.broadcast %lt3A_678 : i32 to vector<16xi32>
      %lt3A_680 = arith.cmpi slt, %xor3A_677, %lt3A_679 : vector<16xi32>
      %add3A_681 = arith.constant 16 : i32
      %add3A_682 = vector.broadcast %add3A_681 : i32 to vector<16xi32>
      %add3A_683 = arith.addi %xor3A_677, %add3A_682 : vector<16xi32>
      %select_n3A_684 = arith.select %lt3A_680, %add3A_683, %xor3A_677 : vector<16xi1>, vector<16xi32>
      %broadcast_in_dim3A_685 = vector.shape_cast %select_n3A_684 : vector<16xi32> to vector<16x1xi32>
      %gather3A_686 = vector.shape_cast %broadcast_in_dim3A_685 : vector<16x1xi32> to vector<16xi32>
      %gather3A_687 = tpu.dynamic_gather %add3A_674[%gather3A_686] in [0] : vector<16xf32>, vector<16xi32> -> vector<16xf32>
      %add3A_688 = arith.addf %add3A_674, %gather3A_687 : vector<16xf32>
      %xor3A_689 = arith.constant 1 : i32
      %xor3A_690 = vector.broadcast %xor3A_689 : i32 to vector<16xi32>
      %xor3A_691 = arith.xori %iota3A, %xor3A_690 : vector<16xi32>
      %lt3A_692 = arith.constant 0 : i32
      %lt3A_693 = vector.broadcast %lt3A_692 : i32 to vector<16xi32>
      %lt3A_694 = arith.cmpi slt, %xor3A_691, %lt3A_693 : vector<16xi32>
      %add3A_695 = arith.constant 16 : i32
      %add3A_696 = vector.broadcast %add3A_695 : i32 to vector<16xi32>
      %add3A_697 = arith.addi %xor3A_691, %add3A_696 : vector<16xi32>
      %select_n3A_698 = arith.select %lt3A_694, %add3A_697, %xor3A_691 : vector<16xi1>, vector<16xi32>
      %broadcast_in_dim3A_699 = vector.shape_cast %select_n3A_698 : vector<16xi32> to vector<16x1xi32>
      %gather3A_700 = vector.shape_cast %broadcast_in_dim3A_699 : vector<16x1xi32> to vector<16xi32>
      %gather3A_701 = tpu.dynamic_gather %add3A_688[%gather3A_700] in [0] : vector<16xf32>, vector<16xi32> -> vector<16xf32>
      %add3A_702 = arith.addf %add3A_688, %gather3A_701 : vector<16xf32>
      %max3A_703 = arith.maximumf %add3A_702, %broadcast_in_dim3A_288 : vector<16xf32>
      %sub3A_704 = arith.constant 1.000000e+00 : f32
      %sub3A_705 = vector.broadcast %sub3A_704 : f32 to vector<16xf32>
      %sub3A_706 = arith.subf %add3A_646, %sub3A_705 : vector<16xf32>
      %div3A_707 = arith.divf %sub3A_706, %max3A_703 : vector<16xf32>
      %slice3A_708 = vector.extract_strided_slice %div3A_707 {offsets = [0], sizes = [1], strides = [1]} : vector<16xf32> to vector<1xf32>
      %squeeze3A_709 = vector.extract %slice3A_708[0] : f32 from vector<1xf32>
      %eq3A_710 = arith.constant 1 : i32
      %eq3A_711 = arith.cmpi eq, %scan3A_574, %eq3A_710 : i32
      %select_n3A_712 = arith.select %eq3A_711, %squeeze3A_709, %scan3A_573 : f32
      %ne3A_713 = arith.cmpf one, %squeeze3A_709, %scan3A_573 : f32
      %and3A_714 = arith.andi %eq3A_711, %ne3A_713 : i1
      %jit3A_715 = arith.constant 1 : i32
      %jit3A_716 = arith.constant 0 : i32
      %select_n3A_717 = arith.select %and3A_714, %jit3A_715, %jit3A_716 : i32
      scf.yield %select_n3A_712, %select_n3A_717 : f32, i32
    }
    %scan3A_526 = arith.constant 19 : i32
    %dma_wait3A_527 = arith.constant 0 : i32
    %dma_wait3A_528 = tpu.memref_slice %arg3[%add3A_272, %dma_wait3A_527] : memref<64x32768xf32, #tpu.memory_space<hbm>> -> memref<1x32768xf32, #tpu.memory_space<hbm>>
    %dma_wait3A_529 = tpu.memref_squeeze %dma_wait3A_528 : memref<1x32768xf32, #tpu.memory_space<hbm>> -> memref<32768xf32, #tpu.memory_space<hbm>>
    %dma_wait3A_530 = arith.constant 0 : i32
    %dma_wait3A_531 = tpu.memref_slice %arg3[%add3A_272, %dma_wait3A_530] : memref<64x32768xf32, #tpu.memory_space<hbm>> -> memref<1x32768xf32, #tpu.memory_space<hbm>>
    %dma_wait3A_532 = tpu.memref_squeeze %dma_wait3A_531 : memref<1x32768xf32, #tpu.memory_space<hbm>> -> memref<32768xf32, #tpu.memory_space<hbm>>
    tpu.wait_dma2 semaphore(%arg12 : memref<!tpu.dma_semaphore, #tpu.memory_space<semaphore_mem>>) src(%arg6 : memref<32768xf32, #tpu.memory_space<vmem>>) dst(%dma_wait3A_532 : memref<32768xf32, #tpu.memory_space<hbm>>)
    %while3A_533 = arith.constant 0 : i32
    %while3A_534 = arith.constant 0 : i32
    %while3A_535 = arith.subi %while3A_251, %while3A_533 : i32
    %while3A_536 = arith.addi %while3A_533, %while3A_535 : i32
    %while3A_537 = arith.constant 1 : i32
    %while3A_538 = arith.divsi %while3A_535, %while3A_537 : i32
    %while3A_539 = arith.muli %while3A_538, %while3A_537 : i32
    %while3A_540 = arith.addi %while3A_533, %while3A_539 : i32
    %while3A_541 = arith.constant 1 : i32
    %while3A_542 = scf.for %while3A_572 = %while3A_533 to %while3A_540 step %while3A_541 iter_args(%while3A_573 = %while3A_534) -> (i32)  : i32 {
      %get3A = arith.index_cast %while3A_572 : i32 to index
      %get3A_574 = memref.load %arg8[%get3A] : memref<128xi32, #tpu.memory_space<smem>>
      %mul3A_575 = arith.constant 256 : i32
      %mul3A_576 = arith.muli %get3A_574, %mul3A_575 : i32
      %add3A_577 = arith.constant 0 : i32
      %add3A_578 = arith.addi %mul3A_576, %add3A_577 : i32
      %swap3A = arith.index_cast %add3A_578 : i32 to index
      %swap3A_579 = tpu.vector_load %arg6[%swap3A] {strides = array<i32>} : memref<32768xf32, #tpu.memory_space<vmem>>, vector<16xf32>,
      %swap3A_580 = vector.shape_cast %swap3A_579 : vector<16xf32> to vector<16xf32>
      %swap3A_581 = vector.shape_cast %broadcast_in_dim3A_1 : vector<16xf32> to vector<16xf32>
      tpu.vector_store %arg6[%swap3A], %swap3A_581 {strides = array<i32>} : memref<32768xf32, #tpu.memory_space<vmem>>, vector<16xf32>,
      %add3A_582 = arith.constant 16 : i32
      %add3A_583 = arith.addi %mul3A_576, %add3A_582 : i32
      %swap3A_584 = arith.index_cast %add3A_583 : i32 to index
      %swap3A_585 = tpu.vector_load %arg6[%swap3A_584] {strides = array<i32>} : memref<32768xf32, #tpu.memory_space<vmem>>, vector<16xf32>,
      %swap3A_586 = vector.shape_cast %swap3A_585 : vector<16xf32> to vector<16xf32>
      %swap3A_587 = vector.shape_cast %broadcast_in_dim3A_1 : vector<16xf32> to vector<16xf32>
      tpu.vector_store %arg6[%swap3A_584], %swap3A_587 {strides = array<i32>} : memref<32768xf32, #tpu.memory_space<vmem>>, vector<16xf32>,
      %add3A_588 = arith.constant 32 : i32
      %add3A_589 = arith.addi %mul3A_576, %add3A_588 : i32
      %swap3A_590 = arith.index_cast %add3A_589 : i32 to index
      %swap3A_591 = tpu.vector_load %arg6[%swap3A_590] {strides = array<i32>} : memref<32768xf32, #tpu.memory_space<vmem>>, vector<16xf32>,
      %swap3A_592 = vector.shape_cast %swap3A_591 : vector<16xf32> to vector<16xf32>
      %swap3A_593 = vector.shape_cast %broadcast_in_dim3A_1 : vector<16xf32> to vector<16xf32>
      tpu.vector_store %arg6[%swap3A_590], %swap3A_593 {strides = array<i32>} : memref<32768xf32, #tpu.memory_space<vmem>>, vector<16xf32>,
      %add3A_594 = arith.constant 48 : i32
      %add3A_595 = arith.addi %mul3A_576, %add3A_594 : i32
      %swap3A_596 = arith.index_cast %add3A_595 : i32 to index
      %swap3A_597 = tpu.vector_load %arg6[%swap3A_596] {strides = array<i32>} : memref<32768xf32, #tpu.memory_space<vmem>>, vector<16xf32>,
      %swap3A_598 = vector.shape_cast %swap3A_597 : vector<16xf32> to vector<16xf32>
      %swap3A_599 = vector.shape_cast %broadcast_in_dim3A_1 : vector<16xf32> to vector<16xf32>
      tpu.vector_store %arg6[%swap3A_596], %swap3A_599 {strides = array<i32>} : memref<32768xf32, #tpu.memory_space<vmem>>, vector<16xf32>,
      %add3A_600 = arith.constant 64 : i32
      %add3A_601 = arith.addi %mul3A_576, %add3A_600 : i32
      %swap3A_602 = arith.index_cast %add3A_601 : i32 to index
      %swap3A_603 = tpu.vector_load %arg6[%swap3A_602] {strides = array<i32>} : memref<32768xf32, #tpu.memory_space<vmem>>, vector<16xf32>,
      %swap3A_604 = vector.shape_cast %swap3A_603 : vector<16xf32> to vector<16xf32>
      %swap3A_605 = vector.shape_cast %broadcast_in_dim3A_1 : vector<16xf32> to vector<16xf32>
      tpu.vector_store %arg6[%swap3A_602], %swap3A_605 {strides = array<i32>} : memref<32768xf32, #tpu.memory_space<vmem>>, vector<16xf32>,
      %add3A_606 = arith.constant 80 : i32
      %add3A_607 = arith.addi %mul3A_576, %add3A_606 : i32
      %swap3A_608 = arith.index_cast %add3A_607 : i32 to index
      %swap3A_609 = tpu.vector_load %arg6[%swap3A_608] {strides = array<i32>} : memref<32768xf32, #tpu.memory_space<vmem>>, vector<16xf32>,
      %swap3A_610 = vector.shape_cast %swap3A_609 : vector<16xf32> to vector<16xf32>
      %swap3A_611 = vector.shape_cast %broadcast_in_dim3A_1 : vector<16xf32> to vector<16xf32>
      tpu.vector_store %arg6[%swap3A_608], %swap3A_611 {strides = array<i32>} : memref<32768xf32, #tpu.memory_space<vmem>>, vector<16xf32>,
      %add3A_612 = arith.constant 96 : i32
      %add3A_613 = arith.addi %mul3A_576, %add3A_612 : i32
      %swap3A_614 = arith.index_cast %add3A_613 : i32 to index
      %swap3A_615 = tpu.vector_load %arg6[%swap3A_614] {strides = array<i32>} : memref<32768xf32, #tpu.memory_space<vmem>>, vector<16xf32>,
      %swap3A_616 = vector.shape_cast %swap3A_615 : vector<16xf32> to vector<16xf32>
      %swap3A_617 = vector.shape_cast %broadcast_in_dim3A_1 : vector<16xf32> to vector<16xf32>
      tpu.vector_store %arg6[%swap3A_614], %swap3A_617 {strides = array<i32>} : memref<32768xf32, #tpu.memory_space<vmem>>, vector<16xf32>,
      %add3A_618 = arith.constant 112 : i32
      %add3A_619 = arith.addi %mul3A_576, %add3A_618 : i32
      %swap3A_620 = arith.index_cast %add3A_619 : i32 to index
      %swap3A_621 = tpu.vector_load %arg6[%swap3A_620] {strides = array<i32>} : memref<32768xf32, #tpu.memory_space<vmem>>, vector<16xf32>,
      %swap3A_622 = vector.shape_cast %swap3A_621 : vector<16xf32> to vector<16xf32>
      %swap3A_623 = vector.shape_cast %broadcast_in_dim3A_1 : vector<16xf32> to vector<16xf32>
      tpu.vector_store %arg6[%swap3A_620], %swap3A_623 {strides = array<i32>} : memref<32768xf32, #tpu.memory_space<vmem>>, vector<16xf32>,
      %add3A_624 = arith.constant 128 : i32
      %add3A_625 = arith.addi %mul3A_576, %add3A_624 : i32
      %swap3A_626 = arith.index_cast %add3A_625 : i32 to index
      %swap3A_627 = tpu.vector_load %arg6[%swap3A_626] {strides = array<i32>} : memref<32768xf32, #tpu.memory_space<vmem>>, vector<16xf32>,
      %swap3A_628 = vector.shape_cast %swap3A_627 : vector<16xf32> to vector<16xf32>
      %swap3A_629 = vector.shape_cast %broadcast_in_dim3A_1 : vector<16xf32> to vector<16xf32>
      tpu.vector_store %arg6[%swap3A_626], %swap3A_629 {strides = array<i32>} : memref<32768xf32, #tpu.memory_space<vmem>>, vector<16xf32>,
      %add3A_630 = arith.constant 144 : i32
      %add3A_631 = arith.addi %mul3A_576, %add3A_630 : i32
      %swap3A_632 = arith.index_cast %add3A_631 : i32 to index
      %swap3A_633 = tpu.vector_load %arg6[%swap3A_632] {strides = array<i32>} : memref<32768xf32, #tpu.memory_space<vmem>>, vector<16xf32>,
      %swap3A_634 = vector.shape_cast %swap3A_633 : vector<16xf32> to vector<16xf32>
      %swap3A_635 = vector.shape_cast %broadcast_in_dim3A_1 : vector<16xf32> to vector<16xf32>
      tpu.vector_store %arg6[%swap3A_632], %swap3A_635 {strides = array<i32>} : memref<32768xf32, #tpu.memory_space<vmem>>, vector<16xf32>,
      %add3A_636 = arith.constant 160 : i32
      %add3A_637 = arith.addi %mul3A_576, %add3A_636 : i32
      %swap3A_638 = arith.index_cast %add3A_637 : i32 to index
      %swap3A_639 = tpu.vector_load %arg6[%swap3A_638] {strides = array<i32>} : memref<32768xf32, #tpu.memory_space<vmem>>, vector<16xf32>,
      %swap3A_640 = vector.shape_cast %swap3A_639 : vector<16xf32> to vector<16xf32>
      %swap3A_641 = vector.shape_cast %broadcast_in_dim3A_1 : vector<16xf32> to vector<16xf32>
      tpu.vector_store %arg6[%swap3A_638], %swap3A_641 {strides = array<i32>} : memref<32768xf32, #tpu.memory_space<vmem>>, vector<16xf32>,
      %add3A_642 = arith.constant 176 : i32
      %add3A_643 = arith.addi %mul3A_576, %add3A_642 : i32
      %swap3A_644 = arith.index_cast %add3A_643 : i32 to index
      %swap3A_645 = tpu.vector_load %arg6[%swap3A_644] {strides = array<i32>} : memref<32768xf32, #tpu.memory_space<vmem>>, vector<16xf32>,
      %swap3A_646 = vector.shape_cast %swap3A_645 : vector<16xf32> to vector<16xf32>
      %swap3A_647 = vector.shape_cast %broadcast_in_dim3A_1 : vector<16xf32> to vector<16xf32>
      tpu.vector_store %arg6[%swap3A_644], %swap3A_647 {strides = array<i32>} : memref<32768xf32, #tpu.memory_space<vmem>>, vector<16xf32>,
      %add3A_648 = arith.constant 192 : i32
      %add3A_649 = arith.addi %mul3A_576, %add3A_648 : i32
      %swap3A_650 = arith.index_cast %add3A_649 : i32 to index
      %swap3A_651 = tpu.vector_load %arg6[%swap3A_650] {strides = array<i32>} : memref<32768xf32, #tpu.memory_space<vmem>>, vector<16xf32>,
      %swap3A_652 = vector.shape_cast %swap3A_651 : vector<16xf32> to vector<16xf32>
      %swap3A_653 = vector.shape_cast %broadcast_in_dim3A_1 : vector<16xf32> to vector<16xf32>
      tpu.vector_store %arg6[%swap3A_650], %swap3A_653 {strides = array<i32>} : memref<32768xf32, #tpu.memory_space<vmem>>, vector<16xf32>,
      %add3A_654 = arith.constant 208 : i32
      %add3A_655 = arith.addi %mul3A_576, %add3A_654 : i32
      %swap3A_656 = arith.index_cast %add3A_655 : i32 to index
      %swap3A_657 = tpu.vector_load %arg6[%swap3A_656] {strides = array<i32>} : memref<32768xf32, #tpu.memory_space<vmem>>, vector<16xf32>,
      %swap3A_658 = vector.shape_cast %swap3A_657 : vector<16xf32> to vector<16xf32>
      %swap3A_659 = vector.shape_cast %broadcast_in_dim3A_1 : vector<16xf32> to vector<16xf32>
      tpu.vector_store %arg6[%swap3A_656], %swap3A_659 {strides = array<i32>} : memref<32768xf32, #tpu.memory_space<vmem>>, vector<16xf32>,
      %add3A_660 = arith.constant 224 : i32
      %add3A_661 = arith.addi %mul3A_576, %add3A_660 : i32
      %swap3A_662 = arith.index_cast %add3A_661 : i32 to index
      %swap3A_663 = tpu.vector_load %arg6[%swap3A_662] {strides = array<i32>} : memref<32768xf32, #tpu.memory_space<vmem>>, vector<16xf32>,
      %swap3A_664 = vector.shape_cast %swap3A_663 : vector<16xf32> to vector<16xf32>
      %swap3A_665 = vector.shape_cast %broadcast_in_dim3A_1 : vector<16xf32> to vector<16xf32>
      tpu.vector_store %arg6[%swap3A_662], %swap3A_665 {strides = array<i32>} : memref<32768xf32, #tpu.memory_space<vmem>>, vector<16xf32>,
      %add3A_666 = arith.constant 240 : i32
      %add3A_667 = arith.addi %mul3A_576, %add3A_666 : i32
      %swap3A_668 = arith.index_cast %add3A_667 : i32 to index
      %swap3A_669 = tpu.vector_load %arg6[%swap3A_668] {strides = array<i32>} : memref<32768xf32, #tpu.memory_space<vmem>>, vector<16xf32>,
      %swap3A_670 = vector.shape_cast %swap3A_669 : vector<16xf32> to vector<16xf32>
      %swap3A_671 = vector.shape_cast %broadcast_in_dim3A_1 : vector<16xf32> to vector<16xf32>
      tpu.vector_store %arg6[%swap3A_668], %swap3A_671 {strides = array<i32>} : memref<32768xf32, #tpu.memory_space<vmem>>, vector<16xf32>,
      %while3A_672 = arith.constant 0 : i32
      scf.yield %while3A_672 : i32
    }
    %while3A_543 = arith.constant 1 : i32
    %while3A_544 = scf.for %while3A_572 = %while3A_540 to %while3A_536 step %while3A_543 iter_args(%while3A_573 = %while3A_542) -> (i32)  : i32 {
      %get3A = arith.index_cast %while3A_572 : i32 to index
      %get3A_574 = memref.load %arg8[%get3A] : memref<128xi32, #tpu.memory_space<smem>>
      %mul3A_575 = arith.constant 256 : i32
      %mul3A_576 = arith.muli %get3A_574, %mul3A_575 : i32
      %add3A_577 = arith.constant 0 : i32
      %add3A_578 = arith.addi %mul3A_576, %add3A_577 : i32
      %swap3A = arith.index_cast %add3A_578 : i32 to index
      %swap3A_579 = tpu.vector_load %arg6[%swap3A] {strides = array<i32>} : memref<32768xf32, #tpu.memory_space<vmem>>, vector<16xf32>,
      %swap3A_580 = vector.shape_cast %swap3A_579 : vector<16xf32> to vector<16xf32>
      %swap3A_581 = vector.shape_cast %broadcast_in_dim3A_1 : vector<16xf32> to vector<16xf32>
      tpu.vector_store %arg6[%swap3A], %swap3A_581 {strides = array<i32>} : memref<32768xf32, #tpu.memory_space<vmem>>, vector<16xf32>,
      %add3A_582 = arith.constant 16 : i32
      %add3A_583 = arith.addi %mul3A_576, %add3A_582 : i32
      %swap3A_584 = arith.index_cast %add3A_583 : i32 to index
      %swap3A_585 = tpu.vector_load %arg6[%swap3A_584] {strides = array<i32>} : memref<32768xf32, #tpu.memory_space<vmem>>, vector<16xf32>,
      %swap3A_586 = vector.shape_cast %swap3A_585 : vector<16xf32> to vector<16xf32>
      %swap3A_587 = vector.shape_cast %broadcast_in_dim3A_1 : vector<16xf32> to vector<16xf32>
      tpu.vector_store %arg6[%swap3A_584], %swap3A_587 {strides = array<i32>} : memref<32768xf32, #tpu.memory_space<vmem>>, vector<16xf32>,
      %add3A_588 = arith.constant 32 : i32
      %add3A_589 = arith.addi %mul3A_576, %add3A_588 : i32
      %swap3A_590 = arith.index_cast %add3A_589 : i32 to index
      %swap3A_591 = tpu.vector_load %arg6[%swap3A_590] {strides = array<i32>} : memref<32768xf32, #tpu.memory_space<vmem>>, vector<16xf32>,
      %swap3A_592 = vector.shape_cast %swap3A_591 : vector<16xf32> to vector<16xf32>
      %swap3A_593 = vector.shape_cast %broadcast_in_dim3A_1 : vector<16xf32> to vector<16xf32>
      tpu.vector_store %arg6[%swap3A_590], %swap3A_593 {strides = array<i32>} : memref<32768xf32, #tpu.memory_space<vmem>>, vector<16xf32>,
      %add3A_594 = arith.constant 48 : i32
      %add3A_595 = arith.addi %mul3A_576, %add3A_594 : i32
      %swap3A_596 = arith.index_cast %add3A_595 : i32 to index
      %swap3A_597 = tpu.vector_load %arg6[%swap3A_596] {strides = array<i32>} : memref<32768xf32, #tpu.memory_space<vmem>>, vector<16xf32>,
      %swap3A_598 = vector.shape_cast %swap3A_597 : vector<16xf32> to vector<16xf32>
      %swap3A_599 = vector.shape_cast %broadcast_in_dim3A_1 : vector<16xf32> to vector<16xf32>
      tpu.vector_store %arg6[%swap3A_596], %swap3A_599 {strides = array<i32>} : memref<32768xf32, #tpu.memory_space<vmem>>, vector<16xf32>,
      %add3A_600 = arith.constant 64 : i32
      %add3A_601 = arith.addi %mul3A_576, %add3A_600 : i32
      %swap3A_602 = arith.index_cast %add3A_601 : i32 to index
      %swap3A_603 = tpu.vector_load %arg6[%swap3A_602] {strides = array<i32>} : memref<32768xf32, #tpu.memory_space<vmem>>, vector<16xf32>,
      %swap3A_604 = vector.shape_cast %swap3A_603 : vector<16xf32> to vector<16xf32>
      %swap3A_605 = vector.shape_cast %broadcast_in_dim3A_1 : vector<16xf32> to vector<16xf32>
      tpu.vector_store %arg6[%swap3A_602], %swap3A_605 {strides = array<i32>} : memref<32768xf32, #tpu.memory_space<vmem>>, vector<16xf32>,
      %add3A_606 = arith.constant 80 : i32
      %add3A_607 = arith.addi %mul3A_576, %add3A_606 : i32
      %swap3A_608 = arith.index_cast %add3A_607 : i32 to index
      %swap3A_609 = tpu.vector_load %arg6[%swap3A_608] {strides = array<i32>} : memref<32768xf32, #tpu.memory_space<vmem>>, vector<16xf32>,
      %swap3A_610 = vector.shape_cast %swap3A_609 : vector<16xf32> to vector<16xf32>
      %swap3A_611 = vector.shape_cast %broadcast_in_dim3A_1 : vector<16xf32> to vector<16xf32>
      tpu.vector_store %arg6[%swap3A_608], %swap3A_611 {strides = array<i32>} : memref<32768xf32, #tpu.memory_space<vmem>>, vector<16xf32>,
      %add3A_612 = arith.constant 96 : i32
      %add3A_613 = arith.addi %mul3A_576, %add3A_612 : i32
      %swap3A_614 = arith.index_cast %add3A_613 : i32 to index
      %swap3A_615 = tpu.vector_load %arg6[%swap3A_614] {strides = array<i32>} : memref<32768xf32, #tpu.memory_space<vmem>>, vector<16xf32>,
      %swap3A_616 = vector.shape_cast %swap3A_615 : vector<16xf32> to vector<16xf32>
      %swap3A_617 = vector.shape_cast %broadcast_in_dim3A_1 : vector<16xf32> to vector<16xf32>
      tpu.vector_store %arg6[%swap3A_614], %swap3A_617 {strides = array<i32>} : memref<32768xf32, #tpu.memory_space<vmem>>, vector<16xf32>,
      %add3A_618 = arith.constant 112 : i32
      %add3A_619 = arith.addi %mul3A_576, %add3A_618 : i32
      %swap3A_620 = arith.index_cast %add3A_619 : i32 to index
      %swap3A_621 = tpu.vector_load %arg6[%swap3A_620] {strides = array<i32>} : memref<32768xf32, #tpu.memory_space<vmem>>, vector<16xf32>,
      %swap3A_622 = vector.shape_cast %swap3A_621 : vector<16xf32> to vector<16xf32>
      %swap3A_623 = vector.shape_cast %broadcast_in_dim3A_1 : vector<16xf32> to vector<16xf32>
      tpu.vector_store %arg6[%swap3A_620], %swap3A_623 {strides = array<i32>} : memref<32768xf32, #tpu.memory_space<vmem>>, vector<16xf32>,
      %add3A_624 = arith.constant 128 : i32
      %add3A_625 = arith.addi %mul3A_576, %add3A_624 : i32
      %swap3A_626 = arith.index_cast %add3A_625 : i32 to index
      %swap3A_627 = tpu.vector_load %arg6[%swap3A_626] {strides = array<i32>} : memref<32768xf32, #tpu.memory_space<vmem>>, vector<16xf32>,
      %swap3A_628 = vector.shape_cast %swap3A_627 : vector<16xf32> to vector<16xf32>
      %swap3A_629 = vector.shape_cast %broadcast_in_dim3A_1 : vector<16xf32> to vector<16xf32>
      tpu.vector_store %arg6[%swap3A_626], %swap3A_629 {strides = array<i32>} : memref<32768xf32, #tpu.memory_space<vmem>>, vector<16xf32>,
      %add3A_630 = arith.constant 144 : i32
      %add3A_631 = arith.addi %mul3A_576, %add3A_630 : i32
      %swap3A_632 = arith.index_cast %add3A_631 : i32 to index
      %swap3A_633 = tpu.vector_load %arg6[%swap3A_632] {strides = array<i32>} : memref<32768xf32, #tpu.memory_space<vmem>>, vector<16xf32>,
      %swap3A_634 = vector.shape_cast %swap3A_633 : vector<16xf32> to vector<16xf32>
      %swap3A_635 = vector.shape_cast %broadcast_in_dim3A_1 : vector<16xf32> to vector<16xf32>
      tpu.vector_store %arg6[%swap3A_632], %swap3A_635 {strides = array<i32>} : memref<32768xf32, #tpu.memory_space<vmem>>, vector<16xf32>,
      %add3A_636 = arith.constant 160 : i32
      %add3A_637 = arith.addi %mul3A_576, %add3A_636 : i32
      %swap3A_638 = arith.index_cast %add3A_637 : i32 to index
      %swap3A_639 = tpu.vector_load %arg6[%swap3A_638] {strides = array<i32>} : memref<32768xf32, #tpu.memory_space<vmem>>, vector<16xf32>,
      %swap3A_640 = vector.shape_cast %swap3A_639 : vector<16xf32> to vector<16xf32>
      %swap3A_641 = vector.shape_cast %broadcast_in_dim3A_1 : vector<16xf32> to vector<16xf32>
      tpu.vector_store %arg6[%swap3A_638], %swap3A_641 {strides = array<i32>} : memref<32768xf32, #tpu.memory_space<vmem>>, vector<16xf32>,
      %add3A_642 = arith.constant 176 : i32
      %add3A_643 = arith.addi %mul3A_576, %add3A_642 : i32
      %swap3A_644 = arith.index_cast %add3A_643 : i32 to index
      %swap3A_645 = tpu.vector_load %arg6[%swap3A_644] {strides = array<i32>} : memref<32768xf32, #tpu.memory_space<vmem>>, vector<16xf32>,
      %swap3A_646 = vector.shape_cast %swap3A_645 : vector<16xf32> to vector<16xf32>
      %swap3A_647 = vector.shape_cast %broadcast_in_dim3A_1 : vector<16xf32> to vector<16xf32>
      tpu.vector_store %arg6[%swap3A_644], %swap3A_647 {strides = array<i32>} : memref<32768xf32, #tpu.memory_space<vmem>>, vector<16xf32>,
      %add3A_648 = arith.constant 192 : i32
      %add3A_649 = arith.addi %mul3A_576, %add3A_648 : i32
      %swap3A_650 = arith.index_cast %add3A_649 : i32 to index
      %swap3A_651 = tpu.vector_load %arg6[%swap3A_650] {strides = array<i32>} : memref<32768xf32, #tpu.memory_space<vmem>>, vector<16xf32>,
      %swap3A_652 = vector.shape_cast %swap3A_651 : vector<16xf32> to vector<16xf32>
      %swap3A_653 = vector.shape_cast %broadcast_in_dim3A_1 : vector<16xf32> to vector<16xf32>
      tpu.vector_store %arg6[%swap3A_650], %swap3A_653 {strides = array<i32>} : memref<32768xf32, #tpu.memory_space<vmem>>, vector<16xf32>,
      %add3A_654 = arith.constant 208 : i32
      %add3A_655 = arith.addi %mul3A_576, %add3A_654 : i32
      %swap3A_656 = arith.index_cast %add3A_655 : i32 to index
      %swap3A_657 = tpu.vector_load %arg6[%swap3A_656] {strides = array<i32>} : memref<32768xf32, #tpu.memory_space<vmem>>, vector<16xf32>,
      %swap3A_658 = vector.shape_cast %swap3A_657 : vector<16xf32> to vector<16xf32>
      %swap3A_659 = vector.shape_cast %broadcast_in_dim3A_1 : vector<16xf32> to vector<16xf32>
      tpu.vector_store %arg6[%swap3A_656], %swap3A_659 {strides = array<i32>} : memref<32768xf32, #tpu.memory_space<vmem>>, vector<16xf32>,
      %add3A_660 = arith.constant 224 : i32
      %add3A_661 = arith.addi %mul3A_576, %add3A_660 : i32
      %swap3A_662 = arith.index_cast %add3A_661 : i32 to index
      %swap3A_663 = tpu.vector_load %arg6[%swap3A_662] {strides = array<i32>} : memref<32768xf32, #tpu.memory_space<vmem>>, vector<16xf32>,
      %swap3A_664 = vector.shape_cast %swap3A_663 : vector<16xf32> to vector<16xf32>
      %swap3A_665 = vector.shape_cast %broadcast_in_dim3A_1 : vector<16xf32> to vector<16xf32>
      tpu.vector_store %arg6[%swap3A_662], %swap3A_665 {strides = array<i32>} : memref<32768xf32, #tpu.memory_space<vmem>>, vector<16xf32>,
      %add3A_666 = arith.constant 240 : i32
      %add3A_667 = arith.addi %mul3A_576, %add3A_666 : i32
      %swap3A_668 = arith.index_cast %add3A_667 : i32 to index
      %swap3A_669 = tpu.vector_load %arg6[%swap3A_668] {strides = array<i32>} : memref<32768xf32, #tpu.memory_space<vmem>>, vector<16xf32>,
      %swap3A_670 = vector.shape_cast %swap3A_669 : vector<16xf32> to vector<16xf32>
      %swap3A_671 = vector.shape_cast %broadcast_in_dim3A_1 : vector<16xf32> to vector<16xf32>
      tpu.vector_store %arg6[%swap3A_668], %swap3A_671 {strides = array<i32>} : memref<32768xf32, #tpu.memory_space<vmem>>, vector<16xf32>,
      %while3A_672 = arith.constant 0 : i32
      scf.yield %while3A_672 : i32
    }
    %broadcast_in_dim3A_545 = vector.broadcast %scan3A_525#0 : f32 to vector<16xf32>
    %while3A_546 = arith.constant 0 : i32
    %while3A_547 = arith.constant 0 : i32
    %while3A_548 = arith.subi %while3A_520, %while3A_546 : i32
    %while3A_549 = arith.addi %while3A_546, %while3A_548 : i32
    %while3A_550 = arith.constant 1 : i32
    %while3A_551 = arith.divsi %while3A_548, %while3A_550 : i32
    %while3A_552 = arith.muli %while3A_551, %while3A_550 : i32
    %while3A_553 = arith.addi %while3A_546, %while3A_552 : i32
    %while3A_554 = arith.constant 1 : i32
    %while3A_555 = scf.for %while3A_572 = %while3A_546 to %while3A_553 step %while3A_554 iter_args(%while3A_573 = %while3A_547) -> (i32)  : i32 {
      %get3A = arith.index_cast %while3A_572 : i32 to index
      %get3A_574 = memref.load %arg9[%get3A] : memref<128xi32, #tpu.memory_space<smem>>
      %mul3A_575 = arith.constant 256 : i32
      %mul3A_576 = arith.muli %get3A_574, %mul3A_575 : i32
      %add3A_577 = arith.constant 0 : i32
      %add3A_578 = arith.addi %mul3A_576, %add3A_577 : i32
      %get3A_579 = arith.index_cast %add3A_578 : i32 to index
      %get3A_580 = tpu.vector_load %arg5[%get3A_579] {strides = array<i32>} : memref<32768xf32, #tpu.memory_space<vmem>>, vector<16xf32>,
      %get3A_581 = vector.shape_cast %get3A_580 : vector<16xf32> to vector<16xf32>
      %sub3A_582 = arith.subf %get3A_581, %broadcast_in_dim3A_545 : vector<16xf32>
      %max3A_583 = arith.maximumf %sub3A_582, %broadcast_in_dim3A_1 : vector<16xf32>
      %add3A_584 = arith.constant 0 : i32
      %add3A_585 = arith.addi %mul3A_576, %add3A_584 : i32
      %swap3A = arith.index_cast %add3A_585 : i32 to index
      %swap3A_586 = tpu.vector_load %arg6[%swap3A] {strides = array<i32>} : memref<32768xf32, #tpu.memory_space<vmem>>, vector<16xf32>,
      %swap3A_587 = vector.shape_cast %swap3A_586 : vector<16xf32> to vector<16xf32>
      %swap3A_588 = vector.shape_cast %max3A_583 : vector<16xf32> to vector<16xf32>
      tpu.vector_store %arg6[%swap3A], %swap3A_588 {strides = array<i32>} : memref<32768xf32, #tpu.memory_space<vmem>>, vector<16xf32>,
      %add3A_589 = arith.constant 16 : i32
      %add3A_590 = arith.addi %mul3A_576, %add3A_589 : i32
      %get3A_591 = arith.index_cast %add3A_590 : i32 to index
      %get3A_592 = tpu.vector_load %arg5[%get3A_591] {strides = array<i32>} : memref<32768xf32, #tpu.memory_space<vmem>>, vector<16xf32>,
      %get3A_593 = vector.shape_cast %get3A_592 : vector<16xf32> to vector<16xf32>
      %sub3A_594 = arith.subf %get3A_593, %broadcast_in_dim3A_545 : vector<16xf32>
      %max3A_595 = arith.maximumf %sub3A_594, %broadcast_in_dim3A_1 : vector<16xf32>
      %add3A_596 = arith.constant 16 : i32
      %add3A_597 = arith.addi %mul3A_576, %add3A_596 : i32
      %swap3A_598 = arith.index_cast %add3A_597 : i32 to index
      %swap3A_599 = tpu.vector_load %arg6[%swap3A_598] {strides = array<i32>} : memref<32768xf32, #tpu.memory_space<vmem>>, vector<16xf32>,
      %swap3A_600 = vector.shape_cast %swap3A_599 : vector<16xf32> to vector<16xf32>
      %swap3A_601 = vector.shape_cast %max3A_595 : vector<16xf32> to vector<16xf32>
      tpu.vector_store %arg6[%swap3A_598], %swap3A_601 {strides = array<i32>} : memref<32768xf32, #tpu.memory_space<vmem>>, vector<16xf32>,
      %add3A_602 = arith.constant 32 : i32
      %add3A_603 = arith.addi %mul3A_576, %add3A_602 : i32
      %get3A_604 = arith.index_cast %add3A_603 : i32 to index
      %get3A_605 = tpu.vector_load %arg5[%get3A_604] {strides = array<i32>} : memref<32768xf32, #tpu.memory_space<vmem>>, vector<16xf32>,
      %get3A_606 = vector.shape_cast %get3A_605 : vector<16xf32> to vector<16xf32>
      %sub3A_607 = arith.subf %get3A_606, %broadcast_in_dim3A_545 : vector<16xf32>
      %max3A_608 = arith.maximumf %sub3A_607, %broadcast_in_dim3A_1 : vector<16xf32>
      %add3A_609 = arith.constant 32 : i32
      %add3A_610 = arith.addi %mul3A_576, %add3A_609 : i32
      %swap3A_611 = arith.index_cast %add3A_610 : i32 to index
      %swap3A_612 = tpu.vector_load %arg6[%swap3A_611] {strides = array<i32>} : memref<32768xf32, #tpu.memory_space<vmem>>, vector<16xf32>,
      %swap3A_613 = vector.shape_cast %swap3A_612 : vector<16xf32> to vector<16xf32>
      %swap3A_614 = vector.shape_cast %max3A_608 : vector<16xf32> to vector<16xf32>
      tpu.vector_store %arg6[%swap3A_611], %swap3A_614 {strides = array<i32>} : memref<32768xf32, #tpu.memory_space<vmem>>, vector<16xf32>,
      %add3A_615 = arith.constant 48 : i32
      %add3A_616 = arith.addi %mul3A_576, %add3A_615 : i32
      %get3A_617 = arith.index_cast %add3A_616 : i32 to index
      %get3A_618 = tpu.vector_load %arg5[%get3A_617] {strides = array<i32>} : memref<32768xf32, #tpu.memory_space<vmem>>, vector<16xf32>,
      %get3A_619 = vector.shape_cast %get3A_618 : vector<16xf32> to vector<16xf32>
      %sub3A_620 = arith.subf %get3A_619, %broadcast_in_dim3A_545 : vector<16xf32>
      %max3A_621 = arith.maximumf %sub3A_620, %broadcast_in_dim3A_1 : vector<16xf32>
      %add3A_622 = arith.constant 48 : i32
      %add3A_623 = arith.addi %mul3A_576, %add3A_622 : i32
      %swap3A_624 = arith.index_cast %add3A_623 : i32 to index
      %swap3A_625 = tpu.vector_load %arg6[%swap3A_624] {strides = array<i32>} : memref<32768xf32, #tpu.memory_space<vmem>>, vector<16xf32>,
      %swap3A_626 = vector.shape_cast %swap3A_625 : vector<16xf32> to vector<16xf32>
      %swap3A_627 = vector.shape_cast %max3A_621 : vector<16xf32> to vector<16xf32>
      tpu.vector_store %arg6[%swap3A_624], %swap3A_627 {strides = array<i32>} : memref<32768xf32, #tpu.memory_space<vmem>>, vector<16xf32>,
      %add3A_628 = arith.constant 64 : i32
      %add3A_629 = arith.addi %mul3A_576, %add3A_628 : i32
      %get3A_630 = arith.index_cast %add3A_629 : i32 to index
      %get3A_631 = tpu.vector_load %arg5[%get3A_630] {strides = array<i32>} : memref<32768xf32, #tpu.memory_space<vmem>>, vector<16xf32>,
      %get3A_632 = vector.shape_cast %get3A_631 : vector<16xf32> to vector<16xf32>
      %sub3A_633 = arith.subf %get3A_632, %broadcast_in_dim3A_545 : vector<16xf32>
      %max3A_634 = arith.maximumf %sub3A_633, %broadcast_in_dim3A_1 : vector<16xf32>
      %add3A_635 = arith.constant 64 : i32
      %add3A_636 = arith.addi %mul3A_576, %add3A_635 : i32
      %swap3A_637 = arith.index_cast %add3A_636 : i32 to index
      %swap3A_638 = tpu.vector_load %arg6[%swap3A_637] {strides = array<i32>} : memref<32768xf32, #tpu.memory_space<vmem>>, vector<16xf32>,
      %swap3A_639 = vector.shape_cast %swap3A_638 : vector<16xf32> to vector<16xf32>
      %swap3A_640 = vector.shape_cast %max3A_634 : vector<16xf32> to vector<16xf32>
      tpu.vector_store %arg6[%swap3A_637], %swap3A_640 {strides = array<i32>} : memref<32768xf32, #tpu.memory_space<vmem>>, vector<16xf32>,
      %add3A_641 = arith.constant 80 : i32
      %add3A_642 = arith.addi %mul3A_576, %add3A_641 : i32
      %get3A_643 = arith.index_cast %add3A_642 : i32 to index
      %get3A_644 = tpu.vector_load %arg5[%get3A_643] {strides = array<i32>} : memref<32768xf32, #tpu.memory_space<vmem>>, vector<16xf32>,
      %get3A_645 = vector.shape_cast %get3A_644 : vector<16xf32> to vector<16xf32>
      %sub3A_646 = arith.subf %get3A_645, %broadcast_in_dim3A_545 : vector<16xf32>
      %max3A_647 = arith.maximumf %sub3A_646, %broadcast_in_dim3A_1 : vector<16xf32>
      %add3A_648 = arith.constant 80 : i32
      %add3A_649 = arith.addi %mul3A_576, %add3A_648 : i32
      %swap3A_650 = arith.index_cast %add3A_649 : i32 to index
      %swap3A_651 = tpu.vector_load %arg6[%swap3A_650] {strides = array<i32>} : memref<32768xf32, #tpu.memory_space<vmem>>, vector<16xf32>,
      %swap3A_652 = vector.shape_cast %swap3A_651 : vector<16xf32> to vector<16xf32>
      %swap3A_653 = vector.shape_cast %max3A_647 : vector<16xf32> to vector<16xf32>
      tpu.vector_store %arg6[%swap3A_650], %swap3A_653 {strides = array<i32>} : memref<32768xf32, #tpu.memory_space<vmem>>, vector<16xf32>,
      %add3A_654 = arith.constant 96 : i32
      %add3A_655 = arith.addi %mul3A_576, %add3A_654 : i32
      %get3A_656 = arith.index_cast %add3A_655 : i32 to index
      %get3A_657 = tpu.vector_load %arg5[%get3A_656] {strides = array<i32>} : memref<32768xf32, #tpu.memory_space<vmem>>, vector<16xf32>,
      %get3A_658 = vector.shape_cast %get3A_657 : vector<16xf32> to vector<16xf32>
      %sub3A_659 = arith.subf %get3A_658, %broadcast_in_dim3A_545 : vector<16xf32>
      %max3A_660 = arith.maximumf %sub3A_659, %broadcast_in_dim3A_1 : vector<16xf32>
      %add3A_661 = arith.constant 96 : i32
      %add3A_662 = arith.addi %mul3A_576, %add3A_661 : i32
      %swap3A_663 = arith.index_cast %add3A_662 : i32 to index
      %swap3A_664 = tpu.vector_load %arg6[%swap3A_663] {strides = array<i32>} : memref<32768xf32, #tpu.memory_space<vmem>>, vector<16xf32>,
      %swap3A_665 = vector.shape_cast %swap3A_664 : vector<16xf32> to vector<16xf32>
      %swap3A_666 = vector.shape_cast %max3A_660 : vector<16xf32> to vector<16xf32>
      tpu.vector_store %arg6[%swap3A_663], %swap3A_666 {strides = array<i32>} : memref<32768xf32, #tpu.memory_space<vmem>>, vector<16xf32>,
      %add3A_667 = arith.constant 112 : i32
      %add3A_668 = arith.addi %mul3A_576, %add3A_667 : i32
      %get3A_669 = arith.index_cast %add3A_668 : i32 to index
      %get3A_670 = tpu.vector_load %arg5[%get3A_669] {strides = array<i32>} : memref<32768xf32, #tpu.memory_space<vmem>>, vector<16xf32>,
      %get3A_671 = vector.shape_cast %get3A_670 : vector<16xf32> to vector<16xf32>
      %sub3A_672 = arith.subf %get3A_671, %broadcast_in_dim3A_545 : vector<16xf32>
      %max3A_673 = arith.maximumf %sub3A_672, %broadcast_in_dim3A_1 : vector<16xf32>
      %add3A_674 = arith.constant 112 : i32
      %add3A_675 = arith.addi %mul3A_576, %add3A_674 : i32
      %swap3A_676 = arith.index_cast %add3A_675 : i32 to index
      %swap3A_677 = tpu.vector_load %arg6[%swap3A_676] {strides = array<i32>} : memref<32768xf32, #tpu.memory_space<vmem>>, vector<16xf32>,
      %swap3A_678 = vector.shape_cast %swap3A_677 : vector<16xf32> to vector<16xf32>
      %swap3A_679 = vector.shape_cast %max3A_673 : vector<16xf32> to vector<16xf32>
      tpu.vector_store %arg6[%swap3A_676], %swap3A_679 {strides = array<i32>} : memref<32768xf32, #tpu.memory_space<vmem>>, vector<16xf32>,
      %add3A_680 = arith.constant 128 : i32
      %add3A_681 = arith.addi %mul3A_576, %add3A_680 : i32
      %get3A_682 = arith.index_cast %add3A_681 : i32 to index
      %get3A_683 = tpu.vector_load %arg5[%get3A_682] {strides = array<i32>} : memref<32768xf32, #tpu.memory_space<vmem>>, vector<16xf32>,
      %get3A_684 = vector.shape_cast %get3A_683 : vector<16xf32> to vector<16xf32>
      %sub3A_685 = arith.subf %get3A_684, %broadcast_in_dim3A_545 : vector<16xf32>
      %max3A_686 = arith.maximumf %sub3A_685, %broadcast_in_dim3A_1 : vector<16xf32>
      %add3A_687 = arith.constant 128 : i32
      %add3A_688 = arith.addi %mul3A_576, %add3A_687 : i32
      %swap3A_689 = arith.index_cast %add3A_688 : i32 to index
      %swap3A_690 = tpu.vector_load %arg6[%swap3A_689] {strides = array<i32>} : memref<32768xf32, #tpu.memory_space<vmem>>, vector<16xf32>,
      %swap3A_691 = vector.shape_cast %swap3A_690 : vector<16xf32> to vector<16xf32>
      %swap3A_692 = vector.shape_cast %max3A_686 : vector<16xf32> to vector<16xf32>
      tpu.vector_store %arg6[%swap3A_689], %swap3A_692 {strides = array<i32>} : memref<32768xf32, #tpu.memory_space<vmem>>, vector<16xf32>,
      %add3A_693 = arith.constant 144 : i32
      %add3A_694 = arith.addi %mul3A_576, %add3A_693 : i32
      %get3A_695 = arith.index_cast %add3A_694 : i32 to index
      %get3A_696 = tpu.vector_load %arg5[%get3A_695] {strides = array<i32>} : memref<32768xf32, #tpu.memory_space<vmem>>, vector<16xf32>,
      %get3A_697 = vector.shape_cast %get3A_696 : vector<16xf32> to vector<16xf32>
      %sub3A_698 = arith.subf %get3A_697, %broadcast_in_dim3A_545 : vector<16xf32>
      %max3A_699 = arith.maximumf %sub3A_698, %broadcast_in_dim3A_1 : vector<16xf32>
      %add3A_700 = arith.constant 144 : i32
      %add3A_701 = arith.addi %mul3A_576, %add3A_700 : i32
      %swap3A_702 = arith.index_cast %add3A_701 : i32 to index
      %swap3A_703 = tpu.vector_load %arg6[%swap3A_702] {strides = array<i32>} : memref<32768xf32, #tpu.memory_space<vmem>>, vector<16xf32>,
      %swap3A_704 = vector.shape_cast %swap3A_703 : vector<16xf32> to vector<16xf32>
      %swap3A_705 = vector.shape_cast %max3A_699 : vector<16xf32> to vector<16xf32>
      tpu.vector_store %arg6[%swap3A_702], %swap3A_705 {strides = array<i32>} : memref<32768xf32, #tpu.memory_space<vmem>>, vector<16xf32>,
      %add3A_706 = arith.constant 160 : i32
      %add3A_707 = arith.addi %mul3A_576, %add3A_706 : i32
      %get3A_708 = arith.index_cast %add3A_707 : i32 to index
      %get3A_709 = tpu.vector_load %arg5[%get3A_708] {strides = array<i32>} : memref<32768xf32, #tpu.memory_space<vmem>>, vector<16xf32>,
      %get3A_710 = vector.shape_cast %get3A_709 : vector<16xf32> to vector<16xf32>
      %sub3A_711 = arith.subf %get3A_710, %broadcast_in_dim3A_545 : vector<16xf32>
      %max3A_712 = arith.maximumf %sub3A_711, %broadcast_in_dim3A_1 : vector<16xf32>
      %add3A_713 = arith.constant 160 : i32
      %add3A_714 = arith.addi %mul3A_576, %add3A_713 : i32
      %swap3A_715 = arith.index_cast %add3A_714 : i32 to index
      %swap3A_716 = tpu.vector_load %arg6[%swap3A_715] {strides = array<i32>} : memref<32768xf32, #tpu.memory_space<vmem>>, vector<16xf32>,
      %swap3A_717 = vector.shape_cast %swap3A_716 : vector<16xf32> to vector<16xf32>
      %swap3A_718 = vector.shape_cast %max3A_712 : vector<16xf32> to vector<16xf32>
      tpu.vector_store %arg6[%swap3A_715], %swap3A_718 {strides = array<i32>} : memref<32768xf32, #tpu.memory_space<vmem>>, vector<16xf32>,
      %add3A_719 = arith.constant 176 : i32
      %add3A_720 = arith.addi %mul3A_576, %add3A_719 : i32
      %get3A_721 = arith.index_cast %add3A_720 : i32 to index
      %get3A_722 = tpu.vector_load %arg5[%get3A_721] {strides = array<i32>} : memref<32768xf32, #tpu.memory_space<vmem>>, vector<16xf32>,
      %get3A_723 = vector.shape_cast %get3A_722 : vector<16xf32> to vector<16xf32>
      %sub3A_724 = arith.subf %get3A_723, %broadcast_in_dim3A_545 : vector<16xf32>
      %max3A_725 = arith.maximumf %sub3A_724, %broadcast_in_dim3A_1 : vector<16xf32>
      %add3A_726 = arith.constant 176 : i32
      %add3A_727 = arith.addi %mul3A_576, %add3A_726 : i32
      %swap3A_728 = arith.index_cast %add3A_727 : i32 to index
      %swap3A_729 = tpu.vector_load %arg6[%swap3A_728] {strides = array<i32>} : memref<32768xf32, #tpu.memory_space<vmem>>, vector<16xf32>,
      %swap3A_730 = vector.shape_cast %swap3A_729 : vector<16xf32> to vector<16xf32>
      %swap3A_731 = vector.shape_cast %max3A_725 : vector<16xf32> to vector<16xf32>
      tpu.vector_store %arg6[%swap3A_728], %swap3A_731 {strides = array<i32>} : memref<32768xf32, #tpu.memory_space<vmem>>, vector<16xf32>,
      %add3A_732 = arith.constant 192 : i32
      %add3A_733 = arith.addi %mul3A_576, %add3A_732 : i32
      %get3A_734 = arith.index_cast %add3A_733 : i32 to index
      %get3A_735 = tpu.vector_load %arg5[%get3A_734] {strides = array<i32>} : memref<32768xf32, #tpu.memory_space<vmem>>, vector<16xf32>,
      %get3A_736 = vector.shape_cast %get3A_735 : vector<16xf32> to vector<16xf32>
      %sub3A_737 = arith.subf %get3A_736, %broadcast_in_dim3A_545 : vector<16xf32>
      %max3A_738 = arith.maximumf %sub3A_737, %broadcast_in_dim3A_1 : vector<16xf32>
      %add3A_739 = arith.constant 192 : i32
      %add3A_740 = arith.addi %mul3A_576, %add3A_739 : i32
      %swap3A_741 = arith.index_cast %add3A_740 : i32 to index
      %swap3A_742 = tpu.vector_load %arg6[%swap3A_741] {strides = array<i32>} : memref<32768xf32, #tpu.memory_space<vmem>>, vector<16xf32>,
      %swap3A_743 = vector.shape_cast %swap3A_742 : vector<16xf32> to vector<16xf32>
      %swap3A_744 = vector.shape_cast %max3A_738 : vector<16xf32> to vector<16xf32>
      tpu.vector_store %arg6[%swap3A_741], %swap3A_744 {strides = array<i32>} : memref<32768xf32, #tpu.memory_space<vmem>>, vector<16xf32>,
      %add3A_745 = arith.constant 208 : i32
      %add3A_746 = arith.addi %mul3A_576, %add3A_745 : i32
      %get3A_747 = arith.index_cast %add3A_746 : i32 to index
      %get3A_748 = tpu.vector_load %arg5[%get3A_747] {strides = array<i32>} : memref<32768xf32, #tpu.memory_space<vmem>>, vector<16xf32>,
      %get3A_749 = vector.shape_cast %get3A_748 : vector<16xf32> to vector<16xf32>
      %sub3A_750 = arith.subf %get3A_749, %broadcast_in_dim3A_545 : vector<16xf32>
      %max3A_751 = arith.maximumf %sub3A_750, %broadcast_in_dim3A_1 : vector<16xf32>
      %add3A_752 = arith.constant 208 : i32
      %add3A_753 = arith.addi %mul3A_576, %add3A_752 : i32
      %swap3A_754 = arith.index_cast %add3A_753 : i32 to index
      %swap3A_755 = tpu.vector_load %arg6[%swap3A_754] {strides = array<i32>} : memref<32768xf32, #tpu.memory_space<vmem>>, vector<16xf32>,
      %swap3A_756 = vector.shape_cast %swap3A_755 : vector<16xf32> to vector<16xf32>
      %swap3A_757 = vector.shape_cast %max3A_751 : vector<16xf32> to vector<16xf32>
      tpu.vector_store %arg6[%swap3A_754], %swap3A_757 {strides = array<i32>} : memref<32768xf32, #tpu.memory_space<vmem>>, vector<16xf32>,
      %add3A_758 = arith.constant 224 : i32
      %add3A_759 = arith.addi %mul3A_576, %add3A_758 : i32
      %get3A_760 = arith.index_cast %add3A_759 : i32 to index
      %get3A_761 = tpu.vector_load %arg5[%get3A_760] {strides = array<i32>} : memref<32768xf32, #tpu.memory_space<vmem>>, vector<16xf32>,
      %get3A_762 = vector.shape_cast %get3A_761 : vector<16xf32> to vector<16xf32>
      %sub3A_763 = arith.subf %get3A_762, %broadcast_in_dim3A_545 : vector<16xf32>
      %max3A_764 = arith.maximumf %sub3A_763, %broadcast_in_dim3A_1 : vector<16xf32>
      %add3A_765 = arith.constant 224 : i32
      %add3A_766 = arith.addi %mul3A_576, %add3A_765 : i32
      %swap3A_767 = arith.index_cast %add3A_766 : i32 to index
      %swap3A_768 = tpu.vector_load %arg6[%swap3A_767] {strides = array<i32>} : memref<32768xf32, #tpu.memory_space<vmem>>, vector<16xf32>,
      %swap3A_769 = vector.shape_cast %swap3A_768 : vector<16xf32> to vector<16xf32>
      %swap3A_770 = vector.shape_cast %max3A_764 : vector<16xf32> to vector<16xf32>
      tpu.vector_store %arg6[%swap3A_767], %swap3A_770 {strides = array<i32>} : memref<32768xf32, #tpu.memory_space<vmem>>, vector<16xf32>,
      %add3A_771 = arith.constant 240 : i32
      %add3A_772 = arith.addi %mul3A_576, %add3A_771 : i32
      %get3A_773 = arith.index_cast %add3A_772 : i32 to index
      %get3A_774 = tpu.vector_load %arg5[%get3A_773] {strides = array<i32>} : memref<32768xf32, #tpu.memory_space<vmem>>, vector<16xf32>,
      %get3A_775 = vector.shape_cast %get3A_774 : vector<16xf32> to vector<16xf32>
      %sub3A_776 = arith.subf %get3A_775, %broadcast_in_dim3A_545 : vector<16xf32>
      %max3A_777 = arith.maximumf %sub3A_776, %broadcast_in_dim3A_1 : vector<16xf32>
      %add3A_778 = arith.constant 240 : i32
      %add3A_779 = arith.addi %mul3A_576, %add3A_778 : i32
      %swap3A_780 = arith.index_cast %add3A_779 : i32 to index
      %swap3A_781 = tpu.vector_load %arg6[%swap3A_780] {strides = array<i32>} : memref<32768xf32, #tpu.memory_space<vmem>>, vector<16xf32>,
      %swap3A_782 = vector.shape_cast %swap3A_781 : vector<16xf32> to vector<16xf32>
      %swap3A_783 = vector.shape_cast %max3A_777 : vector<16xf32> to vector<16xf32>
      tpu.vector_store %arg6[%swap3A_780], %swap3A_783 {strides = array<i32>} : memref<32768xf32, #tpu.memory_space<vmem>>, vector<16xf32>,
      %while3A_784 = arith.constant 0 : i32
      scf.yield %while3A_784 : i32
    }
    %while3A_556 = arith.constant 1 : i32
    %while3A_557 = scf.for %while3A_572 = %while3A_553 to %while3A_549 step %while3A_556 iter_args(%while3A_573 = %while3A_555) -> (i32)  : i32 {
      %get3A = arith.index_cast %while3A_572 : i32 to index
      %get3A_574 = memref.load %arg9[%get3A] : memref<128xi32, #tpu.memory_space<smem>>
      %mul3A_575 = arith.constant 256 : i32
      %mul3A_576 = arith.muli %get3A_574, %mul3A_575 : i32
      %add3A_577 = arith.constant 0 : i32
      %add3A_578 = arith.addi %mul3A_576, %add3A_577 : i32
      %get3A_579 = arith.index_cast %add3A_578 : i32 to index
      %get3A_580 = tpu.vector_load %arg5[%get3A_579] {strides = array<i32>} : memref<32768xf32, #tpu.memory_space<vmem>>, vector<16xf32>,
      %get3A_581 = vector.shape_cast %get3A_580 : vector<16xf32> to vector<16xf32>
      %sub3A_582 = arith.subf %get3A_581, %broadcast_in_dim3A_545 : vector<16xf32>
      %max3A_583 = arith.maximumf %sub3A_582, %broadcast_in_dim3A_1 : vector<16xf32>
      %add3A_584 = arith.constant 0 : i32
      %add3A_585 = arith.addi %mul3A_576, %add3A_584 : i32
      %swap3A = arith.index_cast %add3A_585 : i32 to index
      %swap3A_586 = tpu.vector_load %arg6[%swap3A] {strides = array<i32>} : memref<32768xf32, #tpu.memory_space<vmem>>, vector<16xf32>,
      %swap3A_587 = vector.shape_cast %swap3A_586 : vector<16xf32> to vector<16xf32>
      %swap3A_588 = vector.shape_cast %max3A_583 : vector<16xf32> to vector<16xf32>
      tpu.vector_store %arg6[%swap3A], %swap3A_588 {strides = array<i32>} : memref<32768xf32, #tpu.memory_space<vmem>>, vector<16xf32>,
      %add3A_589 = arith.constant 16 : i32
      %add3A_590 = arith.addi %mul3A_576, %add3A_589 : i32
      %get3A_591 = arith.index_cast %add3A_590 : i32 to index
      %get3A_592 = tpu.vector_load %arg5[%get3A_591] {strides = array<i32>} : memref<32768xf32, #tpu.memory_space<vmem>>, vector<16xf32>,
      %get3A_593 = vector.shape_cast %get3A_592 : vector<16xf32> to vector<16xf32>
      %sub3A_594 = arith.subf %get3A_593, %broadcast_in_dim3A_545 : vector<16xf32>
      %max3A_595 = arith.maximumf %sub3A_594, %broadcast_in_dim3A_1 : vector<16xf32>
      %add3A_596 = arith.constant 16 : i32
      %add3A_597 = arith.addi %mul3A_576, %add3A_596 : i32
      %swap3A_598 = arith.index_cast %add3A_597 : i32 to index
      %swap3A_599 = tpu.vector_load %arg6[%swap3A_598] {strides = array<i32>} : memref<32768xf32, #tpu.memory_space<vmem>>, vector<16xf32>,
      %swap3A_600 = vector.shape_cast %swap3A_599 : vector<16xf32> to vector<16xf32>
      %swap3A_601 = vector.shape_cast %max3A_595 : vector<16xf32> to vector<16xf32>
      tpu.vector_store %arg6[%swap3A_598], %swap3A_601 {strides = array<i32>} : memref<32768xf32, #tpu.memory_space<vmem>>, vector<16xf32>,
      %add3A_602 = arith.constant 32 : i32
      %add3A_603 = arith.addi %mul3A_576, %add3A_602 : i32
      %get3A_604 = arith.index_cast %add3A_603 : i32 to index
      %get3A_605 = tpu.vector_load %arg5[%get3A_604] {strides = array<i32>} : memref<32768xf32, #tpu.memory_space<vmem>>, vector<16xf32>,
      %get3A_606 = vector.shape_cast %get3A_605 : vector<16xf32> to vector<16xf32>
      %sub3A_607 = arith.subf %get3A_606, %broadcast_in_dim3A_545 : vector<16xf32>
      %max3A_608 = arith.maximumf %sub3A_607, %broadcast_in_dim3A_1 : vector<16xf32>
      %add3A_609 = arith.constant 32 : i32
      %add3A_610 = arith.addi %mul3A_576, %add3A_609 : i32
      %swap3A_611 = arith.index_cast %add3A_610 : i32 to index
      %swap3A_612 = tpu.vector_load %arg6[%swap3A_611] {strides = array<i32>} : memref<32768xf32, #tpu.memory_space<vmem>>, vector<16xf32>,
      %swap3A_613 = vector.shape_cast %swap3A_612 : vector<16xf32> to vector<16xf32>
      %swap3A_614 = vector.shape_cast %max3A_608 : vector<16xf32> to vector<16xf32>
      tpu.vector_store %arg6[%swap3A_611], %swap3A_614 {strides = array<i32>} : memref<32768xf32, #tpu.memory_space<vmem>>, vector<16xf32>,
      %add3A_615 = arith.constant 48 : i32
      %add3A_616 = arith.addi %mul3A_576, %add3A_615 : i32
      %get3A_617 = arith.index_cast %add3A_616 : i32 to index
      %get3A_618 = tpu.vector_load %arg5[%get3A_617] {strides = array<i32>} : memref<32768xf32, #tpu.memory_space<vmem>>, vector<16xf32>,
      %get3A_619 = vector.shape_cast %get3A_618 : vector<16xf32> to vector<16xf32>
      %sub3A_620 = arith.subf %get3A_619, %broadcast_in_dim3A_545 : vector<16xf32>
      %max3A_621 = arith.maximumf %sub3A_620, %broadcast_in_dim3A_1 : vector<16xf32>
      %add3A_622 = arith.constant 48 : i32
      %add3A_623 = arith.addi %mul3A_576, %add3A_622 : i32
      %swap3A_624 = arith.index_cast %add3A_623 : i32 to index
      %swap3A_625 = tpu.vector_load %arg6[%swap3A_624] {strides = array<i32>} : memref<32768xf32, #tpu.memory_space<vmem>>, vector<16xf32>,
      %swap3A_626 = vector.shape_cast %swap3A_625 : vector<16xf32> to vector<16xf32>
      %swap3A_627 = vector.shape_cast %max3A_621 : vector<16xf32> to vector<16xf32>
      tpu.vector_store %arg6[%swap3A_624], %swap3A_627 {strides = array<i32>} : memref<32768xf32, #tpu.memory_space<vmem>>, vector<16xf32>,
      %add3A_628 = arith.constant 64 : i32
      %add3A_629 = arith.addi %mul3A_576, %add3A_628 : i32
      %get3A_630 = arith.index_cast %add3A_629 : i32 to index
      %get3A_631 = tpu.vector_load %arg5[%get3A_630] {strides = array<i32>} : memref<32768xf32, #tpu.memory_space<vmem>>, vector<16xf32>,
      %get3A_632 = vector.shape_cast %get3A_631 : vector<16xf32> to vector<16xf32>
      %sub3A_633 = arith.subf %get3A_632, %broadcast_in_dim3A_545 : vector<16xf32>
      %max3A_634 = arith.maximumf %sub3A_633, %broadcast_in_dim3A_1 : vector<16xf32>
      %add3A_635 = arith.constant 64 : i32
      %add3A_636 = arith.addi %mul3A_576, %add3A_635 : i32
      %swap3A_637 = arith.index_cast %add3A_636 : i32 to index
      %swap3A_638 = tpu.vector_load %arg6[%swap3A_637] {strides = array<i32>} : memref<32768xf32, #tpu.memory_space<vmem>>, vector<16xf32>,
      %swap3A_639 = vector.shape_cast %swap3A_638 : vector<16xf32> to vector<16xf32>
      %swap3A_640 = vector.shape_cast %max3A_634 : vector<16xf32> to vector<16xf32>
      tpu.vector_store %arg6[%swap3A_637], %swap3A_640 {strides = array<i32>} : memref<32768xf32, #tpu.memory_space<vmem>>, vector<16xf32>,
      %add3A_641 = arith.constant 80 : i32
      %add3A_642 = arith.addi %mul3A_576, %add3A_641 : i32
      %get3A_643 = arith.index_cast %add3A_642 : i32 to index
      %get3A_644 = tpu.vector_load %arg5[%get3A_643] {strides = array<i32>} : memref<32768xf32, #tpu.memory_space<vmem>>, vector<16xf32>,
      %get3A_645 = vector.shape_cast %get3A_644 : vector<16xf32> to vector<16xf32>
      %sub3A_646 = arith.subf %get3A_645, %broadcast_in_dim3A_545 : vector<16xf32>
      %max3A_647 = arith.maximumf %sub3A_646, %broadcast_in_dim3A_1 : vector<16xf32>
      %add3A_648 = arith.constant 80 : i32
      %add3A_649 = arith.addi %mul3A_576, %add3A_648 : i32
      %swap3A_650 = arith.index_cast %add3A_649 : i32 to index
      %swap3A_651 = tpu.vector_load %arg6[%swap3A_650] {strides = array<i32>} : memref<32768xf32, #tpu.memory_space<vmem>>, vector<16xf32>,
      %swap3A_652 = vector.shape_cast %swap3A_651 : vector<16xf32> to vector<16xf32>
      %swap3A_653 = vector.shape_cast %max3A_647 : vector<16xf32> to vector<16xf32>
      tpu.vector_store %arg6[%swap3A_650], %swap3A_653 {strides = array<i32>} : memref<32768xf32, #tpu.memory_space<vmem>>, vector<16xf32>,
      %add3A_654 = arith.constant 96 : i32
      %add3A_655 = arith.addi %mul3A_576, %add3A_654 : i32
      %get3A_656 = arith.index_cast %add3A_655 : i32 to index
      %get3A_657 = tpu.vector_load %arg5[%get3A_656] {strides = array<i32>} : memref<32768xf32, #tpu.memory_space<vmem>>, vector<16xf32>,
      %get3A_658 = vector.shape_cast %get3A_657 : vector<16xf32> to vector<16xf32>
      %sub3A_659 = arith.subf %get3A_658, %broadcast_in_dim3A_545 : vector<16xf32>
      %max3A_660 = arith.maximumf %sub3A_659, %broadcast_in_dim3A_1 : vector<16xf32>
      %add3A_661 = arith.constant 96 : i32
      %add3A_662 = arith.addi %mul3A_576, %add3A_661 : i32
      %swap3A_663 = arith.index_cast %add3A_662 : i32 to index
      %swap3A_664 = tpu.vector_load %arg6[%swap3A_663] {strides = array<i32>} : memref<32768xf32, #tpu.memory_space<vmem>>, vector<16xf32>,
      %swap3A_665 = vector.shape_cast %swap3A_664 : vector<16xf32> to vector<16xf32>
      %swap3A_666 = vector.shape_cast %max3A_660 : vector<16xf32> to vector<16xf32>
      tpu.vector_store %arg6[%swap3A_663], %swap3A_666 {strides = array<i32>} : memref<32768xf32, #tpu.memory_space<vmem>>, vector<16xf32>,
      %add3A_667 = arith.constant 112 : i32
      %add3A_668 = arith.addi %mul3A_576, %add3A_667 : i32
      %get3A_669 = arith.index_cast %add3A_668 : i32 to index
      %get3A_670 = tpu.vector_load %arg5[%get3A_669] {strides = array<i32>} : memref<32768xf32, #tpu.memory_space<vmem>>, vector<16xf32>,
      %get3A_671 = vector.shape_cast %get3A_670 : vector<16xf32> to vector<16xf32>
      %sub3A_672 = arith.subf %get3A_671, %broadcast_in_dim3A_545 : vector<16xf32>
      %max3A_673 = arith.maximumf %sub3A_672, %broadcast_in_dim3A_1 : vector<16xf32>
      %add3A_674 = arith.constant 112 : i32
      %add3A_675 = arith.addi %mul3A_576, %add3A_674 : i32
      %swap3A_676 = arith.index_cast %add3A_675 : i32 to index
      %swap3A_677 = tpu.vector_load %arg6[%swap3A_676] {strides = array<i32>} : memref<32768xf32, #tpu.memory_space<vmem>>, vector<16xf32>,
      %swap3A_678 = vector.shape_cast %swap3A_677 : vector<16xf32> to vector<16xf32>
      %swap3A_679 = vector.shape_cast %max3A_673 : vector<16xf32> to vector<16xf32>
      tpu.vector_store %arg6[%swap3A_676], %swap3A_679 {strides = array<i32>} : memref<32768xf32, #tpu.memory_space<vmem>>, vector<16xf32>,
      %add3A_680 = arith.constant 128 : i32
      %add3A_681 = arith.addi %mul3A_576, %add3A_680 : i32
      %get3A_682 = arith.index_cast %add3A_681 : i32 to index
      %get3A_683 = tpu.vector_load %arg5[%get3A_682] {strides = array<i32>} : memref<32768xf32, #tpu.memory_space<vmem>>, vector<16xf32>,
      %get3A_684 = vector.shape_cast %get3A_683 : vector<16xf32> to vector<16xf32>
      %sub3A_685 = arith.subf %get3A_684, %broadcast_in_dim3A_545 : vector<16xf32>
      %max3A_686 = arith.maximumf %sub3A_685, %broadcast_in_dim3A_1 : vector<16xf32>
      %add3A_687 = arith.constant 128 : i32
      %add3A_688 = arith.addi %mul3A_576, %add3A_687 : i32
      %swap3A_689 = arith.index_cast %add3A_688 : i32 to index
      %swap3A_690 = tpu.vector_load %arg6[%swap3A_689] {strides = array<i32>} : memref<32768xf32, #tpu.memory_space<vmem>>, vector<16xf32>,
      %swap3A_691 = vector.shape_cast %swap3A_690 : vector<16xf32> to vector<16xf32>
      %swap3A_692 = vector.shape_cast %max3A_686 : vector<16xf32> to vector<16xf32>
      tpu.vector_store %arg6[%swap3A_689], %swap3A_692 {strides = array<i32>} : memref<32768xf32, #tpu.memory_space<vmem>>, vector<16xf32>,
      %add3A_693 = arith.constant 144 : i32
      %add3A_694 = arith.addi %mul3A_576, %add3A_693 : i32
      %get3A_695 = arith.index_cast %add3A_694 : i32 to index
      %get3A_696 = tpu.vector_load %arg5[%get3A_695] {strides = array<i32>} : memref<32768xf32, #tpu.memory_space<vmem>>, vector<16xf32>,
      %get3A_697 = vector.shape_cast %get3A_696 : vector<16xf32> to vector<16xf32>
      %sub3A_698 = arith.subf %get3A_697, %broadcast_in_dim3A_545 : vector<16xf32>
      %max3A_699 = arith.maximumf %sub3A_698, %broadcast_in_dim3A_1 : vector<16xf32>
      %add3A_700 = arith.constant 144 : i32
      %add3A_701 = arith.addi %mul3A_576, %add3A_700 : i32
      %swap3A_702 = arith.index_cast %add3A_701 : i32 to index
      %swap3A_703 = tpu.vector_load %arg6[%swap3A_702] {strides = array<i32>} : memref<32768xf32, #tpu.memory_space<vmem>>, vector<16xf32>,
      %swap3A_704 = vector.shape_cast %swap3A_703 : vector<16xf32> to vector<16xf32>
      %swap3A_705 = vector.shape_cast %max3A_699 : vector<16xf32> to vector<16xf32>
      tpu.vector_store %arg6[%swap3A_702], %swap3A_705 {strides = array<i32>} : memref<32768xf32, #tpu.memory_space<vmem>>, vector<16xf32>,
      %add3A_706 = arith.constant 160 : i32
      %add3A_707 = arith.addi %mul3A_576, %add3A_706 : i32
      %get3A_708 = arith.index_cast %add3A_707 : i32 to index
      %get3A_709 = tpu.vector_load %arg5[%get3A_708] {strides = array<i32>} : memref<32768xf32, #tpu.memory_space<vmem>>, vector<16xf32>,
      %get3A_710 = vector.shape_cast %get3A_709 : vector<16xf32> to vector<16xf32>
      %sub3A_711 = arith.subf %get3A_710, %broadcast_in_dim3A_545 : vector<16xf32>
      %max3A_712 = arith.maximumf %sub3A_711, %broadcast_in_dim3A_1 : vector<16xf32>
      %add3A_713 = arith.constant 160 : i32
      %add3A_714 = arith.addi %mul3A_576, %add3A_713 : i32
      %swap3A_715 = arith.index_cast %add3A_714 : i32 to index
      %swap3A_716 = tpu.vector_load %arg6[%swap3A_715] {strides = array<i32>} : memref<32768xf32, #tpu.memory_space<vmem>>, vector<16xf32>,
      %swap3A_717 = vector.shape_cast %swap3A_716 : vector<16xf32> to vector<16xf32>
      %swap3A_718 = vector.shape_cast %max3A_712 : vector<16xf32> to vector<16xf32>
      tpu.vector_store %arg6[%swap3A_715], %swap3A_718 {strides = array<i32>} : memref<32768xf32, #tpu.memory_space<vmem>>, vector<16xf32>,
      %add3A_719 = arith.constant 176 : i32
      %add3A_720 = arith.addi %mul3A_576, %add3A_719 : i32
      %get3A_721 = arith.index_cast %add3A_720 : i32 to index
      %get3A_722 = tpu.vector_load %arg5[%get3A_721] {strides = array<i32>} : memref<32768xf32, #tpu.memory_space<vmem>>, vector<16xf32>,
      %get3A_723 = vector.shape_cast %get3A_722 : vector<16xf32> to vector<16xf32>
      %sub3A_724 = arith.subf %get3A_723, %broadcast_in_dim3A_545 : vector<16xf32>
      %max3A_725 = arith.maximumf %sub3A_724, %broadcast_in_dim3A_1 : vector<16xf32>
      %add3A_726 = arith.constant 176 : i32
      %add3A_727 = arith.addi %mul3A_576, %add3A_726 : i32
      %swap3A_728 = arith.index_cast %add3A_727 : i32 to index
      %swap3A_729 = tpu.vector_load %arg6[%swap3A_728] {strides = array<i32>} : memref<32768xf32, #tpu.memory_space<vmem>>, vector<16xf32>,
      %swap3A_730 = vector.shape_cast %swap3A_729 : vector<16xf32> to vector<16xf32>
      %swap3A_731 = vector.shape_cast %max3A_725 : vector<16xf32> to vector<16xf32>
      tpu.vector_store %arg6[%swap3A_728], %swap3A_731 {strides = array<i32>} : memref<32768xf32, #tpu.memory_space<vmem>>, vector<16xf32>,
      %add3A_732 = arith.constant 192 : i32
      %add3A_733 = arith.addi %mul3A_576, %add3A_732 : i32
      %get3A_734 = arith.index_cast %add3A_733 : i32 to index
      %get3A_735 = tpu.vector_load %arg5[%get3A_734] {strides = array<i32>} : memref<32768xf32, #tpu.memory_space<vmem>>, vector<16xf32>,
      %get3A_736 = vector.shape_cast %get3A_735 : vector<16xf32> to vector<16xf32>
      %sub3A_737 = arith.subf %get3A_736, %broadcast_in_dim3A_545 : vector<16xf32>
      %max3A_738 = arith.maximumf %sub3A_737, %broadcast_in_dim3A_1 : vector<16xf32>
      %add3A_739 = arith.constant 192 : i32
      %add3A_740 = arith.addi %mul3A_576, %add3A_739 : i32
      %swap3A_741 = arith.index_cast %add3A_740 : i32 to index
      %swap3A_742 = tpu.vector_load %arg6[%swap3A_741] {strides = array<i32>} : memref<32768xf32, #tpu.memory_space<vmem>>, vector<16xf32>,
      %swap3A_743 = vector.shape_cast %swap3A_742 : vector<16xf32> to vector<16xf32>
      %swap3A_744 = vector.shape_cast %max3A_738 : vector<16xf32> to vector<16xf32>
      tpu.vector_store %arg6[%swap3A_741], %swap3A_744 {strides = array<i32>} : memref<32768xf32, #tpu.memory_space<vmem>>, vector<16xf32>,
      %add3A_745 = arith.constant 208 : i32
      %add3A_746 = arith.addi %mul3A_576, %add3A_745 : i32
      %get3A_747 = arith.index_cast %add3A_746 : i32 to index
      %get3A_748 = tpu.vector_load %arg5[%get3A_747] {strides = array<i32>} : memref<32768xf32, #tpu.memory_space<vmem>>, vector<16xf32>,
      %get3A_749 = vector.shape_cast %get3A_748 : vector<16xf32> to vector<16xf32>
      %sub3A_750 = arith.subf %get3A_749, %broadcast_in_dim3A_545 : vector<16xf32>
      %max3A_751 = arith.maximumf %sub3A_750, %broadcast_in_dim3A_1 : vector<16xf32>
      %add3A_752 = arith.constant 208 : i32
      %add3A_753 = arith.addi %mul3A_576, %add3A_752 : i32
      %swap3A_754 = arith.index_cast %add3A_753 : i32 to index
      %swap3A_755 = tpu.vector_load %arg6[%swap3A_754] {strides = array<i32>} : memref<32768xf32, #tpu.memory_space<vmem>>, vector<16xf32>,
      %swap3A_756 = vector.shape_cast %swap3A_755 : vector<16xf32> to vector<16xf32>
      %swap3A_757 = vector.shape_cast %max3A_751 : vector<16xf32> to vector<16xf32>
      tpu.vector_store %arg6[%swap3A_754], %swap3A_757 {strides = array<i32>} : memref<32768xf32, #tpu.memory_space<vmem>>, vector<16xf32>,
      %add3A_758 = arith.constant 224 : i32
      %add3A_759 = arith.addi %mul3A_576, %add3A_758 : i32
      %get3A_760 = arith.index_cast %add3A_759 : i32 to index
      %get3A_761 = tpu.vector_load %arg5[%get3A_760] {strides = array<i32>} : memref<32768xf32, #tpu.memory_space<vmem>>, vector<16xf32>,
      %get3A_762 = vector.shape_cast %get3A_761 : vector<16xf32> to vector<16xf32>
      %sub3A_763 = arith.subf %get3A_762, %broadcast_in_dim3A_545 : vector<16xf32>
      %max3A_764 = arith.maximumf %sub3A_763, %broadcast_in_dim3A_1 : vector<16xf32>
      %add3A_765 = arith.constant 224 : i32
      %add3A_766 = arith.addi %mul3A_576, %add3A_765 : i32
      %swap3A_767 = arith.index_cast %add3A_766 : i32 to index
      %swap3A_768 = tpu.vector_load %arg6[%swap3A_767] {strides = array<i32>} : memref<32768xf32, #tpu.memory_space<vmem>>, vector<16xf32>,
      %swap3A_769 = vector.shape_cast %swap3A_768 : vector<16xf32> to vector<16xf32>
      %swap3A_770 = vector.shape_cast %max3A_764 : vector<16xf32> to vector<16xf32>
      tpu.vector_store %arg6[%swap3A_767], %swap3A_770 {strides = array<i32>} : memref<32768xf32, #tpu.memory_space<vmem>>, vector<16xf32>,
      %add3A_771 = arith.constant 240 : i32
      %add3A_772 = arith.addi %mul3A_576, %add3A_771 : i32
      %get3A_773 = arith.index_cast %add3A_772 : i32 to index
      %get3A_774 = tpu.vector_load %arg5[%get3A_773] {strides = array<i32>} : memref<32768xf32, #tpu.memory_space<vmem>>, vector<16xf32>,
      %get3A_775 = vector.shape_cast %get3A_774 : vector<16xf32> to vector<16xf32>
      %sub3A_776 = arith.subf %get3A_775, %broadcast_in_dim3A_545 : vector<16xf32>
      %max3A_777 = arith.maximumf %sub3A_776, %broadcast_in_dim3A_1 : vector<16xf32>
      %add3A_778 = arith.constant 240 : i32
      %add3A_779 = arith.addi %mul3A_576, %add3A_778 : i32
      %swap3A_780 = arith.index_cast %add3A_779 : i32 to index
      %swap3A_781 = tpu.vector_load %arg6[%swap3A_780] {strides = array<i32>} : memref<32768xf32, #tpu.memory_space<vmem>>, vector<16xf32>,
      %swap3A_782 = vector.shape_cast %swap3A_781 : vector<16xf32> to vector<16xf32>
      %swap3A_783 = vector.shape_cast %max3A_777 : vector<16xf32> to vector<16xf32>
      tpu.vector_store %arg6[%swap3A_780], %swap3A_783 {strides = array<i32>} : memref<32768xf32, #tpu.memory_space<vmem>>, vector<16xf32>,
      %while3A_784 = arith.constant 0 : i32
      scf.yield %while3A_784 : i32
    }
    %add3A_558 = arith.constant 1 : i32
    %add3A_559 = arith.addi %mul3A_3, %add3A_558 : i32
    %dma_start3A_560 = arith.constant 0 : i32
    %dma_start3A_561 = tpu.memref_slice %arg3[%add3A_559, %dma_start3A_560] : memref<64x32768xf32, #tpu.memory_space<hbm>> -> memref<1x32768xf32, #tpu.memory_space<hbm>>
    %dma_start3A_562 = tpu.memref_squeeze %dma_start3A_561 : memref<1x32768xf32, #tpu.memory_space<hbm>> -> memref<32768xf32, #tpu.memory_space<hbm>>
    %dma_start3A_563 = arith.constant 0 : i32
    %dma_start3A_564 = tpu.memref_slice %arg3[%add3A_559, %dma_start3A_563] : memref<64x32768xf32, #tpu.memory_space<hbm>> -> memref<1x32768xf32, #tpu.memory_space<hbm>>
    %dma_start3A_565 = tpu.memref_squeeze %dma_start3A_564 : memref<1x32768xf32, #tpu.memory_space<hbm>> -> memref<32768xf32, #tpu.memory_space<hbm>>
    tpu.enqueue_dma source(%arg6 : memref<32768xf32, #tpu.memory_space<vmem>>) target(%dma_start3A_565 : memref<32768xf32, #tpu.memory_space<hbm>>) target_semaphore(%arg13 : memref<!tpu.dma_semaphore, #tpu.memory_space<semaphore_mem>>)
    %dma_wait3A_566 = arith.constant 0 : i32
    %dma_wait3A_567 = tpu.memref_slice %arg3[%add3A_559, %dma_wait3A_566] : memref<64x32768xf32, #tpu.memory_space<hbm>> -> memref<1x32768xf32, #tpu.memory_space<hbm>>
    %dma_wait3A_568 = tpu.memref_squeeze %dma_wait3A_567 : memref<1x32768xf32, #tpu.memory_space<hbm>> -> memref<32768xf32, #tpu.memory_space<hbm>>
    %dma_wait3A_569 = arith.constant 0 : i32
    %dma_wait3A_570 = tpu.memref_slice %arg3[%add3A_559, %dma_wait3A_569] : memref<64x32768xf32, #tpu.memory_space<hbm>> -> memref<1x32768xf32, #tpu.memory_space<hbm>>
    %dma_wait3A_571 = tpu.memref_squeeze %dma_wait3A_570 : memref<1x32768xf32, #tpu.memory_space<hbm>> -> memref<32768xf32, #tpu.memory_space<hbm>>
    tpu.wait_dma2 semaphore(%arg13 : memref<!tpu.dma_semaphore, #tpu.memory_space<semaphore_mem>>) src(%arg6 : memref<32768xf32, #tpu.memory_space<vmem>>) dst(%dma_wait3A_571 : memref<32768xf32, #tpu.memory_space<hbm>>)
    return
  }
}

module attributes {stable_mosaic.version = 14 : i64} {
  func.func @_tc_block(%arg0: i32, %arg1: memref<8x32768xf32, #tpu.memory_space<vmem>>, %arg2: memref<8x32768xf32, #tpu.memory_space<vmem>>) attributes {dimension_semantics = [#tpu.dimension_semantics<arbitrary>], iteration_bounds = array<i64: 8>, scalar_prefetch = 0 : i64, scratch_operands = 0 : i64, tpu.core_type = #tpu.core_type<tc>, window_params = [{transform_indices = @transform_0, window_bounds = array<i64: 8, 32768>}, {transform_indices = @transform_1, window_bounds = array<i64: 8, 32768>}]} {
    %get3A = arith.constant 0 : index
    %get3A_0 = arith.constant 0 : index
    %get3A_1 = vector.load %arg1[%get3A, %get3A_0] : memref<8x32768xf32, #tpu.memory_space<vmem>>, vector<8x32768xf32>
    %reduce_max3A = arith.constant dense<0xFF800000> : vector<8xf32>
    %reduce_max3A_2 = vector.multi_reduction <maximumf>, %get3A_1, %reduce_max3A [1] : vector<8x32768xf32> to vector<8xf32>
    %broadcast_in_dim3A = vector.shape_cast %reduce_max3A_2 : vector<8xf32> to vector<8x1xf32>
    %sub3A = arith.constant 1.000000e+00 : f32
    %sub3A_3 = vector.broadcast %sub3A : f32 to vector<8x1xf32>
    %sub3A_4 = arith.subf %broadcast_in_dim3A, %sub3A_3 : vector<8x1xf32>
    %while3A = arith.constant 0 : i32
    %while3A_5 = arith.constant true
    %while3A_6:3 = scf.while (%while3A_13 = %while3A, %while3A_14 = %sub3A_4, %while3A_15 = %while3A_5) : (i32, vector<8x1xf32>, i1) -> (i32, vector<8x1xf32>, i1) {
      %lt3A = arith.constant 48 : i32
      %lt3A_16 = arith.cmpi slt, %while3A_13, %lt3A : i32
      %and3A = arith.andi %lt3A_16, %while3A_15 : i1
      scf.condition(%and3A) %while3A_13, %while3A_14, %while3A_15 : i32, vector<8x1xf32>, i1
    } do {
    ^bb0(%while3A_13: i32, %while3A_14: vector<8x1xf32>, %while3A_15: i1):
      %gt3A = vector.broadcast %while3A_14 : vector<8x1xf32> to vector<8x32768xf32>
      %gt3A_16 = arith.cmpf ogt, %get3A_1, %gt3A : vector<8x32768xf32>
      %convert_element_type3A = arith.extui %gt3A_16 : vector<8x32768xi1> to vector<8x32768xi32>
      %convert_element_type3A_17 = arith.sitofp %convert_element_type3A : vector<8x32768xi32> to vector<8x32768xf32>
      %reduce_sum3A = arith.constant dense<0.000000e+00> : vector<8xf32>
      %reduce_sum3A_18 = vector.multi_reduction <add>, %convert_element_type3A_17, %reduce_sum3A [1] : vector<8x32768xf32> to vector<8xf32>
      %broadcast_in_dim3A_19 = vector.shape_cast %reduce_sum3A_18 : vector<8xf32> to vector<8x1xf32>
      %jit3A = arith.constant 0.000000e+00 : f32
      %broadcast_in_dim3A_20 = vector.broadcast %jit3A : f32 to vector<8x32768xf32>
      %select_n3A = arith.select %gt3A_16, %get3A_1, %broadcast_in_dim3A_20 : vector<8x32768xi1>, vector<8x32768xf32>
      %reduce_sum3A_21 = arith.constant dense<0.000000e+00> : vector<8xf32>
      %reduce_sum3A_22 = vector.multi_reduction <add>, %select_n3A, %reduce_sum3A_21 [1] : vector<8x32768xf32> to vector<8xf32>
      %broadcast_in_dim3A_23 = vector.shape_cast %reduce_sum3A_22 : vector<8xf32> to vector<8x1xf32>
      %max3A_24 = arith.constant 1.000000e+00 : f32
      %max3A_25 = vector.broadcast %max3A_24 : f32 to vector<8x1xf32>
      %max3A_26 = arith.maximumf %broadcast_in_dim3A_19, %max3A_25 : vector<8x1xf32>
      %sub3A_27 = arith.constant 1.000000e+00 : f32
      %sub3A_28 = vector.broadcast %sub3A_27 : f32 to vector<8x1xf32>
      %sub3A_29 = arith.subf %broadcast_in_dim3A_23, %sub3A_28 : vector<8x1xf32>
      %div3A = arith.divf %sub3A_29, %max3A_26 : vector<8x1xf32>
      %ne3A = arith.cmpf one, %div3A, %while3A_14 : vector<8x1xf32>
      %reduce_or3A = arith.constant 1.000000e+00 : f32
      %reduce_or3A_30 = arith.constant 0.000000e+00 : f32
      %reduce_or3A_31 = vector.broadcast %reduce_or3A : f32 to vector<8x1xf32>
      %reduce_or3A_32 = vector.broadcast %reduce_or3A_30 : f32 to vector<8x1xf32>
      %reduce_or3A_33 = arith.select %ne3A, %reduce_or3A_31, %reduce_or3A_32 : vector<8x1xi1>, vector<8x1xf32>
      %reduce_or3A_34 = vector.shape_cast %reduce_or3A_33 : vector<8x1xf32> to vector<1x8x1xf32>
      %reduce_or3A_35 = arith.constant dense<0xFF800000> : vector<1xf32>
      %reduce_or3A_36 = vector.multi_reduction <maximumf>, %reduce_or3A_34, %reduce_or3A_35 [1, 2] : vector<1x8x1xf32> to vector<1xf32>
      %reduce_or3A_37 = vector.shape_cast %reduce_or3A_36 : vector<1xf32> to vector<1x1x1xf32>
      %reduce_or3A_38 = vector.extract %reduce_or3A_37[0, 0, 0] : f32 from vector<1x1x1xf32>
      %reduce_or3A_39 = arith.constant 0.000000e+00 : f32
      %reduce_or3A_40 = arith.cmpf ogt, %reduce_or3A_38, %reduce_or3A_39 : f32
      %add3A = arith.constant 1 : i32
      %add3A_41 = arith.addi %while3A_13, %add3A : i32
      scf.yield %add3A_41, %div3A, %reduce_or3A_40 : i32, vector<8x1xf32>, i1
    }
    %sub3A_7 = vector.broadcast %while3A_6#1 : vector<8x1xf32> to vector<8x32768xf32>
    %sub3A_8 = arith.subf %get3A_1, %sub3A_7 : vector<8x32768xf32>
    %max3A = arith.constant 0.000000e+00 : f32
    %max3A_9 = vector.broadcast %max3A : f32 to vector<8x32768xf32>
    %max3A_10 = arith.maximumf %sub3A_8, %max3A_9 : vector<8x32768xf32>
    %swap3A = arith.constant 0 : index
    %swap3A_11 = arith.constant 0 : index
    %swap3A_12 = vector.load %arg2[%swap3A, %swap3A_11] : memref<8x32768xf32, #tpu.memory_space<vmem>>, vector<8x32768xf32>
    tpu.vector_store %arg2[%swap3A, %swap3A_11], %max3A_10 {strides = array<i32>} : memref<8x32768xf32, #tpu.memory_space<vmem>>, vector<8x32768xf32>,
    return
  }
  func.func @transform_0(%arg0: i32) -> (i32, i32) {
    %c0_i32 = arith.constant 0 : i32
    %c0_i32_0 = arith.constant 0 : i32
    return %arg0, %c0_i32 : i32, i32
  }
  func.func @transform_1(%arg0: i32) -> (i32, i32) {
    %c0_i32 = arith.constant 0 : i32
    %c0_i32_0 = arith.constant 0 : i32
    return %arg0, %c0_i32 : i32, i32
  }
}

</mosaic_0001>

<sc_bundles>
// kernel: kernel.4.cloned.1.call-start
scs
__scs_entry_jumppad:
0x0: {  	(pc) =	sbr.rel $0x88, $3  }
0x1: {  	(tag) =	ssettag $0x0;
	lr =	simm.s32 $0x1  }
0x2: {  	[smem:$0x3FA0] =	sst lr;
	_ =	strace $0xD0000000  }
0x3: {  	_ = 	snop  }
0x4: {  	_ = 	snop  }
0x5: {  	_ = 	snop  }
0x6: {  	_ = 	snop  }
0x7: {  	_ = 	snop  }
__scs_overlays_trampoline_lowered:
0x8: {  	[smem:$0x3FAF] =	sst s0  }
0x9: {  	[smem:$0x3FB0] =	sst s1  }
0xa: {  	[smem:$0x3FB1] =	sst s2  }
0xb: {  	[smem:$0x3FB2] =	sst s3  }
0xc: {  	[smem:$0x3FB3] =	sst s4  }
0xd: {  	[smem:$0x3FB4] =	sst s5  }
0xe: {  	[smem:$0x3FB5] =	sst s6  }
0xf: {  	[smem:$0x3FB6] =	sst s7  }
0x10: {  	[smem:$0x3FB7] =	sst s8  }
0x11: {  	[smem:$0x3FB8] =	sst s9;
	s0 =	simm.s32 @!p0 $0x0  }
0x12: {  	s1 =	sld [smem:$0x3F9E];
	s0 =	simm.s32 @p0 $0x1  }
0x13: {  	[smem:$0x3FB9] =	sst s0;
	s0 =	simm.s32 @!p1 $0x0  }
0x14: {  	s2 =	sld [smem:$0x3F9D];
	s0 =	simm.s32 @p1 $0x1  }
0x15: {  	[smem:$0x3FBA] =	sst s0;
	s0 =	simm.s32 @!p2 $0x0  }
0x16: {  	s3 =	sld [smem:$0x3FDB];
	s0 =	simm.s32 @p2 $0x1  }
0x17: {  	s4 =	simm.s32 $0x1BF5;
	[smem:$0x3FBC] =	sst s0  }
0x18: {  	s0 =	sld [smem:$0x3F9F];
	_ =	swait.ge [sflag:s4], $0x0  }
0x19: {  	s7 =	sld [smem:$0x3FA0]  }
0x1a: {  	s8 =	sadd.s32 $0xFFFFE003, lr  }
0x1b: {  	s9 =	sadd.s32 $0xFFFFFEF7, lr;
	s5 =	simm.s32 $0xFFFFFFFF;
	p2 =	slt.u32 s8, $0xFFFFF086  }
0x1c: {  	p1 =	slt.u32 s9, $0xF7A;
	s5 =	simm.s32 @!p2 $0x0  }
0x1d: {  	s5 =	simm.s32 @p1 $0x1;
	p0 =	seq.s32 s7, s2  }
0x1e: {  	s7 =	smul.u32 @!p0 $0xF7A, s2;
	p2 =	seq.s32 @!p0 s5, $0x0  }
0x1f: {  	s9 =	smul.u32 $0xF7A, s1;
	s8 =	simm.s32 @!p0 $0x1BF5;
	p2 =	por !p2, p0  }
0x20: {  	[sflag:s8] =	ssyncset.s32 @!p0 $0xFFFFF086;
	s6 =	sadd.s32 @!p0 s3, s7;
	s7 =	simm.s32 @!p0 $0x108  }
0x21: {  	s3 =	sadd.s32 s3, s9;
	s6 =	sadd.s32 @!p0 $0x88, s6;
	s7 =	simm.s32 @p2 $0x1082  }
0x22: {  	[simem:s7], [sflag:s8] =	dma.local @!p0 [hbm:s6], $0xF7A  }
0x23: {  	s9 =	sor.u32 $0xD0000000, s2;
	s6 =	simm.s32 $0x108;
	_ =	swait.ge @!p0 [sflag:s8], $0x0  }
0x24: {  	s3 =	sadd.s32 $0x88, s3;
	s6 =	simm.s32 @!p1 $0x1082;
	[sflag:s4] =	ssyncset.s32 $0xFFFFF086  }
0x25: {  	[simem:s6], [sflag:s4] =	dma.local [hbm:s3], $0xF7A  }
0x26: {  	[smem:$0x3FA0] =	sst s1;
	(tag) =	ssettag s2;
	_ =	strace s9  }
0x27: {  	s1 =	sld [smem:$0x3FB0]  }
0x28: {  	s2 =	sld [smem:$0x3FB1]  }
0x29: {  	s4 =	sld [smem:$0x3FB3]  }
0x2a: {  	p0 =	seq.s32 s5, $0x0;
	s5 =	sld [smem:$0x3FB4]  }
0x2b: {  	s6 =	sld [smem:$0x3FB5]  }
0x2c: {  	s7 =	sld [smem:$0x3FB6]  }
0x2d: {  	s3 =	simm.s32 $0x108;
	s8 =	sld [smem:$0x3FB7]  }
0x2e: {  	s3 =	simm.s32 @!p0 $0x1082;
	s9 =	sld [smem:$0x3FB8]  }
0x2f: {  	lr =	sadd.s32 s0, s3;
	s0 =	sld [smem:$0x3FAF]  }
0x30: {  	s3 =	sld [smem:$0x3FB2]  }
0x31: {  	[smem:$0x3FBB] =	sst s10  }
0x32: {  	s10 =	sld [smem:$0x3FB9];
	_ =	sdelay $0x3  }
0x33: {  	p0 =	seq.s32 s10, $0x1;
	s10 =	sld [smem:$0x3FBB];
	_ =	sdelay $0x3  }
0x34: {  	[smem:$0x3FBB] =	sst s10  }
0x35: {  	s10 =	sld [smem:$0x3FBA];
	_ =	sdelay $0x3  }
0x36: {  	p1 =	seq.s32 s10, $0x1;
	s10 =	sld [smem:$0x3FBB];
	_ =	sdelay $0x3  }
0x37: {  	[smem:$0x3FBB] =	sst s10  }
0x38: {  	s10 =	sld [smem:$0x3FBC]  }
0x39: {  	_ = 	snop;
	(pc) =	sbr.ind lr, $3  }
0x3a: {  	_ = 	snop  }
0x3b: {  	_ = 	snop  }
0x3c: {  	p2 =	seq.s32 s10, $0x1;
	s10 =	sld [smem:$0x3FBB]  }
0x3d: {  	_ =	shalt  }
0x3e: {  	_ =	shalt  }
0x3f: {  	_ =	shalt  }
0x40: {  	_ =	shalt  }
0x41: {  	_ =	shalt  }
0x42: {  	_ =	shalt  }
0x43: {  	_ =	shalt  }
0x44: {  	_ =	shalt  }
0x45: {  	_ =	shalt  }
0x46: {  	_ =	shalt  }
0x47: {  	_ =	shalt  }
0x48: {  	_ =	shalt  }
0x49: {  	_ =	shalt  }
0x4a: {  	_ =	shalt  }
0x4b: {  	_ =	shalt  }
0x4c: {  	_ =	shalt  }
0x4d: {  	_ =	shalt  }
0x4e: {  	_ =	shalt  }
0x4f: {  	_ =	shalt  }
0x50: {  	_ =	shalt  }
0x51: {  	_ =	shalt  }
0x52: {  	_ =	shalt  }
0x53: {  	_ =	shalt  }
0x54: {  	_ =	shalt  }
0x55: {  	_ =	shalt  }
0x56: {  	_ =	shalt  }
0x57: {  	_ =	shalt  }
0x58: {  	_ =	shalt  }
0x59: {  	_ =	shalt  }
0x5a: {  	_ =	shalt  }
0x5b: {  	_ =	shalt  }
0x5c: {  	_ =	shalt  }
0x5d: {  	_ =	shalt  }
0x5e: {  	_ =	shalt  }
0x5f: {  	_ =	shalt  }
0x60: {  	_ =	shalt  }
0x61: {  	_ =	shalt  }
0x62: {  	_ =	shalt  }
0x63: {  	_ =	shalt  }
0x64: {  	_ =	shalt  }
0x65: {  	_ =	shalt  }
0x66: {  	_ =	shalt  }
0x67: {  	_ =	shalt  }
0x68: {  	_ =	shalt  }
0x69: {  	_ =	shalt  }
0x6a: {  	_ =	shalt  }
0x6b: {  	_ =	shalt  }
0x6c: {  	_ =	shalt  }
0x6d: {  	_ =	shalt  }
0x6e: {  	_ =	shalt  }
0x6f: {  	_ =	shalt  }
0x70: {  	_ =	shalt  }
0x71: {  	_ =	shalt  }
0x72: {  	_ =	shalt  }
0x73: {  	_ =	shalt  }
0x74: {  	_ =	shalt  }
0x75: {  	_ =	shalt  }
0x76: {  	_ =	shalt  }
0x77: {  	_ =	shalt  }
0x78: {  	_ =	shalt  }
0x79: {  	_ =	shalt  }
0x7a: {  	_ =	shalt  }
0x7b: {  	_ =	shalt  }
0x7c: {  	_ =	shalt  }
0x7d: {  	_ =	shalt  }
0x7e: {  	_ =	shalt  }
0x7f: {  	_ =	shalt  }
0x80: {  	_ =	shalt  }
0x81: {  	_ =	shalt  }
0x82: {  	_ =	shalt  }
0x83: {  	_ =	shalt  }
0x84: {  	_ =	shalt  }
0x85: {  	_ =	shalt  }
0x86: {  	_ =	shalt  }
0x87: {  	_ =	shalt  }
.Lfunc_end0:
.L_simem_size_0:
called_computation_lowered:
.L_overlay_start_0:
0x88: {  	s2 =	sld [smem:$0x3FD9]  }
0x89: {  	s3 =	sld [smem:$0x3FFE];
	_ =	sdelay $0x1  }
0x8a: {  	s1 =	srdreg.scid  }
0x8b: {  	s0 =	sand.u32 $0x1, s1  }
0x8c: {  	s17 =	sshll.u32 s0, $0xA;
	s2 =	sadd.s32 s3, s2  }
0x8d: {  	s2 =	sadd.s32 s2, s17  }
0x8e: {  	[smem:$0x3FC7] =	sst s2  }
0x8f: {  	_ = 	snop  }
0x90: {  	s2 =	sld [smem:$0x3FD0];
	(tm) =	ssettm $0x1  }
0x91: {  	s18 =	sld [smem:$0x3FFB];
	_ =	sdelay $0x3  }
0x92: {  	_ =	strace s18  }
0x93: {  	s3 =	sld [smem:$0x3FFC];
	_ =	sdelay $0x3  }
0x94: {  	_ =	strace s3  }
0x95: {  	s3 =	sld [smem:$0x3FFD];
	_ =	sdelay $0x3  }
0x96: {  	_ =	strace s3  }
0x97: {  	_ =	strace $0x8FFFFFFF  }
0x98: {  	s19 =	sld [smem:$0x3FDB];
	_ =	sdelay $0x1  }
0x99: {  	s4 =	simm.s32 $_scs_section_size  }
0x9a: {  	s5 =	simm.s32 $_size__tile_overlayer_lowered;
	s6 =	simm.s32 $_tile_overlayer_lowered  }
0x9b: {  	s22 =	simm.s32 $0x1BFF;
	s21 =	sshll.u32 s6, $0x1;
	s3 =	sadd.s32 s4, s19  }
0x9c: {  	s7 =	simm.s32 $0x0;
	s20 =	sshll.u32 s5, $0x1;
	s5 =	sadd.s32 s21, s3  }
0x9d: {  	[timem:s7], [sflag:s22] =	dma.local [hbm:s5], s20  }
0x9e: {  	_ =	swait.ge [sflag:s22], s20  }
0x9f: {  	s4 =	ssub.s32 $0x0, s20;
	[sflag:s22] =	ssyncset.done $0x0  }
0xa0: {  	[sflag:s22] =	ssyncadd.s32 s4;
	_ =	sdelay $0x1  }
0xa1: {  	s23 =	simm.s32 $0x1B8B  }
0xa2: {  	_ =	swait.ge [sflag:s23], $0x1  }
0xa3: {  	[sflag:s23] =	ssyncset.done $0x0  }
0xa4: {  	s25 =	simm.s32 $0x1B8E;
	s24 =	sld [smem:$0x3FFE];
	[sflag:s23] =	ssyncadd.s32 $0xFFFFFFFF  }
0xa5: {  	s26 =	simm.s32 $execute0_lowered;
	[smem:$0x3FD2] =	sst s25  }
0xa6: {  	s5 =	sshll.u32 s26, $0x1;
	_ =	strace $0x80000046;
	[dreg:$0x1] =	wrdreg $0xFFFFFFFF  }
0xa7: {  	s28 =	simm.s32 $_size_execute0_lowered;
	s3 =	sadd.s32 s3, s5;
	[dreg:$0x0] =	wrdreg $0x0  }
0xa8: {  	s5 =	sshll.u32 s28, $0x1;
	[dreg:$0x2] =	wrdreg s3  }
0xa9: {  	[dreg:$0x3] =	wrdreg s5  }
0xaa: {  	[dreg:$0x4] =	wrdreg $0xC0  }
0xab: {  	_ =	task [dreg:s7], $0x5FFFF  }
0xac: {  	[dreg:$0x1] =	wrdreg $0xFFFFFFFF  }
0xad: {  	[dreg:$0x0] =	wrdreg $0x60  }
0xae: {  	[dreg:$0x2] =	wrdreg s2  }
0xaf: {  	[dreg:$0x3] =	wrdreg s24  }
0xb0: {  	[dreg:$0x4] =	wrdreg $0x9  }
0xb1: {  	_ =	task.clear_ibuf [dreg:s7], $0x5FFFF;
	_ =	strace $0x90000046  }
0xb2: {  	s29 =	simm.s32 $0x9;
	_ =	strace $0x80000048  }
0xb3: {  	_ =	swait.ge [sflag:s29], $0x1  }
0xb4: {  	[sflag:s29] =	ssyncadd.s32 $0xFFFFFFFF  }
0xb5: {  	_ =	strace $0x90000048  }
0xb6: {  	_ =	sfence  }
0xb7: {  	s30 =	sld [smem:$0x0];
	_ =	sdelay $0x2  }
0xb8: {  	s31 =	sshll.u32 s1, $0xD;
	s1 =	sshrl.u32 s1, $0x2  }
0xb9: {  	s3 =	sand.u32 $0x4000, s31;
	s1 =	sadd.s32 s1, s30  }
0xba: {  	s0 =	sor.u32 s3, s0;
	s1 =	sshll.u32 s1, $0x11  }
0xbb: {  	s0 =	sor.u32 s1, s0  }
0xbc: {  	s0 =	sadd.s32 $0x8F2B, s0  }
0xbd: {  	[sflag:s0] =	ssyncadd.remote.s32 $0x1  }
0xbe: {  	_ =	sfence.sel $0xFFFF  }
0xbf: {  	[dreg:$0x0] =	wrdreg $0xFFFFFFFF;
	(pc) =	sbr.abs _section_cstart, $3  }
0xc0: {  	[dreg:$0x1] =	wrdreg $0xFFFFFFFF  }
0xc1: {  	_ =	task.clear_ibuf [dreg:s7], $0x2FFFF;
	_ =	strace $0x9FFFFFFF  }
0xc2: {  	(tm) =	ssettm $0x7FFFFFFF  }
0xc3: {  	_ =	shalt  }
tec
execute0_lowered:
.L_overlay_start_1:
0x0: {  	(tag) =	ssettag $0x1  }
0x1: {  	v0 =	vimm.s32 $0xFEDCBA98;
	s4 =	rddreg [dreg:$0x0];
	s1 =	simm.s32 $0x0;
	s0 =	stileid.u32;
	v1 =	vimm.s32 $0x76543210  }
0x2: {  	s2 =	srdreg.scid;
	s5 =	rddreg [dreg:$0x1];
	v3 =	vimm.s32 $0x32107654;
	v4 =	vimm.s32 $0xDCFE98BA;
	v5 =	vimm.s32 $0x54761032;
	s11 =	simm.s32 $0x1  }
0x3: {  	v6 =	vimm.s32 $0xEFCDAB89;
	v7 =	vimm.s32 $0x67452301;
	s12 =	simm.s32 $0x10000;
	s13 =	simm.s32 $0x2;
	s14 =	simm.s32 $0x3;
	v0 =	vunpack.c.l.s4.s8 v0  }
0x4: {  	s15 =	simm.s32 $0x4;
	s16 =	simm.s32 $0x0;
	[smem:$0x7FF] =	sst s1;
	v1 =	vunpack.c.l.s4.s8 v1;
	v3 =	vunpack.c.l.s4.s8 v3;
	v4 =	vunpack.c.l.s4.s8 v4  }
0x5: {  	s3 =	sshll.u32 s0, $0xE;
	s6 =	sand.u32 $0x1, s2;
	s29 =	sshll.u32 s0, $0x6;
	v5 =	vunpack.c.l.s4.s8 v5;
	v2 =	vunpack.c.0.s8.s32 v0;
	v0 =	vimm.s32 $0xBA98FEDC  }
0x6: {  	s2 =	rddreg [dreg:$0x2];
	v6 =	vunpack.c.l.s4.s8 v6;
	v7 =	vunpack.c.l.s4.s8 v7;
	s30 =	sadd.s32 $0x600, s5;
	s7 =	sshll.u32 s6, $0x5;
	v0 =	vunpack.c.l.s4.s8 v0  }
0x7: {  	s3 =	sand.u32 $0x38000, s3;
	s8 =	sand.u32 $0x40, s29;
	_ =	strace $0x80000047;
	v3 =	vunpack.c.0.s8.s32 v3;
	v4 =	vunpack.c.0.s8.s32 v4;
	v5 =	vunpack.c.0.s8.s32 v5  }
.Ltmp0:
0x8: {  	s6 =	ssub.s32 $0x2, s6;
	s7 =	sor.u32 s7, s8;
	v6 =	vunpack.c.0.s8.s32 v6;
	v7 =	vunpack.c.0.s8.s32 v7;
	v0 =	vunpack.c.0.s8.s32 v0;
	(pc) =	sbr.rel .LBB2_1-.Ltmp0, $4  }
0x9: {  	s31 =	sshrl.u32 s6, $0x1;
	v8 =	vunpack.c.0.s8.s32 v1;
	s8 =	simm.s32 $0x80;
	s7 =	sor.u32 s3, s7;
	v1 =	vcombine.low v5, v4  }
0xa: {  	s10 =	ssub.s32 s6, s31;
	s9 =	sor.u32 $0x10, s7;
	s3 =	sadd.s32 s4, s7;
	v9 =	vand.u32 $0xF, v2;
	v2 =	vcombine.low v7, v6;
	v0 =	vcombine.low v3, v0  }
0xb: {  	s5 =	sadd.s32 s30, s7;
	s7 =	smax.u32 s10, $0x1;
	s10 =	simm.s32 $0x8000;
	v4 =	vcombine.low v9, v8;
	v6 =	vand.u32 $0xF, v1  }
0xc: {  	s4 =	sadd.s32 s4, s9;
	s6 =	sadd.s32 s30, s9;
	s9 =	simm.s32 $0x400;
	v7 =	vand.u32 $0xF, v2;
	v3 =	vimm.f32 $0.0e+00;
	v5 =	vand.u32 $0xF, v0  }
.LBB2_59:
0xd: {  	_ = 	snop  }
.LBB2_62:
0xe: {  	[tilespmem:s17+$0x10040] =	vst @p0 v16;
	v14 =	vmax.f32 @p0 v14, $0.0e+00;
	v9 =	vsub.f32 @p0 v9, v8  }
0xf: {  	v16 =	vld @p0 [tilespmem:s17+$0x80C0];
	[tilespmem:s17+$0x10050] =	vst @p0 v14;
	v14 =	vmax.f32 @p0 v15, $0.0e+00  }
0x10: {  	s18 =	sshll.u32 s21, $0x8;
	v12 =	vsub.f32 @p0 v12, v8;
	v15 =	vld @p0 [tilespmem:s17+$0x80D0];
	[tilespmem:s17+$0x10060] =	vst @p0 v14;
	v9 =	vmax.f32 @p0 v9, $0.0e+00  }
0x11: {  	v17 =	vld [tilespmem:s18+$0x80F0];
	[tilespmem:s17+$0x10070] =	vst @p0 v9;
	v9 =	vsub.f32 @p0 v11, v8  }
0x12: {  	v10 =	vsub.f32 @p0 v10, v8;
	v14 =	vld @p0 [tilespmem:s17+$0x80E0];
	v11 =	vmax.f32 @p0 v12, $0.0e+00  }
0x13: {  	v24 =	vld [tilespmem:s18+$0x8000];
	[tilespmem:s17+$0x10080] =	vst @p0 v11;
	v9 =	vmax.f32 @p0 v9, $0.0e+00  }
0x14: {  	v10 =	vmax.f32 @p0 v10, $0.0e+00;
	v11 =	vld [tilespmem:s18+$0x8010];
	[tilespmem:s17+$0x10090] =	vst @p0 v9;
	v9 =	vsub.f32 @p0 v13, v8  }
0x15: {  	v25 =	vld [tilespmem:s18+$0x8020];
	[tilespmem:s17+$0x100A0] =	vst @p0 v10;
	v10 =	vsub.f32 @p0 v16, v8  }
0x16: {  	v9 =	vmax.f32 @p0 v9, $0.0e+00  }
0x17: {  	v26 =	vld [tilespmem:s18+$0x8030];
	[tilespmem:s17+$0x100B0] =	vst @p0 v9;
	v9 =	vsub.f32 @p0 v15, v8;
	v10 =	vmax.f32 @p0 v10, $0.0e+00  }
0x18: {  	v27 =	vld [tilespmem:s18+$0x8040];
	[tilespmem:s17+$0x100C0] =	vst @p0 v10;
	v10 =	vsub.f32 @p0 v14, v8  }
0x19: {  	v29 =	vsub.f32 v24, v8;
	v9 =	vmax.f32 @p0 v9, $0.0e+00  }
0x1a: {  	v11 =	vsub.f32 v11, v8;
	v28 =	vld [tilespmem:s18+$0x8050];
	[tilespmem:s17+$0x100D0] =	vst @p0 v9;
	v10 =	vmax.f32 @p0 v10, $0.0e+00  }
0x1b: {  	v17 =	vsub.f32 v17, v8;
	v9 =	vmax.f32 v29, $0.0e+00;
	v30 =	vld [tilespmem:s18+$0x8060];
	[tilespmem:s17+$0x100E0] =	vst @p0 v10  }
0x1c: {  	v31 =	vsub.f32 v25, v8;
	v33 =	vmax.f32 v11, $0.0e+00;
	[tilespmem:s18+$0x10000] =	vst v9;
	v32 =	vld [tilespmem:s18+$0x8070]  }
0x1d: {  	v17 =	vmax.f32 v17, $0.0e+00;
	v34 =	vsub.f32 v26, v8;
	[tilespmem:s18+$0x10010] =	vst v33;
	v35 =	vld [tilespmem:s18+$0x8080]  }
0x1e: {  	[tilespmem:s18+$0x100F0] =	vst v17;
	v36 =	vmax.f32 v31, $0.0e+00;
	v38 =	vld [tilespmem:s18+$0x8090];
	v37 =	vsub.f32 v27, v8  }
0x1f: {  	v41 =	vld [tilespmem:s18+$0x80A0];
	[tilespmem:s18+$0x10020] =	vst v36;
	v39 =	vmax.f32 v34, $0.0e+00;
	v40 =	vsub.f32 v28, v8  }
0x20: {  	v44 =	vld [tilespmem:s18+$0x80B0];
	[tilespmem:s18+$0x10030] =	vst v39;
	v42 =	vmax.f32 v37, $0.0e+00;
	v43 =	vsub.f32 v30, v8  }
0x21: {  	v47 =	vld [tilespmem:s18+$0x80C0];
	[tilespmem:s18+$0x10040] =	vst v42;
	v45 =	vmax.f32 v40, $0.0e+00;
	v46 =	vsub.f32 v32, v8  }
0x22: {  	v50 =	vld [tilespmem:s18+$0x80D0];
	[tilespmem:s18+$0x10050] =	vst v45;
	v49 =	vsub.f32 v35, v8;
	v48 =	vmax.f32 v43, $0.0e+00  }
0x23: {  	v53 =	vld [tilespmem:s18+$0x80E0];
	v52 =	vsub.f32 v38, v8;
	[tilespmem:s18+$0x10060] =	vst v48;
	v51 =	vmax.f32 v46, $0.0e+00  }
0x24: {  	v55 =	vsub.f32 v41, v8;
	v54 =	vmax.f32 v49, $0.0e+00;
	[tilespmem:s18+$0x10070] =	vst v51  }
0x25: {  	v57 =	vsub.f32 v44, v8;
	v56 =	vmax.f32 v52, $0.0e+00;
	[tilespmem:s18+$0x10080] =	vst v54  }
0x26: {  	v59 =	vsub.f32 v47, v8;
	v58 =	vmax.f32 v55, $0.0e+00;
	[tilespmem:s18+$0x10090] =	vst v56  }
0x27: {  	v61 =	vsub.f32 v50, v8;
	v60 =	vmax.f32 v57, $0.0e+00;
	[tilespmem:s18+$0x100A0] =	vst v58  }
0x28: {  	v8 =	vsub.f32 v53, v8;
	v62 =	vmax.f32 v59, $0.0e+00;
	[tilespmem:s18+$0x100B0] =	vst v60  }
0x29: {  	v63 =	vmax.f32 v61, $0.0e+00;
	[tilespmem:s18+$0x100C0] =	vst v62  }
0x2a: {  	v8 =	vmax.f32 v8, $0.0e+00;
	[tilespmem:s18+$0x100D0] =	vst v63  }
0x2b: {  	[tilespmem:s18+$0x100E0] =	vst v8  }
.LBB2_63:
0x2c: {  	s16 =	sadd.s32 $0x1, s16  }
0x2d: {  	p0 =	sne.s32 s16, s7  }
.Ltmp1:
0x2e: {  	_ = 	snop;
	(pc) =	sbr.rel @!p0 .LBB2_64-.Ltmp1, $4  }
0x2f: {  	[hbm4b:s6+s8] =	stream.strided.scatter [tilespmem:s12], [sflag:$0x4], $0x8000, s9, s8, $0x38;
	[tilespmem:$0x18800] =	vst v63  }
0x30: {  	_ =	swait.ge [sflag:s15], $0x8000  }
0x31: {  	[sflag:s15] =	ssyncset.done $0x0  }
0x32: {  	[sflag:s15] =	ssyncadd.s32 $0xFFFF8000  }
.LBB2_1:
0x33: {  	[tilespmem:s1], [sflag:$0x1] =	stream.strided.gather [hbm4b:s3+s8], $0x8000, s9, s8, $0x38;
	[tilespmem:$0x18800] =	vst v63  }
0x34: {  	s17 =	simm.s32 $0x10080  }
0x35: {  	[tilespmem:s17+$0xFFFFFF80] =	vst v3  }
0x36: {  	[tilespmem:s17+$0x70] =	vst v3  }
0x37: {  	[tilespmem:s17+$0x60] =	vst v3  }
0x38: {  	[tilespmem:s17+$0x50] =	vst v3  }
0x39: {  	[tilespmem:s17+$0x40] =	vst v3  }
0x3a: {  	[tilespmem:s17+$0x30] =	vst v3  }
0x3b: {  	[tilespmem:s17+$0x20] =	vst v3  }
0x3c: {  	[tilespmem:s17+$0x10] =	vst v3  }
0x3d: {  	[tilespmem:s17+$0x0] =	vst v3  }
0x3e: {  	[tilespmem:s17+$0xFFFFFFF0] =	vst v3  }
0x3f: {  	[tilespmem:s17+$0xFFFFFFE0] =	vst v3  }
0x40: {  	[tilespmem:s17+$0xFFFFFFD0] =	vst v3  }
0x41: {  	[tilespmem:s17+$0xFFFFFFC0] =	vst v3  }
0x42: {  	[tilespmem:s17+$0xFFFFFFB0] =	vst v3  }
0x43: {  	s18 =	simm.s32 $0x0;
	[tilespmem:s17+$0xFFFFFFA0] =	vst v3  }
.LBB2_2:
0x44: {  	s18 =	sadd.s32 $0x10, s18;
	[tilespmem:s17+$0xFFFFFF90] =	vst v3;
	s17 =	sadd.s32 $0x100, s17  }
0x45: {  	[tilespmem:s17+$0xFFFFFF80] =	vst v3;
	p0 =	slt.u32 s18, $0x7F0  }
0x46: {  	[tilespmem:s17+$0x70] =	vst v3  }
0x47: {  	[tilespmem:s17+$0x60] =	vst v3  }
0x48: {  	[tilespmem:s17+$0x50] =	vst v3  }
0x49: {  	[tilespmem:s17+$0x40] =	vst v3  }
0x4a: {  	[tilespmem:s17+$0x30] =	vst v3  }
0x4b: {  	[tilespmem:s17+$0x20] =	vst v3  }
0x4c: {  	[tilespmem:s17+$0x10] =	vst v3  }
0x4d: {  	[tilespmem:s17+$0x0] =	vst v3  }
0x4e: {  	[tilespmem:s17+$0xFFFFFFF0] =	vst v3  }
.Ltmp2:
0x4f: {  	[tilespmem:s17+$0xFFFFFFE0] =	vst v3;
	(pc) =	sbr.rel @p0 .LBB2_2-.Ltmp2, $4  }
0x50: {  	[tilespmem:s17+$0xFFFFFFD0] =	vst v3  }
0x51: {  	[tilespmem:s17+$0xFFFFFFC0] =	vst v3  }
0x52: {  	[tilespmem:s17+$0xFFFFFFB0] =	vst v3  }
0x53: {  	[tilespmem:s17+$0xFFFFFFA0] =	vst v3  }
0x54: {  	[tilespmem:s17+$0xFFFFFF90] =	vst v3;
	s18 =	simm.s32 $0x80  }
0x55: {  	[tilespmem:s10], [sflag:$0x2] =	stream.strided.gather [hbm4b:s4+s18], $0x8000, s9, s18, $0x38;
	[tilespmem:$0x18800] =	vst v63  }
0x56: {  	_ =	swait.ge [sflag:s11], $0x8000  }
0x57: {  	[sflag:s11] =	ssyncset.done $0x0  }
0x58: {  	[sflag:s11] =	ssyncadd.s32 $0xFFFF8000  }
0x59: {  	v8 =	vimm.f32 $-3.000000010e+38;
	s17 =	simm.s32 $0x0;
	s19 =	simm.s32 $0x40;
	v9 =	vld [tilespmem:s18+$0xFFFFFF80]  }
.LBB2_4:
0x5a: {  	p0 =	sne.s32 s19, $0x1FC0;
	v10 =	vld [tilespmem:s18+$0xFFFFFF90]  }
0x5b: {  	v11 =	vld [tilespmem:s18+$0xFFFFFFA0]  }
0x5c: {  	v12 =	vld [tilespmem:s18+$0xFFFFFFB0]  }
0x5d: {  	v13 =	vld [tilespmem:s18+$0xFFFFFFC0]  }
0x5e: {  	v9 =	vmax.f32 v9, $-3.000000010e+38;
	v14 =	vld [tilespmem:s18+$0xFFFFFFD0]  }
0x5f: {  	v9 =	vmax.f32 v9, v10;
	v10 =	vld [tilespmem:s18+$0xFFFFFFE0]  }
0x60: {  	v9 =	vmax.f32 v9, v11;
	v11 =	vld [tilespmem:s18+$0xFFFFFFF0]  }
0x61: {  	v9 =	vmax.f32 v9, v12;
	v12 =	vld [tilespmem:s18+$0x0]  }
0x62: {  	v9 =	vmax.f32 v9, v13;
	v13 =	vld [tilespmem:s18+$0x10]  }
0x63: {  	v9 =	vmax.f32 v9, v14;
	v14 =	vld [tilespmem:s18+$0x20]  }
0x64: {  	v9 =	vmax.f32 v9, v10;
	v10 =	vld [tilespmem:s18+$0x30]  }
0x65: {  	v9 =	vmax.f32 v9, v11;
	v11 =	vld [tilespmem:s18+$0x40]  }
0x66: {  	v9 =	vmax.f32 v9, v12;
	v12 =	vld [tilespmem:s18+$0x50]  }
0x67: {  	v9 =	vmax.f32 v9, v13;
	v13 =	vld [tilespmem:s18+$0x60]  }
0x68: {  	v9 =	vmax.f32 v9, v14;
	v14 =	vld [tilespmem:s18+$0x70]  }
0x69: {  	v9 =	vmax.f32 v9, v10  }
0x6a: {  	v9 =	vmax.f32 v9, v11  }
.Ltmp3:
0x6b: {  	v9 =	vmax.f32 v9, v12;
	(pc) =	sbr.rel @p0 .LBB2_4-.Ltmp3, $4  }
0x6c: {  	v9 =	vmax.f32 v9, v13  }
0x6d: {  	s20 =	sshra.s32 s17, $0x2;
	s17 =	smov.u32 s19;
	v9 =	vmax.f32 v9, v14  }
0x6e: {  	s18 =	sadd.s32 $0x100, s18;
	[tilespmem:s20+$0x18000] =	vst v9;
	v8 =	vmax.f32 v8, v9  }
0x6f: {  	s19 =	sadd.s32 $0x40, s19;
	v9 =	vld [tilespmem:s18+$0xFFFFFF80]  }
0x70: {  	v10 =	vld [tilespmem:s18+$0xFFFFFF90]  }
0x71: {  	v11 =	vld [tilespmem:s18+$0xFFFFFFA0]  }
0x72: {  	v12 =	vld [tilespmem:s18+$0xFFFFFFB0]  }
0x73: {  	v13 =	vld [tilespmem:s18+$0xFFFFFFC0]  }
0x74: {  	v14 =	vld [tilespmem:s18+$0xFFFFFFD0];
	v9 =	vmax.f32 v9, $-3.000000010e+38  }
0x75: {  	v9 =	vmax.f32 v9, v10;
	v10 =	vld [tilespmem:s18+$0xFFFFFFE0]  }
0x76: {  	v9 =	vmax.f32 v9, v11;
	v11 =	vld [tilespmem:s18+$0xFFFFFFF0]  }
0x77: {  	v53 =	vld [tilespmem:s18+$0x0];
	v9 =	vmax.f32 v9, v12  }
0x78: {  	v54 =	vld [tilespmem:s18+$0x10];
	v9 =	vmax.f32 v9, v13  }
0x79: {  	v55 =	vld [tilespmem:s18+$0x20];
	v9 =	vmax.f32 v9, v14  }
0x7a: {  	v9 =	vmax.f32 v9, v10;
	v10 =	vld [tilespmem:s18+$0x30]  }
0x7b: {  	v9 =	vmax.f32 v9, v11;
	v11 =	vld [tilespmem:s18+$0x40]  }
0x7c: {  	v56 =	vld [tilespmem:s18+$0x50];
	v9 =	vmax.f32 v9, v53  }
0x7d: {  	v57 =	vld [tilespmem:s18+$0x60];
	v9 =	vmax.f32 v9, v54  }
0x7e: {  	v58 =	vld [tilespmem:s18+$0x70];
	v9 =	vmax.f32 v9, v55  }
0x7f: {  	v9 =	vmax.f32 v9, v10  }
0x80: {  	v9 =	vmax.f32 v9, v11  }
0x81: {  	v9 =	vmax.f32 v9, v56  }
0x82: {  	v9 =	vmax.f32 v9, v57  }
0x83: {  	v9 =	vmax.f32 v9, v58  }
0x84: {  	v8 =	vmax.f32 v8, v9  }
0x85: {  	v10 =	vperm.xlane v8, v4;
	_ =	sdelay $0x1  }
0x86: {  	v8 =	vmax.f32 v8, v10  }
0x87: {  	v10 =	vperm.xlane v8, v0;
	_ =	sdelay $0x1  }
0x88: {  	v8 =	vmax.f32 v8, v10  }
0x89: {  	v10 =	vperm.xlane v8, v1;
	_ =	sdelay $0x1  }
0x8a: {  	v8 =	vmax.f32 v8, v10  }
0x8b: {  	v10 =	vperm.xlane v8, v2  }
0x8c: {  	s17 =	sshra.s32 s17, $0x2  }
0x8d: {  	s26 =	simm.s32 $0x18000;
	[tilespmem:s17+$0x18000] =	vst v9;
	v8 =	vmax.f32 v8, v10  }
0x8e: {  	(v2sf) =	vpush v8, $0x0;
	v8 =	vld [tilespmem:s26+$0x0];
	_ =	sdelay $0x4  }
0x8f: {  	v11 =	vperm.xlane v8, v4;
	_ =	sdelay $0x1  }
0x90: {  	s28 =	simm.s32 $0x18010;
	v8 =	vmax.f32 v8, v11  }
0x91: {  	v9 =	vld [tilespmem:s28+$0x0];
	v11 =	vperm.xlane v8, v0;
	_ =	sdelay $0x1  }
0x92: {  	v8 =	vmax.f32 v8, v11  }
0x93: {  	v11 =	vperm.xlane v8, v1;
	_ =	sdelay $0x1  }
0x94: {  	v59 =	vperm.xlane v9, v4;
	v8 =	vmax.f32 v8, v11  }
0x95: {  	v11 =	vperm.xlane v8, v2  }
0x96: {  	s29 =	simm.s32 $0x18020;
	v9 =	vmax.f32 v9, v59  }
0x97: {  	v12 =	vperm.xlane v9, v0;
	v10 =	vld [tilespmem:s29+$0x0];
	v8 =	vmax.f32 v8, v11  }
0x98: {  	s31 =	spop (v2sf);
	(v2sf) =	vpush v8, $0x0  }
0x99: {  	v9 =	vmax.f32 v9, v12  }
0x9a: {  	v62 =	vperm.xlane v9, v1;
	_ =	sdelay $0x1  }
0x9b: {  	v9 =	vmax.f32 v9, v62;
	v60 =	vperm.xlane v10, v4  }
0x9c: {  	v13 =	vperm.xlane v9, v2  }
0x9d: {  	s30 =	simm.s32 $0x18030;
	v10 =	vmax.f32 v10, v60  }
0x9e: {  	v61 =	vld [tilespmem:s30+$0x0];
	v9 =	vmax.f32 v9, v13;
	v63 =	vperm.xlane v10, v0  }
0x9f: {  	(v2sf) =	vpush v9, $0x0  }
0xa0: {  	v10 =	vmax.f32 v10, v63  }
0xa1: {  	v14 =	vperm.xlane v10, v1;
	_ =	sdelay $0x1  }
0xa2: {  	s21 =	simm.s32 $0x0;
	s19 =	simm.s32 $0x1;
	v11 =	vperm.xlane v61, v4;
	v8 =	vmax.f32 v10, v14  }
0xa3: {  	s20 =	simm.s32 $0x2;
	s23 =	simm.s32 $0x4;
	s24 =	simm.s32 $0x18040;
	v10 =	vperm.xlane v8, v2  }
0xa4: {  	s22 =	simm.s32 $0x0;
	s17 =	simm.s32 $0x3;
	s18 =	sadd.f32 $-1.000000000e+00, s31;
	v9 =	vmax.f32 v61, v11  }
.LBB2_6:
0xa5: {  	v11 =	vld [tilespmem:s24+$0x0];
	v12 =	vperm.xlane v9, v0;
	v8 =	vmax.f32 v8, v10;
	s25 =	spop (v2sf);
	s26 =	smov.u32 s23;
	s23 =	sadd.s32 $0x1, s23  }
0xa6: {  	p0 =	sne.s32 s23, $0x80;
	(v2sf) =	vpush v8, $0x0;
	p1 =	sgt.f32 s25, s18  }
0xa7: {  	v8 =	vmax.f32 v9, v12  }
0xa8: {  	[smem:s22] =	sst @p1 s21;
	s21 =	simm.s32 $0x1  }
.Ltmp4:
0xa9: {  	v9 =	vperm.xlane v8, v1;
	s21 =	simm.s32 @!p1 $0x0;
	(pc) =	sbr.rel @p0 .LBB2_6-.Ltmp4, $4  }
0xaa: {  	s22 =	sadd.s32 s21, s22;
	s21 =	smov.u32 s19;
	s19 =	smov.u32 s20  }
0xab: {  	v12 =	vperm.xlane v11, v4;
	v8 =	vmax.f32 v8, v9;
	s20 =	smov.u32 s17;
	s17 =	smov.u32 s26  }
0xac: {  	v10 =	vperm.xlane v8, v2  }
0xad: {  	s24 =	sadd.s32 $0x10, s24;
	v9 =	vmax.f32 v11, v12  }
0xae: {  	v11 =	vperm.xlane v9, v0;
	_ =	sdelay $0x1  }
0xaf: {  	v9 =	vmax.f32 v9, v11  }
0xb0: {  	v11 =	vperm.xlane v9, v1;
	_ =	sdelay $0x1  }
0xb1: {  	v9 =	vmax.f32 v9, v11  }
0xb2: {  	v11 =	vperm.xlane v9, v2  }
0xb3: {  	v8 =	vmax.f32 v8, v10  }
0xb4: {  	(v2sf) =	vpush v8, $0x0;
	v8 =	vmax.f32 v9, v11  }
0xb5: {  	(v2sf) =	vpush v8, $0x0;
	_ =	sdelay $0xb  }
0xb6: {  	s23 =	spop (v2sf);
	s25 =	simm.s32 $0x1  }
0xb7: {  	s26 =	simm.s32 $0x1;
	p0 =	sgt.f32 s23, s18;
	s24 =	spop (v2sf)  }
0xb8: {  	s23 =	simm.s32 $0x1;
	p1 =	sgt.f32 s24, s18;
	s30 =	spop (v2sf)  }
0xb9: {  	s23 =	simm.s32 @!p0 $0x0;
	p2 =	sgt.f32 s30, s18;
	s31 =	spop (v2sf)  }
0xba: {  	s23 =	sadd.s32 s23, s22;
	s25 =	simm.s32 @!p1 $0x0;
	p3 =	sgt.f32 s31, s18  }
0xbb: {  	s24 =	sadd.s32 s25, s23;
	s25 =	simm.s32 $0x1;
	s26 =	simm.s32 @!p2 $0x0  }
0xbc: {  	[smem:s22] =	sst @p0 s21;
	s21 =	sadd.s32 s26, s24;
	s25 =	simm.s32 @!p3 $0x0  }
0xbd: {  	[smem:s23] =	sst @p1 s19;
	s19 =	sadd.s32 s25, s21  }
0xbe: {  	p0 =	slt.s32 s19, $0x1  }
.Ltmp5:
0xbf: {  	_ = 	snop;
	(pc) =	sbr.rel @p0 .LBB2_8-.Ltmp5, $3  }
0xc0: {  	_ =	sdelay $0x1  }
0xc1: {  	[smem:s24] =	sst @p2 s20  }
0xc2: {  	[smem:s21] =	sst @p3 s17  }
0xc3: {  	p2 =	sne.s32 s19, $0x1  }
.Ltmp6:
0xc4: {  	_ = 	snop;
	(pc) =	sbr.rel @!p2 .LBB2_10-.Ltmp6, $2  }
0xc5: {  	_ =	sdelay $0x2  }
0xc6: {  	v8 =	vmov s18;
	v9 =	vimm.f32 $0.0e+00;
	s22 =	sld [smem:$0x0];
	s21 =	sadd.s32 $0xFFFFFFFF, s19;
	p1 =	por $0x0, $0x0  }
0xc7: {  	_ =	sdelay $0x1  }
0xc8: {  	s17 =	sshll.u32 s22, $0xA  }
0xc9: {  	s17 =	sshra.s32 s17, $0x2  }
0xca: {  	v10 =	vld [tilespmem:s17+$0x0];
	_ =	sdelay $0x1  }
0xcb: {  	v11 =	vld [tilespmem:s17+$0x10];
	_ =	sdelay $0x1  }
0xcc: {  	v12 =	vld [tilespmem:s17+$0x20]  }
0xcd: {  	vm0 =	vgt.f32 v10, v8  }
0xce: {  	v14 =	vld [tilespmem:s17+$0x30];
	v10 =	vnsel vm0, $0x0, v10;
	v13 =	vsel vm0, $0x3F800000, v3  }
0xcf: {  	vm0 =	vgt.f32 v11, v8;
	v10 =	vadd.f32 v10, v9;
	v13 =	vadd.f32 v13, v9  }
0xd0: {  	v16 =	vld [tilespmem:s17+$0x40];
	v11 =	vnsel vm0, $0x0, v11;
	v15 =	vsel vm0, $0x3F800000, v3  }
0xd1: {  	vm0 =	vgt.f32 v12, v8;
	v10 =	vadd.f32 v11, v10;
	v11 =	vadd.f32 v15, v13  }
0xd2: {  	v12 =	vnsel vm0, $0x0, v12;
	v13 =	vsel vm0, $0x3F800000, v3;
	v15 =	vld [tilespmem:s17+$0x50]  }
0xd3: {  	vm0 =	vgt.f32 v14, v8;
	v10 =	vadd.f32 v12, v10;
	v11 =	vadd.f32 v13, v11  }
0xd4: {  	v12 =	vnsel vm0, $0x0, v14;
	v13 =	vsel vm0, $0x3F800000, v3;
	v14 =	vld [tilespmem:s17+$0x60]  }
0xd5: {  	vm0 =	vgt.f32 v16, v8;
	v10 =	vadd.f32 v12, v10;
	v11 =	vadd.f32 v13, v11  }
0xd6: {  	v61 =	vld [tilespmem:s17+$0x70];
	v12 =	vnsel vm0, $0x0, v16;
	v13 =	vsel vm0, $0x3F800000, v3  }
0xd7: {  	vm0 =	vgt.f32 v15, v8;
	v10 =	vadd.f32 v12, v10;
	v11 =	vadd.f32 v13, v11  }
0xd8: {  	v12 =	vnsel vm0, $0x0, v15;
	v13 =	vsel vm0, $0x3F800000, v3;
	v15 =	vld [tilespmem:s17+$0x80]  }
0xd9: {  	vm0 =	vgt.f32 v14, v8;
	v10 =	vadd.f32 v12, v10;
	v11 =	vadd.f32 v13, v11  }
0xda: {  	v12 =	vnsel vm0, $0x0, v14;
	v13 =	vsel vm0, $0x3F800000, v3;
	v14 =	vld [tilespmem:s17+$0x90]  }
0xdb: {  	vm0 =	vgt.f32 v61, v8;
	v10 =	vadd.f32 v12, v10;
	v11 =	vadd.f32 v13, v11  }
0xdc: {  	v62 =	vld [tilespmem:s17+$0xA0];
	v12 =	vnsel vm0, $0x0, v61;
	v13 =	vsel vm0, $0x3F800000, v3  }
0xdd: {  	vm0 =	vgt.f32 v15, v8;
	v12 =	vadd.f32 v12, v10;
	v11 =	vadd.f32 v13, v11  }
0xde: {  	p2 =	sne.s32 s21, $0x1;
	v13 =	vnsel vm0, $0x0, v15;
	v15 =	vsel vm0, $0x3F800000, v3;
	v10 =	vld [tilespmem:s17+$0xB0]  }
.Ltmp7:
0xdf: {  	vm0 =	vgt.f32 v14, v8;
	v13 =	vadd.f32 v13, v12;
	v11 =	vadd.f32 v15, v11;
	(pc) =	sbr.rel @!p2 .LBB2_13-.Ltmp7, $4  }
0xe0: {  	v14 =	vnsel vm0, $0x0, v14;
	v15 =	vsel vm0, $0x3F800000, v3;
	v12 =	vld [tilespmem:s17+$0xC0]  }
0xe1: {  	vm0 =	vgt.f32 v62, v8;
	v13 =	vadd.f32 v14, v13;
	v14 =	vadd.f32 v15, v11  }
0xe2: {  	s20 =	simm.s32 $0x1;
	v63 =	vsel vm0, $0x3F800000, v3;
	v15 =	vnsel vm0, $0x0, v62;
	v11 =	vld [tilespmem:s17+$0xD0]  }
0xe3: {  	s21 =	sadd.s32 $0xFFFFFFFF, s21;
	p1 =	por $0x1, $0x1;
	s22 =	sld [smem:$0x1];
	vm0 =	vgt.f32 v10, v8;
	v13 =	vadd.f32 v15, v13;
	v14 =	vadd.f32 v63, v14  }
.LBB2_12:
0xe4: {  	p2 =	sne.s32 s21, $0x1;
	v10 =	vnsel vm0, $0x0, v10;
	v15 =	vsel vm0, $0x3F800000, v3;
	v16 =	vld [tilespmem:s17+$0xE0]  }
0xe5: {  	v10 =	vadd.f32 v10, v13;
	v13 =	vadd.f32 v15, v14;
	vm0 =	vgt.f32 v12, v8  }
0xe6: {  	s22 =	sshll.u32 s22, $0xA;
	v12 =	vnsel vm0, $0x0, v12;
	v14 =	vsel vm0, $0x3F800000, v3;
	v15 =	vld [tilespmem:s17+$0xF0]  }
0xe7: {  	s17 =	sshra.s32 s22, $0x2;
	v10 =	vadd.f32 v12, v10;
	v12 =	vadd.f32 v14, v13;
	vm0 =	vgt.f32 v11, v8  }
0xe8: {  	v13 =	vld [tilespmem:s17+$0x0];
	v11 =	vnsel vm0, $0x0, v11;
	v14 =	vsel vm0, $0x3F800000, v3  }
0xe9: {  	v10 =	vadd.f32 v11, v10;
	v11 =	vadd.f32 v14, v12;
	vm0 =	vgt.f32 v16, v8  }
0xea: {  	v12 =	vld [tilespmem:s17+$0x10];
	v14 =	vnsel vm0, $0x0, v16;
	v16 =	vsel vm0, $0x3F800000, v3  }
0xeb: {  	v10 =	vadd.f32 v14, v10;
	v11 =	vadd.f32 v16, v11;
	vm0 =	vgt.f32 v15, v8  }
0xec: {  	v14 =	vld [tilespmem:s17+$0x20];
	v15 =	vnsel vm0, $0x0, v15;
	v16 =	vsel vm0, $0x3F800000, v3  }
0xed: {  	vm0 =	vgt.f32 v13, v8;
	v10 =	vadd.f32 v15, v10;
	v11 =	vadd.f32 v16, v11  }
0xee: {  	v13 =	vnsel vm0, $0x0, v13;
	v15 =	vsel vm0, $0x3F800000, v3;
	v16 =	vld [tilespmem:s17+$0x30]  }
0xef: {  	v10 =	vadd.f32 v13, v10;
	v11 =	vadd.f32 v15, v11;
	vm0 =	vgt.f32 v12, v8  }
0xf0: {  	v12 =	vnsel vm0, $0x0, v12;
	v13 =	vsel vm0, $0x3F800000, v3;
	v15 =	vld [tilespmem:s17+$0x40]  }
0xf1: {  	v10 =	vadd.f32 v12, v10;
	v11 =	vadd.f32 v13, v11;
	vm0 =	vgt.f32 v14, v8  }
0xf2: {  	v12 =	vnsel vm0, $0x0, v14;
	v13 =	vsel vm0, $0x3F800000, v3;
	v14 =	vld [tilespmem:s17+$0x50]  }
0xf3: {  	v10 =	vadd.f32 v12, v10;
	v11 =	vadd.f32 v13, v11;
	vm0 =	vgt.f32 v16, v8  }
0xf4: {  	v12 =	vnsel vm0, $0x0, v16;
	v13 =	vsel vm0, $0x3F800000, v3;
	v16 =	vld [tilespmem:s17+$0x60]  }
0xf5: {  	v10 =	vadd.f32 v12, v10;
	v11 =	vadd.f32 v13, v11;
	vm0 =	vgt.f32 v15, v8  }
0xf6: {  	v12 =	vnsel vm0, $0x0, v15;
	v13 =	vsel vm0, $0x3F800000, v3;
	v15 =	vld [tilespmem:s17+$0x70]  }
0xf7: {  	v10 =	vadd.f32 v12, v10;
	v11 =	vadd.f32 v13, v11;
	vm0 =	vgt.f32 v14, v8  }
0xf8: {  	v12 =	vnsel vm0, $0x0, v14;
	v13 =	vsel vm0, $0x3F800000, v3;
	v14 =	vld [tilespmem:s17+$0x80]  }
0xf9: {  	v10 =	vadd.f32 v12, v10;
	v11 =	vadd.f32 v13, v11;
	vm0 =	vgt.f32 v16, v8  }
0xfa: {  	v12 =	vnsel vm0, $0x0, v16;
	v13 =	vsel vm0, $0x3F800000, v3;
	v16 =	vld [tilespmem:s17+$0x90]  }
0xfb: {  	v10 =	vadd.f32 v12, v10;
	v11 =	vadd.f32 v13, v11;
	vm0 =	vgt.f32 v15, v8  }
0xfc: {  	v12 =	vnsel vm0, $0x0, v15;
	v13 =	vsel vm0, $0x3F800000, v3;
	v15 =	vld [tilespmem:s17+$0xA0]  }
0xfd: {  	v12 =	vadd.f32 v12, v10;
	v11 =	vadd.f32 v13, v11;
	vm0 =	vgt.f32 v14, v8  }
0xfe: {  	v13 =	vnsel vm0, $0x0, v14;
	v14 =	vsel vm0, $0x3F800000, v3;
	v10 =	vld [tilespmem:s17+$0xB0]  }
.Ltmp8:
0xff: {  	v13 =	vadd.f32 v13, v12;
	v11 =	vadd.f32 v14, v11;
	vm0 =	vgt.f32 v16, v8;
	(pc) =	sbr.rel @p2 .LBB2_12-.Ltmp8, $4  }
0x100: {  	v14 =	vnsel vm0, $0x0, v16;
	v16 =	vsel vm0, $0x3F800000, v3;
	v12 =	vld [tilespmem:s17+$0xC0]  }
0x101: {  	v13 =	vadd.f32 v14, v13;
	v14 =	vadd.f32 v16, v11;
	vm0 =	vgt.f32 v15, v8  }
0x102: {  	s20 =	sadd.s32 $0x1, s20;
	v15 =	vnsel vm0, $0x0, v15;
	v16 =	vsel vm0, $0x3F800000, v3;
	v11 =	vld [tilespmem:s17+$0xD0]  }
0x103: {  	s21 =	sadd.s32 $0xFFFFFFFF, s21;
	s22 =	sld [smem:s20+$0x0];
	v13 =	vadd.f32 v15, v13;
	v14 =	vadd.f32 v16, v14;
	vm0 =	vgt.f32 v10, v8  }
.LBB2_13:
0x104: {  	v10 =	vnsel @p1 vm0, $0x0, v10;
	v15 =	vsel @p1 vm0, $0x3F800000, v3;
	v16 =	vld @p1 [tilespmem:s17+$0xE0]  }
0x105: {  	v10 =	vadd.f32 @p1 v10, v13;
	v13 =	vadd.f32 @p1 v15, v14;
	vm0 =	vgt.f32 @p1 v12, v8  }
0x106: {  	v15 =	vld @p1 [tilespmem:s17+$0xF0];
	s20 =	sshll.u32 s22, $0xA;
	v12 =	vnsel @p1 vm0, $0x0, v12;
	v14 =	vsel @p1 vm0, $0x3F800000, v3  }
0x107: {  	s31 =	sshra.s32 s20, $0x2;
	v10 =	vadd.f32 @p1 v12, v10;
	v12 =	vadd.f32 @p1 v14, v13;
	vm0 =	vgt.f32 @p1 v11, v8  }
0x108: {  	v32 =	vld [tilespmem:s31+$0x0];
	v11 =	vnsel @p1 vm0, $0x0, v11;
	v14 =	vsel @p1 vm0, $0x3F800000, v3  }
0x109: {  	v10 =	vadd.f32 @p1 v11, v10;
	v11 =	vadd.f32 @p1 v14, v12;
	vm0 =	vgt.f32 @p1 v16, v8  }
0x10a: {  	v12 =	vnsel @p1 vm0, $0x0, v16;
	v14 =	vsel @p1 vm0, $0x3F800000, v3  }
0x10b: {  	v33 =	vld [tilespmem:s31+$0x10];
	vm0 =	vgt.f32 @p1 v15, v8;
	v10 =	vadd.f32 @p1 v12, v10;
	v11 =	vadd.f32 @p1 v14, v11  }
0x10c: {  	v12 =	vnsel @p1 vm0, $0x0, v15;
	v14 =	vsel @p1 vm0, $0x3F800000, v3  }
0x10d: {  	v34 =	vld [tilespmem:s31+$0x20];
	vm12 =	vgt.f32 v32, v8;
	v10 =	vadd.f32 @p1 v12, v10;
	v11 =	vadd.f32 @p1 v14, v11  }
0x10e: {  	v35 =	vnsel vm12, $0x0, v32  }
0x10f: {  	v37 =	vld [tilespmem:s31+$0x30];
	v36 =	vsel vm12, $0x3F800000, v3;
	v10 =	vpsel p1, v10, v9;
	v9 =	vpsel p1, v11, v9  }
0x110: {  	vm13 =	vgt.f32 v33, v8;
	v10 =	vadd.f32 v35, v10;
	v9 =	vadd.f32 v36, v9  }
0x111: {  	v39 =	vld [tilespmem:s31+$0x40];
	v38 =	vsel vm13, $0x3F800000, v3;
	v11 =	vnsel vm13, $0x0, v33  }
0x112: {  	vm14 =	vgt.f32 v34, v8;
	v10 =	vadd.f32 v11, v10;
	v9 =	vadd.f32 v38, v9  }
0x113: {  	v41 =	vld [tilespmem:s31+$0x50];
	v40 =	vsel vm14, $0x3F800000, v3;
	v11 =	vnsel vm14, $0x0, v34  }
0x114: {  	vm15 =	vgt.f32 v37, v8;
	v10 =	vadd.f32 v11, v10;
	v9 =	vadd.f32 v40, v9  }
0x115: {  	v43 =	vld [tilespmem:s31+$0x60];
	v42 =	vsel vm15, $0x3F800000, v3;
	v11 =	vnsel vm15, $0x0, v37  }
0x116: {  	vm4 =	vgt.f32 v39, v8;
	v10 =	vadd.f32 v11, v10;
	v9 =	vadd.f32 v42, v9  }
0x117: {  	v45 =	vld [tilespmem:s31+$0x70];
	v44 =	vsel vm4, $0x3F800000, v3;
	v11 =	vnsel vm4, $0x0, v39  }
0x118: {  	vm5 =	vgt.f32 v41, v8;
	v10 =	vadd.f32 v11, v10;
	v9 =	vadd.f32 v44, v9  }
0x119: {  	v47 =	vld [tilespmem:s31+$0x80];
	v46 =	vsel vm5, $0x3F800000, v3;
	v11 =	vnsel vm5, $0x0, v41  }
0x11a: {  	vm6 =	vgt.f32 v43, v8;
	v10 =	vadd.f32 v11, v10;
	v9 =	vadd.f32 v46, v9  }
0x11b: {  	v49 =	vld [tilespmem:s31+$0x90];
	v48 =	vsel vm6, $0x3F800000, v3;
	v11 =	vnsel vm6, $0x0, v43  }
0x11c: {  	vm7 =	vgt.f32 v45, v8;
	v10 =	vadd.f32 v11, v10;
	v9 =	vadd.f32 v48, v9  }
0x11d: {  	v51 =	vld [tilespmem:s31+$0xA0];
	v50 =	vsel vm7, $0x3F800000, v3;
	v11 =	vnsel vm7, $0x0, v45  }
0x11e: {  	vm8 =	vgt.f32 v47, v8;
	v10 =	vadd.f32 v11, v10;
	v9 =	vadd.f32 v50, v9  }
0x11f: {  	v53 =	vld [tilespmem:s31+$0xB0];
	v52 =	vsel vm8, $0x3F800000, v3;
	v11 =	vnsel vm8, $0x0, v47  }
0x120: {  	vm9 =	vgt.f32 v49, v8;
	v10 =	vadd.f32 v11, v10;
	v9 =	vadd.f32 v52, v9  }
0x121: {  	v55 =	vld [tilespmem:s31+$0xC0];
	v54 =	vsel vm9, $0x3F800000, v3;
	v11 =	vnsel vm9, $0x0, v49  }
0x122: {  	vm10 =	vgt.f32 v51, v8;
	v10 =	vadd.f32 v11, v10;
	v9 =	vadd.f32 v54, v9  }
0x123: {  	v57 =	vld [tilespmem:s31+$0xD0];
	v56 =	vsel vm10, $0x3F800000, v3;
	v11 =	vnsel vm10, $0x0, v51  }
0x124: {  	vm11 =	vgt.f32 v53, v8;
	v10 =	vadd.f32 v11, v10;
	v9 =	vadd.f32 v56, v9  }
0x125: {  	v59 =	vld [tilespmem:s31+$0xE0];
	v58 =	vsel vm11, $0x3F800000, v3;
	v11 =	vnsel vm11, $0x0, v53  }
0x126: {  	vm12 =	vgt.f32 v55, v8;
	v10 =	vadd.f32 v11, v10;
	v9 =	vadd.f32 v58, v9  }
0x127: {  	v61 =	vld [tilespmem:s31+$0xF0];
	v60 =	vsel vm12, $0x3F800000, v3;
	v11 =	vnsel vm12, $0x0, v55  }
0x128: {  	vm13 =	vgt.f32 v57, v8;
	v10 =	vadd.f32 v11, v10;
	v9 =	vadd.f32 v60, v9  }
0x129: {  	v62 =	vsel vm13, $0x3F800000, v3;
	v11 =	vnsel vm13, $0x0, v57  }
.Ltmp9:
0x12a: {  	vm14 =	vgt.f32 v59, v8;
	v10 =	vadd.f32 v11, v10;
	v9 =	vadd.f32 v62, v9;
	(pc) =	sbr.rel .LBB2_14-.Ltmp9, $4  }
0x12b: {  	v63 =	vsel vm14, $0x3F800000, v3;
	v11 =	vnsel vm14, $0x0, v59  }
0x12c: {  	vm15 =	vgt.f32 v61, v8;
	v10 =	vadd.f32 v11, v10;
	v9 =	vadd.f32 v63, v9  }
0x12d: {  	v8 =	vnsel vm15, $0x0, v61;
	v11 =	vsel vm15, $0x3F800000, v3  }
0x12e: {  	v8 =	vadd.f32 v8, v10;
	v9 =	vadd.f32 v11, v9  }
.LBB2_8:
0x12f: {  	v8 =	vimm.f32 $0.0e+00;
	v9 =	vimm.f32 $0.0e+00  }
.LBB2_14:
0x130: {  	_ = 	snop  }
0x131: {  	v10 =	vperm.xlane v9, v4;
	_ =	sdelay $0x1  }
0x132: {  	v9 =	vadd.f32 v10, v9;
	_ =	sdelay $0x1  }
0x133: {  	v10 =	vperm.xlane v9, v5;
	_ =	sdelay $0x1  }
0x134: {  	v9 =	vadd.f32 v10, v9;
	_ =	sdelay $0x1  }
0x135: {  	v11 =	vperm.xlane v8, v4;
	v10 =	vperm.xlane v9, v6;
	_ =	sdelay $0x1  }
0x136: {  	v8 =	vadd.f32 v11, v8;
	v9 =	vadd.f32 v10, v9;
	_ =	sdelay $0x1  }
0x137: {  	v11 =	vperm.xlane v8, v5;
	v10 =	vperm.xlane v9, v7;
	_ =	sdelay $0x1  }
0x138: {  	v8 =	vadd.f32 v11, v8;
	v9 =	vadd.f32 v10, v9;
	_ =	sdelay $0x1  }
0x139: {  	v62 =	vperm.xlane v8, v6;
	v9 =	vmax.f32 v9, $1.000000000e+00  }
0x13a: {  	(erf) = vrcp.f32 v9  }
0x13b: {  	v8 =	vadd.f32 v62, v8;
	_ =	sdelay $0x1  }
0x13c: {  	v63 =	vperm.xlane v8, v7;
	_ =	sdelay $0x1  }
0x13d: {  	v8 =	vadd.f32 v63, v8;
	_ =	sdelay $0x2  }
0x13e: {  	(v2sf) =	vpush v8, $0x0  }
0x13f: {  	v8 =	vpop (erf)  }
0x140: {  	(v2sf) =	vpush v8, $0x0;
	_ =	sdelay $0xb  }
.Ltmp10:
0x141: {  	_ = 	snop;
	(pc) =	sbr.rel @p0 .LBB2_18-.Ltmp10, $4  }
0x142: {  	s17 =	spop (v2sf)  }
0x143: {  	s17 =	sadd.f32 $-1.000000000e+00, s17  }
0x144: {  	s20 =	spop (v2sf)  }
0x145: {  	s21 =	smul.f32 s20, s17;
	s20 =	simm.s32 $0x0;
	s17 =	simm.s32 $0x0  }
0x146: {  	s22 =	sld [smem:$0x0];
	_ =	sdelay $0x2  }
0x147: {  	s23 =	sshll.u32 s22, $0x6  }
0x148: {  	s23 =	sshra.s32 s23, $0x2  }
0x149: {  	v8 =	vld [tilespmem:s23+$0x18000];
	_ =	sdelay $0x4  }
0x14a: {  	v9 =	vperm.xlane v8, v4;
	_ =	sdelay $0x1  }
0x14b: {  	v8 =	vmax.f32 v8, v9  }
0x14c: {  	v9 =	vperm.xlane v8, v0;
	_ =	sdelay $0x1  }
0x14d: {  	v8 =	vmax.f32 v8, v9  }
0x14e: {  	v9 =	vperm.xlane v8, v1;
	_ =	sdelay $0x1  }
0x14f: {  	v8 =	vmax.f32 v8, v9  }
0x150: {  	v9 =	vperm.xlane v8, v2;
	_ =	sdelay $0x1  }
0x151: {  	v8 =	vmax.f32 v8, v9  }
0x152: {  	(v2sf) =	vpush v8, $0x0;
	_ =	sdelay $0xb  }
0x153: {  	s19 =	sadd.s32 $0xFFFFFFFF, s19  }
0x154: {  	p1 =	seq.s32 s19, $0x0  }
.Ltmp11:
0x155: {  	_ = 	snop;
	(pc) =	sbr.rel @p1 .LBB2_17-.Ltmp11, $4  }
0x156: {  	s31 =	spop (v2sf)  }
0x157: {  	p0 =	sgt.f32 s31, s21  }
0x158: {  	s17 =	simm.s32 $0x0;
	s23 =	simm.s32 $0x1  }
0x159: {  	[smem:s17] =	sst @p0 s22;
	s23 =	simm.s32 @!p0 $0x0;
	s22 =	simm.s32 $0x1  }
.LBB2_16:
0x15a: {  	s24 =	sld [smem:s22+$0x0];
	s19 =	sadd.s32 $0xFFFFFFFF, s19;
	s17 =	sadd.s32 s23, s17  }
0x15b: {  	p0 =	seq.s32 s19, $0x0;
	_ =	sdelay $0x1  }
0x15c: {  	s23 =	sshll.u32 s24, $0x6  }
0x15d: {  	s23 =	sshra.s32 s23, $0x2  }
0x15e: {  	v8 =	vld [tilespmem:s23+$0x18000];
	_ =	sdelay $0x4  }
0x15f: {  	v9 =	vperm.xlane v8, v4;
	_ =	sdelay $0x1  }
0x160: {  	v8 =	vmax.f32 v8, v9  }
0x161: {  	v9 =	vperm.xlane v8, v0;
	_ =	sdelay $0x1  }
0x162: {  	v8 =	vmax.f32 v8, v9  }
0x163: {  	v9 =	vperm.xlane v8, v1;
	_ =	sdelay $0x1  }
0x164: {  	v8 =	vmax.f32 v8, v9  }
0x165: {  	v9 =	vperm.xlane v8, v2;
	_ =	sdelay $0x1  }
0x166: {  	v8 =	vmax.f32 v8, v9  }
0x167: {  	(v2sf) =	vpush v8, $0x0;
	_ =	sdelay $0xd  }
.Ltmp12:
0x168: {  	(pc) =	sbr.rel @!p0 .LBB2_16-.Ltmp12, $4  }
0x169: {  	s23 =	spop (v2sf)  }
0x16a: {  	p1 =	sgt.f32 s23, s21  }
0x16b: {  	s23 =	simm.s32 $0x1  }
0x16c: {  	s22 =	sadd.s32 $0x1, s22;
	[smem:s17] =	sst @p1 s24;
	s23 =	simm.s32 @!p1 $0x0  }
.LBB2_17:
0x16d: {  	s17 =	sadd.s32 s23, s17  }
.LBB2_18:
.Ltmp13:
0x16e: {  	(pc) =	sbr.rel .LBB2_19-.Ltmp13, $4  }
0x16f: {  	_ = 	snop  }
0x170: {  	p0 =	slt.f32 s21, s18;
	p1 =	sgt.f32 s21, s18  }
0x171: {  	_ = 	snop  }
0x172: {  	p0 =	por p1, p0  }
.LBB2_65:
0x173: {  	v8 =	vpsel p0, $0x0, v9;
	v9 =	vpsel p0, $0x0, v9  }
.LBB2_23:
0x174: {  	v10 =	vperm.xlane v9, v4;
	_ =	sdelay $0x1  }
0x175: {  	v9 =	vadd.f32 v10, v9;
	_ =	sdelay $0x1  }
0x176: {  	v10 =	vperm.xlane v9, v5;
	_ =	sdelay $0x1  }
0x177: {  	v9 =	vadd.f32 v10, v9;
	_ =	sdelay $0x1  }
0x178: {  	v11 =	vperm.xlane v8, v4;
	v10 =	vperm.xlane v9, v6;
	_ =	sdelay $0x1  }
0x179: {  	v8 =	vadd.f32 v11, v8;
	v9 =	vadd.f32 v10, v9;
	_ =	sdelay $0x1  }
0x17a: {  	v11 =	vperm.xlane v8, v5;
	v10 =	vperm.xlane v9, v7;
	_ =	sdelay $0x1  }
0x17b: {  	v8 =	vadd.f32 v11, v8;
	v9 =	vadd.f32 v10, v9;
	_ =	sdelay $0x1  }
0x17c: {  	v62 =	vperm.xlane v8, v6;
	v9 =	vmax.f32 v9, $1.000000000e+00  }
0x17d: {  	(erf) = vrcp.f32 v9  }
0x17e: {  	v8 =	vadd.f32 v62, v8;
	_ =	sdelay $0x1  }
0x17f: {  	v63 =	vperm.xlane v8, v7;
	_ =	sdelay $0x1  }
0x180: {  	v8 =	vadd.f32 v63, v8;
	_ =	sdelay $0x2  }
0x181: {  	(v2sf) =	vpush v8, $0x0  }
0x182: {  	v8 =	vpop (erf)  }
0x183: {  	(v2sf) =	vpush v8, $0x0;
	_ =	sdelay $0xc  }
0x184: {  	s18 =	spop (v2sf)  }
0x185: {  	s18 =	sadd.f32 $-1.000000000e+00, s18  }
0x186: {  	s19 =	spop (v2sf)  }
0x187: {  	s19 =	smul.f32 s19, s18;
	_ =	sdelay $0x1  }
0x188: {  	p1 =	slt.f32 s19, s21;
	p2 =	sgt.f32 s19, s21  }
0x189: {  	_ = 	snop  }
0x18a: {  	s20 =	sadd.s32 $0x1, s20;
	p1 =	por p2, p1  }
0x18b: {  	p6 =	por !p0, !p1;
	p1 =	sne.s32 s20, $0x13  }
.Ltmp14:
0x18c: {  	_ = 	snop;
	(pc) =	sbr.rel @!p1 .LBB2_24-.Ltmp14, $4  }
0x18d: {  	_ = 	snop  }
0x18e: {  	s18 =	smov.u32 s21  }
0x18f: {  	s18 =	smov.u32 @p0 s19  }
0x190: {  	s21 =	smov.u32 s18;
	p0 =	por !p6, !p6  }
.LBB2_19:
0x191: {  	p1 =	slt.s32 @p0 s17, $0x1  }
0x192: {  	p1 =	por !p0, p1  }
.Ltmp15:
0x193: {  	_ = 	snop;
	(pc) =	sbr.rel @p1 .LBB2_65-.Ltmp15, $2  }
0x194: {  	_ =	sdelay $0x2  }
0x195: {  	v9 =	vimm.f32 $0.0e+00  }
0x196: {  	s18 =	sld [smem:$0x0];
	_ =	sdelay $0x2  }
0x197: {  	s18 =	sshll.u32 s18, $0xA  }
0x198: {  	s18 =	sshra.s32 s18, $0x2  }
0x199: {  	v10 =	vld [tilespmem:s18+$0x0];
	_ =	sdelay $0x1  }
0x19a: {  	v11 =	vld [tilespmem:s18+$0x10];
	_ =	sdelay $0x1  }
0x19b: {  	v8 =	vmov s21;
	v12 =	vld [tilespmem:s18+$0x20]  }
0x19c: {  	vm0 =	vgt.f32 v10, v8  }
0x19d: {  	v13 =	vld [tilespmem:s18+$0x30];
	v10 =	vnsel vm0, $0x0, v10  }
0x19e: {  	vm6 =	vgt.f32 v11, v8;
	v14 =	vsel vm0, $0x3F800000, v3;
	v10 =	vadd.f32 v10, v9  }
0x19f: {  	v11 =	vnsel vm6, $0x0, v11;
	v9 =	vadd.f32 v14, v9;
	v14 =	vld [tilespmem:s18+$0x40]  }
0x1a0: {  	vm7 =	vgt.f32 v12, v8;
	v15 =	vsel vm6, $0x3F800000, v3;
	v10 =	vadd.f32 v11, v10  }
0x1a1: {  	v9 =	vadd.f32 v15, v9;
	v11 =	vnsel vm7, $0x0, v12;
	v12 =	vld [tilespmem:s18+$0x50]  }
0x1a2: {  	vm8 =	vgt.f32 v13, v8;
	v15 =	vsel vm7, $0x3F800000, v3;
	v10 =	vadd.f32 v11, v10  }
0x1a3: {  	v9 =	vadd.f32 v15, v9;
	v11 =	vnsel vm8, $0x0, v13;
	v13 =	vld [tilespmem:s18+$0x60]  }
0x1a4: {  	v15 =	vsel vm8, $0x3F800000, v3;
	vm9 =	vgt.f32 v14, v8;
	v10 =	vadd.f32 v11, v10  }
0x1a5: {  	v9 =	vadd.f32 v15, v9;
	v11 =	vnsel vm9, $0x0, v14;
	v14 =	vld [tilespmem:s18+$0x70]  }
0x1a6: {  	v15 =	vsel vm9, $0x3F800000, v3;
	vm10 =	vgt.f32 v12, v8;
	v10 =	vadd.f32 v11, v10  }
0x1a7: {  	v9 =	vadd.f32 v15, v9;
	v11 =	vnsel vm10, $0x0, v12;
	v12 =	vld [tilespmem:s18+$0x80]  }
0x1a8: {  	v15 =	vsel vm10, $0x3F800000, v3;
	vm11 =	vgt.f32 v13, v8;
	v10 =	vadd.f32 v11, v10  }
0x1a9: {  	v9 =	vadd.f32 v15, v9;
	v11 =	vnsel vm11, $0x0, v13  }
0x1aa: {  	v13 =	vld [tilespmem:s18+$0x90];
	v15 =	vsel vm11, $0x3F800000, v3;
	vm12 =	vgt.f32 v14, v8;
	v10 =	vadd.f32 v11, v10  }
0x1ab: {  	v9 =	vadd.f32 v15, v9;
	v11 =	vnsel vm12, $0x0, v14  }
0x1ac: {  	v14 =	vld [tilespmem:s18+$0xA0];
	v15 =	vsel vm12, $0x3F800000, v3;
	vm13 =	vgt.f32 v12, v8;
	v10 =	vadd.f32 v11, v10  }
0x1ad: {  	p1 =	sgt.s32 s17, $0x1;
	v9 =	vadd.f32 v15, v9;
	v11 =	vnsel vm13, $0x0, v12  }
.Ltmp16:
0x1ae: {  	v12 =	vsel vm13, $0x3F800000, v3;
	v15 =	vadd.f32 v11, v10;
	v11 =	vld [tilespmem:s18+$0xB0];
	(pc) =	sbr.rel @!p1 .LBB2_22-.Ltmp16, $4  }
0x1af: {  	vm14 =	vgt.f32 v13, v8;
	v9 =	vadd.f32 v12, v9  }
0x1b0: {  	v12 =	vnsel vm14, $0x0, v13;
	v13 =	vsel vm14, $0x3F800000, v3;
	v10 =	vld [tilespmem:s18+$0xC0]  }
0x1b1: {  	vm15 =	vgt.f32 v14, v8;
	v12 =	vadd.f32 v12, v15;
	v13 =	vadd.f32 v13, v9  }
0x1b2: {  	s19 =	simm.s32 $0x1;
	s22 =	simm.s32 $0x1;
	v14 =	vnsel vm15, $0x0, v14;
	v15 =	vsel vm15, $0x3F800000, v3;
	v9 =	vld [tilespmem:s18+$0xD0]  }
.LBB2_21:
0x1b3: {  	s23 =	sld [smem:s19+$0x0];
	s22 =	sadd.s32 $0x1, s22;
	v12 =	vadd.f32 v14, v12;
	v13 =	vadd.f32 v15, v13;
	vm0 =	vgt.f32 v11, v8  }
0x1b4: {  	p1 =	sgt.s32 s17, s22;
	v11 =	vnsel vm0, $0x0, v11;
	v14 =	vsel vm0, $0x3F800000, v3;
	v15 =	vld [tilespmem:s18+$0xE0]  }
0x1b5: {  	v11 =	vadd.f32 v11, v12;
	v12 =	vadd.f32 v14, v13;
	vm0 =	vgt.f32 v10, v8  }
0x1b6: {  	s23 =	sshll.u32 s23, $0xA;
	v10 =	vnsel vm0, $0x0, v10;
	v13 =	vsel vm0, $0x3F800000, v3;
	v14 =	vld [tilespmem:s18+$0xF0]  }
0x1b7: {  	s18 =	sshra.s32 s23, $0x2;
	v10 =	vadd.f32 v10, v11;
	v11 =	vadd.f32 v13, v12;
	vm0 =	vgt.f32 v9, v8  }
0x1b8: {  	v12 =	vld [tilespmem:s18+$0x0];
	v9 =	vnsel vm0, $0x0, v9;
	v13 =	vsel vm0, $0x3F800000, v3  }
0x1b9: {  	v9 =	vadd.f32 v9, v10;
	v10 =	vadd.f32 v13, v11;
	vm0 =	vgt.f32 v15, v8  }
0x1ba: {  	v11 =	vld [tilespmem:s18+$0x10];
	v13 =	vnsel vm0, $0x0, v15;
	v15 =	vsel vm0, $0x3F800000, v3  }
0x1bb: {  	v9 =	vadd.f32 v13, v9;
	v10 =	vadd.f32 v15, v10;
	vm0 =	vgt.f32 v14, v8  }
0x1bc: {  	v13 =	vld [tilespmem:s18+$0x20];
	v14 =	vnsel vm0, $0x0, v14;
	v15 =	vsel vm0, $0x3F800000, v3  }
0x1bd: {  	vm0 =	vgt.f32 v12, v8;
	v9 =	vadd.f32 v14, v9;
	v10 =	vadd.f32 v15, v10  }
0x1be: {  	v12 =	vnsel vm0, $0x0, v12;
	v14 =	vsel vm0, $0x3F800000, v3;
	v15 =	vld [tilespmem:s18+$0x30]  }
0x1bf: {  	v9 =	vadd.f32 v12, v9;
	v10 =	vadd.f32 v14, v10;
	vm0 =	vgt.f32 v11, v8  }
0x1c0: {  	v11 =	vnsel vm0, $0x0, v11;
	v12 =	vsel vm0, $0x3F800000, v3;
	v14 =	vld [tilespmem:s18+$0x40]  }
0x1c1: {  	v9 =	vadd.f32 v11, v9;
	v10 =	vadd.f32 v12, v10;
	vm0 =	vgt.f32 v13, v8  }
0x1c2: {  	v11 =	vnsel vm0, $0x0, v13;
	v12 =	vsel vm0, $0x3F800000, v3;
	v13 =	vld [tilespmem:s18+$0x50]  }
0x1c3: {  	v9 =	vadd.f32 v11, v9;
	v10 =	vadd.f32 v12, v10;
	vm0 =	vgt.f32 v15, v8  }
0x1c4: {  	v11 =	vnsel vm0, $0x0, v15;
	v12 =	vsel vm0, $0x3F800000, v3;
	v15 =	vld [tilespmem:s18+$0x60]  }
0x1c5: {  	v9 =	vadd.f32 v11, v9;
	v10 =	vadd.f32 v12, v10;
	vm0 =	vgt.f32 v14, v8  }
0x1c6: {  	v11 =	vnsel vm0, $0x0, v14;
	v12 =	vsel vm0, $0x3F800000, v3;
	v14 =	vld [tilespmem:s18+$0x70]  }
0x1c7: {  	v9 =	vadd.f32 v11, v9;
	v10 =	vadd.f32 v12, v10;
	vm0 =	vgt.f32 v13, v8  }
0x1c8: {  	v11 =	vnsel vm0, $0x0, v13;
	v12 =	vsel vm0, $0x3F800000, v3;
	v13 =	vld [tilespmem:s18+$0x80]  }
0x1c9: {  	v9 =	vadd.f32 v11, v9;
	v10 =	vadd.f32 v12, v10;
	vm0 =	vgt.f32 v15, v8  }
0x1ca: {  	v11 =	vnsel vm0, $0x0, v15;
	v12 =	vsel vm0, $0x3F800000, v3;
	v15 =	vld [tilespmem:s18+$0x90]  }
0x1cb: {  	v9 =	vadd.f32 v11, v9;
	v10 =	vadd.f32 v12, v10;
	vm0 =	vgt.f32 v14, v8  }
0x1cc: {  	v11 =	vnsel vm0, $0x0, v14;
	v12 =	vsel vm0, $0x3F800000, v3;
	v14 =	vld [tilespmem:s18+$0xA0]  }
0x1cd: {  	v9 =	vadd.f32 v11, v9;
	v10 =	vadd.f32 v12, v10;
	vm0 =	vgt.f32 v13, v8  }
.Ltmp17:
0x1ce: {  	v12 =	vnsel vm0, $0x0, v13;
	v13 =	vsel vm0, $0x3F800000, v3;
	v11 =	vld [tilespmem:s18+$0xB0];
	(pc) =	sbr.rel @p1 .LBB2_21-.Ltmp17, $4  }
0x1cf: {  	v9 =	vadd.f32 v12, v9;
	v13 =	vadd.f32 v13, v10;
	vm0 =	vgt.f32 v15, v8  }
0x1d0: {  	v12 =	vnsel vm0, $0x0, v15;
	v15 =	vsel vm0, $0x3F800000, v3;
	v10 =	vld [tilespmem:s18+$0xC0]  }
0x1d1: {  	v12 =	vadd.f32 v12, v9;
	v13 =	vadd.f32 v15, v13;
	vm0 =	vgt.f32 v14, v8  }
0x1d2: {  	s19 =	sadd.s32 $0x1, s19;
	v14 =	vnsel vm0, $0x0, v14;
	v15 =	vsel vm0, $0x3F800000, v3;
	v9 =	vld [tilespmem:s18+$0xD0]  }
.LBB2_22:
0x1d3: {  	v12 =	vadd.f32 v14, v12;
	v13 =	vadd.f32 v15, v13;
	vm0 =	vgt.f32 v11, v8  }
0x1d4: {  	v58 =	vld [tilespmem:s18+$0xE0];
	v11 =	vnsel vm0, $0x0, v11;
	v57 =	vsel vm0, $0x3F800000, v3  }
0x1d5: {  	v11 =	vadd.f32 v11, v12;
	v59 =	vadd.f32 v57, v13;
	vm12 =	vgt.f32 v10, v8  }
0x1d6: {  	v61 =	vld [tilespmem:s18+$0xF0];
	v10 =	vnsel vm12, $0x0, v10;
	v60 =	vsel vm12, $0x3F800000, v3  }
0x1d7: {  	v10 =	vadd.f32 v10, v11;
	v11 =	vadd.f32 v60, v59;
	vm13 =	vgt.f32 v9, v8  }
0x1d8: {  	v9 =	vnsel vm13, $0x0, v9;
	v62 =	vsel vm13, $0x3F800000, v3  }
0x1d9: {  	vm14 =	vgt.f32 v58, v8;
	v9 =	vadd.f32 v9, v10;
	v10 =	vadd.f32 v62, v11  }
.Ltmp18:
0x1da: {  	v11 =	vnsel vm14, $0x0, v58;
	v63 =	vsel vm14, $0x3F800000, v3;
	(pc) =	sbr.rel .LBB2_23-.Ltmp18, $3  }
0x1db: {  	vm15 =	vgt.f32 v61, v8;
	v9 =	vadd.f32 v11, v9;
	v10 =	vadd.f32 v63, v10  }
0x1dc: {  	v8 =	vnsel vm15, $0x0, v61;
	v11 =	vsel vm15, $0x3F800000, v3  }
0x1dd: {  	v8 =	vadd.f32 v8, v9;
	v9 =	vadd.f32 v11, v10;
	_ =	sdelay $0x1  }
.LBB2_24:
0x1de: {  	p0 =	slt.s32 s17, $0x1  }
.Ltmp19:
0x1df: {  	_ = 	snop;
	(pc) =	sbr.rel @p0 .LBB2_30-.Ltmp19, $1  }
0x1e0: {  	_ =	sdelay $0x3  }
0x1e1: {  	p2 =	sne.s32 s17, $0x1  }
.Ltmp20:
0x1e2: {  	_ = 	snop;
	(pc) =	sbr.rel @!p2 .LBB2_26-.Ltmp20, $2  }
0x1e3: {  	_ =	sdelay $0x2  }
0x1e4: {  	v8 =	vmov s18;
	s21 =	sld [smem:$0x0];
	s20 =	sadd.s32 $0xFFFFFFFF, s17;
	p1 =	por $0x0, $0x0  }
0x1e5: {  	_ =	sdelay $0x1  }
0x1e6: {  	s18 =	sshll.u32 s21, $0x8  }
0x1e7: {  	v10 =	vld [tilespmem:s18+$0x0]  }
0x1e8: {  	v9 =	vld [tilespmem:s18+$0xF0]  }
0x1e9: {  	v11 =	vld [tilespmem:s18+$0x10]  }
0x1ea: {  	v12 =	vld [tilespmem:s18+$0x20]  }
0x1eb: {  	v13 =	vld [tilespmem:s18+$0x30]  }
0x1ec: {  	v14 =	vld [tilespmem:s18+$0x40];
	v10 =	vsub.f32 v10, v8  }
0x1ed: {  	v15 =	vld [tilespmem:s18+$0x50];
	v9 =	vsub.f32 v9, v8  }
0x1ee: {  	p2 =	sne.s32 s20, $0x1;
	v17 =	vld [tilespmem:s18+$0x60];
	v11 =	vsub.f32 v11, v8;
	v10 =	vmax.f32 v10, $0.0e+00  }
.Ltmp21:
0x1ef: {  	v16 =	vmax.f32 v9, $0.0e+00;
	v9 =	vld [tilespmem:s18+$0x70];
	[tilespmem:s18+$0x10000] =	vst v10;
	v10 =	vsub.f32 v12, v8;
	(pc) =	sbr.rel @!p2 .LBB2_29-.Ltmp21, $4  }
0x1f0: {  	v13 =	vsub.f32 v13, v8;
	v11 =	vmax.f32 v11, $0.0e+00;
	[tilespmem:s18+$0x100F0] =	vst v16;
	v12 =	vld [tilespmem:s18+$0x80]  }
0x1f1: {  	[tilespmem:s18+$0x10010] =	vst v11;
	v11 =	vld [tilespmem:s18+$0x90];
	v16 =	vsub.f32 v14, v8;
	v10 =	vmax.f32 v10, $0.0e+00  }
0x1f2: {  	s19 =	simm.s32 $0x1;
	v13 =	vmax.f32 v13, $0.0e+00;
	v14 =	vsub.f32 v15, v8;
	[tilespmem:s18+$0x10020] =	vst v10;
	v10 =	vld [tilespmem:s18+$0xA0]  }
0x1f3: {  	s20 =	sadd.s32 $0xFFFFFFFF, s20;
	p1 =	por $0x1, $0x1;
	v15 =	vsub.f32 v17, v8;
	v16 =	vmax.f32 v16, $0.0e+00;
	s21 =	sld [smem:$0x1];
	[tilespmem:s18+$0x10030] =	vst v13;
	v13 =	vld [tilespmem:s18+$0xB0]  }
.LBB2_28:
0x1f4: {  	p2 =	sne.s32 s20, $0x1;
	[tilespmem:s18+$0x10040] =	vst v16;
	v14 =	vmax.f32 v14, $0.0e+00;
	v9 =	vsub.f32 v9, v8;
	v16 =	vld [tilespmem:s18+$0xC0]  }
0x1f5: {  	[tilespmem:s18+$0x10050] =	vst v14;
	v14 =	vmax.f32 v15, $0.0e+00;
	v12 =	vsub.f32 v12, v8;
	v15 =	vld [tilespmem:s18+$0xD0]  }
0x1f6: {  	s21 =	sshll.u32 s21, $0x8;
	[tilespmem:s18+$0x10060] =	vst v14;
	v9 =	vmax.f32 v9, $0.0e+00;
	v11 =	vsub.f32 v11, v8;
	v14 =	vld [tilespmem:s18+$0xE0]  }
0x1f7: {  	v17 =	vld [tilespmem:s21+$0xF0];
	[tilespmem:s18+$0x10070] =	vst v9;
	v9 =	vmax.f32 v12, $0.0e+00;
	v10 =	vsub.f32 v10, v8  }
0x1f8: {  	v12 =	vld [tilespmem:s21+$0x0];
	[tilespmem:s18+$0x10080] =	vst v9;
	v9 =	vmax.f32 v11, $0.0e+00;
	v11 =	vsub.f32 v13, v8  }
0x1f9: {  	v13 =	vld [tilespmem:s21+$0x10];
	[tilespmem:s18+$0x10090] =	vst v9;
	v9 =	vmax.f32 v10, $0.0e+00;
	v10 =	vsub.f32 v16, v8  }
0x1fa: {  	v16 =	vld [tilespmem:s21+$0x20];
	[tilespmem:s18+$0x100A0] =	vst v9;
	v9 =	vmax.f32 v11, $0.0e+00;
	v11 =	vsub.f32 v15, v8  }
0x1fb: {  	v15 =	vld [tilespmem:s21+$0x30];
	[tilespmem:s18+$0x100B0] =	vst v9;
	v9 =	vmax.f32 v10, $0.0e+00;
	v10 =	vsub.f32 v14, v8  }
0x1fc: {  	v14 =	vld [tilespmem:s21+$0x40];
	v17 =	vsub.f32 v17, v8;
	[tilespmem:s18+$0x100C0] =	vst v9;
	v9 =	vmax.f32 v11, $0.0e+00  }
0x1fd: {  	v11 =	vsub.f32 v12, v8;
	v18 =	vld [tilespmem:s21+$0x50];
	[tilespmem:s18+$0x100D0] =	vst v9;
	v9 =	vmax.f32 v10, $0.0e+00  }
0x1fe: {  	v10 =	vsub.f32 v13, v8;
	v13 =	vld [tilespmem:s21+$0x60];
	v12 =	vmax.f32 v17, $0.0e+00;
	[tilespmem:s18+$0x100E0] =	vst v9;
	s18 =	smov.u32 s21  }
.Ltmp22:
0x1ff: {  	v11 =	vmax.f32 v11, $0.0e+00;
	v16 =	vsub.f32 v16, v8;
	v9 =	vld [tilespmem:s18+$0x70];
	[tilespmem:s18+$0x100F0] =	vst v12;
	(pc) =	sbr.rel @p2 .LBB2_28-.Ltmp22, $4  }
0x200: {  	[tilespmem:s18+$0x10000] =	vst v11;
	v10 =	vmax.f32 v10, $0.0e+00;
	v15 =	vsub.f32 v15, v8;
	v12 =	vld [tilespmem:s18+$0x80]  }
0x201: {  	[tilespmem:s18+$0x10010] =	vst v10;
	v10 =	vmax.f32 v16, $0.0e+00;
	v16 =	vsub.f32 v14, v8;
	v11 =	vld [tilespmem:s18+$0x90]  }
0x202: {  	s19 =	sadd.s32 $0x1, s19;
	[tilespmem:s18+$0x10020] =	vst v10;
	v15 =	vmax.f32 v15, $0.0e+00;
	v14 =	vsub.f32 v18, v8;
	v10 =	vld [tilespmem:s18+$0xA0]  }
0x203: {  	s20 =	sadd.s32 $0xFFFFFFFF, s20;
	s21 =	sld [smem:s19+$0x0];
	[tilespmem:s18+$0x10030] =	vst v15;
	v16 =	vmax.f32 v16, $0.0e+00;
	v15 =	vsub.f32 v13, v8;
	v13 =	vld [tilespmem:s18+$0xB0]  }
.LBB2_29:
0x204: {  	[tilespmem:s18+$0x10040] =	vst @p1 v16;
	v14 =	vmax.f32 @p1 v14, $0.0e+00;
	v9 =	vsub.f32 @p1 v9, v8  }
0x205: {  	v16 =	vld @p1 [tilespmem:s18+$0xC0];
	[tilespmem:s18+$0x10050] =	vst @p1 v14;
	v14 =	vmax.f32 @p1 v15, $0.0e+00  }
0x206: {  	v15 =	vld @p1 [tilespmem:s18+$0xD0];
	v12 =	vsub.f32 @p1 v12, v8;
	[tilespmem:s18+$0x10060] =	vst @p1 v14;
	s19 =	sshll.u32 s21, $0x8;
	v9 =	vmax.f32 @p1 v9, $0.0e+00  }
0x207: {  	v17 =	vld [tilespmem:s19+$0xF0];
	[tilespmem:s18+$0x10070] =	vst @p1 v9;
	v9 =	vsub.f32 @p1 v11, v8  }
0x208: {  	v14 =	vld @p1 [tilespmem:s18+$0xE0];
	v11 =	vmax.f32 @p1 v12, $0.0e+00;
	v10 =	vsub.f32 @p1 v10, v8  }
0x209: {  	v24 =	vld [tilespmem:s19+$0x0];
	[tilespmem:s18+$0x10080] =	vst @p1 v11;
	v9 =	vmax.f32 @p1 v9, $0.0e+00  }
0x20a: {  	v11 =	vld [tilespmem:s19+$0x10];
	v10 =	vmax.f32 @p1 v10, $0.0e+00;
	[tilespmem:s18+$0x10090] =	vst @p1 v9;
	v9 =	vsub.f32 @p1 v13, v8  }
0x20b: {  	v25 =	vld [tilespmem:s19+$0x20];
	[tilespmem:s18+$0x100A0] =	vst @p1 v10;
	v10 =	vsub.f32 @p1 v16, v8  }
0x20c: {  	v9 =	vmax.f32 @p1 v9, $0.0e+00  }
0x20d: {  	v26 =	vld [tilespmem:s19+$0x30];
	[tilespmem:s18+$0x100B0] =	vst @p1 v9;
	v9 =	vsub.f32 @p1 v15, v8;
	v10 =	vmax.f32 @p1 v10, $0.0e+00  }
0x20e: {  	v27 =	vld [tilespmem:s19+$0x40];
	[tilespmem:s18+$0x100C0] =	vst @p1 v10;
	v10 =	vsub.f32 @p1 v14, v8  }
0x20f: {  	v29 =	vsub.f32 v24, v8;
	v9 =	vmax.f32 @p1 v9, $0.0e+00  }
0x210: {  	v11 =	vsub.f32 v11, v8;
	v28 =	vld [tilespmem:s19+$0x50];
	[tilespmem:s18+$0x100D0] =	vst @p1 v9;
	v10 =	vmax.f32 @p1 v10, $0.0e+00  }
0x211: {  	v17 =	vsub.f32 v17, v8;
	v9 =	vmax.f32 v29, $0.0e+00;
	v30 =	vld [tilespmem:s19+$0x60];
	[tilespmem:s18+$0x100E0] =	vst @p1 v10  }
0x212: {  	v31 =	vsub.f32 v25, v8;
	v33 =	vmax.f32 v11, $0.0e+00;
	[tilespmem:s19+$0x10000] =	vst v9;
	v32 =	vld [tilespmem:s19+$0x70]  }
0x213: {  	v17 =	vmax.f32 v17, $0.0e+00;
	v34 =	vsub.f32 v26, v8;
	[tilespmem:s19+$0x10010] =	vst v33;
	v35 =	vld [tilespmem:s19+$0x80]  }
0x214: {  	[tilespmem:s19+$0x100F0] =	vst v17;
	v36 =	vmax.f32 v31, $0.0e+00;
	v38 =	vld [tilespmem:s19+$0x90];
	v37 =	vsub.f32 v27, v8  }
0x215: {  	v41 =	vld [tilespmem:s19+$0xA0];
	[tilespmem:s19+$0x10020] =	vst v36;
	v39 =	vmax.f32 v34, $0.0e+00;
	v40 =	vsub.f32 v28, v8  }
0x216: {  	v44 =	vld [tilespmem:s19+$0xB0];
	[tilespmem:s19+$0x10030] =	vst v39;
	v42 =	vmax.f32 v37, $0.0e+00;
	v43 =	vsub.f32 v30, v8  }
0x217: {  	v47 =	vld [tilespmem:s19+$0xC0];
	[tilespmem:s19+$0x10040] =	vst v42;
	v45 =	vmax.f32 v40, $0.0e+00;
	v46 =	vsub.f32 v32, v8  }
0x218: {  	v50 =	vld [tilespmem:s19+$0xD0];
	[tilespmem:s19+$0x10050] =	vst v45;
	v49 =	vsub.f32 v35, v8;
	v48 =	vmax.f32 v43, $0.0e+00  }
0x219: {  	v53 =	vld [tilespmem:s19+$0xE0];
	v52 =	vsub.f32 v38, v8;
	[tilespmem:s19+$0x10060] =	vst v48;
	v51 =	vmax.f32 v46, $0.0e+00  }
0x21a: {  	v55 =	vsub.f32 v41, v8;
	v54 =	vmax.f32 v49, $0.0e+00;
	[tilespmem:s19+$0x10070] =	vst v51  }
0x21b: {  	v57 =	vsub.f32 v44, v8;
	v56 =	vmax.f32 v52, $0.0e+00;
	[tilespmem:s19+$0x10080] =	vst v54  }
0x21c: {  	v59 =	vsub.f32 v47, v8;
	v58 =	vmax.f32 v55, $0.0e+00;
	[tilespmem:s19+$0x10090] =	vst v56  }
0x21d: {  	v61 =	vsub.f32 v50, v8;
	v60 =	vmax.f32 v57, $0.0e+00;
	[tilespmem:s19+$0x100A0] =	vst v58  }
0x21e: {  	v8 =	vsub.f32 v53, v8;
	v62 =	vmax.f32 v59, $0.0e+00;
	[tilespmem:s19+$0x100B0] =	vst v60  }
0x21f: {  	v63 =	vmax.f32 v61, $0.0e+00;
	[tilespmem:s19+$0x100C0] =	vst v62  }
0x220: {  	v8 =	vmax.f32 v8, $0.0e+00;
	[tilespmem:s19+$0x100D0] =	vst v63  }
0x221: {  	[tilespmem:s19+$0x100E0] =	vst v8  }
.LBB2_30:
0x222: {  	[hbm4b:s5+s8] =	stream.strided.scatter [tilespmem:s12], [sflag:$0x3], $0x8000, s9, s8, $0x38;
	[tilespmem:$0x18800] =	vst v63  }
0x223: {  	_ =	swait.ge [sflag:s13], $0x8000  }
0x224: {  	[sflag:s13] =	ssyncset.done $0x0  }
0x225: {  	s19 =	simm.s32 $0x8080;
	[sflag:s13] =	ssyncadd.s32 $0xFFFF8000  }
0x226: {  	v8 =	vimm.f32 $-3.000000010e+38;
	s18 =	simm.s32 $0x0;
	s20 =	simm.s32 $0x40;
	v9 =	vld [tilespmem:s19+$0xFFFFFF80]  }
.LBB2_31:
0x227: {  	p1 =	sne.s32 s20, $0x1FC0;
	v10 =	vld [tilespmem:s19+$0xFFFFFF90]  }
0x228: {  	v11 =	vld [tilespmem:s19+$0xFFFFFFA0]  }
0x229: {  	v12 =	vld [tilespmem:s19+$0xFFFFFFB0]  }
0x22a: {  	v13 =	vld [tilespmem:s19+$0xFFFFFFC0]  }
0x22b: {  	v9 =	vmax.f32 v9, $-3.000000010e+38;
	v14 =	vld [tilespmem:s19+$0xFFFFFFD0]  }
0x22c: {  	v9 =	vmax.f32 v9, v10;
	v10 =	vld [tilespmem:s19+$0xFFFFFFE0]  }
0x22d: {  	v9 =	vmax.f32 v9, v11;
	v11 =	vld [tilespmem:s19+$0xFFFFFFF0]  }
0x22e: {  	v9 =	vmax.f32 v9, v12;
	v12 =	vld [tilespmem:s19+$0x0]  }
0x22f: {  	v9 =	vmax.f32 v9, v13;
	v13 =	vld [tilespmem:s19+$0x10]  }
0x230: {  	v9 =	vmax.f32 v9, v14;
	v14 =	vld [tilespmem:s19+$0x20]  }
0x231: {  	v9 =	vmax.f32 v9, v10;
	v10 =	vld [tilespmem:s19+$0x30]  }
0x232: {  	v9 =	vmax.f32 v9, v11;
	v11 =	vld [tilespmem:s19+$0x40]  }
0x233: {  	v9 =	vmax.f32 v9, v12;
	v12 =	vld [tilespmem:s19+$0x50]  }
0x234: {  	v9 =	vmax.f32 v9, v13;
	v13 =	vld [tilespmem:s19+$0x60]  }
0x235: {  	v9 =	vmax.f32 v9, v14;
	v14 =	vld [tilespmem:s19+$0x70]  }
0x236: {  	v9 =	vmax.f32 v9, v10  }
0x237: {  	v9 =	vmax.f32 v9, v11  }
.Ltmp23:
0x238: {  	v9 =	vmax.f32 v9, v12;
	(pc) =	sbr.rel @p1 .LBB2_31-.Ltmp23, $4  }
0x239: {  	v9 =	vmax.f32 v9, v13  }
0x23a: {  	s21 =	sshra.s32 s18, $0x2;
	s18 =	smov.u32 s20;
	v9 =	vmax.f32 v9, v14  }
0x23b: {  	s19 =	sadd.s32 $0x100, s19;
	[tilespmem:s21+$0x18000] =	vst v9;
	v8 =	vmax.f32 v8, v9  }
0x23c: {  	s20 =	sadd.s32 $0x40, s20;
	v9 =	vld [tilespmem:s19+$0xFFFFFF80]  }
0x23d: {  	v10 =	vld [tilespmem:s19+$0xFFFFFF90]  }
0x23e: {  	v11 =	vld [tilespmem:s19+$0xFFFFFFA0]  }
0x23f: {  	v12 =	vld [tilespmem:s19+$0xFFFFFFB0]  }
0x240: {  	v13 =	vld [tilespmem:s19+$0xFFFFFFC0]  }
0x241: {  	v14 =	vld [tilespmem:s19+$0xFFFFFFD0];
	v9 =	vmax.f32 v9, $-3.000000010e+38  }
0x242: {  	v9 =	vmax.f32 v9, v10;
	v10 =	vld [tilespmem:s19+$0xFFFFFFE0]  }
0x243: {  	v9 =	vmax.f32 v9, v11;
	v11 =	vld [tilespmem:s19+$0xFFFFFFF0]  }
0x244: {  	v53 =	vld [tilespmem:s19+$0x0];
	v9 =	vmax.f32 v9, v12  }
0x245: {  	v54 =	vld [tilespmem:s19+$0x10];
	v9 =	vmax.f32 v9, v13  }
0x246: {  	v55 =	vld [tilespmem:s19+$0x20];
	v9 =	vmax.f32 v9, v14  }
0x247: {  	v9 =	vmax.f32 v9, v10;
	v10 =	vld [tilespmem:s19+$0x30]  }
0x248: {  	v9 =	vmax.f32 v9, v11;
	v11 =	vld [tilespmem:s19+$0x40]  }
0x249: {  	v56 =	vld [tilespmem:s19+$0x50];
	v9 =	vmax.f32 v9, v53  }
0x24a: {  	v57 =	vld [tilespmem:s19+$0x60];
	v9 =	vmax.f32 v9, v54  }
0x24b: {  	v58 =	vld [tilespmem:s19+$0x70];
	v9 =	vmax.f32 v9, v55  }
0x24c: {  	v9 =	vmax.f32 v9, v10  }
0x24d: {  	v9 =	vmax.f32 v9, v11  }
0x24e: {  	v9 =	vmax.f32 v9, v56  }
0x24f: {  	v9 =	vmax.f32 v9, v57  }
0x250: {  	v9 =	vmax.f32 v9, v58  }
0x251: {  	v8 =	vmax.f32 v8, v9  }
0x252: {  	v10 =	vperm.xlane v8, v4;
	_ =	sdelay $0x1  }
0x253: {  	v8 =	vmax.f32 v8, v10  }
0x254: {  	v10 =	vperm.xlane v8, v0;
	_ =	sdelay $0x1  }
0x255: {  	v8 =	vmax.f32 v8, v10  }
0x256: {  	v10 =	vperm.xlane v8, v1;
	_ =	sdelay $0x1  }
0x257: {  	v8 =	vmax.f32 v8, v10  }
0x258: {  	v10 =	vperm.xlane v8, v2  }
0x259: {  	s18 =	sshra.s32 s18, $0x2  }
0x25a: {  	s26 =	simm.s32 $0x18000;
	[tilespmem:s18+$0x18000] =	vst v9;
	v8 =	vmax.f32 v8, v10  }
0x25b: {  	(v2sf) =	vpush v8, $0x0;
	v8 =	vld [tilespmem:s26+$0x0];
	_ =	sdelay $0x4  }
0x25c: {  	v11 =	vperm.xlane v8, v4;
	_ =	sdelay $0x1  }
0x25d: {  	s28 =	simm.s32 $0x18010;
	v8 =	vmax.f32 v8, v11  }
0x25e: {  	v9 =	vld [tilespmem:s28+$0x0];
	v11 =	vperm.xlane v8, v0;
	_ =	sdelay $0x1  }
0x25f: {  	v8 =	vmax.f32 v8, v11  }
0x260: {  	v11 =	vperm.xlane v8, v1;
	_ =	sdelay $0x1  }
0x261: {  	v59 =	vperm.xlane v9, v4;
	v8 =	vmax.f32 v8, v11  }
0x262: {  	v11 =	vperm.xlane v8, v2  }
0x263: {  	s29 =	simm.s32 $0x18020;
	v9 =	vmax.f32 v9, v59  }
0x264: {  	v12 =	vperm.xlane v9, v0;
	v10 =	vld [tilespmem:s29+$0x0];
	v8 =	vmax.f32 v8, v11  }
0x265: {  	s31 =	spop (v2sf);
	(v2sf) =	vpush v8, $0x0  }
0x266: {  	v9 =	vmax.f32 v9, v12  }
0x267: {  	v62 =	vperm.xlane v9, v1;
	_ =	sdelay $0x1  }
0x268: {  	v9 =	vmax.f32 v9, v62;
	v60 =	vperm.xlane v10, v4  }
0x269: {  	v13 =	vperm.xlane v9, v2  }
0x26a: {  	s30 =	simm.s32 $0x18030;
	v10 =	vmax.f32 v10, v60  }
0x26b: {  	v61 =	vld [tilespmem:s30+$0x0];
	v9 =	vmax.f32 v9, v13;
	v63 =	vperm.xlane v10, v0  }
0x26c: {  	(v2sf) =	vpush v9, $0x0  }
0x26d: {  	v10 =	vmax.f32 v10, v63  }
0x26e: {  	v14 =	vperm.xlane v10, v1;
	_ =	sdelay $0x1  }
0x26f: {  	s22 =	simm.s32 $0x0;
	s21 =	simm.s32 $0x2;
	v11 =	vperm.xlane v61, v4;
	v8 =	vmax.f32 v10, v14  }
0x270: {  	s20 =	simm.s32 $0x3;
	s24 =	simm.s32 $0x4;
	s25 =	simm.s32 $0x18040;
	v10 =	vperm.xlane v8, v2  }
0x271: {  	s23 =	simm.s32 $0x0;
	s19 =	simm.s32 $0x1;
	s18 =	sadd.f32 $-1.000000000e+00, s31;
	v9 =	vmax.f32 v61, v11  }
.LBB2_33:
0x272: {  	v11 =	vld [tilespmem:s25+$0x0];
	v12 =	vperm.xlane v9, v0;
	v8 =	vmax.f32 v8, v10;
	s26 =	spop (v2sf);
	s28 =	smov.u32 s24;
	s24 =	sadd.s32 $0x1, s24  }
0x273: {  	p1 =	sne.s32 s24, $0x80;
	(v2sf) =	vpush v8, $0x0;
	p2 =	sgt.f32 s26, s18  }
0x274: {  	v8 =	vmax.f32 v9, v12  }
0x275: {  	[smem:s23+$0x80] =	sst @p2 s22;
	s22 =	simm.s32 $0x1  }
.Ltmp24:
0x276: {  	v9 =	vperm.xlane v8, v1;
	s22 =	simm.s32 @!p2 $0x0;
	(pc) =	sbr.rel @p1 .LBB2_33-.Ltmp24, $4  }
0x277: {  	s23 =	sadd.s32 s22, s23;
	s22 =	smov.u32 s19;
	s19 =	smov.u32 s21  }
0x278: {  	v12 =	vperm.xlane v11, v4;
	v8 =	vmax.f32 v8, v9;
	s21 =	smov.u32 s20;
	s20 =	smov.u32 s28  }
0x279: {  	v10 =	vperm.xlane v8, v2  }
0x27a: {  	s25 =	sadd.s32 $0x10, s25;
	v9 =	vmax.f32 v11, v12  }
0x27b: {  	v11 =	vperm.xlane v9, v0;
	_ =	sdelay $0x1  }
0x27c: {  	v9 =	vmax.f32 v9, v11  }
0x27d: {  	v11 =	vperm.xlane v9, v1;
	_ =	sdelay $0x1  }
0x27e: {  	v9 =	vmax.f32 v9, v11  }
0x27f: {  	v11 =	vperm.xlane v9, v2  }
0x280: {  	v8 =	vmax.f32 v8, v10  }
0x281: {  	(v2sf) =	vpush v8, $0x0;
	v8 =	vmax.f32 v9, v11  }
0x282: {  	(v2sf) =	vpush v8, $0x0;
	_ =	sdelay $0xb  }
0x283: {  	s24 =	spop (v2sf);
	s26 =	simm.s32 $0x1  }
0x284: {  	s28 =	simm.s32 $0x1;
	p1 =	sgt.f32 s24, s18;
	s25 =	spop (v2sf)  }
0x285: {  	s24 =	simm.s32 $0x1;
	p2 =	sgt.f32 s25, s18;
	s30 =	spop (v2sf)  }
0x286: {  	s24 =	simm.s32 @!p1 $0x0;
	p3 =	sgt.f32 s30, s18;
	s31 =	spop (v2sf)  }
0x287: {  	s24 =	sadd.s32 s24, s23;
	s26 =	simm.s32 @!p2 $0x0;
	p4 =	sgt.f32 s31, s18  }
0x288: {  	s25 =	sadd.s32 s26, s24;
	s26 =	simm.s32 $0x1;
	s28 =	simm.s32 @!p3 $0x0  }
0x289: {  	[smem:s23+$0x80] =	sst @p1 s22;
	s22 =	sadd.s32 s28, s25;
	s26 =	simm.s32 @!p4 $0x0  }
0x28a: {  	[smem:s24+$0x80] =	sst @p2 s19;
	s19 =	sadd.s32 s26, s22  }
0x28b: {  	p1 =	slt.s32 s19, $0x1  }
.Ltmp25:
0x28c: {  	_ = 	snop;
	(pc) =	sbr.rel @p1 .LBB2_35-.Ltmp25, $3  }
0x28d: {  	_ =	sdelay $0x1  }
0x28e: {  	[smem:s25+$0x80] =	sst @p3 s21  }
0x28f: {  	[smem:s22+$0x80] =	sst @p4 s20  }
0x290: {  	p3 =	sne.s32 s19, $0x1  }
.Ltmp26:
0x291: {  	_ = 	snop;
	(pc) =	sbr.rel @!p3 .LBB2_37-.Ltmp26, $2  }
0x292: {  	_ =	sdelay $0x2  }
0x293: {  	v8 =	vmov s18;
	v9 =	vimm.f32 $0.0e+00;
	s23 =	sld [smem:$0x80];
	s22 =	sadd.s32 $0xFFFFFFFF, s19;
	p2 =	por $0x0, $0x0  }
0x294: {  	_ =	sdelay $0x1  }
0x295: {  	s20 =	sshll.u32 s23, $0xA  }
0x296: {  	s20 =	sshra.s32 s20, $0x2  }
0x297: {  	v10 =	vld [tilespmem:s20+$0x8000];
	_ =	sdelay $0x1  }
0x298: {  	v11 =	vld [tilespmem:s20+$0x8010];
	_ =	sdelay $0x1  }
0x299: {  	v12 =	vld [tilespmem:s20+$0x8020]  }
0x29a: {  	vm0 =	vgt.f32 v10, v8  }
0x29b: {  	v14 =	vld [tilespmem:s20+$0x8030];
	v10 =	vnsel vm0, $0x0, v10;
	v13 =	vsel vm0, $0x3F800000, v3  }
0x29c: {  	vm0 =	vgt.f32 v11, v8;
	v10 =	vadd.f32 v10, v9;
	v13 =	vadd.f32 v13, v9  }
0x29d: {  	v16 =	vld [tilespmem:s20+$0x8040];
	v11 =	vnsel vm0, $0x0, v11;
	v15 =	vsel vm0, $0x3F800000, v3  }
0x29e: {  	vm0 =	vgt.f32 v12, v8;
	v10 =	vadd.f32 v11, v10;
	v11 =	vadd.f32 v15, v13  }
0x29f: {  	v12 =	vnsel vm0, $0x0, v12;
	v13 =	vsel vm0, $0x3F800000, v3;
	v15 =	vld [tilespmem:s20+$0x8050]  }
0x2a0: {  	vm0 =	vgt.f32 v14, v8;
	v10 =	vadd.f32 v12, v10;
	v11 =	vadd.f32 v13, v11  }
0x2a1: {  	v12 =	vnsel vm0, $0x0, v14;
	v13 =	vsel vm0, $0x3F800000, v3;
	v14 =	vld [tilespmem:s20+$0x8060]  }
0x2a2: {  	vm0 =	vgt.f32 v16, v8;
	v10 =	vadd.f32 v12, v10;
	v11 =	vadd.f32 v13, v11  }
0x2a3: {  	v61 =	vld [tilespmem:s20+$0x8070];
	v12 =	vnsel vm0, $0x0, v16;
	v13 =	vsel vm0, $0x3F800000, v3  }
0x2a4: {  	vm0 =	vgt.f32 v15, v8;
	v10 =	vadd.f32 v12, v10;
	v11 =	vadd.f32 v13, v11  }
0x2a5: {  	v12 =	vnsel vm0, $0x0, v15;
	v13 =	vsel vm0, $0x3F800000, v3;
	v15 =	vld [tilespmem:s20+$0x8080]  }
0x2a6: {  	vm0 =	vgt.f32 v14, v8;
	v10 =	vadd.f32 v12, v10;
	v11 =	vadd.f32 v13, v11  }
0x2a7: {  	v12 =	vnsel vm0, $0x0, v14;
	v13 =	vsel vm0, $0x3F800000, v3;
	v14 =	vld [tilespmem:s20+$0x8090]  }
0x2a8: {  	vm0 =	vgt.f32 v61, v8;
	v10 =	vadd.f32 v12, v10;
	v11 =	vadd.f32 v13, v11  }
0x2a9: {  	v62 =	vld [tilespmem:s20+$0x80A0];
	v12 =	vnsel vm0, $0x0, v61;
	v13 =	vsel vm0, $0x3F800000, v3  }
0x2aa: {  	vm0 =	vgt.f32 v15, v8;
	v12 =	vadd.f32 v12, v10;
	v11 =	vadd.f32 v13, v11  }
0x2ab: {  	p3 =	sne.s32 s22, $0x1;
	v13 =	vnsel vm0, $0x0, v15;
	v15 =	vsel vm0, $0x3F800000, v3;
	v10 =	vld [tilespmem:s20+$0x80B0]  }
.Ltmp27:
0x2ac: {  	vm0 =	vgt.f32 v14, v8;
	v13 =	vadd.f32 v13, v12;
	v11 =	vadd.f32 v15, v11;
	(pc) =	sbr.rel @!p3 .LBB2_40-.Ltmp27, $4  }
0x2ad: {  	v14 =	vnsel vm0, $0x0, v14;
	v15 =	vsel vm0, $0x3F800000, v3;
	v12 =	vld [tilespmem:s20+$0x80C0]  }
0x2ae: {  	vm0 =	vgt.f32 v62, v8;
	v13 =	vadd.f32 v14, v13;
	v14 =	vadd.f32 v15, v11  }
0x2af: {  	s21 =	simm.s32 $0x81;
	v63 =	vsel vm0, $0x3F800000, v3;
	v15 =	vnsel vm0, $0x0, v62;
	v11 =	vld [tilespmem:s20+$0x80D0]  }
0x2b0: {  	s22 =	sadd.s32 $0xFFFFFFFF, s22;
	p2 =	por $0x1, $0x1;
	s23 =	sld [smem:$0x81];
	vm0 =	vgt.f32 v10, v8;
	v13 =	vadd.f32 v15, v13;
	v14 =	vadd.f32 v63, v14  }
.LBB2_39:
0x2b1: {  	p3 =	sne.s32 s22, $0x1;
	v10 =	vnsel vm0, $0x0, v10;
	v15 =	vsel vm0, $0x3F800000, v3;
	v16 =	vld [tilespmem:s20+$0x80E0]  }
0x2b2: {  	v10 =	vadd.f32 v10, v13;
	v13 =	vadd.f32 v15, v14;
	vm0 =	vgt.f32 v12, v8  }
0x2b3: {  	s23 =	sshll.u32 s23, $0xA;
	v12 =	vnsel vm0, $0x0, v12;
	v14 =	vsel vm0, $0x3F800000, v3;
	v15 =	vld [tilespmem:s20+$0x80F0]  }
0x2b4: {  	s20 =	sshra.s32 s23, $0x2;
	v10 =	vadd.f32 v12, v10;
	v12 =	vadd.f32 v14, v13;
	vm0 =	vgt.f32 v11, v8  }
0x2b5: {  	v13 =	vld [tilespmem:s20+$0x8000];
	v11 =	vnsel vm0, $0x0, v11;
	v14 =	vsel vm0, $0x3F800000, v3  }
0x2b6: {  	v10 =	vadd.f32 v11, v10;
	v11 =	vadd.f32 v14, v12;
	vm0 =	vgt.f32 v16, v8  }
0x2b7: {  	v12 =	vld [tilespmem:s20+$0x8010];
	v14 =	vnsel vm0, $0x0, v16;
	v16 =	vsel vm0, $0x3F800000, v3  }
0x2b8: {  	v10 =	vadd.f32 v14, v10;
	v11 =	vadd.f32 v16, v11;
	vm0 =	vgt.f32 v15, v8  }
0x2b9: {  	v14 =	vld [tilespmem:s20+$0x8020];
	v15 =	vnsel vm0, $0x0, v15;
	v16 =	vsel vm0, $0x3F800000, v3  }
0x2ba: {  	vm0 =	vgt.f32 v13, v8;
	v10 =	vadd.f32 v15, v10;
	v11 =	vadd.f32 v16, v11  }
0x2bb: {  	v13 =	vnsel vm0, $0x0, v13;
	v15 =	vsel vm0, $0x3F800000, v3;
	v16 =	vld [tilespmem:s20+$0x8030]  }
0x2bc: {  	v10 =	vadd.f32 v13, v10;
	v11 =	vadd.f32 v15, v11;
	vm0 =	vgt.f32 v12, v8  }
0x2bd: {  	v12 =	vnsel vm0, $0x0, v12;
	v13 =	vsel vm0, $0x3F800000, v3;
	v15 =	vld [tilespmem:s20+$0x8040]  }
0x2be: {  	v10 =	vadd.f32 v12, v10;
	v11 =	vadd.f32 v13, v11;
	vm0 =	vgt.f32 v14, v8  }
0x2bf: {  	v12 =	vnsel vm0, $0x0, v14;
	v13 =	vsel vm0, $0x3F800000, v3;
	v14 =	vld [tilespmem:s20+$0x8050]  }
0x2c0: {  	v10 =	vadd.f32 v12, v10;
	v11 =	vadd.f32 v13, v11;
	vm0 =	vgt.f32 v16, v8  }
0x2c1: {  	v12 =	vnsel vm0, $0x0, v16;
	v13 =	vsel vm0, $0x3F800000, v3;
	v16 =	vld [tilespmem:s20+$0x8060]  }
0x2c2: {  	v10 =	vadd.f32 v12, v10;
	v11 =	vadd.f32 v13, v11;
	vm0 =	vgt.f32 v15, v8  }
0x2c3: {  	v12 =	vnsel vm0, $0x0, v15;
	v13 =	vsel vm0, $0x3F800000, v3;
	v15 =	vld [tilespmem:s20+$0x8070]  }
0x2c4: {  	v10 =	vadd.f32 v12, v10;
	v11 =	vadd.f32 v13, v11;
	vm0 =	vgt.f32 v14, v8  }
0x2c5: {  	v12 =	vnsel vm0, $0x0, v14;
	v13 =	vsel vm0, $0x3F800000, v3;
	v14 =	vld [tilespmem:s20+$0x8080]  }
0x2c6: {  	v10 =	vadd.f32 v12, v10;
	v11 =	vadd.f32 v13, v11;
	vm0 =	vgt.f32 v16, v8  }
0x2c7: {  	v12 =	vnsel vm0, $0x0, v16;
	v13 =	vsel vm0, $0x3F800000, v3;
	v16 =	vld [tilespmem:s20+$0x8090]  }
0x2c8: {  	v10 =	vadd.f32 v12, v10;
	v11 =	vadd.f32 v13, v11;
	vm0 =	vgt.f32 v15, v8  }
0x2c9: {  	v12 =	vnsel vm0, $0x0, v15;
	v13 =	vsel vm0, $0x3F800000, v3;
	v15 =	vld [tilespmem:s20+$0x80A0]  }
0x2ca: {  	v12 =	vadd.f32 v12, v10;
	v11 =	vadd.f32 v13, v11;
	vm0 =	vgt.f32 v14, v8  }
0x2cb: {  	v13 =	vnsel vm0, $0x0, v14;
	v14 =	vsel vm0, $0x3F800000, v3;
	v10 =	vld [tilespmem:s20+$0x80B0]  }
.Ltmp28:
0x2cc: {  	v13 =	vadd.f32 v13, v12;
	v11 =	vadd.f32 v14, v11;
	vm0 =	vgt.f32 v16, v8;
	(pc) =	sbr.rel @p3 .LBB2_39-.Ltmp28, $4  }
0x2cd: {  	v14 =	vnsel vm0, $0x0, v16;
	v16 =	vsel vm0, $0x3F800000, v3;
	v12 =	vld [tilespmem:s20+$0x80C0]  }
0x2ce: {  	v13 =	vadd.f32 v14, v13;
	v14 =	vadd.f32 v16, v11;
	vm0 =	vgt.f32 v15, v8  }
0x2cf: {  	s21 =	sadd.s32 $0x1, s21;
	v15 =	vnsel vm0, $0x0, v15;
	v16 =	vsel vm0, $0x3F800000, v3;
	v11 =	vld [tilespmem:s20+$0x80D0]  }
0x2d0: {  	s22 =	sadd.s32 $0xFFFFFFFF, s22;
	s23 =	sld [smem:s21+$0x0];
	v13 =	vadd.f32 v15, v13;
	v14 =	vadd.f32 v16, v14;
	vm0 =	vgt.f32 v10, v8  }
.LBB2_40:
0x2d1: {  	v10 =	vnsel @p2 vm0, $0x0, v10;
	v15 =	vsel @p2 vm0, $0x3F800000, v3;
	v16 =	vld @p2 [tilespmem:s20+$0x80E0]  }
0x2d2: {  	v10 =	vadd.f32 @p2 v10, v13;
	v13 =	vadd.f32 @p2 v15, v14;
	vm0 =	vgt.f32 @p2 v12, v8  }
0x2d3: {  	v15 =	vld @p2 [tilespmem:s20+$0x80F0];
	s21 =	sshll.u32 s23, $0xA;
	v12 =	vnsel @p2 vm0, $0x0, v12;
	v14 =	vsel @p2 vm0, $0x3F800000, v3  }
0x2d4: {  	s31 =	sshra.s32 s21, $0x2;
	v10 =	vadd.f32 @p2 v12, v10;
	v12 =	vadd.f32 @p2 v14, v13;
	vm0 =	vgt.f32 @p2 v11, v8  }
0x2d5: {  	v32 =	vld [tilespmem:s31+$0x8000];
	v11 =	vnsel @p2 vm0, $0x0, v11;
	v14 =	vsel @p2 vm0, $0x3F800000, v3  }
0x2d6: {  	v10 =	vadd.f32 @p2 v11, v10;
	v11 =	vadd.f32 @p2 v14, v12;
	vm0 =	vgt.f32 @p2 v16, v8  }
0x2d7: {  	v12 =	vnsel @p2 vm0, $0x0, v16;
	v14 =	vsel @p2 vm0, $0x3F800000, v3  }
0x2d8: {  	v33 =	vld [tilespmem:s31+$0x8010];
	vm0 =	vgt.f32 @p2 v15, v8;
	v10 =	vadd.f32 @p2 v12, v10;
	v11 =	vadd.f32 @p2 v14, v11  }
0x2d9: {  	v12 =	vnsel @p2 vm0, $0x0, v15;
	v14 =	vsel @p2 vm0, $0x3F800000, v3  }
0x2da: {  	v34 =	vld [tilespmem:s31+$0x8020];
	vm12 =	vgt.f32 v32, v8;
	v10 =	vadd.f32 @p2 v12, v10;
	v11 =	vadd.f32 @p2 v14, v11  }
0x2db: {  	v35 =	vnsel vm12, $0x0, v32  }
0x2dc: {  	v37 =	vld [tilespmem:s31+$0x8030];
	v36 =	vsel vm12, $0x3F800000, v3;
	v10 =	vpsel p2, v10, v9;
	v9 =	vpsel p2, v11, v9  }
0x2dd: {  	vm13 =	vgt.f32 v33, v8;
	v10 =	vadd.f32 v35, v10;
	v9 =	vadd.f32 v36, v9  }
0x2de: {  	v39 =	vld [tilespmem:s31+$0x8040];
	v38 =	vsel vm13, $0x3F800000, v3;
	v11 =	vnsel vm13, $0x0, v33  }
0x2df: {  	vm14 =	vgt.f32 v34, v8;
	v10 =	vadd.f32 v11, v10;
	v9 =	vadd.f32 v38, v9  }
0x2e0: {  	v41 =	vld [tilespmem:s31+$0x8050];
	v40 =	vsel vm14, $0x3F800000, v3;
	v11 =	vnsel vm14, $0x0, v34  }
0x2e1: {  	vm15 =	vgt.f32 v37, v8;
	v10 =	vadd.f32 v11, v10;
	v9 =	vadd.f32 v40, v9  }
0x2e2: {  	v43 =	vld [tilespmem:s31+$0x8060];
	v42 =	vsel vm15, $0x3F800000, v3;
	v11 =	vnsel vm15, $0x0, v37  }
0x2e3: {  	vm4 =	vgt.f32 v39, v8;
	v10 =	vadd.f32 v11, v10;
	v9 =	vadd.f32 v42, v9  }
0x2e4: {  	v45 =	vld [tilespmem:s31+$0x8070];
	v44 =	vsel vm4, $0x3F800000, v3;
	v11 =	vnsel vm4, $0x0, v39  }
0x2e5: {  	vm5 =	vgt.f32 v41, v8;
	v10 =	vadd.f32 v11, v10;
	v9 =	vadd.f32 v44, v9  }
0x2e6: {  	v47 =	vld [tilespmem:s31+$0x8080];
	v46 =	vsel vm5, $0x3F800000, v3;
	v11 =	vnsel vm5, $0x0, v41  }
0x2e7: {  	vm6 =	vgt.f32 v43, v8;
	v10 =	vadd.f32 v11, v10;
	v9 =	vadd.f32 v46, v9  }
0x2e8: {  	v49 =	vld [tilespmem:s31+$0x8090];
	v48 =	vsel vm6, $0x3F800000, v3;
	v11 =	vnsel vm6, $0x0, v43  }
0x2e9: {  	vm7 =	vgt.f32 v45, v8;
	v10 =	vadd.f32 v11, v10;
	v9 =	vadd.f32 v48, v9  }
0x2ea: {  	v51 =	vld [tilespmem:s31+$0x80A0];
	v50 =	vsel vm7, $0x3F800000, v3;
	v11 =	vnsel vm7, $0x0, v45  }
0x2eb: {  	vm8 =	vgt.f32 v47, v8;
	v10 =	vadd.f32 v11, v10;
	v9 =	vadd.f32 v50, v9  }
0x2ec: {  	v53 =	vld [tilespmem:s31+$0x80B0];
	v52 =	vsel vm8, $0x3F800000, v3;
	v11 =	vnsel vm8, $0x0, v47  }
0x2ed: {  	vm9 =	vgt.f32 v49, v8;
	v10 =	vadd.f32 v11, v10;
	v9 =	vadd.f32 v52, v9  }
0x2ee: {  	v55 =	vld [tilespmem:s31+$0x80C0];
	v54 =	vsel vm9, $0x3F800000, v3;
	v11 =	vnsel vm9, $0x0, v49  }
0x2ef: {  	vm10 =	vgt.f32 v51, v8;
	v10 =	vadd.f32 v11, v10;
	v9 =	vadd.f32 v54, v9  }
0x2f0: {  	v57 =	vld [tilespmem:s31+$0x80D0];
	v56 =	vsel vm10, $0x3F800000, v3;
	v11 =	vnsel vm10, $0x0, v51  }
0x2f1: {  	vm11 =	vgt.f32 v53, v8;
	v10 =	vadd.f32 v11, v10;
	v9 =	vadd.f32 v56, v9  }
0x2f2: {  	v59 =	vld [tilespmem:s31+$0x80E0];
	v58 =	vsel vm11, $0x3F800000, v3;
	v11 =	vnsel vm11, $0x0, v53  }
0x2f3: {  	vm12 =	vgt.f32 v55, v8;
	v10 =	vadd.f32 v11, v10;
	v9 =	vadd.f32 v58, v9  }
0x2f4: {  	v61 =	vld [tilespmem:s31+$0x80F0];
	v60 =	vsel vm12, $0x3F800000, v3;
	v11 =	vnsel vm12, $0x0, v55  }
0x2f5: {  	vm13 =	vgt.f32 v57, v8;
	v10 =	vadd.f32 v11, v10;
	v9 =	vadd.f32 v60, v9  }
0x2f6: {  	v62 =	vsel vm13, $0x3F800000, v3;
	v11 =	vnsel vm13, $0x0, v57  }
.Ltmp29:
0x2f7: {  	vm14 =	vgt.f32 v59, v8;
	v10 =	vadd.f32 v11, v10;
	v9 =	vadd.f32 v62, v9;
	(pc) =	sbr.rel .LBB2_41-.Ltmp29, $4  }
0x2f8: {  	v63 =	vsel vm14, $0x3F800000, v3;
	v11 =	vnsel vm14, $0x0, v59  }
0x2f9: {  	vm15 =	vgt.f32 v61, v8;
	v10 =	vadd.f32 v11, v10;
	v9 =	vadd.f32 v63, v9  }
0x2fa: {  	v8 =	vnsel vm15, $0x0, v61;
	v11 =	vsel vm15, $0x3F800000, v3  }
0x2fb: {  	v8 =	vadd.f32 v8, v10;
	v9 =	vadd.f32 v11, v9  }
.LBB2_35:
0x2fc: {  	v8 =	vimm.f32 $0.0e+00;
	v9 =	vimm.f32 $0.0e+00  }
.LBB2_41:
0x2fd: {  	_ = 	snop  }
0x2fe: {  	v10 =	vperm.xlane v9, v4;
	_ =	sdelay $0x1  }
0x2ff: {  	v9 =	vadd.f32 v10, v9;
	_ =	sdelay $0x1  }
0x300: {  	v10 =	vperm.xlane v9, v5;
	_ =	sdelay $0x1  }
0x301: {  	v9 =	vadd.f32 v10, v9;
	_ =	sdelay $0x1  }
0x302: {  	v11 =	vperm.xlane v8, v4;
	v10 =	vperm.xlane v9, v6;
	_ =	sdelay $0x1  }
0x303: {  	v8 =	vadd.f32 v11, v8;
	v9 =	vadd.f32 v10, v9;
	_ =	sdelay $0x1  }
0x304: {  	v11 =	vperm.xlane v8, v5;
	v10 =	vperm.xlane v9, v7;
	_ =	sdelay $0x1  }
0x305: {  	v8 =	vadd.f32 v11, v8;
	v9 =	vadd.f32 v10, v9;
	_ =	sdelay $0x1  }
0x306: {  	v62 =	vperm.xlane v8, v6;
	v9 =	vmax.f32 v9, $1.000000000e+00  }
0x307: {  	(erf) = vrcp.f32 v9  }
0x308: {  	v8 =	vadd.f32 v62, v8;
	_ =	sdelay $0x1  }
0x309: {  	v63 =	vperm.xlane v8, v7;
	_ =	sdelay $0x1  }
0x30a: {  	v8 =	vadd.f32 v63, v8;
	_ =	sdelay $0x2  }
0x30b: {  	(v2sf) =	vpush v8, $0x0  }
0x30c: {  	v8 =	vpop (erf)  }
0x30d: {  	(v2sf) =	vpush v8, $0x0;
	_ =	sdelay $0xb  }
.Ltmp30:
0x30e: {  	_ = 	snop;
	(pc) =	sbr.rel @p1 .LBB2_45-.Ltmp30, $4  }
0x30f: {  	s20 =	spop (v2sf)  }
0x310: {  	s20 =	sadd.f32 $-1.000000000e+00, s20  }
0x311: {  	s21 =	spop (v2sf)  }
0x312: {  	s22 =	smul.f32 s21, s20;
	s21 =	simm.s32 $0x0;
	s20 =	simm.s32 $0x0  }
0x313: {  	s23 =	sld [smem:$0x80];
	_ =	sdelay $0x2  }
0x314: {  	s24 =	sshll.u32 s23, $0x6  }
0x315: {  	s24 =	sshra.s32 s24, $0x2  }
0x316: {  	v8 =	vld [tilespmem:s24+$0x18000];
	_ =	sdelay $0x4  }
0x317: {  	v9 =	vperm.xlane v8, v4;
	_ =	sdelay $0x1  }
0x318: {  	v8 =	vmax.f32 v8, v9  }
0x319: {  	v9 =	vperm.xlane v8, v0;
	_ =	sdelay $0x1  }
0x31a: {  	v8 =	vmax.f32 v8, v9  }
0x31b: {  	v9 =	vperm.xlane v8, v1;
	_ =	sdelay $0x1  }
0x31c: {  	v8 =	vmax.f32 v8, v9  }
0x31d: {  	v9 =	vperm.xlane v8, v2;
	_ =	sdelay $0x1  }
0x31e: {  	v8 =	vmax.f32 v8, v9  }
0x31f: {  	(v2sf) =	vpush v8, $0x0;
	_ =	sdelay $0xb  }
0x320: {  	s19 =	sadd.s32 $0xFFFFFFFF, s19  }
0x321: {  	p2 =	seq.s32 s19, $0x0  }
.Ltmp31:
0x322: {  	_ = 	snop;
	(pc) =	sbr.rel @p2 .LBB2_44-.Ltmp31, $4  }
0x323: {  	s31 =	spop (v2sf)  }
0x324: {  	p1 =	sgt.f32 s31, s22  }
0x325: {  	s20 =	simm.s32 $0x0;
	s24 =	simm.s32 $0x1  }
0x326: {  	[smem:$0x80] =	sst @p1 s23;
	s24 =	simm.s32 @!p1 $0x0;
	s23 =	simm.s32 $0x81  }
.LBB2_43:
0x327: {  	s25 =	sld [smem:s23+$0x0];
	s19 =	sadd.s32 $0xFFFFFFFF, s19;
	s20 =	sadd.s32 s24, s20  }
0x328: {  	p1 =	seq.s32 s19, $0x0;
	_ =	sdelay $0x1  }
0x329: {  	s24 =	sshll.u32 s25, $0x6  }
0x32a: {  	s24 =	sshra.s32 s24, $0x2  }
0x32b: {  	v8 =	vld [tilespmem:s24+$0x18000];
	_ =	sdelay $0x4  }
0x32c: {  	v9 =	vperm.xlane v8, v4;
	_ =	sdelay $0x1  }
0x32d: {  	v8 =	vmax.f32 v8, v9  }
0x32e: {  	v9 =	vperm.xlane v8, v0;
	_ =	sdelay $0x1  }
0x32f: {  	v8 =	vmax.f32 v8, v9  }
0x330: {  	v9 =	vperm.xlane v8, v1;
	_ =	sdelay $0x1  }
0x331: {  	v8 =	vmax.f32 v8, v9  }
0x332: {  	v9 =	vperm.xlane v8, v2;
	_ =	sdelay $0x1  }
0x333: {  	v8 =	vmax.f32 v8, v9  }
0x334: {  	(v2sf) =	vpush v8, $0x0;
	_ =	sdelay $0xd  }
.Ltmp32:
0x335: {  	(pc) =	sbr.rel @!p1 .LBB2_43-.Ltmp32, $4  }
0x336: {  	s24 =	spop (v2sf)  }
0x337: {  	p2 =	sgt.f32 s24, s22  }
0x338: {  	s24 =	simm.s32 $0x1  }
0x339: {  	s23 =	sadd.s32 $0x1, s23;
	[smem:s20+$0x80] =	sst @p2 s25;
	s24 =	simm.s32 @!p2 $0x0  }
.LBB2_44:
0x33a: {  	s20 =	sadd.s32 s24, s20  }
.LBB2_45:
.Ltmp33:
0x33b: {  	(pc) =	sbr.rel .LBB2_46-.Ltmp33, $4  }
0x33c: {  	_ = 	snop  }
0x33d: {  	p1 =	slt.f32 s22, s18;
	p2 =	sgt.f32 s22, s18  }
0x33e: {  	_ = 	snop  }
0x33f: {  	p1 =	por p2, p1  }
.LBB2_66:
0x340: {  	v8 =	vpsel p1, $0x0, v9;
	v9 =	vpsel p1, $0x0, v9  }
.LBB2_50:
0x341: {  	v10 =	vperm.xlane v9, v4;
	_ =	sdelay $0x1  }
0x342: {  	v9 =	vadd.f32 v10, v9;
	_ =	sdelay $0x1  }
0x343: {  	v10 =	vperm.xlane v9, v5;
	_ =	sdelay $0x1  }
0x344: {  	v9 =	vadd.f32 v10, v9;
	_ =	sdelay $0x1  }
0x345: {  	v11 =	vperm.xlane v8, v4;
	v10 =	vperm.xlane v9, v6;
	_ =	sdelay $0x1  }
0x346: {  	v8 =	vadd.f32 v11, v8;
	v9 =	vadd.f32 v10, v9;
	_ =	sdelay $0x1  }
0x347: {  	v11 =	vperm.xlane v8, v5;
	v10 =	vperm.xlane v9, v7;
	_ =	sdelay $0x1  }
0x348: {  	v8 =	vadd.f32 v11, v8;
	v9 =	vadd.f32 v10, v9;
	_ =	sdelay $0x1  }
0x349: {  	v62 =	vperm.xlane v8, v6;
	v9 =	vmax.f32 v9, $1.000000000e+00  }
0x34a: {  	(erf) = vrcp.f32 v9  }
0x34b: {  	v8 =	vadd.f32 v62, v8;
	_ =	sdelay $0x1  }
0x34c: {  	v63 =	vperm.xlane v8, v7;
	_ =	sdelay $0x1  }
0x34d: {  	v8 =	vadd.f32 v63, v8;
	_ =	sdelay $0x2  }
0x34e: {  	(v2sf) =	vpush v8, $0x0  }
0x34f: {  	v8 =	vpop (erf)  }
0x350: {  	(v2sf) =	vpush v8, $0x0;
	_ =	sdelay $0xc  }
0x351: {  	s18 =	spop (v2sf)  }
0x352: {  	s18 =	sadd.f32 $-1.000000000e+00, s18  }
0x353: {  	s19 =	spop (v2sf)  }
0x354: {  	s19 =	smul.f32 s19, s18;
	_ =	sdelay $0x1  }
0x355: {  	p2 =	slt.f32 s19, s22;
	p3 =	sgt.f32 s19, s22  }
0x356: {  	_ = 	snop  }
0x357: {  	s21 =	sadd.s32 $0x1, s21;
	p2 =	por p3, p2  }
0x358: {  	p6 =	por !p1, !p2;
	p2 =	sne.s32 s21, $0x13  }
.Ltmp34:
0x359: {  	_ = 	snop;
	(pc) =	sbr.rel @!p2 .LBB2_51-.Ltmp34, $4  }
0x35a: {  	_ = 	snop  }
0x35b: {  	s18 =	smov.u32 s22  }
0x35c: {  	s18 =	smov.u32 @p1 s19  }
0x35d: {  	s22 =	smov.u32 s18;
	p1 =	por !p6, !p6  }
.LBB2_46:
0x35e: {  	p2 =	slt.s32 @p1 s20, $0x1  }
0x35f: {  	p2 =	por !p1, p2  }
.Ltmp35:
0x360: {  	_ = 	snop;
	(pc) =	sbr.rel @p2 .LBB2_66-.Ltmp35, $2  }
0x361: {  	_ =	sdelay $0x2  }
0x362: {  	v9 =	vimm.f32 $0.0e+00  }
0x363: {  	s18 =	sld [smem:$0x80];
	_ =	sdelay $0x2  }
0x364: {  	s18 =	sshll.u32 s18, $0xA  }
0x365: {  	s18 =	sshra.s32 s18, $0x2  }
0x366: {  	v10 =	vld [tilespmem:s18+$0x8000];
	_ =	sdelay $0x1  }
0x367: {  	v11 =	vld [tilespmem:s18+$0x8010];
	_ =	sdelay $0x1  }
0x368: {  	v8 =	vmov s22;
	v12 =	vld [tilespmem:s18+$0x8020]  }
0x369: {  	vm0 =	vgt.f32 v10, v8  }
0x36a: {  	v13 =	vld [tilespmem:s18+$0x8030];
	v10 =	vnsel vm0, $0x0, v10  }
0x36b: {  	vm6 =	vgt.f32 v11, v8;
	v14 =	vsel vm0, $0x3F800000, v3;
	v10 =	vadd.f32 v10, v9  }
0x36c: {  	v11 =	vnsel vm6, $0x0, v11;
	v9 =	vadd.f32 v14, v9;
	v14 =	vld [tilespmem:s18+$0x8040]  }
0x36d: {  	vm7 =	vgt.f32 v12, v8;
	v15 =	vsel vm6, $0x3F800000, v3;
	v10 =	vadd.f32 v11, v10  }
0x36e: {  	v9 =	vadd.f32 v15, v9;
	v11 =	vnsel vm7, $0x0, v12;
	v12 =	vld [tilespmem:s18+$0x8050]  }
0x36f: {  	vm8 =	vgt.f32 v13, v8;
	v15 =	vsel vm7, $0x3F800000, v3;
	v10 =	vadd.f32 v11, v10  }
0x370: {  	v9 =	vadd.f32 v15, v9;
	v11 =	vnsel vm8, $0x0, v13;
	v13 =	vld [tilespmem:s18+$0x8060]  }
0x371: {  	v15 =	vsel vm8, $0x3F800000, v3;
	vm9 =	vgt.f32 v14, v8;
	v10 =	vadd.f32 v11, v10  }
0x372: {  	v9 =	vadd.f32 v15, v9;
	v11 =	vnsel vm9, $0x0, v14;
	v14 =	vld [tilespmem:s18+$0x8070]  }
0x373: {  	v15 =	vsel vm9, $0x3F800000, v3;
	vm10 =	vgt.f32 v12, v8;
	v10 =	vadd.f32 v11, v10  }
0x374: {  	v9 =	vadd.f32 v15, v9;
	v11 =	vnsel vm10, $0x0, v12;
	v12 =	vld [tilespmem:s18+$0x8080]  }
0x375: {  	v15 =	vsel vm10, $0x3F800000, v3;
	vm11 =	vgt.f32 v13, v8;
	v10 =	vadd.f32 v11, v10  }
0x376: {  	v9 =	vadd.f32 v15, v9;
	v11 =	vnsel vm11, $0x0, v13  }
0x377: {  	v13 =	vld [tilespmem:s18+$0x8090];
	v15 =	vsel vm11, $0x3F800000, v3;
	vm12 =	vgt.f32 v14, v8;
	v10 =	vadd.f32 v11, v10  }
0x378: {  	v9 =	vadd.f32 v15, v9;
	v11 =	vnsel vm12, $0x0, v14  }
0x379: {  	v14 =	vld [tilespmem:s18+$0x80A0];
	v15 =	vsel vm12, $0x3F800000, v3;
	vm13 =	vgt.f32 v12, v8;
	v10 =	vadd.f32 v11, v10  }
0x37a: {  	p2 =	sgt.s32 s20, $0x1;
	v9 =	vadd.f32 v15, v9;
	v11 =	vnsel vm13, $0x0, v12  }
.Ltmp36:
0x37b: {  	v12 =	vsel vm13, $0x3F800000, v3;
	v15 =	vadd.f32 v11, v10;
	v11 =	vld [tilespmem:s18+$0x80B0];
	(pc) =	sbr.rel @!p2 .LBB2_49-.Ltmp36, $4  }
0x37c: {  	vm14 =	vgt.f32 v13, v8;
	v9 =	vadd.f32 v12, v9  }
0x37d: {  	v12 =	vnsel vm14, $0x0, v13;
	v13 =	vsel vm14, $0x3F800000, v3;
	v10 =	vld [tilespmem:s18+$0x80C0]  }
0x37e: {  	vm15 =	vgt.f32 v14, v8;
	v12 =	vadd.f32 v12, v15;
	v13 =	vadd.f32 v13, v9  }
0x37f: {  	s19 =	simm.s32 $0x1;
	s23 =	simm.s32 $0x81;
	v14 =	vnsel vm15, $0x0, v14;
	v15 =	vsel vm15, $0x3F800000, v3;
	v9 =	vld [tilespmem:s18+$0x80D0]  }
.LBB2_48:
0x380: {  	s24 =	sld [smem:s23+$0x0];
	s19 =	sadd.s32 $0x1, s19;
	v12 =	vadd.f32 v14, v12;
	v13 =	vadd.f32 v15, v13;
	vm0 =	vgt.f32 v11, v8  }
0x381: {  	p2 =	sgt.s32 s20, s19;
	v11 =	vnsel vm0, $0x0, v11;
	v14 =	vsel vm0, $0x3F800000, v3;
	v15 =	vld [tilespmem:s18+$0x80E0]  }
0x382: {  	v11 =	vadd.f32 v11, v12;
	v12 =	vadd.f32 v14, v13;
	vm0 =	vgt.f32 v10, v8  }
0x383: {  	s24 =	sshll.u32 s24, $0xA;
	v10 =	vnsel vm0, $0x0, v10;
	v13 =	vsel vm0, $0x3F800000, v3;
	v14 =	vld [tilespmem:s18+$0x80F0]  }
0x384: {  	s18 =	sshra.s32 s24, $0x2;
	v10 =	vadd.f32 v10, v11;
	v11 =	vadd.f32 v13, v12;
	vm0 =	vgt.f32 v9, v8  }
0x385: {  	v12 =	vld [tilespmem:s18+$0x8000];
	v9 =	vnsel vm0, $0x0, v9;
	v13 =	vsel vm0, $0x3F800000, v3  }
0x386: {  	v9 =	vadd.f32 v9, v10;
	v10 =	vadd.f32 v13, v11;
	vm0 =	vgt.f32 v15, v8  }
0x387: {  	v11 =	vld [tilespmem:s18+$0x8010];
	v13 =	vnsel vm0, $0x0, v15;
	v15 =	vsel vm0, $0x3F800000, v3  }
0x388: {  	v9 =	vadd.f32 v13, v9;
	v10 =	vadd.f32 v15, v10;
	vm0 =	vgt.f32 v14, v8  }
0x389: {  	v13 =	vld [tilespmem:s18+$0x8020];
	v14 =	vnsel vm0, $0x0, v14;
	v15 =	vsel vm0, $0x3F800000, v3  }
0x38a: {  	vm0 =	vgt.f32 v12, v8;
	v9 =	vadd.f32 v14, v9;
	v10 =	vadd.f32 v15, v10  }
0x38b: {  	v12 =	vnsel vm0, $0x0, v12;
	v14 =	vsel vm0, $0x3F800000, v3;
	v15 =	vld [tilespmem:s18+$0x8030]  }
0x38c: {  	v9 =	vadd.f32 v12, v9;
	v10 =	vadd.f32 v14, v10;
	vm0 =	vgt.f32 v11, v8  }
0x38d: {  	v11 =	vnsel vm0, $0x0, v11;
	v12 =	vsel vm0, $0x3F800000, v3;
	v14 =	vld [tilespmem:s18+$0x8040]  }
0x38e: {  	v9 =	vadd.f32 v11, v9;
	v10 =	vadd.f32 v12, v10;
	vm0 =	vgt.f32 v13, v8  }
0x38f: {  	v11 =	vnsel vm0, $0x0, v13;
	v12 =	vsel vm0, $0x3F800000, v3;
	v13 =	vld [tilespmem:s18+$0x8050]  }
0x390: {  	v9 =	vadd.f32 v11, v9;
	v10 =	vadd.f32 v12, v10;
	vm0 =	vgt.f32 v15, v8  }
0x391: {  	v11 =	vnsel vm0, $0x0, v15;
	v12 =	vsel vm0, $0x3F800000, v3;
	v15 =	vld [tilespmem:s18+$0x8060]  }
0x392: {  	v9 =	vadd.f32 v11, v9;
	v10 =	vadd.f32 v12, v10;
	vm0 =	vgt.f32 v14, v8  }
0x393: {  	v11 =	vnsel vm0, $0x0, v14;
	v12 =	vsel vm0, $0x3F800000, v3;
	v14 =	vld [tilespmem:s18+$0x8070]  }
0x394: {  	v9 =	vadd.f32 v11, v9;
	v10 =	vadd.f32 v12, v10;
	vm0 =	vgt.f32 v13, v8  }
0x395: {  	v11 =	vnsel vm0, $0x0, v13;
	v12 =	vsel vm0, $0x3F800000, v3;
	v13 =	vld [tilespmem:s18+$0x8080]  }
0x396: {  	v9 =	vadd.f32 v11, v9;
	v10 =	vadd.f32 v12, v10;
	vm0 =	vgt.f32 v15, v8  }
0x397: {  	v11 =	vnsel vm0, $0x0, v15;
	v12 =	vsel vm0, $0x3F800000, v3;
	v15 =	vld [tilespmem:s18+$0x8090]  }
0x398: {  	v9 =	vadd.f32 v11, v9;
	v10 =	vadd.f32 v12, v10;
	vm0 =	vgt.f32 v14, v8  }
0x399: {  	v11 =	vnsel vm0, $0x0, v14;
	v12 =	vsel vm0, $0x3F800000, v3;
	v14 =	vld [tilespmem:s18+$0x80A0]  }
0x39a: {  	v9 =	vadd.f32 v11, v9;
	v10 =	vadd.f32 v12, v10;
	vm0 =	vgt.f32 v13, v8  }
.Ltmp37:
0x39b: {  	v12 =	vnsel vm0, $0x0, v13;
	v13 =	vsel vm0, $0x3F800000, v3;
	v11 =	vld [tilespmem:s18+$0x80B0];
	(pc) =	sbr.rel @p2 .LBB2_48-.Ltmp37, $4  }
0x39c: {  	v9 =	vadd.f32 v12, v9;
	v13 =	vadd.f32 v13, v10;
	vm0 =	vgt.f32 v15, v8  }
0x39d: {  	v12 =	vnsel vm0, $0x0, v15;
	v15 =	vsel vm0, $0x3F800000, v3;
	v10 =	vld [tilespmem:s18+$0x80C0]  }
0x39e: {  	v12 =	vadd.f32 v12, v9;
	v13 =	vadd.f32 v15, v13;
	vm0 =	vgt.f32 v14, v8  }
0x39f: {  	s23 =	sadd.s32 $0x1, s23;
	v14 =	vnsel vm0, $0x0, v14;
	v15 =	vsel vm0, $0x3F800000, v3;
	v9 =	vld [tilespmem:s18+$0x80D0]  }
.LBB2_49:
0x3a0: {  	v12 =	vadd.f32 v14, v12;
	v13 =	vadd.f32 v15, v13;
	vm0 =	vgt.f32 v11, v8  }
0x3a1: {  	v58 =	vld [tilespmem:s18+$0x80E0];
	v11 =	vnsel vm0, $0x0, v11;
	v57 =	vsel vm0, $0x3F800000, v3  }
0x3a2: {  	v11 =	vadd.f32 v11, v12;
	v59 =	vadd.f32 v57, v13;
	vm12 =	vgt.f32 v10, v8  }
0x3a3: {  	v61 =	vld [tilespmem:s18+$0x80F0];
	v10 =	vnsel vm12, $0x0, v10;
	v60 =	vsel vm12, $0x3F800000, v3  }
0x3a4: {  	v10 =	vadd.f32 v10, v11;
	v11 =	vadd.f32 v60, v59;
	vm13 =	vgt.f32 v9, v8  }
0x3a5: {  	v9 =	vnsel vm13, $0x0, v9;
	v62 =	vsel vm13, $0x3F800000, v3  }
0x3a6: {  	vm14 =	vgt.f32 v58, v8;
	v9 =	vadd.f32 v9, v10;
	v10 =	vadd.f32 v62, v11  }
.Ltmp38:
0x3a7: {  	v11 =	vnsel vm14, $0x0, v58;
	v63 =	vsel vm14, $0x3F800000, v3;
	(pc) =	sbr.rel .LBB2_50-.Ltmp38, $3  }
0x3a8: {  	vm15 =	vgt.f32 v61, v8;
	v9 =	vadd.f32 v11, v9;
	v10 =	vadd.f32 v63, v10  }
0x3a9: {  	v8 =	vnsel vm15, $0x0, v61;
	v11 =	vsel vm15, $0x3F800000, v3  }
0x3aa: {  	v8 =	vadd.f32 v8, v9;
	v9 =	vadd.f32 v11, v10;
	_ =	sdelay $0x1  }
.LBB2_51:
.Ltmp39:
0x3ab: {  	(pc) =	sbr.rel @p0 .LBB2_57-.Ltmp39, $4  }
0x3ac: {  	_ = 	snop  }
0x3ad: {  	_ =	swait.ge [sflag:s14], $0x8000  }
0x3ae: {  	[sflag:s14] =	ssyncset.done $0x0  }
0x3af: {  	s19 =	simm.s32 $0x0;
	[sflag:s14] =	ssyncadd.s32 $0xFFFF8000  }
0x3b0: {  	p1 =	sne.s32 s17, $0x1  }
.Ltmp40:
0x3b1: {  	_ = 	snop;
	(pc) =	sbr.rel @!p1 .LBB2_53-.Ltmp40, $2  }
0x3b2: {  	_ =	sdelay $0x2  }
0x3b3: {  	s22 =	sld [smem:s19+$0x0];
	s21 =	sadd.s32 $0xFFFFFFFF, s17;
	p0 =	por $0x0, $0x0  }
0x3b4: {  	_ =	sdelay $0x1  }
0x3b5: {  	s17 =	sshll.u32 s22, $0xA  }
0x3b6: {  	s17 =	sshra.s32 s17, $0x2  }
0x3b7: {  	[tilespmem:s17+$0x100F0] =	vst v3  }
0x3b8: {  	[tilespmem:s17+$0x10000] =	vst v3  }
0x3b9: {  	[tilespmem:s17+$0x10010] =	vst v3  }
0x3ba: {  	[tilespmem:s17+$0x10020] =	vst v3  }
0x3bb: {  	[tilespmem:s17+$0x10030] =	vst v3  }
0x3bc: {  	[tilespmem:s17+$0x10040] =	vst v3  }
0x3bd: {  	p1 =	sne.s32 s21, $0x1;
	[tilespmem:s17+$0x10050] =	vst v3  }
.Ltmp41:
0x3be: {  	[tilespmem:s17+$0x10060] =	vst v3;
	(pc) =	sbr.rel @!p1 .LBB2_56-.Ltmp41, $4  }
0x3bf: {  	[tilespmem:s17+$0x10070] =	vst v3  }
0x3c0: {  	[tilespmem:s17+$0x10080] =	vst v3  }
0x3c1: {  	s19 =	sadd.s32 $0x1, s19;
	[tilespmem:s17+$0x10090] =	vst v3  }
0x3c2: {  	s21 =	sadd.s32 $0xFFFFFFFF, s21;
	p0 =	por $0x1, $0x1;
	s22 =	sld [smem:s19+$0x0];
	[tilespmem:s17+$0x100A0] =	vst v3  }
.LBB2_55:
0x3c3: {  	p1 =	sne.s32 s21, $0x1;
	[tilespmem:s17+$0x100B0] =	vst v3  }
0x3c4: {  	[tilespmem:s17+$0x100C0] =	vst v3  }
0x3c5: {  	s22 =	sshll.u32 s22, $0xA;
	[tilespmem:s17+$0x100D0] =	vst v3  }
0x3c6: {  	[tilespmem:s17+$0x100E0] =	vst v3;
	s17 =	sshra.s32 s22, $0x2  }
0x3c7: {  	[tilespmem:s17+$0x100F0] =	vst v3  }
0x3c8: {  	[tilespmem:s17+$0x10000] =	vst v3  }
0x3c9: {  	[tilespmem:s17+$0x10010] =	vst v3  }
0x3ca: {  	[tilespmem:s17+$0x10020] =	vst v3  }
0x3cb: {  	[tilespmem:s17+$0x10030] =	vst v3  }
0x3cc: {  	[tilespmem:s17+$0x10040] =	vst v3  }
0x3cd: {  	[tilespmem:s17+$0x10050] =	vst v3  }
.Ltmp42:
0x3ce: {  	[tilespmem:s17+$0x10060] =	vst v3;
	(pc) =	sbr.rel @p1 .LBB2_55-.Ltmp42, $4  }
0x3cf: {  	[tilespmem:s17+$0x10070] =	vst v3  }
0x3d0: {  	[tilespmem:s17+$0x10080] =	vst v3  }
0x3d1: {  	s19 =	sadd.s32 $0x1, s19;
	[tilespmem:s17+$0x10090] =	vst v3  }
0x3d2: {  	s21 =	sadd.s32 $0xFFFFFFFF, s21;
	s22 =	sld [smem:s19+$0x0];
	[tilespmem:s17+$0x100A0] =	vst v3  }
.LBB2_56:
0x3d3: {  	[tilespmem:s17+$0x100B0] =	vst @p0 v3  }
0x3d4: {  	[tilespmem:s17+$0x100C0] =	vst @p0 v3  }
0x3d5: {  	[tilespmem:s17+$0x100D0] =	vst @p0 v3;
	s19 =	sshll.u32 s22, $0xA  }
0x3d6: {  	[tilespmem:s17+$0x100E0] =	vst @p0 v3;
	s19 =	sshra.s32 s19, $0x2  }
0x3d7: {  	[tilespmem:s19+$0x100F0] =	vst v3  }
0x3d8: {  	[tilespmem:s19+$0x10000] =	vst v3  }
0x3d9: {  	[tilespmem:s19+$0x10010] =	vst v3  }
0x3da: {  	[tilespmem:s19+$0x10020] =	vst v3  }
0x3db: {  	[tilespmem:s19+$0x10030] =	vst v3  }
0x3dc: {  	[tilespmem:s19+$0x10040] =	vst v3  }
0x3dd: {  	[tilespmem:s19+$0x10050] =	vst v3  }
0x3de: {  	[tilespmem:s19+$0x10060] =	vst v3  }
0x3df: {  	[tilespmem:s19+$0x10070] =	vst v3  }
0x3e0: {  	[tilespmem:s19+$0x10080] =	vst v3  }
0x3e1: {  	[tilespmem:s19+$0x10090] =	vst v3  }
0x3e2: {  	[tilespmem:s19+$0x100A0] =	vst v3  }
0x3e3: {  	[tilespmem:s19+$0x100B0] =	vst v3  }
0x3e4: {  	[tilespmem:s19+$0x100C0] =	vst v3  }
0x3e5: {  	[tilespmem:s19+$0x100D0] =	vst v3  }
0x3e6: {  	[tilespmem:s19+$0x100E0] =	vst v3  }
.LBB2_57:
0x3e7: {  	p0 =	slt.s32 s20, $0x1  }
.Ltmp43:
0x3e8: {  	_ = 	snop;
	(pc) =	sbr.rel @p0 .LBB2_63-.Ltmp43, $1  }
0x3e9: {  	_ =	sdelay $0x3  }
0x3ea: {  	p1 =	sne.s32 s20, $0x1  }
.Ltmp44:
0x3eb: {  	_ = 	snop;
	(pc) =	sbr.rel @!p1 .LBB2_59-.Ltmp44, $2  }
0x3ec: {  	_ =	sdelay $0x2  }
0x3ed: {  	v8 =	vmov s18;
	s21 =	sld [smem:$0x80];
	s19 =	sadd.s32 $0xFFFFFFFF, s20;
	p0 =	por $0x0, $0x0  }
0x3ee: {  	_ =	sdelay $0x1  }
0x3ef: {  	s17 =	sshll.u32 s21, $0x8  }
0x3f0: {  	v10 =	vld [tilespmem:s17+$0x8000]  }
0x3f1: {  	v9 =	vld [tilespmem:s17+$0x80F0]  }
0x3f2: {  	v11 =	vld [tilespmem:s17+$0x8010]  }
0x3f3: {  	v12 =	vld [tilespmem:s17+$0x8020]  }
0x3f4: {  	v13 =	vld [tilespmem:s17+$0x8030]  }
0x3f5: {  	v14 =	vld [tilespmem:s17+$0x8040];
	v10 =	vsub.f32 v10, v8  }
0x3f6: {  	v15 =	vld [tilespmem:s17+$0x8050];
	v9 =	vsub.f32 v9, v8  }
0x3f7: {  	p1 =	sne.s32 s19, $0x1;
	v17 =	vld [tilespmem:s17+$0x8060];
	v11 =	vsub.f32 v11, v8;
	v10 =	vmax.f32 v10, $0.0e+00  }
.Ltmp45:
0x3f8: {  	v16 =	vmax.f32 v9, $0.0e+00;
	v9 =	vld [tilespmem:s17+$0x8070];
	[tilespmem:s17+$0x10000] =	vst v10;
	v10 =	vsub.f32 v12, v8;
	(pc) =	sbr.rel @!p1 .LBB2_62-.Ltmp45, $4  }
0x3f9: {  	v13 =	vsub.f32 v13, v8;
	v11 =	vmax.f32 v11, $0.0e+00;
	[tilespmem:s17+$0x100F0] =	vst v16;
	v12 =	vld [tilespmem:s17+$0x8080]  }
0x3fa: {  	[tilespmem:s17+$0x10010] =	vst v11;
	v11 =	vld [tilespmem:s17+$0x8090];
	v16 =	vsub.f32 v14, v8;
	v10 =	vmax.f32 v10, $0.0e+00  }
0x3fb: {  	s18 =	simm.s32 $0x81;
	v13 =	vmax.f32 v13, $0.0e+00;
	v14 =	vsub.f32 v15, v8;
	[tilespmem:s17+$0x10020] =	vst v10;
	v10 =	vld [tilespmem:s17+$0x80A0]  }
0x3fc: {  	s19 =	sadd.s32 $0xFFFFFFFF, s19;
	p0 =	por $0x1, $0x1;
	v15 =	vsub.f32 v17, v8;
	v16 =	vmax.f32 v16, $0.0e+00;
	s21 =	sld [smem:$0x81];
	[tilespmem:s17+$0x10030] =	vst v13;
	v13 =	vld [tilespmem:s17+$0x80B0]  }
.LBB2_61:
0x3fd: {  	p1 =	sne.s32 s19, $0x1;
	[tilespmem:s17+$0x10040] =	vst v16;
	v14 =	vmax.f32 v14, $0.0e+00;
	v9 =	vsub.f32 v9, v8;
	v16 =	vld [tilespmem:s17+$0x80C0]  }
0x3fe: {  	v12 =	vsub.f32 v12, v8;
	[tilespmem:s17+$0x10050] =	vst v14;
	v14 =	vmax.f32 v15, $0.0e+00;
	v15 =	vld [tilespmem:s17+$0x80D0]  }
0x3ff: {  	s20 =	sshll.u32 s21, $0x8;
	v11 =	vsub.f32 v11, v8;
	[tilespmem:s17+$0x10060] =	vst v14;
	v9 =	vmax.f32 v9, $0.0e+00;
	v14 =	vld [tilespmem:s17+$0x80E0]  }
0x400: {  	v10 =	vsub.f32 v10, v8;
	v17 =	vld [tilespmem:s20+$0x80F0];
	[tilespmem:s17+$0x10070] =	vst v9;
	v9 =	vmax.f32 v12, $0.0e+00  }
0x401: {  	v12 =	vld [tilespmem:s20+$0x8000];
	[tilespmem:s17+$0x10080] =	vst v9;
	v9 =	vmax.f32 v11, $0.0e+00;
	v11 =	vsub.f32 v13, v8  }
0x402: {  	v13 =	vld [tilespmem:s20+$0x8010];
	[tilespmem:s17+$0x10090] =	vst v9;
	v9 =	vmax.f32 v10, $0.0e+00;
	v10 =	vsub.f32 v16, v8  }
0x403: {  	v16 =	vld [tilespmem:s20+$0x8020];
	[tilespmem:s17+$0x100A0] =	vst v9;
	v9 =	vmax.f32 v11, $0.0e+00;
	v11 =	vsub.f32 v15, v8  }
0x404: {  	v15 =	vld [tilespmem:s20+$0x8030];
	[tilespmem:s17+$0x100B0] =	vst v9;
	v9 =	vmax.f32 v10, $0.0e+00;
	v10 =	vsub.f32 v14, v8  }
0x405: {  	v14 =	vld [tilespmem:s20+$0x8040];
	v17 =	vsub.f32 v17, v8;
	[tilespmem:s17+$0x100C0] =	vst v9;
	v9 =	vmax.f32 v11, $0.0e+00  }
0x406: {  	v11 =	vsub.f32 v12, v8;
	v18 =	vld [tilespmem:s20+$0x8050];
	[tilespmem:s17+$0x100D0] =	vst v9;
	v9 =	vmax.f32 v10, $0.0e+00  }
0x407: {  	v10 =	vsub.f32 v13, v8;
	v13 =	vld [tilespmem:s20+$0x8060];
	v12 =	vmax.f32 v17, $0.0e+00;
	[tilespmem:s17+$0x100E0] =	vst v9;
	s17 =	smov.u32 s20  }
.Ltmp46:
0x408: {  	v11 =	vmax.f32 v11, $0.0e+00;
	v16 =	vsub.f32 v16, v8;
	v9 =	vld [tilespmem:s17+$0x8070];
	[tilespmem:s17+$0x100F0] =	vst v12;
	(pc) =	sbr.rel @p1 .LBB2_61-.Ltmp46, $4  }
0x409: {  	[tilespmem:s17+$0x10000] =	vst v11;
	v10 =	vmax.f32 v10, $0.0e+00;
	v15 =	vsub.f32 v15, v8;
	v12 =	vld [tilespmem:s17+$0x8080]  }
0x40a: {  	[tilespmem:s17+$0x10010] =	vst v10;
	v10 =	vmax.f32 v16, $0.0e+00;
	v16 =	vsub.f32 v14, v8;
	v11 =	vld [tilespmem:s17+$0x8090]  }
0x40b: {  	s18 =	sadd.s32 $0x1, s18;
	[tilespmem:s17+$0x10020] =	vst v10;
	v15 =	vmax.f32 v15, $0.0e+00;
	v14 =	vsub.f32 v18, v8;
	v10 =	vld [tilespmem:s17+$0x80A0]  }
0x40c: {  	s19 =	sadd.s32 $0xFFFFFFFF, s19;
	s21 =	sld [smem:s18+$0x0];
	[tilespmem:s17+$0x10030] =	vst v15;
	v16 =	vmax.f32 v16, $0.0e+00;
	v15 =	vsub.f32 v13, v8;
	v13 =	vld [tilespmem:s17+$0x80B0]  }
.Ltmp47:
0x40d: {  	_ = 	snop;
	(pc) =	sbr.rel .LBB2_62-.Ltmp47, $1  }
0x40e: {  	_ =	sdelay $0x3  }
.LBB2_10:
.Ltmp48:
0x40f: {  	(pc) =	sbr.rel .LBB2_13-.Ltmp48, $2  }
0x410: {  	_ =	sdelay $0x2  }
0x411: {  	_ = 	snop  }
.LBB2_26:
.Ltmp49:
0x412: {  	(pc) =	sbr.rel .LBB2_29-.Ltmp49, $2  }
0x413: {  	_ =	sdelay $0x2  }
0x414: {  	_ = 	snop  }
.LBB2_37:
.Ltmp50:
0x415: {  	(pc) =	sbr.rel .LBB2_40-.Ltmp50, $2  }
0x416: {  	_ =	sdelay $0x2  }
0x417: {  	_ = 	snop  }
.LBB2_53:
.Ltmp51:
0x418: {  	(pc) =	sbr.rel .LBB2_56-.Ltmp51, $2  }
0x419: {  	_ =	sdelay $0x2  }
0x41a: {  	_ = 	snop  }
.LBB2_64:
0x41b: {  	_ =	sfence.sel $0x180000  }
0x41c: {  	[bflag:$0x0] =	sbarrier.arrive $0xFFFF  }
0x41d: {  	p0 =	sne.s32 s0, $0x0;
	_ =	strace $0x90000047  }
0x41e: {  	s0 =	sadd.s32 @!p0 $0x100000, s2;
	[bflag:$0x2] =	sbarrier.arrive $0xFFFF  }
0x41f: {  	[sflag:s0] =	ssyncadd.tile.s32 @!p0 $0x1;
	_ =	shalt  }
.Lfunc_end2:
_tile_overlayer_lowered:
.L_overlay_start_2:
0x420: {  	(tag) =	ssettag $0x2  }
0x421: {  	s0 =	rddreg [dreg:$0x0];
	s2 =	stileid.u32  }
0x422: {  	s1 =	rddreg [dreg:$0x1];
	p0 =	sne.s32 s2, $0x0  }
0x423: {  	s3 =	rddreg [dreg:$0x2];
	[bflag:$0x3] =	sbarrier.arrive $0xFFFF;
	s2 =	simm.s32 @!p0 $0x1C05  }
0x424: {  	[timem:s3], [sflag:s2] =	dma.local @!p0 [hbm:s0], s1  }
0x425: {  	s0 =	simm.s32 @!p0 $0x5  }
0x426: {  	_ =	swait.ge @!p0 [sflag:s0], s1  }
0x427: {  	s1 =	ssub.s32 @!p0 $0x0, s1;
	[sflag:s0] =	ssyncset.done @!p0 $0x0  }
0x428: {  	[sflag:s0] =	ssyncadd.s32 @!p0 s1  }
0x429: {  	[bflag:$0x3] =	sbarrier.arrive $0xFFFF  }
0x42a: {  	_ =	shalt  }

</sc_bundles>
